<compile_context>
chip_gen: v7x
topology: tpu7x:2x2x1
jax: 0.10.2.dev20260603
libtpu: 0.0.44.dev20260713+nightly
codegen_flags: <defaults>
</compile_context>

<pallas_src>
import functools

import jax
import jax.numpy as jnp
from jax import lax
from jax.experimental import pallas as pl
from jax.experimental.pallas import tpu as pltpu
from jax.experimental.pallas import tpu_sc as plsc

_NUM_CORES = 2
_NUM_SUBCORES = 16
_NW = _NUM_CORES * _NUM_SUBCORES
_R = 16


def _sc_add(x_flat, pe_flat, b_sc, s, d):
    pe_rows_w = s // _NW
    n_chunks = pe_rows_w // _R
    T = n_chunks * b_sc
    blk = _R * d

    def body(x_hbm, pe_hbm, o_hbm, xb0, xb1, xb2, xb3, pb0, pb1,
             sx0, sx1, sx2, sx3, sp0, sp1, so0, so1, so2, so3):
        xbuf = (xb0, xb1, xb2, xb3)
        pebuf = (pb0, pb1)
        sem_x = (sx0, sx1, sx2, sx3)
        sem_pe = (sp0, sp1)
        sem_out = (so0, so1, so2, so3)

        wid = lax.axis_index("s") * _NUM_CORES + lax.axis_index("c")
        pe_base = wid * pe_rows_w * d

        def x_off(t):
            c, b = divmod(t, b_sc)
            return b * (s * d) + pe_base + c * blk

        descs = {}

        def issue_in_pe(c):
            descs[("pe", c)] = pltpu.async_copy(
                pe_hbm.at[pl.ds(pe_base + c * blk, blk)],
                pebuf[c % 2], sem_pe[c % 2])

        def issue_in_x(t):
            descs[("x", t)] = pltpu.async_copy(
                x_hbm.at[pl.ds(x_off(t), blk)], xbuf[t % 4], sem_x[t % 4])

        def issue_out(t):
            descs[("out", t)] = pltpu.async_copy(
                xbuf[t % 4], o_hbm.at[pl.ds(x_off(t), blk)], sem_out[t % 4])

        issue_in_pe(0)
        for t in range(min(3, T)):
            issue_in_x(t)

        for t in range(T):
            c, b = divmod(t, b_sc)
            if b == 0:
                if c + 1 < n_chunks:
                    issue_in_pe(c + 1)
                descs[("pe", c)].wait()
            descs[("x", t)].wait()

            issue_out(t)
            if t + 3 < T:
                if t - 1 >= 0:
                    descs[("out", t - 1)].wait()
                issue_in_x(t + 3)
        for t in range(max(0, T - 4), T):
            descs[("out", t)].wait()

    mesh = plsc.VectorSubcoreMesh(
        core_axis_name="c",
        subcore_axis_name="s",
        num_cores=_NUM_CORES,
        num_subcores=_NUM_SUBCORES,
    )
    return pl.kernel(
        body,
        out_type=jax.ShapeDtypeStruct((b_sc * s * d,), jnp.float32),
        mesh=mesh,
        scratch_types=(
            [pltpu.VMEM((blk,), jnp.float32) for _ in range(4)]
            + [pltpu.VMEM((blk,), jnp.float32) for _ in range(2)]
            + [pltpu.SemaphoreType.DMA for _ in range(10)]
        ),
    )(x_flat, pe_flat)


def _tc_add_kernel(x_ref, pe_ref, o_ref):
    o_ref[...] = x_ref[...] + pe_ref[...]


def _tc_add(x, pe):
    B, S, D = x.shape
    S_BLK = 2048
    return pl.pallas_call(
        _tc_add_kernel,
        grid=(S // S_BLK, B),
        in_specs=[
            pl.BlockSpec((1, S_BLK, D), lambda i, j: (j, i, 0)),
            pl.BlockSpec((S_BLK, D), lambda i, j: (i, 0)),
        ],
        out_specs=pl.BlockSpec((1, S_BLK, D), lambda i, j: (j, i, 0)),
        out_shape=jax.ShapeDtypeStruct(x.shape, x.dtype),
        compiler_params=pltpu.CompilerParams(vmem_limit_bytes=60 * 1024 * 1024),
    )(x, pe)


def kernel(x, pe):
    B, S, D = x.shape
    out_flat = _sc_add(x.reshape(-1), pe.reshape(-1), B, S, D)
    return out_flat.reshape(B, S, D)

# --- scband reference (transcript-rebuilt; emitter-appended) ---
"""Pipeline reference for scband-trainable-positional-encoding-2010044694648 (READ-ONLY COPY).

The authoritative reference and input builder live on the scoring server;
editing this copy changes nothing except your own understanding.
"""

import jax, jax.numpy as jnp
import numpy as np

MAX_SEQ_LEN = 8192
D_MODEL = 1024

def setup_inputs(seed: int = 0) -> dict:
    key = jax.random.key(seed)
    k1, k2 = jax.random.split(key)
    x = jax.random.normal(k1, (4, 8192, 1024), dtype=jnp.float32)
    pe = jax.random.normal(k2, (MAX_SEQ_LEN, D_MODEL), dtype=jnp.float32) * 0.02
    return {"x": x, "pe": pe}

def reference(x, pe):
    seq_len = x.shape[-2]
    positions = jnp.arange(seq_len)
    pos_emb = jnp.take(pe, positions, axis=0)  # [seq_len, d_model]
    if x.ndim > 2:
        pos_emb = pos_emb[None, :, :]
    return x + pos_emb

if __name__ == "__main__":
    import jax
    _d = setup_inputs()
    print(jax.jit(kernel)(*tuple(_d.values())))

</pallas_src>

<mosaic_0001>
#map = affine_map<(d0, d1) -> (0)>
module attributes {stable_mosaic.version = 14 : i64} {
  func.func @body(%arg0: i32, %arg1: i32, %arg2: memref<33554432xf32, #tpu.memory_space<hbm>>, %arg3: memref<8388608xf32, #tpu.memory_space<hbm>>, %arg4: memref<33554432xf32, #tpu.memory_space<hbm>>, %arg5: memref<16384xf32, #tpu.memory_space<vmem>>, %arg6: memref<16384xf32, #tpu.memory_space<vmem>>, %arg7: memref<16384xf32, #tpu.memory_space<vmem>>, %arg8: memref<16384xf32, #tpu.memory_space<vmem>>, %arg9: memref<16384xf32, #tpu.memory_space<vmem>>, %arg10: memref<16384xf32, #tpu.memory_space<vmem>>, %arg11: memref<!tpu.dma_semaphore, #tpu.memory_space<semaphore_mem>>, %arg12: memref<!tpu.dma_semaphore, #tpu.memory_space<semaphore_mem>>, %arg13: memref<!tpu.dma_semaphore, #tpu.memory_space<semaphore_mem>>, %arg14: memref<!tpu.dma_semaphore, #tpu.memory_space<semaphore_mem>>, %arg15: memref<!tpu.dma_semaphore, #tpu.memory_space<semaphore_mem>>, %arg16: memref<!tpu.dma_semaphore, #tpu.memory_space<semaphore_mem>>, %arg17: memref<!tpu.dma_semaphore, #tpu.memory_space<semaphore_mem>>, %arg18: memref<!tpu.dma_semaphore, #tpu.memory_space<semaphore_mem>>, %arg19: memref<!tpu.dma_semaphore, #tpu.memory_space<semaphore_mem>>, %arg20: memref<!tpu.dma_semaphore, #tpu.memory_space<semaphore_mem>>) attributes {dimension_semantics = [#tpu.dimension_semantics<core_parallel>, #tpu.dimension_semantics<subcore_parallel>], iteration_bounds = array<i64: 2, 16>, scalar_prefetch = 0 : i64, scratch_operands = 16 : i64, tpu.core_type = #tpu.core_type<sc_vector_subcore>, window_params = [{transform_indices = #map}, {transform_indices = #map}, {transform_indices = #map}]} {
    %mul3A = arith.constant 2 : i32
    %mul3A_0 = arith.muli %arg1, %mul3A : i32
    %add3A = arith.addi %mul3A_0, %arg0 : i32
    %mul3A_1 = arith.constant 256 : i32
    %mul3A_2 = arith.muli %add3A, %mul3A_1 : i32
    %mul3A_3 = arith.constant 1024 : i32
    %mul3A_4 = arith.muli %mul3A_2, %mul3A_3 : i32
    %add3A_5 = arith.constant 0 : i32
    %add3A_6 = arith.addi %mul3A_4, %add3A_5 : i32
    %dma_start3A = tpu.memref_slice %arg3[%add3A_6] : memref<8388608xf32, #tpu.memory_space<hbm>> -> memref<16384xf32, #tpu.memory_space<hbm>>
    %dma_start3A_7 = tpu.memref_slice %arg3[%add3A_6] : memref<8388608xf32, #tpu.memory_space<hbm>> -> memref<16384xf32, #tpu.memory_space<hbm>>
    tpu.enqueue_dma source(%dma_start3A_7 : memref<16384xf32, #tpu.memory_space<hbm>>) target(%arg9 : memref<16384xf32, #tpu.memory_space<vmem>>) target_semaphore(%arg15 : memref<!tpu.dma_semaphore, #tpu.memory_space<semaphore_mem>>)
    %add3A_8 = arith.constant 0 : i32
    %add3A_9 = arith.addi %add3A_8, %mul3A_4 : i32
    %add3A_10 = arith.constant 0 : i32
    %add3A_11 = arith.addi %add3A_9, %add3A_10 : i32
    %dma_start3A_12 = tpu.memref_slice %arg2[%add3A_11] : memref<33554432xf32, #tpu.memory_space<hbm>> -> memref<16384xf32, #tpu.memory_space<hbm>>
    %dma_start3A_13 = tpu.memref_slice %arg2[%add3A_11] : memref<33554432xf32, #tpu.memory_space<hbm>> -> memref<16384xf32, #tpu.memory_space<hbm>>
    tpu.enqueue_dma source(%dma_start3A_13 : memref<16384xf32, #tpu.memory_space<hbm>>) target(%arg5 : memref<16384xf32, #tpu.memory_space<vmem>>) target_semaphore(%arg11 : memref<!tpu.dma_semaphore, #tpu.memory_space<semaphore_mem>>)
    %add3A_14 = arith.constant 8388608 : i32
    %add3A_15 = arith.addi %add3A_14, %mul3A_4 : i32
    %add3A_16 = arith.constant 0 : i32
    %add3A_17 = arith.addi %add3A_15, %add3A_16 : i32
    %dma_start3A_18 = tpu.memref_slice %arg2[%add3A_17] : memref<33554432xf32, #tpu.memory_space<hbm>> -> memref<16384xf32, #tpu.memory_space<hbm>>
    %dma_start3A_19 = tpu.memref_slice %arg2[%add3A_17] : memref<33554432xf32, #tpu.memory_space<hbm>> -> memref<16384xf32, #tpu.memory_space<hbm>>
    tpu.enqueue_dma source(%dma_start3A_19 : memref<16384xf32, #tpu.memory_space<hbm>>) target(%arg6 : memref<16384xf32, #tpu.memory_space<vmem>>) target_semaphore(%arg12 : memref<!tpu.dma_semaphore, #tpu.memory_space<semaphore_mem>>)
    %add3A_20 = arith.constant 16777216 : i32
    %add3A_21 = arith.addi %add3A_20, %mul3A_4 : i32
    %add3A_22 = arith.constant 0 : i32
    %add3A_23 = arith.addi %add3A_21, %add3A_22 : i32
    %dma_start3A_24 = tpu.memref_slice %arg2[%add3A_23] : memref<33554432xf32, #tpu.memory_space<hbm>> -> memref<16384xf32, #tpu.memory_space<hbm>>
    %dma_start3A_25 = tpu.memref_slice %arg2[%add3A_23] : memref<33554432xf32, #tpu.memory_space<hbm>> -> memref<16384xf32, #tpu.memory_space<hbm>>
    tpu.enqueue_dma source(%dma_start3A_25 : memref<16384xf32, #tpu.memory_space<hbm>>) target(%arg7 : memref<16384xf32, #tpu.memory_space<vmem>>) target_semaphore(%arg13 : memref<!tpu.dma_semaphore, #tpu.memory_space<semaphore_mem>>)
    %add3A_26 = arith.constant 16384 : i32
    %add3A_27 = arith.addi %mul3A_4, %add3A_26 : i32
    %dma_start3A_28 = tpu.memref_slice %arg3[%add3A_27] : memref<8388608xf32, #tpu.memory_space<hbm>> -> memref<16384xf32, #tpu.memory_space<hbm>>
    %dma_start3A_29 = tpu.memref_slice %arg3[%add3A_27] : memref<8388608xf32, #tpu.memory_space<hbm>> -> memref<16384xf32, #tpu.memory_space<hbm>>
    tpu.enqueue_dma source(%dma_start3A_29 : memref<16384xf32, #tpu.memory_space<hbm>>) target(%arg10 : memref<16384xf32, #tpu.memory_space<vmem>>) target_semaphore(%arg16 : memref<!tpu.dma_semaphore, #tpu.memory_space<semaphore_mem>>)
    %dma_wait3A = tpu.memref_slice %arg3[%add3A_6] : memref<8388608xf32, #tpu.memory_space<hbm>> -> memref<16384xf32, #tpu.memory_space<hbm>>
    %dma_wait3A_30 = tpu.memref_slice %arg3[%add3A_6] : memref<8388608xf32, #tpu.memory_space<hbm>> -> memref<16384xf32, #tpu.memory_space<hbm>>
    tpu.wait_dma2 semaphore(%arg15 : memref<!tpu.dma_semaphore, #tpu.memory_space<semaphore_mem>>) src(%dma_wait3A_30 : memref<16384xf32, #tpu.memory_space<hbm>>) dst(%arg9 : memref<16384xf32, #tpu.memory_space<vmem>>)
    %dma_wait3A_31 = tpu.memref_slice %arg2[%add3A_11] : memref<33554432xf32, #tpu.memory_space<hbm>> -> memref<16384xf32, #tpu.memory_space<hbm>>
    %dma_wait3A_32 = tpu.memref_slice %arg2[%add3A_11] : memref<33554432xf32, #tpu.memory_space<hbm>> -> memref<16384xf32, #tpu.memory_space<hbm>>
    tpu.wait_dma2 semaphore(%arg11 : memref<!tpu.dma_semaphore, #tpu.memory_space<semaphore_mem>>) src(%dma_wait3A_32 : memref<16384xf32, #tpu.memory_space<hbm>>) dst(%arg5 : memref<16384xf32, #tpu.memory_space<vmem>>)
    %add3A_33 = arith.constant 0 : i32
    %add3A_34 = arith.addi %add3A_33, %mul3A_4 : i32
    %add3A_35 = arith.constant 0 : i32
    %add3A_36 = arith.addi %add3A_34, %add3A_35 : i32
    %dma_start3A_37 = tpu.memref_slice %arg4[%add3A_36] : memref<33554432xf32, #tpu.memory_space<hbm>> -> memref<16384xf32, #tpu.memory_space<hbm>>
    %dma_start3A_38 = tpu.memref_slice %arg4[%add3A_36] : memref<33554432xf32, #tpu.memory_space<hbm>> -> memref<16384xf32, #tpu.memory_space<hbm>>
    tpu.enqueue_dma source(%arg5 : memref<16384xf32, #tpu.memory_space<vmem>>) target(%dma_start3A_38 : memref<16384xf32, #tpu.memory_space<hbm>>) target_semaphore(%arg17 : memref<!tpu.dma_semaphore, #tpu.memory_space<semaphore_mem>>)
    %add3A_39 = arith.constant 25165824 : i32
    %add3A_40 = arith.addi %add3A_39, %mul3A_4 : i32
    %add3A_41 = arith.constant 0 : i32
    %add3A_42 = arith.addi %add3A_40, %add3A_41 : i32
    %dma_start3A_43 = tpu.memref_slice %arg2[%add3A_42] : memref<33554432xf32, #tpu.memory_space<hbm>> -> memref<16384xf32, #tpu.memory_space<hbm>>
    %dma_start3A_44 = tpu.memref_slice %arg2[%add3A_42] : memref<33554432xf32, #tpu.memory_space<hbm>> -> memref<16384xf32, #tpu.memory_space<hbm>>
    tpu.enqueue_dma source(%dma_start3A_44 : memref<16384xf32, #tpu.memory_space<hbm>>) target(%arg8 : memref<16384xf32, #tpu.memory_space<vmem>>) target_semaphore(%arg14 : memref<!tpu.dma_semaphore, #tpu.memory_space<semaphore_mem>>)
    %dma_wait3A_45 = tpu.memref_slice %arg2[%add3A_17] : memref<33554432xf32, #tpu.memory_space<hbm>> -> memref<16384xf32, #tpu.memory_space<hbm>>
    %dma_wait3A_46 = tpu.memref_slice %arg2[%add3A_17] : memref<33554432xf32, #tpu.memory_space<hbm>> -> memref<16384xf32, #tpu.memory_space<hbm>>
    tpu.wait_dma2 semaphore(%arg12 : memref<!tpu.dma_semaphore, #tpu.memory_space<semaphore_mem>>) src(%dma_wait3A_46 : memref<16384xf32, #tpu.memory_space<hbm>>) dst(%arg6 : memref<16384xf32, #tpu.memory_space<vmem>>)
    %add3A_47 = arith.constant 8388608 : i32
    %add3A_48 = arith.addi %add3A_47, %mul3A_4 : i32
    %add3A_49 = arith.constant 0 : i32
    %add3A_50 = arith.addi %add3A_48, %add3A_49 : i32
    %dma_start3A_51 = tpu.memref_slice %arg4[%add3A_50] : memref<33554432xf32, #tpu.memory_space<hbm>> -> memref<16384xf32, #tpu.memory_space<hbm>>
    %dma_start3A_52 = tpu.memref_slice %arg4[%add3A_50] : memref<33554432xf32, #tpu.memory_space<hbm>> -> memref<16384xf32, #tpu.memory_space<hbm>>
    tpu.enqueue_dma source(%arg6 : memref<16384xf32, #tpu.memory_space<vmem>>) target(%dma_start3A_52 : memref<16384xf32, #tpu.memory_space<hbm>>) target_semaphore(%arg18 : memref<!tpu.dma_semaphore, #tpu.memory_space<semaphore_mem>>)
    %dma_wait3A_53 = tpu.memref_slice %arg4[%add3A_36] : memref<33554432xf32, #tpu.memory_space<hbm>> -> memref<16384xf32, #tpu.memory_space<hbm>>
    %dma_wait3A_54 = tpu.memref_slice %arg4[%add3A_36] : memref<33554432xf32, #tpu.memory_space<hbm>> -> memref<16384xf32, #tpu.memory_space<hbm>>
    tpu.wait_dma2 semaphore(%arg17 : memref<!tpu.dma_semaphore, #tpu.memory_space<semaphore_mem>>) src(%arg5 : memref<16384xf32, #tpu.memory_space<vmem>>) dst(%dma_wait3A_54 : memref<16384xf32, #tpu.memory_space<hbm>>)
    %add3A_55 = arith.constant 0 : i32
    %add3A_56 = arith.addi %add3A_55, %mul3A_4 : i32
    %add3A_57 = arith.constant 16384 : i32
    %add3A_58 = arith.addi %add3A_56, %add3A_57 : i32
    %dma_start3A_59 = tpu.memref_slice %arg2[%add3A_58] : memref<33554432xf32, #tpu.memory_space<hbm>> -> memref<16384xf32, #tpu.memory_space<hbm>>
    %dma_start3A_60 = tpu.memref_slice %arg2[%add3A_58] : memref<33554432xf32, #tpu.memory_space<hbm>> -> memref<16384xf32, #tpu.memory_space<hbm>>
    tpu.enqueue_dma source(%dma_start3A_60 : memref<16384xf32, #tpu.memory_space<hbm>>) target(%arg5 : memref<16384xf32, #tpu.memory_space<vmem>>) target_semaphore(%arg11 : memref<!tpu.dma_semaphore, #tpu.memory_space<semaphore_mem>>)
    %dma_wait3A_61 = tpu.memref_slice %arg2[%add3A_23] : memref<33554432xf32, #tpu.memory_space<hbm>> -> memref<16384xf32, #tpu.memory_space<hbm>>
    %dma_wait3A_62 = tpu.memref_slice %arg2[%add3A_23] : memref<33554432xf32, #tpu.memory_space<hbm>> -> memref<16384xf32, #tpu.memory_space<hbm>>
    tpu.wait_dma2 semaphore(%arg13 : memref<!tpu.dma_semaphore, #tpu.memory_space<semaphore_mem>>) src(%dma_wait3A_62 : memref<16384xf32, #tpu.memory_space<hbm>>) dst(%arg7 : memref<16384xf32, #tpu.memory_space<vmem>>)
    %add3A_63 = arith.constant 16777216 : i32
    %add3A_64 = arith.addi %add3A_63, %mul3A_4 : i32
    %add3A_65 = arith.constant 0 : i32
    %add3A_66 = arith.addi %add3A_64, %add3A_65 : i32
    %dma_start3A_67 = tpu.memref_slice %arg4[%add3A_66] : memref<33554432xf32, #tpu.memory_space<hbm>> -> memref<16384xf32, #tpu.memory_space<hbm>>
    %dma_start3A_68 = tpu.memref_slice %arg4[%add3A_66] : memref<33554432xf32, #tpu.memory_space<hbm>> -> memref<16384xf32, #tpu.memory_space<hbm>>
    tpu.enqueue_dma source(%arg7 : memref<16384xf32, #tpu.memory_space<vmem>>) target(%dma_start3A_68 : memref<16384xf32, #tpu.memory_space<hbm>>) target_semaphore(%arg19 : memref<!tpu.dma_semaphore, #tpu.memory_space<semaphore_mem>>)
    %dma_wait3A_69 = tpu.memref_slice %arg4[%add3A_50] : memref<33554432xf32, #tpu.memory_space<hbm>> -> memref<16384xf32, #tpu.memory_space<hbm>>
    %dma_wait3A_70 = tpu.memref_slice %arg4[%add3A_50] : memref<33554432xf32, #tpu.memory_space<hbm>> -> memref<16384xf32, #tpu.memory_space<hbm>>
    tpu.wait_dma2 semaphore(%arg18 : memref<!tpu.dma_semaphore, #tpu.memory_space<semaphore_mem>>) src(%arg6 : memref<16384xf32, #tpu.memory_space<vmem>>) dst(%dma_wait3A_70 : memref<16384xf32, #tpu.memory_space<hbm>>)
    %add3A_71 = arith.constant 8388608 : i32
    %add3A_72 = arith.addi %add3A_71, %mul3A_4 : i32
    %add3A_73 = arith.constant 16384 : i32
    %add3A_74 = arith.addi %add3A_72, %add3A_73 : i32
    %dma_start3A_75 = tpu.memref_slice %arg2[%add3A_74] : memref<33554432xf32, #tpu.memory_space<hbm>> -> memref<16384xf32, #tpu.memory_space<hbm>>
    %dma_start3A_76 = tpu.memref_slice %arg2[%add3A_74] : memref<33554432xf32, #tpu.memory_space<hbm>> -> memref<16384xf32, #tpu.memory_space<hbm>>
    tpu.enqueue_dma source(%dma_start3A_76 : memref<16384xf32, #tpu.memory_space<hbm>>) target(%arg6 : memref<16384xf32, #tpu.memory_space<vmem>>) target_semaphore(%arg12 : memref<!tpu.dma_semaphore, #tpu.memory_space<semaphore_mem>>)
    %dma_wait3A_77 = tpu.memref_slice %arg2[%add3A_42] : memref<33554432xf32, #tpu.memory_space<hbm>> -> memref<16384xf32, #tpu.memory_space<hbm>>
    %dma_wait3A_78 = tpu.memref_slice %arg2[%add3A_42] : memref<33554432xf32, #tpu.memory_space<hbm>> -> memref<16384xf32, #tpu.memory_space<hbm>>
    tpu.wait_dma2 semaphore(%arg14 : memref<!tpu.dma_semaphore, #tpu.memory_space<semaphore_mem>>) src(%dma_wait3A_78 : memref<16384xf32, #tpu.memory_space<hbm>>) dst(%arg8 : memref<16384xf32, #tpu.memory_space<vmem>>)
    %add3A_79 = arith.constant 25165824 : i32
    %add3A_80 = arith.addi %add3A_79, %mul3A_4 : i32
    %add3A_81 = arith.constant 0 : i32
    %add3A_82 = arith.addi %add3A_80, %add3A_81 : i32
    %dma_start3A_83 = tpu.memref_slice %arg4[%add3A_82] : memref<33554432xf32, #tpu.memory_space<hbm>> -> memref<16384xf32, #tpu.memory_space<hbm>>
    %dma_start3A_84 = tpu.memref_slice %arg4[%add3A_82] : memref<33554432xf32, #tpu.memory_space<hbm>> -> memref<16384xf32, #tpu.memory_space<hbm>>
    tpu.enqueue_dma source(%arg8 : memref<16384xf32, #tpu.memory_space<vmem>>) target(%dma_start3A_84 : memref<16384xf32, #tpu.memory_space<hbm>>) target_semaphore(%arg20 : memref<!tpu.dma_semaphore, #tpu.memory_space<semaphore_mem>>)
    %dma_wait3A_85 = tpu.memref_slice %arg4[%add3A_66] : memref<33554432xf32, #tpu.memory_space<hbm>> -> memref<16384xf32, #tpu.memory_space<hbm>>
    %dma_wait3A_86 = tpu.memref_slice %arg4[%add3A_66] : memref<33554432xf32, #tpu.memory_space<hbm>> -> memref<16384xf32, #tpu.memory_space<hbm>>
    tpu.wait_dma2 semaphore(%arg19 : memref<!tpu.dma_semaphore, #tpu.memory_space<semaphore_mem>>) src(%arg7 : memref<16384xf32, #tpu.memory_space<vmem>>) dst(%dma_wait3A_86 : memref<16384xf32, #tpu.memory_space<hbm>>)
    %add3A_87 = arith.constant 16777216 : i32
    %add3A_88 = arith.addi %add3A_87, %mul3A_4 : i32
    %add3A_89 = arith.constant 16384 : i32
    %add3A_90 = arith.addi %add3A_88, %add3A_89 : i32
    %dma_start3A_91 = tpu.memref_slice %arg2[%add3A_90] : memref<33554432xf32, #tpu.memory_space<hbm>> -> memref<16384xf32, #tpu.memory_space<hbm>>
    %dma_start3A_92 = tpu.memref_slice %arg2[%add3A_90] : memref<33554432xf32, #tpu.memory_space<hbm>> -> memref<16384xf32, #tpu.memory_space<hbm>>
    tpu.enqueue_dma source(%dma_start3A_92 : memref<16384xf32, #tpu.memory_space<hbm>>) target(%arg7 : memref<16384xf32, #tpu.memory_space<vmem>>) target_semaphore(%arg13 : memref<!tpu.dma_semaphore, #tpu.memory_space<semaphore_mem>>)
    %add3A_93 = arith.constant 32768 : i32
    %add3A_94 = arith.addi %mul3A_4, %add3A_93 : i32
    %dma_start3A_95 = tpu.memref_slice %arg3[%add3A_94] : memref<8388608xf32, #tpu.memory_space<hbm>> -> memref<16384xf32, #tpu.memory_space<hbm>>
    %dma_start3A_96 = tpu.memref_slice %arg3[%add3A_94] : memref<8388608xf32, #tpu.memory_space<hbm>> -> memref<16384xf32, #tpu.memory_space<hbm>>
    tpu.enqueue_dma source(%dma_start3A_96 : memref<16384xf32, #tpu.memory_space<hbm>>) target(%arg9 : memref<16384xf32, #tpu.memory_space<vmem>>) target_semaphore(%arg15 : memref<!tpu.dma_semaphore, #tpu.memory_space<semaphore_mem>>)
    %dma_wait3A_97 = tpu.memref_slice %arg3[%add3A_27] : memref<8388608xf32, #tpu.memory_space<hbm>> -> memref<16384xf32, #tpu.memory_space<hbm>>
    %dma_wait3A_98 = tpu.memref_slice %arg3[%add3A_27] : memref<8388608xf32, #tpu.memory_space<hbm>> -> memref<16384xf32, #tpu.memory_space<hbm>>
    tpu.wait_dma2 semaphore(%arg16 : memref<!tpu.dma_semaphore, #tpu.memory_space<semaphore_mem>>) src(%dma_wait3A_98 : memref<16384xf32, #tpu.memory_space<hbm>>) dst(%arg10 : memref<16384xf32, #tpu.memory_space<vmem>>)
    %dma_wait3A_99 = tpu.memref_slice %arg2[%add3A_58] : memref<33554432xf32, #tpu.memory_space<hbm>> -> memref<16384xf32, #tpu.memory_space<hbm>>
    %dma_wait3A_100 = tpu.memref_slice %arg2[%add3A_58] : memref<33554432xf32, #tpu.memory_space<hbm>> -> memref<16384xf32, #tpu.memory_space<hbm>>
    tpu.wait_dma2 semaphore(%arg11 : memref<!tpu.dma_semaphore, #tpu.memory_space<semaphore_mem>>) src(%dma_wait3A_100 : memref<16384xf32, #tpu.memory_space<hbm>>) dst(%arg5 : memref<16384xf32, #tpu.memory_space<vmem>>)
    %add3A_101 = arith.constant 0 : i32
    %add3A_102 = arith.addi %add3A_101, %mul3A_4 : i32
    %add3A_103 = arith.constant 16384 : i32
    %add3A_104 = arith.addi %add3A_102, %add3A_103 : i32
    %dma_start3A_105 = tpu.memref_slice %arg4[%add3A_104] : memref<33554432xf32, #tpu.memory_space<hbm>> -> memref<16384xf32, #tpu.memory_space<hbm>>
    %dma_start3A_106 = tpu.memref_slice %arg4[%add3A_104] : memref<33554432xf32, #tpu.memory_space<hbm>> -> memref<16384xf32, #tpu.memory_space<hbm>>
    tpu.enqueue_dma source(%arg5 : memref<16384xf32, #tpu.memory_space<vmem>>) target(%dma_start3A_106 : memref<16384xf32, #tpu.memory_space<hbm>>) target_semaphore(%arg17 : memref<!tpu.dma_semaphore, #tpu.memory_space<semaphore_mem>>)
    %dma_wait3A_107 = tpu.memref_slice %arg4[%add3A_82] : memref<33554432xf32, #tpu.memory_space<hbm>> -> memref<16384xf32, #tpu.memory_space<hbm>>
    %dma_wait3A_108 = tpu.memref_slice %arg4[%add3A_82] : memref<33554432xf32, #tpu.memory_space<hbm>> -> memref<16384xf32, #tpu.memory_space<hbm>>
    tpu.wait_dma2 semaphore(%arg20 : memref<!tpu.dma_semaphore, #tpu.memory_space<semaphore_mem>>) src(%arg8 : memref<16384xf32, #tpu.memory_space<vmem>>) dst(%dma_wait3A_108 : memref<16384xf32, #tpu.memory_space<hbm>>)
    %add3A_109 = arith.constant 25165824 : i32
    %add3A_110 = arith.addi %add3A_109, %mul3A_4 : i32
    %add3A_111 = arith.constant 16384 : i32
    %add3A_112 = arith.addi %add3A_110, %add3A_111 : i32
    %dma_start3A_113 = tpu.memref_slice %arg2[%add3A_112] : memref<33554432xf32, #tpu.memory_space<hbm>> -> memref<16384xf32, #tpu.memory_space<hbm>>
    %dma_start3A_114 = tpu.memref_slice %arg2[%add3A_112] : memref<33554432xf32, #tpu.memory_space<hbm>> -> memref<16384xf32, #tpu.memory_space<hbm>>
    tpu.enqueue_dma source(%dma_start3A_114 : memref<16384xf32, #tpu.memory_space<hbm>>) target(%arg8 : memref<16384xf32, #tpu.memory_space<vmem>>) target_semaphore(%arg14 : memref<!tpu.dma_semaphore, #tpu.memory_space<semaphore_mem>>)
    %dma_wait3A_115 = tpu.memref_slice %arg2[%add3A_74] : memref<33554432xf32, #tpu.memory_space<hbm>> -> memref<16384xf32, #tpu.memory_space<hbm>>
    %dma_wait3A_116 = tpu.memref_slice %arg2[%add3A_74] : memref<33554432xf32, #tpu.memory_space<hbm>> -> memref<16384xf32, #tpu.memory_space<hbm>>
    tpu.wait_dma2 semaphore(%arg12 : memref<!tpu.dma_semaphore, #tpu.memory_space<semaphore_mem>>) src(%dma_wait3A_116 : memref<16384xf32, #tpu.memory_space<hbm>>) dst(%arg6 : memref<16384xf32, #tpu.memory_space<vmem>>)
    %add3A_117 = arith.constant 8388608 : i32
    %add3A_118 = arith.addi %add3A_117, %mul3A_4 : i32
    %add3A_119 = arith.constant 16384 : i32
    %add3A_120 = arith.addi %add3A_118, %add3A_119 : i32
    %dma_start3A_121 = tpu.memref_slice %arg4[%add3A_120] : memref<33554432xf32, #tpu.memory_space<hbm>> -> memref<16384xf32, #tpu.memory_space<hbm>>
    %dma_start3A_122 = tpu.memref_slice %arg4[%add3A_120] : memref<33554432xf32, #tpu.memory_space<hbm>> -> memref<16384xf32, #tpu.memory_space<hbm>>
    tpu.enqueue_dma source(%arg6 : memref<16384xf32, #tpu.memory_space<vmem>>) target(%dma_start3A_122 : memref<16384xf32, #tpu.memory_space<hbm>>) target_semaphore(%arg18 : memref<!tpu.dma_semaphore, #tpu.memory_space<semaphore_mem>>)
    %dma_wait3A_123 = tpu.memref_slice %arg4[%add3A_104] : memref<33554432xf32, #tpu.memory_space<hbm>> -> memref<16384xf32, #tpu.memory_space<hbm>>
    %dma_wait3A_124 = tpu.memref_slice %arg4[%add3A_104] : memref<33554432xf32, #tpu.memory_space<hbm>> -> memref<16384xf32, #tpu.memory_space<hbm>>
    tpu.wait_dma2 semaphore(%arg17 : memref<!tpu.dma_semaphore, #tpu.memory_space<semaphore_mem>>) src(%arg5 : memref<16384xf32, #tpu.memory_space<vmem>>) dst(%dma_wait3A_124 : memref<16384xf32, #tpu.memory_space<hbm>>)
    %add3A_125 = arith.constant 0 : i32
    %add3A_126 = arith.addi %add3A_125, %mul3A_4 : i32
    %add3A_127 = arith.constant 32768 : i32
    %add3A_128 = arith.addi %add3A_126, %add3A_127 : i32
    %dma_start3A_129 = tpu.memref_slice %arg2[%add3A_128] : memref<33554432xf32, #tpu.memory_space<hbm>> -> memref<16384xf32, #tpu.memory_space<hbm>>
    %dma_start3A_130 = tpu.memref_slice %arg2[%add3A_128] : memref<33554432xf32, #tpu.memory_space<hbm>> -> memref<16384xf32, #tpu.memory_space<hbm>>
    tpu.enqueue_dma source(%dma_start3A_130 : memref<16384xf32, #tpu.memory_space<hbm>>) target(%arg5 : memref<16384xf32, #tpu.memory_space<vmem>>) target_semaphore(%arg11 : memref<!tpu.dma_semaphore, #tpu.memory_space<semaphore_mem>>)
    %dma_wait3A_131 = tpu.memref_slice %arg2[%add3A_90] : memref<33554432xf32, #tpu.memory_space<hbm>> -> memref<16384xf32, #tpu.memory_space<hbm>>
    %dma_wait3A_132 = tpu.memref_slice %arg2[%add3A_90] : memref<33554432xf32, #tpu.memory_space<hbm>> -> memref<16384xf32, #tpu.memory_space<hbm>>
    tpu.wait_dma2 semaphore(%arg13 : memref<!tpu.dma_semaphore, #tpu.memory_space<semaphore_mem>>) src(%dma_wait3A_132 : memref<16384xf32, #tpu.memory_space<hbm>>) dst(%arg7 : memref<16384xf32, #tpu.memory_space<vmem>>)
    %add3A_133 = arith.constant 16777216 : i32
    %add3A_134 = arith.addi %add3A_133, %mul3A_4 : i32
    %add3A_135 = arith.constant 16384 : i32
    %add3A_136 = arith.addi %add3A_134, %add3A_135 : i32
    %dma_start3A_137 = tpu.memref_slice %arg4[%add3A_136] : memref<33554432xf32, #tpu.memory_space<hbm>> -> memref<16384xf32, #tpu.memory_space<hbm>>
    %dma_start3A_138 = tpu.memref_slice %arg4[%add3A_136] : memref<33554432xf32, #tpu.memory_space<hbm>> -> memref<16384xf32, #tpu.memory_space<hbm>>
    tpu.enqueue_dma source(%arg7 : memref<16384xf32, #tpu.memory_space<vmem>>) target(%dma_start3A_138 : memref<16384xf32, #tpu.memory_space<hbm>>) target_semaphore(%arg19 : memref<!tpu.dma_semaphore, #tpu.memory_space<semaphore_mem>>)
    %dma_wait3A_139 = tpu.memref_slice %arg4[%add3A_120] : memref<33554432xf32, #tpu.memory_space<hbm>> -> memref<16384xf32, #tpu.memory_space<hbm>>
    %dma_wait3A_140 = tpu.memref_slice %arg4[%add3A_120] : memref<33554432xf32, #tpu.memory_space<hbm>> -> memref<16384xf32, #tpu.memory_space<hbm>>
    tpu.wait_dma2 semaphore(%arg18 : memref<!tpu.dma_semaphore, #tpu.memory_space<semaphore_mem>>) src(%arg6 : memref<16384xf32, #tpu.memory_space<vmem>>) dst(%dma_wait3A_140 : memref<16384xf32, #tpu.memory_space<hbm>>)
    %add3A_141 = arith.constant 8388608 : i32
    %add3A_142 = arith.addi %add3A_141, %mul3A_4 : i32
    %add3A_143 = arith.constant 32768 : i32
    %add3A_144 = arith.addi %add3A_142, %add3A_143 : i32
    %dma_start3A_145 = tpu.memref_slice %arg2[%add3A_144] : memref<33554432xf32, #tpu.memory_space<hbm>> -> memref<16384xf32, #tpu.memory_space<hbm>>
    %dma_start3A_146 = tpu.memref_slice %arg2[%add3A_144] : memref<33554432xf32, #tpu.memory_space<hbm>> -> memref<16384xf32, #tpu.memory_space<hbm>>
    tpu.enqueue_dma source(%dma_start3A_146 : memref<16384xf32, #tpu.memory_space<hbm>>) target(%arg6 : memref<16384xf32, #tpu.memory_space<vmem>>) target_semaphore(%arg12 : memref<!tpu.dma_semaphore, #tpu.memory_space<semaphore_mem>>)
    %dma_wait3A_147 = tpu.memref_slice %arg2[%add3A_112] : memref<33554432xf32, #tpu.memory_space<hbm>> -> memref<16384xf32, #tpu.memory_space<hbm>>
    %dma_wait3A_148 = tpu.memref_slice %arg2[%add3A_112] : memref<33554432xf32, #tpu.memory_space<hbm>> -> memref<16384xf32, #tpu.memory_space<hbm>>
    tpu.wait_dma2 semaphore(%arg14 : memref<!tpu.dma_semaphore, #tpu.memory_space<semaphore_mem>>) src(%dma_wait3A_148 : memref<16384xf32, #tpu.memory_space<hbm>>) dst(%arg8 : memref<16384xf32, #tpu.memory_space<vmem>>)
    %add3A_149 = arith.constant 25165824 : i32
    %add3A_150 = arith.addi %add3A_149, %mul3A_4 : i32
    %add3A_151 = arith.constant 16384 : i32
    %add3A_152 = arith.addi %add3A_150, %add3A_151 : i32
    %dma_start3A_153 = tpu.memref_slice %arg4[%add3A_152] : memref<33554432xf32, #tpu.memory_space<hbm>> -> memref<16384xf32, #tpu.memory_space<hbm>>
    %dma_start3A_154 = tpu.memref_slice %arg4[%add3A_152] : memref<33554432xf32, #tpu.memory_space<hbm>> -> memref<16384xf32, #tpu.memory_space<hbm>>
    tpu.enqueue_dma source(%arg8 : memref<16384xf32, #tpu.memory_space<vmem>>) target(%dma_start3A_154 : memref<16384xf32, #tpu.memory_space<hbm>>) target_semaphore(%arg20 : memref<!tpu.dma_semaphore, #tpu.memory_space<semaphore_mem>>)
    %dma_wait3A_155 = tpu.memref_slice %arg4[%add3A_136] : memref<33554432xf32, #tpu.memory_space<hbm>> -> memref<16384xf32, #tpu.memory_space<hbm>>
    %dma_wait3A_156 = tpu.memref_slice %arg4[%add3A_136] : memref<33554432xf32, #tpu.memory_space<hbm>> -> memref<16384xf32, #tpu.memory_space<hbm>>
    tpu.wait_dma2 semaphore(%arg19 : memref<!tpu.dma_semaphore, #tpu.memory_space<semaphore_mem>>) src(%arg7 : memref<16384xf32, #tpu.memory_space<vmem>>) dst(%dma_wait3A_156 : memref<16384xf32, #tpu.memory_space<hbm>>)
    %add3A_157 = arith.constant 16777216 : i32
    %add3A_158 = arith.addi %add3A_157, %mul3A_4 : i32
    %add3A_159 = arith.constant 32768 : i32
    %add3A_160 = arith.addi %add3A_158, %add3A_159 : i32
    %dma_start3A_161 = tpu.memref_slice %arg2[%add3A_160] : memref<33554432xf32, #tpu.memory_space<hbm>> -> memref<16384xf32, #tpu.memory_space<hbm>>
    %dma_start3A_162 = tpu.memref_slice %arg2[%add3A_160] : memref<33554432xf32, #tpu.memory_space<hbm>> -> memref<16384xf32, #tpu.memory_space<hbm>>
    tpu.enqueue_dma source(%dma_start3A_162 : memref<16384xf32, #tpu.memory_space<hbm>>) target(%arg7 : memref<16384xf32, #tpu.memory_space<vmem>>) target_semaphore(%arg13 : memref<!tpu.dma_semaphore, #tpu.memory_space<semaphore_mem>>)
    %add3A_163 = arith.constant 49152 : i32
    %add3A_164 = arith.addi %mul3A_4, %add3A_163 : i32
    %dma_start3A_165 = tpu.memref_slice %arg3[%add3A_164] : memref<8388608xf32, #tpu.memory_space<hbm>> -> memref<16384xf32, #tpu.memory_space<hbm>>
    %dma_start3A_166 = tpu.memref_slice %arg3[%add3A_164] : memref<8388608xf32, #tpu.memory_space<hbm>> -> memref<16384xf32, #tpu.memory_space<hbm>>
    tpu.enqueue_dma source(%dma_start3A_166 : memref<16384xf32, #tpu.memory_space<hbm>>) target(%arg10 : memref<16384xf32, #tpu.memory_space<vmem>>) target_semaphore(%arg16 : memref<!tpu.dma_semaphore, #tpu.memory_space<semaphore_mem>>)
    %dma_wait3A_167 = tpu.memref_slice %arg3[%add3A_94] : memref<8388608xf32, #tpu.memory_space<hbm>> -> memref<16384xf32, #tpu.memory_space<hbm>>
    %dma_wait3A_168 = tpu.memref_slice %arg3[%add3A_94] : memref<8388608xf32, #tpu.memory_space<hbm>> -> memref<16384xf32, #tpu.memory_space<hbm>>
    tpu.wait_dma2 semaphore(%arg15 : memref<!tpu.dma_semaphore, #tpu.memory_space<semaphore_mem>>) src(%dma_wait3A_168 : memref<16384xf32, #tpu.memory_space<hbm>>) dst(%arg9 : memref<16384xf32, #tpu.memory_space<vmem>>)
    %dma_wait3A_169 = tpu.memref_slice %arg2[%add3A_128] : memref<33554432xf32, #tpu.memory_space<hbm>> -> memref<16384xf32, #tpu.memory_space<hbm>>
    %dma_wait3A_170 = tpu.memref_slice %arg2[%add3A_128] : memref<33554432xf32, #tpu.memory_space<hbm>> -> memref<16384xf32, #tpu.memory_space<hbm>>
    tpu.wait_dma2 semaphore(%arg11 : memref<!tpu.dma_semaphore, #tpu.memory_space<semaphore_mem>>) src(%dma_wait3A_170 : memref<16384xf32, #tpu.memory_space<hbm>>) dst(%arg5 : memref<16384xf32, #tpu.memory_space<vmem>>)
    %add3A_171 = arith.constant 0 : i32
    %add3A_172 = arith.addi %add3A_171, %mul3A_4 : i32
    %add3A_173 = arith.constant 32768 : i32
    %add3A_174 = arith.addi %add3A_172, %add3A_173 : i32
    %dma_start3A_175 = tpu.memref_slice %arg4[%add3A_174] : memref<33554432xf32, #tpu.memory_space<hbm>> -> memref<16384xf32, #tpu.memory_space<hbm>>
    %dma_start3A_176 = tpu.memref_slice %arg4[%add3A_174] : memref<33554432xf32, #tpu.memory_space<hbm>> -> memref<16384xf32, #tpu.memory_space<hbm>>
    tpu.enqueue_dma source(%arg5 : memref<16384xf32, #tpu.memory_space<vmem>>) target(%dma_start3A_176 : memref<16384xf32, #tpu.memory_space<hbm>>) target_semaphore(%arg17 : memref<!tpu.dma_semaphore, #tpu.memory_space<semaphore_mem>>)
    %dma_wait3A_177 = tpu.memref_slice %arg4[%add3A_152] : memref<33554432xf32, #tpu.memory_space<hbm>> -> memref<16384xf32, #tpu.memory_space<hbm>>
    %dma_wait3A_178 = tpu.memref_slice %arg4[%add3A_152] : memref<33554432xf32, #tpu.memory_space<hbm>> -> memref<16384xf32, #tpu.memory_space<hbm>>
    tpu.wait_dma2 semaphore(%arg20 : memref<!tpu.dma_semaphore, #tpu.memory_space<semaphore_mem>>) src(%arg8 : memref<16384xf32, #tpu.memory_space<vmem>>) dst(%dma_wait3A_178 : memref<16384xf32, #tpu.memory_space<hbm>>)
    %add3A_179 = arith.constant 25165824 : i32
    %add3A_180 = arith.addi %add3A_179, %mul3A_4 : i32
    %add3A_181 = arith.constant 32768 : i32
    %add3A_182 = arith.addi %add3A_180, %add3A_181 : i32
    %dma_start3A_183 = tpu.memref_slice %arg2[%add3A_182] : memref<33554432xf32, #tpu.memory_space<hbm>> -> memref<16384xf32, #tpu.memory_space<hbm>>
    %dma_start3A_184 = tpu.memref_slice %arg2[%add3A_182] : memref<33554432xf32, #tpu.memory_space<hbm>> -> memref<16384xf32, #tpu.memory_space<hbm>>
    tpu.enqueue_dma source(%dma_start3A_184 : memref<16384xf32, #tpu.memory_space<hbm>>) target(%arg8 : memref<16384xf32, #tpu.memory_space<vmem>>) target_semaphore(%arg14 : memref<!tpu.dma_semaphore, #tpu.memory_space<semaphore_mem>>)
    %dma_wait3A_185 = tpu.memref_slice %arg2[%add3A_144] : memref<33554432xf32, #tpu.memory_space<hbm>> -> memref<16384xf32, #tpu.memory_space<hbm>>
    %dma_wait3A_186 = tpu.memref_slice %arg2[%add3A_144] : memref<33554432xf32, #tpu.memory_space<hbm>> -> memref<16384xf32, #tpu.memory_space<hbm>>
    tpu.wait_dma2 semaphore(%arg12 : memref<!tpu.dma_semaphore, #tpu.memory_space<semaphore_mem>>) src(%dma_wait3A_186 : memref<16384xf32, #tpu.memory_space<hbm>>) dst(%arg6 : memref<16384xf32, #tpu.memory_space<vmem>>)
    %add3A_187 = arith.constant 8388608 : i32
    %add3A_188 = arith.addi %add3A_187, %mul3A_4 : i32
    %add3A_189 = arith.constant 32768 : i32
    %add3A_190 = arith.addi %add3A_188, %add3A_189 : i32
    %dma_start3A_191 = tpu.memref_slice %arg4[%add3A_190] : memref<33554432xf32, #tpu.memory_space<hbm>> -> memref<16384xf32, #tpu.memory_space<hbm>>
    %dma_start3A_192 = tpu.memref_slice %arg4[%add3A_190] : memref<33554432xf32, #tpu.memory_space<hbm>> -> memref<16384xf32, #tpu.memory_space<hbm>>
    tpu.enqueue_dma source(%arg6 : memref<16384xf32, #tpu.memory_space<vmem>>) target(%dma_start3A_192 : memref<16384xf32, #tpu.memory_space<hbm>>) target_semaphore(%arg18 : memref<!tpu.dma_semaphore, #tpu.memory_space<semaphore_mem>>)
    %dma_wait3A_193 = tpu.memref_slice %arg4[%add3A_174] : memref<33554432xf32, #tpu.memory_space<hbm>> -> memref<16384xf32, #tpu.memory_space<hbm>>
    %dma_wait3A_194 = tpu.memref_slice %arg4[%add3A_174] : memref<33554432xf32, #tpu.memory_space<hbm>> -> memref<16384xf32, #tpu.memory_space<hbm>>
    tpu.wait_dma2 semaphore(%arg17 : memref<!tpu.dma_semaphore, #tpu.memory_space<semaphore_mem>>) src(%arg5 : memref<16384xf32, #tpu.memory_space<vmem>>) dst(%dma_wait3A_194 : memref<16384xf32, #tpu.memory_space<hbm>>)
    %add3A_195 = arith.constant 0 : i32
    %add3A_196 = arith.addi %add3A_195, %mul3A_4 : i32
    %add3A_197 = arith.constant 49152 : i32
    %add3A_198 = arith.addi %add3A_196, %add3A_197 : i32
    %dma_start3A_199 = tpu.memref_slice %arg2[%add3A_198] : memref<33554432xf32, #tpu.memory_space<hbm>> -> memref<16384xf32, #tpu.memory_space<hbm>>
    %dma_start3A_200 = tpu.memref_slice %arg2[%add3A_198] : memref<33554432xf32, #tpu.memory_space<hbm>> -> memref<16384xf32, #tpu.memory_space<hbm>>
    tpu.enqueue_dma source(%dma_start3A_200 : memref<16384xf32, #tpu.memory_space<hbm>>) target(%arg5 : memref<16384xf32, #tpu.memory_space<vmem>>) target_semaphore(%arg11 : memref<!tpu.dma_semaphore, #tpu.memory_space<semaphore_mem>>)
    %dma_wait3A_201 = tpu.memref_slice %arg2[%add3A_160] : memref<33554432xf32, #tpu.memory_space<hbm>> -> memref<16384xf32, #tpu.memory_space<hbm>>
    %dma_wait3A_202 = tpu.memref_slice %arg2[%add3A_160] : memref<33554432xf32, #tpu.memory_space<hbm>> -> memref<16384xf32, #tpu.memory_space<hbm>>
    tpu.wait_dma2 semaphore(%arg13 : memref<!tpu.dma_semaphore, #tpu.memory_space<semaphore_mem>>) src(%dma_wait3A_202 : memref<16384xf32, #tpu.memory_space<hbm>>) dst(%arg7 : memref<16384xf32, #tpu.memory_space<vmem>>)
    %add3A_203 = arith.constant 16777216 : i32
    %add3A_204 = arith.addi %add3A_203, %mul3A_4 : i32
    %add3A_205 = arith.constant 32768 : i32
    %add3A_206 = arith.addi %add3A_204, %add3A_205 : i32
    %dma_start3A_207 = tpu.memref_slice %arg4[%add3A_206] : memref<33554432xf32, #tpu.memory_space<hbm>> -> memref<16384xf32, #tpu.memory_space<hbm>>
    %dma_start3A_208 = tpu.memref_slice %arg4[%add3A_206] : memref<33554432xf32, #tpu.memory_space<hbm>> -> memref<16384xf32, #tpu.memory_space<hbm>>
    tpu.enqueue_dma source(%arg7 : memref<16384xf32, #tpu.memory_space<vmem>>) target(%dma_start3A_208 : memref<16384xf32, #tpu.memory_space<hbm>>) target_semaphore(%arg19 : memref<!tpu.dma_semaphore, #tpu.memory_space<semaphore_mem>>)
    %dma_wait3A_209 = tpu.memref_slice %arg4[%add3A_190] : memref<33554432xf32, #tpu.memory_space<hbm>> -> memref<16384xf32, #tpu.memory_space<hbm>>
    %dma_wait3A_210 = tpu.memref_slice %arg4[%add3A_190] : memref<33554432xf32, #tpu.memory_space<hbm>> -> memref<16384xf32, #tpu.memory_space<hbm>>
    tpu.wait_dma2 semaphore(%arg18 : memref<!tpu.dma_semaphore, #tpu.memory_space<semaphore_mem>>) src(%arg6 : memref<16384xf32, #tpu.memory_space<vmem>>) dst(%dma_wait3A_210 : memref<16384xf32, #tpu.memory_space<hbm>>)
    %add3A_211 = arith.constant 8388608 : i32
    %add3A_212 = arith.addi %add3A_211, %mul3A_4 : i32
    %add3A_213 = arith.constant 49152 : i32
    %add3A_214 = arith.addi %add3A_212, %add3A_213 : i32
    %dma_start3A_215 = tpu.memref_slice %arg2[%add3A_214] : memref<33554432xf32, #tpu.memory_space<hbm>> -> memref<16384xf32, #tpu.memory_space<hbm>>
    %dma_start3A_216 = tpu.memref_slice %arg2[%add3A_214] : memref<33554432xf32, #tpu.memory_space<hbm>> -> memref<16384xf32, #tpu.memory_space<hbm>>
    tpu.enqueue_dma source(%dma_start3A_216 : memref<16384xf32, #tpu.memory_space<hbm>>) target(%arg6 : memref<16384xf32, #tpu.memory_space<vmem>>) target_semaphore(%arg12 : memref<!tpu.dma_semaphore, #tpu.memory_space<semaphore_mem>>)
    %dma_wait3A_217 = tpu.memref_slice %arg2[%add3A_182] : memref<33554432xf32, #tpu.memory_space<hbm>> -> memref<16384xf32, #tpu.memory_space<hbm>>
    %dma_wait3A_218 = tpu.memref_slice %arg2[%add3A_182] : memref<33554432xf32, #tpu.memory_space<hbm>> -> memref<16384xf32, #tpu.memory_space<hbm>>
    tpu.wait_dma2 semaphore(%arg14 : memref<!tpu.dma_semaphore, #tpu.memory_space<semaphore_mem>>) src(%dma_wait3A_218 : memref<16384xf32, #tpu.memory_space<hbm>>) dst(%arg8 : memref<16384xf32, #tpu.memory_space<vmem>>)
    %add3A_219 = arith.constant 25165824 : i32
    %add3A_220 = arith.addi %add3A_219, %mul3A_4 : i32
    %add3A_221 = arith.constant 32768 : i32
    %add3A_222 = arith.addi %add3A_220, %add3A_221 : i32
    %dma_start3A_223 = tpu.memref_slice %arg4[%add3A_222] : memref<33554432xf32, #tpu.memory_space<hbm>> -> memref<16384xf32, #tpu.memory_space<hbm>>
    %dma_start3A_224 = tpu.memref_slice %arg4[%add3A_222] : memref<33554432xf32, #tpu.memory_space<hbm>> -> memref<16384xf32, #tpu.memory_space<hbm>>
    tpu.enqueue_dma source(%arg8 : memref<16384xf32, #tpu.memory_space<vmem>>) target(%dma_start3A_224 : memref<16384xf32, #tpu.memory_space<hbm>>) target_semaphore(%arg20 : memref<!tpu.dma_semaphore, #tpu.memory_space<semaphore_mem>>)
    %dma_wait3A_225 = tpu.memref_slice %arg4[%add3A_206] : memref<33554432xf32, #tpu.memory_space<hbm>> -> memref<16384xf32, #tpu.memory_space<hbm>>
    %dma_wait3A_226 = tpu.memref_slice %arg4[%add3A_206] : memref<33554432xf32, #tpu.memory_space<hbm>> -> memref<16384xf32, #tpu.memory_space<hbm>>
    tpu.wait_dma2 semaphore(%arg19 : memref<!tpu.dma_semaphore, #tpu.memory_space<semaphore_mem>>) src(%arg7 : memref<16384xf32, #tpu.memory_space<vmem>>) dst(%dma_wait3A_226 : memref<16384xf32, #tpu.memory_space<hbm>>)
    %add3A_227 = arith.constant 16777216 : i32
    %add3A_228 = arith.addi %add3A_227, %mul3A_4 : i32
    %add3A_229 = arith.constant 49152 : i32
    %add3A_230 = arith.addi %add3A_228, %add3A_229 : i32
    %dma_start3A_231 = tpu.memref_slice %arg2[%add3A_230] : memref<33554432xf32, #tpu.memory_space<hbm>> -> memref<16384xf32, #tpu.memory_space<hbm>>
    %dma_start3A_232 = tpu.memref_slice %arg2[%add3A_230] : memref<33554432xf32, #tpu.memory_space<hbm>> -> memref<16384xf32, #tpu.memory_space<hbm>>
    tpu.enqueue_dma source(%dma_start3A_232 : memref<16384xf32, #tpu.memory_space<hbm>>) target(%arg7 : memref<16384xf32, #tpu.memory_space<vmem>>) target_semaphore(%arg13 : memref<!tpu.dma_semaphore, #tpu.memory_space<semaphore_mem>>)
    %add3A_233 = arith.constant 65536 : i32
    %add3A_234 = arith.addi %mul3A_4, %add3A_233 : i32
    %dma_start3A_235 = tpu.memref_slice %arg3[%add3A_234] : memref<8388608xf32, #tpu.memory_space<hbm>> -> memref<16384xf32, #tpu.memory_space<hbm>>
    %dma_start3A_236 = tpu.memref_slice %arg3[%add3A_234] : memref<8388608xf32, #tpu.memory_space<hbm>> -> memref<16384xf32, #tpu.memory_space<hbm>>
    tpu.enqueue_dma source(%dma_start3A_236 : memref<16384xf32, #tpu.memory_space<hbm>>) target(%arg9 : memref<16384xf32, #tpu.memory_space<vmem>>) target_semaphore(%arg15 : memref<!tpu.dma_semaphore, #tpu.memory_space<semaphore_mem>>)
    %dma_wait3A_237 = tpu.memref_slice %arg3[%add3A_164] : memref<8388608xf32, #tpu.memory_space<hbm>> -> memref<16384xf32, #tpu.memory_space<hbm>>
    %dma_wait3A_238 = tpu.memref_slice %arg3[%add3A_164] : memref<8388608xf32, #tpu.memory_space<hbm>> -> memref<16384xf32, #tpu.memory_space<hbm>>
    tpu.wait_dma2 semaphore(%arg16 : memref<!tpu.dma_semaphore, #tpu.memory_space<semaphore_mem>>) src(%dma_wait3A_238 : memref<16384xf32, #tpu.memory_space<hbm>>) dst(%arg10 : memref<16384xf32, #tpu.memory_space<vmem>>)
    %dma_wait3A_239 = tpu.memref_slice %arg2[%add3A_198] : memref<33554432xf32, #tpu.memory_space<hbm>> -> memref<16384xf32, #tpu.memory_space<hbm>>
    %dma_wait3A_240 = tpu.memref_slice %arg2[%add3A_198] : memref<33554432xf32, #tpu.memory_space<hbm>> -> memref<16384xf32, #tpu.memory_space<hbm>>
    tpu.wait_dma2 semaphore(%arg11 : memref<!tpu.dma_semaphore, #tpu.memory_space<semaphore_mem>>) src(%dma_wait3A_240 : memref<16384xf32, #tpu.memory_space<hbm>>) dst(%arg5 : memref<16384xf32, #tpu.memory_space<vmem>>)
    %add3A_241 = arith.constant 0 : i32
    %add3A_242 = arith.addi %add3A_241, %mul3A_4 : i32
    %add3A_243 = arith.constant 49152 : i32
    %add3A_244 = arith.addi %add3A_242, %add3A_243 : i32
    %dma_start3A_245 = tpu.memref_slice %arg4[%add3A_244] : memref<33554432xf32, #tpu.memory_space<hbm>> -> memref<16384xf32, #tpu.memory_space<hbm>>
    %dma_start3A_246 = tpu.memref_slice %arg4[%add3A_244] : memref<33554432xf32, #tpu.memory_space<hbm>> -> memref<16384xf32, #tpu.memory_space<hbm>>
    tpu.enqueue_dma source(%arg5 : memref<16384xf32, #tpu.memory_space<vmem>>) target(%dma_start3A_246 : memref<16384xf32, #tpu.memory_space<hbm>>) target_semaphore(%arg17 : memref<!tpu.dma_semaphore, #tpu.memory_space<semaphore_mem>>)
    %dma_wait3A_247 = tpu.memref_slice %arg4[%add3A_222] : memref<33554432xf32, #tpu.memory_space<hbm>> -> memref<16384xf32, #tpu.memory_space<hbm>>
    %dma_wait3A_248 = tpu.memref_slice %arg4[%add3A_222] : memref<33554432xf32, #tpu.memory_space<hbm>> -> memref<16384xf32, #tpu.memory_space<hbm>>
    tpu.wait_dma2 semaphore(%arg20 : memref<!tpu.dma_semaphore, #tpu.memory_space<semaphore_mem>>) src(%arg8 : memref<16384xf32, #tpu.memory_space<vmem>>) dst(%dma_wait3A_248 : memref<16384xf32, #tpu.memory_space<hbm>>)
    %add3A_249 = arith.constant 25165824 : i32
    %add3A_250 = arith.addi %add3A_249, %mul3A_4 : i32
    %add3A_251 = arith.constant 49152 : i32
    %add3A_252 = arith.addi %add3A_250, %add3A_251 : i32
    %dma_start3A_253 = tpu.memref_slice %arg2[%add3A_252] : memref<33554432xf32, #tpu.memory_space<hbm>> -> memref<16384xf32, #tpu.memory_space<hbm>>
    %dma_start3A_254 = tpu.memref_slice %arg2[%add3A_252] : memref<33554432xf32, #tpu.memory_space<hbm>> -> memref<16384xf32, #tpu.memory_space<hbm>>
    tpu.enqueue_dma source(%dma_start3A_254 : memref<16384xf32, #tpu.memory_space<hbm>>) target(%arg8 : memref<16384xf32, #tpu.memory_space<vmem>>) target_semaphore(%arg14 : memref<!tpu.dma_semaphore, #tpu.memory_space<semaphore_mem>>)
    %dma_wait3A_255 = tpu.memref_slice %arg2[%add3A_214] : memref<33554432xf32, #tpu.memory_space<hbm>> -> memref<16384xf32, #tpu.memory_space<hbm>>
    %dma_wait3A_256 = tpu.memref_slice %arg2[%add3A_214] : memref<33554432xf32, #tpu.memory_space<hbm>> -> memref<16384xf32, #tpu.memory_space<hbm>>
    tpu.wait_dma2 semaphore(%arg12 : memref<!tpu.dma_semaphore, #tpu.memory_space<semaphore_mem>>) src(%dma_wait3A_256 : memref<16384xf32, #tpu.memory_space<hbm>>) dst(%arg6 : memref<16384xf32, #tpu.memory_space<vmem>>)
    %add3A_257 = arith.constant 8388608 : i32
    %add3A_258 = arith.addi %add3A_257, %mul3A_4 : i32
    %add3A_259 = arith.constant 49152 : i32
    %add3A_260 = arith.addi %add3A_258, %add3A_259 : i32
    %dma_start3A_261 = tpu.memref_slice %arg4[%add3A_260] : memref<33554432xf32, #tpu.memory_space<hbm>> -> memref<16384xf32, #tpu.memory_space<hbm>>
    %dma_start3A_262 = tpu.memref_slice %arg4[%add3A_260] : memref<33554432xf32, #tpu.memory_space<hbm>> -> memref<16384xf32, #tpu.memory_space<hbm>>
    tpu.enqueue_dma source(%arg6 : memref<16384xf32, #tpu.memory_space<vmem>>) target(%dma_start3A_262 : memref<16384xf32, #tpu.memory_space<hbm>>) target_semaphore(%arg18 : memref<!tpu.dma_semaphore, #tpu.memory_space<semaphore_mem>>)
    %dma_wait3A_263 = tpu.memref_slice %arg4[%add3A_244] : memref<33554432xf32, #tpu.memory_space<hbm>> -> memref<16384xf32, #tpu.memory_space<hbm>>
    %dma_wait3A_264 = tpu.memref_slice %arg4[%add3A_244] : memref<33554432xf32, #tpu.memory_space<hbm>> -> memref<16384xf32, #tpu.memory_space<hbm>>
    tpu.wait_dma2 semaphore(%arg17 : memref<!tpu.dma_semaphore, #tpu.memory_space<semaphore_mem>>) src(%arg5 : memref<16384xf32, #tpu.memory_space<vmem>>) dst(%dma_wait3A_264 : memref<16384xf32, #tpu.memory_space<hbm>>)
    %add3A_265 = arith.constant 0 : i32
    %add3A_266 = arith.addi %add3A_265, %mul3A_4 : i32
    %add3A_267 = arith.constant 65536 : i32
    %add3A_268 = arith.addi %add3A_266, %add3A_267 : i32
    %dma_start3A_269 = tpu.memref_slice %arg2[%add3A_268] : memref<33554432xf32, #tpu.memory_space<hbm>> -> memref<16384xf32, #tpu.memory_space<hbm>>
    %dma_start3A_270 = tpu.memref_slice %arg2[%add3A_268] : memref<33554432xf32, #tpu.memory_space<hbm>> -> memref<16384xf32, #tpu.memory_space<hbm>>
    tpu.enqueue_dma source(%dma_start3A_270 : memref<16384xf32, #tpu.memory_space<hbm>>) target(%arg5 : memref<16384xf32, #tpu.memory_space<vmem>>) target_semaphore(%arg11 : memref<!tpu.dma_semaphore, #tpu.memory_space<semaphore_mem>>)
    %dma_wait3A_271 = tpu.memref_slice %arg2[%add3A_230] : memref<33554432xf32, #tpu.memory_space<hbm>> -> memref<16384xf32, #tpu.memory_space<hbm>>
    %dma_wait3A_272 = tpu.memref_slice %arg2[%add3A_230] : memref<33554432xf32, #tpu.memory_space<hbm>> -> memref<16384xf32, #tpu.memory_space<hbm>>
    tpu.wait_dma2 semaphore(%arg13 : memref<!tpu.dma_semaphore, #tpu.memory_space<semaphore_mem>>) src(%dma_wait3A_272 : memref<16384xf32, #tpu.memory_space<hbm>>) dst(%arg7 : memref<16384xf32, #tpu.memory_space<vmem>>)
    %add3A_273 = arith.constant 16777216 : i32
    %add3A_274 = arith.addi %add3A_273, %mul3A_4 : i32
    %add3A_275 = arith.constant 49152 : i32
    %add3A_276 = arith.addi %add3A_274, %add3A_275 : i32
    %dma_start3A_277 = tpu.memref_slice %arg4[%add3A_276] : memref<33554432xf32, #tpu.memory_space<hbm>> -> memref<16384xf32, #tpu.memory_space<hbm>>
    %dma_start3A_278 = tpu.memref_slice %arg4[%add3A_276] : memref<33554432xf32, #tpu.memory_space<hbm>> -> memref<16384xf32, #tpu.memory_space<hbm>>
    tpu.enqueue_dma source(%arg7 : memref<16384xf32, #tpu.memory_space<vmem>>) target(%dma_start3A_278 : memref<16384xf32, #tpu.memory_space<hbm>>) target_semaphore(%arg19 : memref<!tpu.dma_semaphore, #tpu.memory_space<semaphore_mem>>)
    %dma_wait3A_279 = tpu.memref_slice %arg4[%add3A_260] : memref<33554432xf32, #tpu.memory_space<hbm>> -> memref<16384xf32, #tpu.memory_space<hbm>>
    %dma_wait3A_280 = tpu.memref_slice %arg4[%add3A_260] : memref<33554432xf32, #tpu.memory_space<hbm>> -> memref<16384xf32, #tpu.memory_space<hbm>>
    tpu.wait_dma2 semaphore(%arg18 : memref<!tpu.dma_semaphore, #tpu.memory_space<semaphore_mem>>) src(%arg6 : memref<16384xf32, #tpu.memory_space<vmem>>) dst(%dma_wait3A_280 : memref<16384xf32, #tpu.memory_space<hbm>>)
    %add3A_281 = arith.constant 8388608 : i32
    %add3A_282 = arith.addi %add3A_281, %mul3A_4 : i32
    %add3A_283 = arith.constant 65536 : i32
    %add3A_284 = arith.addi %add3A_282, %add3A_283 : i32
    %dma_start3A_285 = tpu.memref_slice %arg2[%add3A_284] : memref<33554432xf32, #tpu.memory_space<hbm>> -> memref<16384xf32, #tpu.memory_space<hbm>>
    %dma_start3A_286 = tpu.memref_slice %arg2[%add3A_284] : memref<33554432xf32, #tpu.memory_space<hbm>> -> memref<16384xf32, #tpu.memory_space<hbm>>
    tpu.enqueue_dma source(%dma_start3A_286 : memref<16384xf32, #tpu.memory_space<hbm>>) target(%arg6 : memref<16384xf32, #tpu.memory_space<vmem>>) target_semaphore(%arg12 : memref<!tpu.dma_semaphore, #tpu.memory_space<semaphore_mem>>)
    %dma_wait3A_287 = tpu.memref_slice %arg2[%add3A_252] : memref<33554432xf32, #tpu.memory_space<hbm>> -> memref<16384xf32, #tpu.memory_space<hbm>>
    %dma_wait3A_288 = tpu.memref_slice %arg2[%add3A_252] : memref<33554432xf32, #tpu.memory_space<hbm>> -> memref<16384xf32, #tpu.memory_space<hbm>>
    tpu.wait_dma2 semaphore(%arg14 : memref<!tpu.dma_semaphore, #tpu.memory_space<semaphore_mem>>) src(%dma_wait3A_288 : memref<16384xf32, #tpu.memory_space<hbm>>) dst(%arg8 : memref<16384xf32, #tpu.memory_space<vmem>>)
    %add3A_289 = arith.constant 25165824 : i32
    %add3A_290 = arith.addi %add3A_289, %mul3A_4 : i32
    %add3A_291 = arith.constant 49152 : i32
    %add3A_292 = arith.addi %add3A_290, %add3A_291 : i32
    %dma_start3A_293 = tpu.memref_slice %arg4[%add3A_292] : memref<33554432xf32, #tpu.memory_space<hbm>> -> memref<16384xf32, #tpu.memory_space<hbm>>
    %dma_start3A_294 = tpu.memref_slice %arg4[%add3A_292] : memref<33554432xf32, #tpu.memory_space<hbm>> -> memref<16384xf32, #tpu.memory_space<hbm>>
    tpu.enqueue_dma source(%arg8 : memref<16384xf32, #tpu.memory_space<vmem>>) target(%dma_start3A_294 : memref<16384xf32, #tpu.memory_space<hbm>>) target_semaphore(%arg20 : memref<!tpu.dma_semaphore, #tpu.memory_space<semaphore_mem>>)
    %dma_wait3A_295 = tpu.memref_slice %arg4[%add3A_276] : memref<33554432xf32, #tpu.memory_space<hbm>> -> memref<16384xf32, #tpu.memory_space<hbm>>
    %dma_wait3A_296 = tpu.memref_slice %arg4[%add3A_276] : memref<33554432xf32, #tpu.memory_space<hbm>> -> memref<16384xf32, #tpu.memory_space<hbm>>
    tpu.wait_dma2 semaphore(%arg19 : memref<!tpu.dma_semaphore, #tpu.memory_space<semaphore_mem>>) src(%arg7 : memref<16384xf32, #tpu.memory_space<vmem>>) dst(%dma_wait3A_296 : memref<16384xf32, #tpu.memory_space<hbm>>)
    %add3A_297 = arith.constant 16777216 : i32
    %add3A_298 = arith.addi %add3A_297, %mul3A_4 : i32
    %add3A_299 = arith.constant 65536 : i32
    %add3A_300 = arith.addi %add3A_298, %add3A_299 : i32
    %dma_start3A_301 = tpu.memref_slice %arg2[%add3A_300] : memref<33554432xf32, #tpu.memory_space<hbm>> -> memref<16384xf32, #tpu.memory_space<hbm>>
    %dma_start3A_302 = tpu.memref_slice %arg2[%add3A_300] : memref<33554432xf32, #tpu.memory_space<hbm>> -> memref<16384xf32, #tpu.memory_space<hbm>>
    tpu.enqueue_dma source(%dma_start3A_302 : memref<16384xf32, #tpu.memory_space<hbm>>) target(%arg7 : memref<16384xf32, #tpu.memory_space<vmem>>) target_semaphore(%arg13 : memref<!tpu.dma_semaphore, #tpu.memory_space<semaphore_mem>>)
    %add3A_303 = arith.constant 81920 : i32
    %add3A_304 = arith.addi %mul3A_4, %add3A_303 : i32
    %dma_start3A_305 = tpu.memref_slice %arg3[%add3A_304] : memref<8388608xf32, #tpu.memory_space<hbm>> -> memref<16384xf32, #tpu.memory_space<hbm>>
    %dma_start3A_306 = tpu.memref_slice %arg3[%add3A_304] : memref<8388608xf32, #tpu.memory_space<hbm>> -> memref<16384xf32, #tpu.memory_space<hbm>>
    tpu.enqueue_dma source(%dma_start3A_306 : memref<16384xf32, #tpu.memory_space<hbm>>) target(%arg10 : memref<16384xf32, #tpu.memory_space<vmem>>) target_semaphore(%arg16 : memref<!tpu.dma_semaphore, #tpu.memory_space<semaphore_mem>>)
    %dma_wait3A_307 = tpu.memref_slice %arg3[%add3A_234] : memref<8388608xf32, #tpu.memory_space<hbm>> -> memref<16384xf32, #tpu.memory_space<hbm>>
    %dma_wait3A_308 = tpu.memref_slice %arg3[%add3A_234] : memref<8388608xf32, #tpu.memory_space<hbm>> -> memref<16384xf32, #tpu.memory_space<hbm>>
    tpu.wait_dma2 semaphore(%arg15 : memref<!tpu.dma_semaphore, #tpu.memory_space<semaphore_mem>>) src(%dma_wait3A_308 : memref<16384xf32, #tpu.memory_space<hbm>>) dst(%arg9 : memref<16384xf32, #tpu.memory_space<vmem>>)
    %dma_wait3A_309 = tpu.memref_slice %arg2[%add3A_268] : memref<33554432xf32, #tpu.memory_space<hbm>> -> memref<16384xf32, #tpu.memory_space<hbm>>
    %dma_wait3A_310 = tpu.memref_slice %arg2[%add3A_268] : memref<33554432xf32, #tpu.memory_space<hbm>> -> memref<16384xf32, #tpu.memory_space<hbm>>
    tpu.wait_dma2 semaphore(%arg11 : memref<!tpu.dma_semaphore, #tpu.memory_space<semaphore_mem>>) src(%dma_wait3A_310 : memref<16384xf32, #tpu.memory_space<hbm>>) dst(%arg5 : memref<16384xf32, #tpu.memory_space<vmem>>)
    %add3A_311 = arith.constant 0 : i32
    %add3A_312 = arith.addi %add3A_311, %mul3A_4 : i32
    %add3A_313 = arith.constant 65536 : i32
    %add3A_314 = arith.addi %add3A_312, %add3A_313 : i32
    %dma_start3A_315 = tpu.memref_slice %arg4[%add3A_314] : memref<33554432xf32, #tpu.memory_space<hbm>> -> memref<16384xf32, #tpu.memory_space<hbm>>
    %dma_start3A_316 = tpu.memref_slice %arg4[%add3A_314] : memref<33554432xf32, #tpu.memory_space<hbm>> -> memref<16384xf32, #tpu.memory_space<hbm>>
    tpu.enqueue_dma source(%arg5 : memref<16384xf32, #tpu.memory_space<vmem>>) target(%dma_start3A_316 : memref<16384xf32, #tpu.memory_space<hbm>>) target_semaphore(%arg17 : memref<!tpu.dma_semaphore, #tpu.memory_space<semaphore_mem>>)
    %dma_wait3A_317 = tpu.memref_slice %arg4[%add3A_292] : memref<33554432xf32, #tpu.memory_space<hbm>> -> memref<16384xf32, #tpu.memory_space<hbm>>
    %dma_wait3A_318 = tpu.memref_slice %arg4[%add3A_292] : memref<33554432xf32, #tpu.memory_space<hbm>> -> memref<16384xf32, #tpu.memory_space<hbm>>
    tpu.wait_dma2 semaphore(%arg20 : memref<!tpu.dma_semaphore, #tpu.memory_space<semaphore_mem>>) src(%arg8 : memref<16384xf32, #tpu.memory_space<vmem>>) dst(%dma_wait3A_318 : memref<16384xf32, #tpu.memory_space<hbm>>)
    %add3A_319 = arith.constant 25165824 : i32
    %add3A_320 = arith.addi %add3A_319, %mul3A_4 : i32
    %add3A_321 = arith.constant 65536 : i32
    %add3A_322 = arith.addi %add3A_320, %add3A_321 : i32
    %dma_start3A_323 = tpu.memref_slice %arg2[%add3A_322] : memref<33554432xf32, #tpu.memory_space<hbm>> -> memref<16384xf32, #tpu.memory_space<hbm>>
    %dma_start3A_324 = tpu.memref_slice %arg2[%add3A_322] : memref<33554432xf32, #tpu.memory_space<hbm>> -> memref<16384xf32, #tpu.memory_space<hbm>>
    tpu.enqueue_dma source(%dma_start3A_324 : memref<16384xf32, #tpu.memory_space<hbm>>) target(%arg8 : memref<16384xf32, #tpu.memory_space<vmem>>) target_semaphore(%arg14 : memref<!tpu.dma_semaphore, #tpu.memory_space<semaphore_mem>>)
    %dma_wait3A_325 = tpu.memref_slice %arg2[%add3A_284] : memref<33554432xf32, #tpu.memory_space<hbm>> -> memref<16384xf32, #tpu.memory_space<hbm>>
    %dma_wait3A_326 = tpu.memref_slice %arg2[%add3A_284] : memref<33554432xf32, #tpu.memory_space<hbm>> -> memref<16384xf32, #tpu.memory_space<hbm>>
    tpu.wait_dma2 semaphore(%arg12 : memref<!tpu.dma_semaphore, #tpu.memory_space<semaphore_mem>>) src(%dma_wait3A_326 : memref<16384xf32, #tpu.memory_space<hbm>>) dst(%arg6 : memref<16384xf32, #tpu.memory_space<vmem>>)
    %add3A_327 = arith.constant 8388608 : i32
    %add3A_328 = arith.addi %add3A_327, %mul3A_4 : i32
    %add3A_329 = arith.constant 65536 : i32
    %add3A_330 = arith.addi %add3A_328, %add3A_329 : i32
    %dma_start3A_331 = tpu.memref_slice %arg4[%add3A_330] : memref<33554432xf32, #tpu.memory_space<hbm>> -> memref<16384xf32, #tpu.memory_space<hbm>>
    %dma_start3A_332 = tpu.memref_slice %arg4[%add3A_330] : memref<33554432xf32, #tpu.memory_space<hbm>> -> memref<16384xf32, #tpu.memory_space<hbm>>
    tpu.enqueue_dma source(%arg6 : memref<16384xf32, #tpu.memory_space<vmem>>) target(%dma_start3A_332 : memref<16384xf32, #tpu.memory_space<hbm>>) target_semaphore(%arg18 : memref<!tpu.dma_semaphore, #tpu.memory_space<semaphore_mem>>)
    %dma_wait3A_333 = tpu.memref_slice %arg4[%add3A_314] : memref<33554432xf32, #tpu.memory_space<hbm>> -> memref<16384xf32, #tpu.memory_space<hbm>>
    %dma_wait3A_334 = tpu.memref_slice %arg4[%add3A_314] : memref<33554432xf32, #tpu.memory_space<hbm>> -> memref<16384xf32, #tpu.memory_space<hbm>>
    tpu.wait_dma2 semaphore(%arg17 : memref<!tpu.dma_semaphore, #tpu.memory_space<semaphore_mem>>) src(%arg5 : memref<16384xf32, #tpu.memory_space<vmem>>) dst(%dma_wait3A_334 : memref<16384xf32, #tpu.memory_space<hbm>>)
    %add3A_335 = arith.constant 0 : i32
    %add3A_336 = arith.addi %add3A_335, %mul3A_4 : i32
    %add3A_337 = arith.constant 81920 : i32
    %add3A_338 = arith.addi %add3A_336, %add3A_337 : i32
    %dma_start3A_339 = tpu.memref_slice %arg2[%add3A_338] : memref<33554432xf32, #tpu.memory_space<hbm>> -> memref<16384xf32, #tpu.memory_space<hbm>>
    %dma_start3A_340 = tpu.memref_slice %arg2[%add3A_338] : memref<33554432xf32, #tpu.memory_space<hbm>> -> memref<16384xf32, #tpu.memory_space<hbm>>
    tpu.enqueue_dma source(%dma_start3A_340 : memref<16384xf32, #tpu.memory_space<hbm>>) target(%arg5 : memref<16384xf32, #tpu.memory_space<vmem>>) target_semaphore(%arg11 : memref<!tpu.dma_semaphore, #tpu.memory_space<semaphore_mem>>)
    %dma_wait3A_341 = tpu.memref_slice %arg2[%add3A_300] : memref<33554432xf32, #tpu.memory_space<hbm>> -> memref<16384xf32, #tpu.memory_space<hbm>>
    %dma_wait3A_342 = tpu.memref_slice %arg2[%add3A_300] : memref<33554432xf32, #tpu.memory_space<hbm>> -> memref<16384xf32, #tpu.memory_space<hbm>>
    tpu.wait_dma2 semaphore(%arg13 : memref<!tpu.dma_semaphore, #tpu.memory_space<semaphore_mem>>) src(%dma_wait3A_342 : memref<16384xf32, #tpu.memory_space<hbm>>) dst(%arg7 : memref<16384xf32, #tpu.memory_space<vmem>>)
    %add3A_343 = arith.constant 16777216 : i32
    %add3A_344 = arith.addi %add3A_343, %mul3A_4 : i32
    %add3A_345 = arith.constant 65536 : i32
    %add3A_346 = arith.addi %add3A_344, %add3A_345 : i32
    %dma_start3A_347 = tpu.memref_slice %arg4[%add3A_346] : memref<33554432xf32, #tpu.memory_space<hbm>> -> memref<16384xf32, #tpu.memory_space<hbm>>
    %dma_start3A_348 = tpu.memref_slice %arg4[%add3A_346] : memref<33554432xf32, #tpu.memory_space<hbm>> -> memref<16384xf32, #tpu.memory_space<hbm>>
    tpu.enqueue_dma source(%arg7 : memref<16384xf32, #tpu.memory_space<vmem>>) target(%dma_start3A_348 : memref<16384xf32, #tpu.memory_space<hbm>>) target_semaphore(%arg19 : memref<!tpu.dma_semaphore, #tpu.memory_space<semaphore_mem>>)
    %dma_wait3A_349 = tpu.memref_slice %arg4[%add3A_330] : memref<33554432xf32, #tpu.memory_space<hbm>> -> memref<16384xf32, #tpu.memory_space<hbm>>
    %dma_wait3A_350 = tpu.memref_slice %arg4[%add3A_330] : memref<33554432xf32, #tpu.memory_space<hbm>> -> memref<16384xf32, #tpu.memory_space<hbm>>
    tpu.wait_dma2 semaphore(%arg18 : memref<!tpu.dma_semaphore, #tpu.memory_space<semaphore_mem>>) src(%arg6 : memref<16384xf32, #tpu.memory_space<vmem>>) dst(%dma_wait3A_350 : memref<16384xf32, #tpu.memory_space<hbm>>)
    %add3A_351 = arith.constant 8388608 : i32
    %add3A_352 = arith.addi %add3A_351, %mul3A_4 : i32
    %add3A_353 = arith.constant 81920 : i32
    %add3A_354 = arith.addi %add3A_352, %add3A_353 : i32
    %dma_start3A_355 = tpu.memref_slice %arg2[%add3A_354] : memref<33554432xf32, #tpu.memory_space<hbm>> -> memref<16384xf32, #tpu.memory_space<hbm>>
    %dma_start3A_356 = tpu.memref_slice %arg2[%add3A_354] : memref<33554432xf32, #tpu.memory_space<hbm>> -> memref<16384xf32, #tpu.memory_space<hbm>>
    tpu.enqueue_dma source(%dma_start3A_356 : memref<16384xf32, #tpu.memory_space<hbm>>) target(%arg6 : memref<16384xf32, #tpu.memory_space<vmem>>) target_semaphore(%arg12 : memref<!tpu.dma_semaphore, #tpu.memory_space<semaphore_mem>>)
    %dma_wait3A_357 = tpu.memref_slice %arg2[%add3A_322] : memref<33554432xf32, #tpu.memory_space<hbm>> -> memref<16384xf32, #tpu.memory_space<hbm>>
    %dma_wait3A_358 = tpu.memref_slice %arg2[%add3A_322] : memref<33554432xf32, #tpu.memory_space<hbm>> -> memref<16384xf32, #tpu.memory_space<hbm>>
    tpu.wait_dma2 semaphore(%arg14 : memref<!tpu.dma_semaphore, #tpu.memory_space<semaphore_mem>>) src(%dma_wait3A_358 : memref<16384xf32, #tpu.memory_space<hbm>>) dst(%arg8 : memref<16384xf32, #tpu.memory_space<vmem>>)
    %add3A_359 = arith.constant 25165824 : i32
    %add3A_360 = arith.addi %add3A_359, %mul3A_4 : i32
    %add3A_361 = arith.constant 65536 : i32
    %add3A_362 = arith.addi %add3A_360, %add3A_361 : i32
    %dma_start3A_363 = tpu.memref_slice %arg4[%add3A_362] : memref<33554432xf32, #tpu.memory_space<hbm>> -> memref<16384xf32, #tpu.memory_space<hbm>>
    %dma_start3A_364 = tpu.memref_slice %arg4[%add3A_362] : memref<33554432xf32, #tpu.memory_space<hbm>> -> memref<16384xf32, #tpu.memory_space<hbm>>
    tpu.enqueue_dma source(%arg8 : memref<16384xf32, #tpu.memory_space<vmem>>) target(%dma_start3A_364 : memref<16384xf32, #tpu.memory_space<hbm>>) target_semaphore(%arg20 : memref<!tpu.dma_semaphore, #tpu.memory_space<semaphore_mem>>)
    %dma_wait3A_365 = tpu.memref_slice %arg4[%add3A_346] : memref<33554432xf32, #tpu.memory_space<hbm>> -> memref<16384xf32, #tpu.memory_space<hbm>>
    %dma_wait3A_366 = tpu.memref_slice %arg4[%add3A_346] : memref<33554432xf32, #tpu.memory_space<hbm>> -> memref<16384xf32, #tpu.memory_space<hbm>>
    tpu.wait_dma2 semaphore(%arg19 : memref<!tpu.dma_semaphore, #tpu.memory_space<semaphore_mem>>) src(%arg7 : memref<16384xf32, #tpu.memory_space<vmem>>) dst(%dma_wait3A_366 : memref<16384xf32, #tpu.memory_space<hbm>>)
    %add3A_367 = arith.constant 16777216 : i32
    %add3A_368 = arith.addi %add3A_367, %mul3A_4 : i32
    %add3A_369 = arith.constant 81920 : i32
    %add3A_370 = arith.addi %add3A_368, %add3A_369 : i32
    %dma_start3A_371 = tpu.memref_slice %arg2[%add3A_370] : memref<33554432xf32, #tpu.memory_space<hbm>> -> memref<16384xf32, #tpu.memory_space<hbm>>
    %dma_start3A_372 = tpu.memref_slice %arg2[%add3A_370] : memref<33554432xf32, #tpu.memory_space<hbm>> -> memref<16384xf32, #tpu.memory_space<hbm>>
    tpu.enqueue_dma source(%dma_start3A_372 : memref<16384xf32, #tpu.memory_space<hbm>>) target(%arg7 : memref<16384xf32, #tpu.memory_space<vmem>>) target_semaphore(%arg13 : memref<!tpu.dma_semaphore, #tpu.memory_space<semaphore_mem>>)
    %add3A_373 = arith.constant 98304 : i32
    %add3A_374 = arith.addi %mul3A_4, %add3A_373 : i32
    %dma_start3A_375 = tpu.memref_slice %arg3[%add3A_374] : memref<8388608xf32, #tpu.memory_space<hbm>> -> memref<16384xf32, #tpu.memory_space<hbm>>
    %dma_start3A_376 = tpu.memref_slice %arg3[%add3A_374] : memref<8388608xf32, #tpu.memory_space<hbm>> -> memref<16384xf32, #tpu.memory_space<hbm>>
    tpu.enqueue_dma source(%dma_start3A_376 : memref<16384xf32, #tpu.memory_space<hbm>>) target(%arg9 : memref<16384xf32, #tpu.memory_space<vmem>>) target_semaphore(%arg15 : memref<!tpu.dma_semaphore, #tpu.memory_space<semaphore_mem>>)
    %dma_wait3A_377 = tpu.memref_slice %arg3[%add3A_304] : memref<8388608xf32, #tpu.memory_space<hbm>> -> memref<16384xf32, #tpu.memory_space<hbm>>
    %dma_wait3A_378 = tpu.memref_slice %arg3[%add3A_304] : memref<8388608xf32, #tpu.memory_space<hbm>> -> memref<16384xf32, #tpu.memory_space<hbm>>
    tpu.wait_dma2 semaphore(%arg16 : memref<!tpu.dma_semaphore, #tpu.memory_space<semaphore_mem>>) src(%dma_wait3A_378 : memref<16384xf32, #tpu.memory_space<hbm>>) dst(%arg10 : memref<16384xf32, #tpu.memory_space<vmem>>)
    %dma_wait3A_379 = tpu.memref_slice %arg2[%add3A_338] : memref<33554432xf32, #tpu.memory_space<hbm>> -> memref<16384xf32, #tpu.memory_space<hbm>>
    %dma_wait3A_380 = tpu.memref_slice %arg2[%add3A_338] : memref<33554432xf32, #tpu.memory_space<hbm>> -> memref<16384xf32, #tpu.memory_space<hbm>>
    tpu.wait_dma2 semaphore(%arg11 : memref<!tpu.dma_semaphore, #tpu.memory_space<semaphore_mem>>) src(%dma_wait3A_380 : memref<16384xf32, #tpu.memory_space<hbm>>) dst(%arg5 : memref<16384xf32, #tpu.memory_space<vmem>>)
    %add3A_381 = arith.constant 0 : i32
    %add3A_382 = arith.addi %add3A_381, %mul3A_4 : i32
    %add3A_383 = arith.constant 81920 : i32
    %add3A_384 = arith.addi %add3A_382, %add3A_383 : i32
    %dma_start3A_385 = tpu.memref_slice %arg4[%add3A_384] : memref<33554432xf32, #tpu.memory_space<hbm>> -> memref<16384xf32, #tpu.memory_space<hbm>>
    %dma_start3A_386 = tpu.memref_slice %arg4[%add3A_384] : memref<33554432xf32, #tpu.memory_space<hbm>> -> memref<16384xf32, #tpu.memory_space<hbm>>
    tpu.enqueue_dma source(%arg5 : memref<16384xf32, #tpu.memory_space<vmem>>) target(%dma_start3A_386 : memref<16384xf32, #tpu.memory_space<hbm>>) target_semaphore(%arg17 : memref<!tpu.dma_semaphore, #tpu.memory_space<semaphore_mem>>)
    %dma_wait3A_387 = tpu.memref_slice %arg4[%add3A_362] : memref<33554432xf32, #tpu.memory_space<hbm>> -> memref<16384xf32, #tpu.memory_space<hbm>>
    %dma_wait3A_388 = tpu.memref_slice %arg4[%add3A_362] : memref<33554432xf32, #tpu.memory_space<hbm>> -> memref<16384xf32, #tpu.memory_space<hbm>>
    tpu.wait_dma2 semaphore(%arg20 : memref<!tpu.dma_semaphore, #tpu.memory_space<semaphore_mem>>) src(%arg8 : memref<16384xf32, #tpu.memory_space<vmem>>) dst(%dma_wait3A_388 : memref<16384xf32, #tpu.memory_space<hbm>>)
    %add3A_389 = arith.constant 25165824 : i32
    %add3A_390 = arith.addi %add3A_389, %mul3A_4 : i32
    %add3A_391 = arith.constant 81920 : i32
    %add3A_392 = arith.addi %add3A_390, %add3A_391 : i32
    %dma_start3A_393 = tpu.memref_slice %arg2[%add3A_392] : memref<33554432xf32, #tpu.memory_space<hbm>> -> memref<16384xf32, #tpu.memory_space<hbm>>
    %dma_start3A_394 = tpu.memref_slice %arg2[%add3A_392] : memref<33554432xf32, #tpu.memory_space<hbm>> -> memref<16384xf32, #tpu.memory_space<hbm>>
    tpu.enqueue_dma source(%dma_start3A_394 : memref<16384xf32, #tpu.memory_space<hbm>>) target(%arg8 : memref<16384xf32, #tpu.memory_space<vmem>>) target_semaphore(%arg14 : memref<!tpu.dma_semaphore, #tpu.memory_space<semaphore_mem>>)
    %dma_wait3A_395 = tpu.memref_slice %arg2[%add3A_354] : memref<33554432xf32, #tpu.memory_space<hbm>> -> memref<16384xf32, #tpu.memory_space<hbm>>
    %dma_wait3A_396 = tpu.memref_slice %arg2[%add3A_354] : memref<33554432xf32, #tpu.memory_space<hbm>> -> memref<16384xf32, #tpu.memory_space<hbm>>
    tpu.wait_dma2 semaphore(%arg12 : memref<!tpu.dma_semaphore, #tpu.memory_space<semaphore_mem>>) src(%dma_wait3A_396 : memref<16384xf32, #tpu.memory_space<hbm>>) dst(%arg6 : memref<16384xf32, #tpu.memory_space<vmem>>)
    %add3A_397 = arith.constant 8388608 : i32
    %add3A_398 = arith.addi %add3A_397, %mul3A_4 : i32
    %add3A_399 = arith.constant 81920 : i32
    %add3A_400 = arith.addi %add3A_398, %add3A_399 : i32
    %dma_start3A_401 = tpu.memref_slice %arg4[%add3A_400] : memref<33554432xf32, #tpu.memory_space<hbm>> -> memref<16384xf32, #tpu.memory_space<hbm>>
    %dma_start3A_402 = tpu.memref_slice %arg4[%add3A_400] : memref<33554432xf32, #tpu.memory_space<hbm>> -> memref<16384xf32, #tpu.memory_space<hbm>>
    tpu.enqueue_dma source(%arg6 : memref<16384xf32, #tpu.memory_space<vmem>>) target(%dma_start3A_402 : memref<16384xf32, #tpu.memory_space<hbm>>) target_semaphore(%arg18 : memref<!tpu.dma_semaphore, #tpu.memory_space<semaphore_mem>>)
    %dma_wait3A_403 = tpu.memref_slice %arg4[%add3A_384] : memref<33554432xf32, #tpu.memory_space<hbm>> -> memref<16384xf32, #tpu.memory_space<hbm>>
    %dma_wait3A_404 = tpu.memref_slice %arg4[%add3A_384] : memref<33554432xf32, #tpu.memory_space<hbm>> -> memref<16384xf32, #tpu.memory_space<hbm>>
    tpu.wait_dma2 semaphore(%arg17 : memref<!tpu.dma_semaphore, #tpu.memory_space<semaphore_mem>>) src(%arg5 : memref<16384xf32, #tpu.memory_space<vmem>>) dst(%dma_wait3A_404 : memref<16384xf32, #tpu.memory_space<hbm>>)
    %add3A_405 = arith.constant 0 : i32
    %add3A_406 = arith.addi %add3A_405, %mul3A_4 : i32
    %add3A_407 = arith.constant 98304 : i32
    %add3A_408 = arith.addi %add3A_406, %add3A_407 : i32
    %dma_start3A_409 = tpu.memref_slice %arg2[%add3A_408] : memref<33554432xf32, #tpu.memory_space<hbm>> -> memref<16384xf32, #tpu.memory_space<hbm>>
    %dma_start3A_410 = tpu.memref_slice %arg2[%add3A_408] : memref<33554432xf32, #tpu.memory_space<hbm>> -> memref<16384xf32, #tpu.memory_space<hbm>>
    tpu.enqueue_dma source(%dma_start3A_410 : memref<16384xf32, #tpu.memory_space<hbm>>) target(%arg5 : memref<16384xf32, #tpu.memory_space<vmem>>) target_semaphore(%arg11 : memref<!tpu.dma_semaphore, #tpu.memory_space<semaphore_mem>>)
    %dma_wait3A_411 = tpu.memref_slice %arg2[%add3A_370] : memref<33554432xf32, #tpu.memory_space<hbm>> -> memref<16384xf32, #tpu.memory_space<hbm>>
    %dma_wait3A_412 = tpu.memref_slice %arg2[%add3A_370] : memref<33554432xf32, #tpu.memory_space<hbm>> -> memref<16384xf32, #tpu.memory_space<hbm>>
    tpu.wait_dma2 semaphore(%arg13 : memref<!tpu.dma_semaphore, #tpu.memory_space<semaphore_mem>>) src(%dma_wait3A_412 : memref<16384xf32, #tpu.memory_space<hbm>>) dst(%arg7 : memref<16384xf32, #tpu.memory_space<vmem>>)
    %add3A_413 = arith.constant 16777216 : i32
    %add3A_414 = arith.addi %add3A_413, %mul3A_4 : i32
    %add3A_415 = arith.constant 81920 : i32
    %add3A_416 = arith.addi %add3A_414, %add3A_415 : i32
    %dma_start3A_417 = tpu.memref_slice %arg4[%add3A_416] : memref<33554432xf32, #tpu.memory_space<hbm>> -> memref<16384xf32, #tpu.memory_space<hbm>>
    %dma_start3A_418 = tpu.memref_slice %arg4[%add3A_416] : memref<33554432xf32, #tpu.memory_space<hbm>> -> memref<16384xf32, #tpu.memory_space<hbm>>
    tpu.enqueue_dma source(%arg7 : memref<16384xf32, #tpu.memory_space<vmem>>) target(%dma_start3A_418 : memref<16384xf32, #tpu.memory_space<hbm>>) target_semaphore(%arg19 : memref<!tpu.dma_semaphore, #tpu.memory_space<semaphore_mem>>)
    %dma_wait3A_419 = tpu.memref_slice %arg4[%add3A_400] : memref<33554432xf32, #tpu.memory_space<hbm>> -> memref<16384xf32, #tpu.memory_space<hbm>>
    %dma_wait3A_420 = tpu.memref_slice %arg4[%add3A_400] : memref<33554432xf32, #tpu.memory_space<hbm>> -> memref<16384xf32, #tpu.memory_space<hbm>>
    tpu.wait_dma2 semaphore(%arg18 : memref<!tpu.dma_semaphore, #tpu.memory_space<semaphore_mem>>) src(%arg6 : memref<16384xf32, #tpu.memory_space<vmem>>) dst(%dma_wait3A_420 : memref<16384xf32, #tpu.memory_space<hbm>>)
    %add3A_421 = arith.constant 8388608 : i32
    %add3A_422 = arith.addi %add3A_421, %mul3A_4 : i32
    %add3A_423 = arith.constant 98304 : i32
    %add3A_424 = arith.addi %add3A_422, %add3A_423 : i32
    %dma_start3A_425 = tpu.memref_slice %arg2[%add3A_424] : memref<33554432xf32, #tpu.memory_space<hbm>> -> memref<16384xf32, #tpu.memory_space<hbm>>
    %dma_start3A_426 = tpu.memref_slice %arg2[%add3A_424] : memref<33554432xf32, #tpu.memory_space<hbm>> -> memref<16384xf32, #tpu.memory_space<hbm>>
    tpu.enqueue_dma source(%dma_start3A_426 : memref<16384xf32, #tpu.memory_space<hbm>>) target(%arg6 : memref<16384xf32, #tpu.memory_space<vmem>>) target_semaphore(%arg12 : memref<!tpu.dma_semaphore, #tpu.memory_space<semaphore_mem>>)
    %dma_wait3A_427 = tpu.memref_slice %arg2[%add3A_392] : memref<33554432xf32, #tpu.memory_space<hbm>> -> memref<16384xf32, #tpu.memory_space<hbm>>
    %dma_wait3A_428 = tpu.memref_slice %arg2[%add3A_392] : memref<33554432xf32, #tpu.memory_space<hbm>> -> memref<16384xf32, #tpu.memory_space<hbm>>
    tpu.wait_dma2 semaphore(%arg14 : memref<!tpu.dma_semaphore, #tpu.memory_space<semaphore_mem>>) src(%dma_wait3A_428 : memref<16384xf32, #tpu.memory_space<hbm>>) dst(%arg8 : memref<16384xf32, #tpu.memory_space<vmem>>)
    %add3A_429 = arith.constant 25165824 : i32
    %add3A_430 = arith.addi %add3A_429, %mul3A_4 : i32
    %add3A_431 = arith.constant 81920 : i32
    %add3A_432 = arith.addi %add3A_430, %add3A_431 : i32
    %dma_start3A_433 = tpu.memref_slice %arg4[%add3A_432] : memref<33554432xf32, #tpu.memory_space<hbm>> -> memref<16384xf32, #tpu.memory_space<hbm>>
    %dma_start3A_434 = tpu.memref_slice %arg4[%add3A_432] : memref<33554432xf32, #tpu.memory_space<hbm>> -> memref<16384xf32, #tpu.memory_space<hbm>>
    tpu.enqueue_dma source(%arg8 : memref<16384xf32, #tpu.memory_space<vmem>>) target(%dma_start3A_434 : memref<16384xf32, #tpu.memory_space<hbm>>) target_semaphore(%arg20 : memref<!tpu.dma_semaphore, #tpu.memory_space<semaphore_mem>>)
    %dma_wait3A_435 = tpu.memref_slice %arg4[%add3A_416] : memref<33554432xf32, #tpu.memory_space<hbm>> -> memref<16384xf32, #tpu.memory_space<hbm>>
    %dma_wait3A_436 = tpu.memref_slice %arg4[%add3A_416] : memref<33554432xf32, #tpu.memory_space<hbm>> -> memref<16384xf32, #tpu.memory_space<hbm>>
    tpu.wait_dma2 semaphore(%arg19 : memref<!tpu.dma_semaphore, #tpu.memory_space<semaphore_mem>>) src(%arg7 : memref<16384xf32, #tpu.memory_space<vmem>>) dst(%dma_wait3A_436 : memref<16384xf32, #tpu.memory_space<hbm>>)
    %add3A_437 = arith.constant 16777216 : i32
    %add3A_438 = arith.addi %add3A_437, %mul3A_4 : i32
    %add3A_439 = arith.constant 98304 : i32
    %add3A_440 = arith.addi %add3A_438, %add3A_439 : i32
    %dma_start3A_441 = tpu.memref_slice %arg2[%add3A_440] : memref<33554432xf32, #tpu.memory_space<hbm>> -> memref<16384xf32, #tpu.memory_space<hbm>>
    %dma_start3A_442 = tpu.memref_slice %arg2[%add3A_440] : memref<33554432xf32, #tpu.memory_space<hbm>> -> memref<16384xf32, #tpu.memory_space<hbm>>
    tpu.enqueue_dma source(%dma_start3A_442 : memref<16384xf32, #tpu.memory_space<hbm>>) target(%arg7 : memref<16384xf32, #tpu.memory_space<vmem>>) target_semaphore(%arg13 : memref<!tpu.dma_semaphore, #tpu.memory_space<semaphore_mem>>)
    %add3A_443 = arith.constant 114688 : i32
    %add3A_444 = arith.addi %mul3A_4, %add3A_443 : i32
    %dma_start3A_445 = tpu.memref_slice %arg3[%add3A_444] : memref<8388608xf32, #tpu.memory_space<hbm>> -> memref<16384xf32, #tpu.memory_space<hbm>>
    %dma_start3A_446 = tpu.memref_slice %arg3[%add3A_444] : memref<8388608xf32, #tpu.memory_space<hbm>> -> memref<16384xf32, #tpu.memory_space<hbm>>
    tpu.enqueue_dma source(%dma_start3A_446 : memref<16384xf32, #tpu.memory_space<hbm>>) target(%arg10 : memref<16384xf32, #tpu.memory_space<vmem>>) target_semaphore(%arg16 : memref<!tpu.dma_semaphore, #tpu.memory_space<semaphore_mem>>)
    %dma_wait3A_447 = tpu.memref_slice %arg3[%add3A_374] : memref<8388608xf32, #tpu.memory_space<hbm>> -> memref<16384xf32, #tpu.memory_space<hbm>>
    %dma_wait3A_448 = tpu.memref_slice %arg3[%add3A_374] : memref<8388608xf32, #tpu.memory_space<hbm>> -> memref<16384xf32, #tpu.memory_space<hbm>>
    tpu.wait_dma2 semaphore(%arg15 : memref<!tpu.dma_semaphore, #tpu.memory_space<semaphore_mem>>) src(%dma_wait3A_448 : memref<16384xf32, #tpu.memory_space<hbm>>) dst(%arg9 : memref<16384xf32, #tpu.memory_space<vmem>>)
    %dma_wait3A_449 = tpu.memref_slice %arg2[%add3A_408] : memref<33554432xf32, #tpu.memory_space<hbm>> -> memref<16384xf32, #tpu.memory_space<hbm>>
    %dma_wait3A_450 = tpu.memref_slice %arg2[%add3A_408] : memref<33554432xf32, #tpu.memory_space<hbm>> -> memref<16384xf32, #tpu.memory_space<hbm>>
    tpu.wait_dma2 semaphore(%arg11 : memref<!tpu.dma_semaphore, #tpu.memory_space<semaphore_mem>>) src(%dma_wait3A_450 : memref<16384xf32, #tpu.memory_space<hbm>>) dst(%arg5 : memref<16384xf32, #tpu.memory_space<vmem>>)
    %add3A_451 = arith.constant 0 : i32
    %add3A_452 = arith.addi %add3A_451, %mul3A_4 : i32
    %add3A_453 = arith.constant 98304 : i32
    %add3A_454 = arith.addi %add3A_452, %add3A_453 : i32
    %dma_start3A_455 = tpu.memref_slice %arg4[%add3A_454] : memref<33554432xf32, #tpu.memory_space<hbm>> -> memref<16384xf32, #tpu.memory_space<hbm>>
    %dma_start3A_456 = tpu.memref_slice %arg4[%add3A_454] : memref<33554432xf32, #tpu.memory_space<hbm>> -> memref<16384xf32, #tpu.memory_space<hbm>>
    tpu.enqueue_dma source(%arg5 : memref<16384xf32, #tpu.memory_space<vmem>>) target(%dma_start3A_456 : memref<16384xf32, #tpu.memory_space<hbm>>) target_semaphore(%arg17 : memref<!tpu.dma_semaphore, #tpu.memory_space<semaphore_mem>>)
    %dma_wait3A_457 = tpu.memref_slice %arg4[%add3A_432] : memref<33554432xf32, #tpu.memory_space<hbm>> -> memref<16384xf32, #tpu.memory_space<hbm>>
    %dma_wait3A_458 = tpu.memref_slice %arg4[%add3A_432] : memref<33554432xf32, #tpu.memory_space<hbm>> -> memref<16384xf32, #tpu.memory_space<hbm>>
    tpu.wait_dma2 semaphore(%arg20 : memref<!tpu.dma_semaphore, #tpu.memory_space<semaphore_mem>>) src(%arg8 : memref<16384xf32, #tpu.memory_space<vmem>>) dst(%dma_wait3A_458 : memref<16384xf32, #tpu.memory_space<hbm>>)
    %add3A_459 = arith.constant 25165824 : i32
    %add3A_460 = arith.addi %add3A_459, %mul3A_4 : i32
    %add3A_461 = arith.constant 98304 : i32
    %add3A_462 = arith.addi %add3A_460, %add3A_461 : i32
    %dma_start3A_463 = tpu.memref_slice %arg2[%add3A_462] : memref<33554432xf32, #tpu.memory_space<hbm>> -> memref<16384xf32, #tpu.memory_space<hbm>>
    %dma_start3A_464 = tpu.memref_slice %arg2[%add3A_462] : memref<33554432xf32, #tpu.memory_space<hbm>> -> memref<16384xf32, #tpu.memory_space<hbm>>
    tpu.enqueue_dma source(%dma_start3A_464 : memref<16384xf32, #tpu.memory_space<hbm>>) target(%arg8 : memref<16384xf32, #tpu.memory_space<vmem>>) target_semaphore(%arg14 : memref<!tpu.dma_semaphore, #tpu.memory_space<semaphore_mem>>)
    %dma_wait3A_465 = tpu.memref_slice %arg2[%add3A_424] : memref<33554432xf32, #tpu.memory_space<hbm>> -> memref<16384xf32, #tpu.memory_space<hbm>>
    %dma_wait3A_466 = tpu.memref_slice %arg2[%add3A_424] : memref<33554432xf32, #tpu.memory_space<hbm>> -> memref<16384xf32, #tpu.memory_space<hbm>>
    tpu.wait_dma2 semaphore(%arg12 : memref<!tpu.dma_semaphore, #tpu.memory_space<semaphore_mem>>) src(%dma_wait3A_466 : memref<16384xf32, #tpu.memory_space<hbm>>) dst(%arg6 : memref<16384xf32, #tpu.memory_space<vmem>>)
    %add3A_467 = arith.constant 8388608 : i32
    %add3A_468 = arith.addi %add3A_467, %mul3A_4 : i32
    %add3A_469 = arith.constant 98304 : i32
    %add3A_470 = arith.addi %add3A_468, %add3A_469 : i32
    %dma_start3A_471 = tpu.memref_slice %arg4[%add3A_470] : memref<33554432xf32, #tpu.memory_space<hbm>> -> memref<16384xf32, #tpu.memory_space<hbm>>
    %dma_start3A_472 = tpu.memref_slice %arg4[%add3A_470] : memref<33554432xf32, #tpu.memory_space<hbm>> -> memref<16384xf32, #tpu.memory_space<hbm>>
    tpu.enqueue_dma source(%arg6 : memref<16384xf32, #tpu.memory_space<vmem>>) target(%dma_start3A_472 : memref<16384xf32, #tpu.memory_space<hbm>>) target_semaphore(%arg18 : memref<!tpu.dma_semaphore, #tpu.memory_space<semaphore_mem>>)
    %dma_wait3A_473 = tpu.memref_slice %arg4[%add3A_454] : memref<33554432xf32, #tpu.memory_space<hbm>> -> memref<16384xf32, #tpu.memory_space<hbm>>
    %dma_wait3A_474 = tpu.memref_slice %arg4[%add3A_454] : memref<33554432xf32, #tpu.memory_space<hbm>> -> memref<16384xf32, #tpu.memory_space<hbm>>
    tpu.wait_dma2 semaphore(%arg17 : memref<!tpu.dma_semaphore, #tpu.memory_space<semaphore_mem>>) src(%arg5 : memref<16384xf32, #tpu.memory_space<vmem>>) dst(%dma_wait3A_474 : memref<16384xf32, #tpu.memory_space<hbm>>)
    %add3A_475 = arith.constant 0 : i32
    %add3A_476 = arith.addi %add3A_475, %mul3A_4 : i32
    %add3A_477 = arith.constant 114688 : i32
    %add3A_478 = arith.addi %add3A_476, %add3A_477 : i32
    %dma_start3A_479 = tpu.memref_slice %arg2[%add3A_478] : memref<33554432xf32, #tpu.memory_space<hbm>> -> memref<16384xf32, #tpu.memory_space<hbm>>
    %dma_start3A_480 = tpu.memref_slice %arg2[%add3A_478] : memref<33554432xf32, #tpu.memory_space<hbm>> -> memref<16384xf32, #tpu.memory_space<hbm>>
    tpu.enqueue_dma source(%dma_start3A_480 : memref<16384xf32, #tpu.memory_space<hbm>>) target(%arg5 : memref<16384xf32, #tpu.memory_space<vmem>>) target_semaphore(%arg11 : memref<!tpu.dma_semaphore, #tpu.memory_space<semaphore_mem>>)
    %dma_wait3A_481 = tpu.memref_slice %arg2[%add3A_440] : memref<33554432xf32, #tpu.memory_space<hbm>> -> memref<16384xf32, #tpu.memory_space<hbm>>
    %dma_wait3A_482 = tpu.memref_slice %arg2[%add3A_440] : memref<33554432xf32, #tpu.memory_space<hbm>> -> memref<16384xf32, #tpu.memory_space<hbm>>
    tpu.wait_dma2 semaphore(%arg13 : memref<!tpu.dma_semaphore, #tpu.memory_space<semaphore_mem>>) src(%dma_wait3A_482 : memref<16384xf32, #tpu.memory_space<hbm>>) dst(%arg7 : memref<16384xf32, #tpu.memory_space<vmem>>)
    %add3A_483 = arith.constant 16777216 : i32
    %add3A_484 = arith.addi %add3A_483, %mul3A_4 : i32
    %add3A_485 = arith.constant 98304 : i32
    %add3A_486 = arith.addi %add3A_484, %add3A_485 : i32
    %dma_start3A_487 = tpu.memref_slice %arg4[%add3A_486] : memref<33554432xf32, #tpu.memory_space<hbm>> -> memref<16384xf32, #tpu.memory_space<hbm>>
    %dma_start3A_488 = tpu.memref_slice %arg4[%add3A_486] : memref<33554432xf32, #tpu.memory_space<hbm>> -> memref<16384xf32, #tpu.memory_space<hbm>>
    tpu.enqueue_dma source(%arg7 : memref<16384xf32, #tpu.memory_space<vmem>>) target(%dma_start3A_488 : memref<16384xf32, #tpu.memory_space<hbm>>) target_semaphore(%arg19 : memref<!tpu.dma_semaphore, #tpu.memory_space<semaphore_mem>>)
    %dma_wait3A_489 = tpu.memref_slice %arg4[%add3A_470] : memref<33554432xf32, #tpu.memory_space<hbm>> -> memref<16384xf32, #tpu.memory_space<hbm>>
    %dma_wait3A_490 = tpu.memref_slice %arg4[%add3A_470] : memref<33554432xf32, #tpu.memory_space<hbm>> -> memref<16384xf32, #tpu.memory_space<hbm>>
    tpu.wait_dma2 semaphore(%arg18 : memref<!tpu.dma_semaphore, #tpu.memory_space<semaphore_mem>>) src(%arg6 : memref<16384xf32, #tpu.memory_space<vmem>>) dst(%dma_wait3A_490 : memref<16384xf32, #tpu.memory_space<hbm>>)
    %add3A_491 = arith.constant 8388608 : i32
    %add3A_492 = arith.addi %add3A_491, %mul3A_4 : i32
    %add3A_493 = arith.constant 114688 : i32
    %add3A_494 = arith.addi %add3A_492, %add3A_493 : i32
    %dma_start3A_495 = tpu.memref_slice %arg2[%add3A_494] : memref<33554432xf32, #tpu.memory_space<hbm>> -> memref<16384xf32, #tpu.memory_space<hbm>>
    %dma_start3A_496 = tpu.memref_slice %arg2[%add3A_494] : memref<33554432xf32, #tpu.memory_space<hbm>> -> memref<16384xf32, #tpu.memory_space<hbm>>
    tpu.enqueue_dma source(%dma_start3A_496 : memref<16384xf32, #tpu.memory_space<hbm>>) target(%arg6 : memref<16384xf32, #tpu.memory_space<vmem>>) target_semaphore(%arg12 : memref<!tpu.dma_semaphore, #tpu.memory_space<semaphore_mem>>)
    %dma_wait3A_497 = tpu.memref_slice %arg2[%add3A_462] : memref<33554432xf32, #tpu.memory_space<hbm>> -> memref<16384xf32, #tpu.memory_space<hbm>>
    %dma_wait3A_498 = tpu.memref_slice %arg2[%add3A_462] : memref<33554432xf32, #tpu.memory_space<hbm>> -> memref<16384xf32, #tpu.memory_space<hbm>>
    tpu.wait_dma2 semaphore(%arg14 : memref<!tpu.dma_semaphore, #tpu.memory_space<semaphore_mem>>) src(%dma_wait3A_498 : memref<16384xf32, #tpu.memory_space<hbm>>) dst(%arg8 : memref<16384xf32, #tpu.memory_space<vmem>>)
    %add3A_499 = arith.constant 25165824 : i32
    %add3A_500 = arith.addi %add3A_499, %mul3A_4 : i32
    %add3A_501 = arith.constant 98304 : i32
    %add3A_502 = arith.addi %add3A_500, %add3A_501 : i32
    %dma_start3A_503 = tpu.memref_slice %arg4[%add3A_502] : memref<33554432xf32, #tpu.memory_space<hbm>> -> memref<16384xf32, #tpu.memory_space<hbm>>
    %dma_start3A_504 = tpu.memref_slice %arg4[%add3A_502] : memref<33554432xf32, #tpu.memory_space<hbm>> -> memref<16384xf32, #tpu.memory_space<hbm>>
    tpu.enqueue_dma source(%arg8 : memref<16384xf32, #tpu.memory_space<vmem>>) target(%dma_start3A_504 : memref<16384xf32, #tpu.memory_space<hbm>>) target_semaphore(%arg20 : memref<!tpu.dma_semaphore, #tpu.memory_space<semaphore_mem>>)
    %dma_wait3A_505 = tpu.memref_slice %arg4[%add3A_486] : memref<33554432xf32, #tpu.memory_space<hbm>> -> memref<16384xf32, #tpu.memory_space<hbm>>
    %dma_wait3A_506 = tpu.memref_slice %arg4[%add3A_486] : memref<33554432xf32, #tpu.memory_space<hbm>> -> memref<16384xf32, #tpu.memory_space<hbm>>
    tpu.wait_dma2 semaphore(%arg19 : memref<!tpu.dma_semaphore, #tpu.memory_space<semaphore_mem>>) src(%arg7 : memref<16384xf32, #tpu.memory_space<vmem>>) dst(%dma_wait3A_506 : memref<16384xf32, #tpu.memory_space<hbm>>)
    %add3A_507 = arith.constant 16777216 : i32
    %add3A_508 = arith.addi %add3A_507, %mul3A_4 : i32
    %add3A_509 = arith.constant 114688 : i32
    %add3A_510 = arith.addi %add3A_508, %add3A_509 : i32
    %dma_start3A_511 = tpu.memref_slice %arg2[%add3A_510] : memref<33554432xf32, #tpu.memory_space<hbm>> -> memref<16384xf32, #tpu.memory_space<hbm>>
    %dma_start3A_512 = tpu.memref_slice %arg2[%add3A_510] : memref<33554432xf32, #tpu.memory_space<hbm>> -> memref<16384xf32, #tpu.memory_space<hbm>>
    tpu.enqueue_dma source(%dma_start3A_512 : memref<16384xf32, #tpu.memory_space<hbm>>) target(%arg7 : memref<16384xf32, #tpu.memory_space<vmem>>) target_semaphore(%arg13 : memref<!tpu.dma_semaphore, #tpu.memory_space<semaphore_mem>>)
    %add3A_513 = arith.constant 131072 : i32
    %add3A_514 = arith.addi %mul3A_4, %add3A_513 : i32
    %dma_start3A_515 = tpu.memref_slice %arg3[%add3A_514] : memref<8388608xf32, #tpu.memory_space<hbm>> -> memref<16384xf32, #tpu.memory_space<hbm>>
    %dma_start3A_516 = tpu.memref_slice %arg3[%add3A_514] : memref<8388608xf32, #tpu.memory_space<hbm>> -> memref<16384xf32, #tpu.memory_space<hbm>>
    tpu.enqueue_dma source(%dma_start3A_516 : memref<16384xf32, #tpu.memory_space<hbm>>) target(%arg9 : memref<16384xf32, #tpu.memory_space<vmem>>) target_semaphore(%arg15 : memref<!tpu.dma_semaphore, #tpu.memory_space<semaphore_mem>>)
    %dma_wait3A_517 = tpu.memref_slice %arg3[%add3A_444] : memref<8388608xf32, #tpu.memory_space<hbm>> -> memref<16384xf32, #tpu.memory_space<hbm>>
    %dma_wait3A_518 = tpu.memref_slice %arg3[%add3A_444] : memref<8388608xf32, #tpu.memory_space<hbm>> -> memref<16384xf32, #tpu.memory_space<hbm>>
    tpu.wait_dma2 semaphore(%arg16 : memref<!tpu.dma_semaphore, #tpu.memory_space<semaphore_mem>>) src(%dma_wait3A_518 : memref<16384xf32, #tpu.memory_space<hbm>>) dst(%arg10 : memref<16384xf32, #tpu.memory_space<vmem>>)
    %dma_wait3A_519 = tpu.memref_slice %arg2[%add3A_478] : memref<33554432xf32, #tpu.memory_space<hbm>> -> memref<16384xf32, #tpu.memory_space<hbm>>
    %dma_wait3A_520 = tpu.memref_slice %arg2[%add3A_478] : memref<33554432xf32, #tpu.memory_space<hbm>> -> memref<16384xf32, #tpu.memory_space<hbm>>
    tpu.wait_dma2 semaphore(%arg11 : memref<!tpu.dma_semaphore, #tpu.memory_space<semaphore_mem>>) src(%dma_wait3A_520 : memref<16384xf32, #tpu.memory_space<hbm>>) dst(%arg5 : memref<16384xf32, #tpu.memory_space<vmem>>)
    %add3A_521 = arith.constant 0 : i32
    %add3A_522 = arith.addi %add3A_521, %mul3A_4 : i32
    %add3A_523 = arith.constant 114688 : i32
    %add3A_524 = arith.addi %add3A_522, %add3A_523 : i32
    %dma_start3A_525 = tpu.memref_slice %arg4[%add3A_524] : memref<33554432xf32, #tpu.memory_space<hbm>> -> memref<16384xf32, #tpu.memory_space<hbm>>
    %dma_start3A_526 = tpu.memref_slice %arg4[%add3A_524] : memref<33554432xf32, #tpu.memory_space<hbm>> -> memref<16384xf32, #tpu.memory_space<hbm>>
    tpu.enqueue_dma source(%arg5 : memref<16384xf32, #tpu.memory_space<vmem>>) target(%dma_start3A_526 : memref<16384xf32, #tpu.memory_space<hbm>>) target_semaphore(%arg17 : memref<!tpu.dma_semaphore, #tpu.memory_space<semaphore_mem>>)
    %dma_wait3A_527 = tpu.memref_slice %arg4[%add3A_502] : memref<33554432xf32, #tpu.memory_space<hbm>> -> memref<16384xf32, #tpu.memory_space<hbm>>
    %dma_wait3A_528 = tpu.memref_slice %arg4[%add3A_502] : memref<33554432xf32, #tpu.memory_space<hbm>> -> memref<16384xf32, #tpu.memory_space<hbm>>
    tpu.wait_dma2 semaphore(%arg20 : memref<!tpu.dma_semaphore, #tpu.memory_space<semaphore_mem>>) src(%arg8 : memref<16384xf32, #tpu.memory_space<vmem>>) dst(%dma_wait3A_528 : memref<16384xf32, #tpu.memory_space<hbm>>)
    %add3A_529 = arith.constant 25165824 : i32
    %add3A_530 = arith.addi %add3A_529, %mul3A_4 : i32
    %add3A_531 = arith.constant 114688 : i32
    %add3A_532 = arith.addi %add3A_530, %add3A_531 : i32
    %dma_start3A_533 = tpu.memref_slice %arg2[%add3A_532] : memref<33554432xf32, #tpu.memory_space<hbm>> -> memref<16384xf32, #tpu.memory_space<hbm>>
    %dma_start3A_534 = tpu.memref_slice %arg2[%add3A_532] : memref<33554432xf32, #tpu.memory_space<hbm>> -> memref<16384xf32, #tpu.memory_space<hbm>>
    tpu.enqueue_dma source(%dma_start3A_534 : memref<16384xf32, #tpu.memory_space<hbm>>) target(%arg8 : memref<16384xf32, #tpu.memory_space<vmem>>) target_semaphore(%arg14 : memref<!tpu.dma_semaphore, #tpu.memory_space<semaphore_mem>>)
    %dma_wait3A_535 = tpu.memref_slice %arg2[%add3A_494] : memref<33554432xf32, #tpu.memory_space<hbm>> -> memref<16384xf32, #tpu.memory_space<hbm>>
    %dma_wait3A_536 = tpu.memref_slice %arg2[%add3A_494] : memref<33554432xf32, #tpu.memory_space<hbm>> -> memref<16384xf32, #tpu.memory_space<hbm>>
    tpu.wait_dma2 semaphore(%arg12 : memref<!tpu.dma_semaphore, #tpu.memory_space<semaphore_mem>>) src(%dma_wait3A_536 : memref<16384xf32, #tpu.memory_space<hbm>>) dst(%arg6 : memref<16384xf32, #tpu.memory_space<vmem>>)
    %add3A_537 = arith.constant 8388608 : i32
    %add3A_538 = arith.addi %add3A_537, %mul3A_4 : i32
    %add3A_539 = arith.constant 114688 : i32
    %add3A_540 = arith.addi %add3A_538, %add3A_539 : i32
    %dma_start3A_541 = tpu.memref_slice %arg4[%add3A_540] : memref<33554432xf32, #tpu.memory_space<hbm>> -> memref<16384xf32, #tpu.memory_space<hbm>>
    %dma_start3A_542 = tpu.memref_slice %arg4[%add3A_540] : memref<33554432xf32, #tpu.memory_space<hbm>> -> memref<16384xf32, #tpu.memory_space<hbm>>
    tpu.enqueue_dma source(%arg6 : memref<16384xf32, #tpu.memory_space<vmem>>) target(%dma_start3A_542 : memref<16384xf32, #tpu.memory_space<hbm>>) target_semaphore(%arg18 : memref<!tpu.dma_semaphore, #tpu.memory_space<semaphore_mem>>)
    %dma_wait3A_543 = tpu.memref_slice %arg4[%add3A_524] : memref<33554432xf32, #tpu.memory_space<hbm>> -> memref<16384xf32, #tpu.memory_space<hbm>>
    %dma_wait3A_544 = tpu.memref_slice %arg4[%add3A_524] : memref<33554432xf32, #tpu.memory_space<hbm>> -> memref<16384xf32, #tpu.memory_space<hbm>>
    tpu.wait_dma2 semaphore(%arg17 : memref<!tpu.dma_semaphore, #tpu.memory_space<semaphore_mem>>) src(%arg5 : memref<16384xf32, #tpu.memory_space<vmem>>) dst(%dma_wait3A_544 : memref<16384xf32, #tpu.memory_space<hbm>>)
    %add3A_545 = arith.constant 0 : i32
    %add3A_546 = arith.addi %add3A_545, %mul3A_4 : i32
    %add3A_547 = arith.constant 131072 : i32
    %add3A_548 = arith.addi %add3A_546, %add3A_547 : i32
    %dma_start3A_549 = tpu.memref_slice %arg2[%add3A_548] : memref<33554432xf32, #tpu.memory_space<hbm>> -> memref<16384xf32, #tpu.memory_space<hbm>>
    %dma_start3A_550 = tpu.memref_slice %arg2[%add3A_548] : memref<33554432xf32, #tpu.memory_space<hbm>> -> memref<16384xf32, #tpu.memory_space<hbm>>
    tpu.enqueue_dma source(%dma_start3A_550 : memref<16384xf32, #tpu.memory_space<hbm>>) target(%arg5 : memref<16384xf32, #tpu.memory_space<vmem>>) target_semaphore(%arg11 : memref<!tpu.dma_semaphore, #tpu.memory_space<semaphore_mem>>)
    %dma_wait3A_551 = tpu.memref_slice %arg2[%add3A_510] : memref<33554432xf32, #tpu.memory_space<hbm>> -> memref<16384xf32, #tpu.memory_space<hbm>>
    %dma_wait3A_552 = tpu.memref_slice %arg2[%add3A_510] : memref<33554432xf32, #tpu.memory_space<hbm>> -> memref<16384xf32, #tpu.memory_space<hbm>>
    tpu.wait_dma2 semaphore(%arg13 : memref<!tpu.dma_semaphore, #tpu.memory_space<semaphore_mem>>) src(%dma_wait3A_552 : memref<16384xf32, #tpu.memory_space<hbm>>) dst(%arg7 : memref<16384xf32, #tpu.memory_space<vmem>>)
    %add3A_553 = arith.constant 16777216 : i32
    %add3A_554 = arith.addi %add3A_553, %mul3A_4 : i32
    %add3A_555 = arith.constant 114688 : i32
    %add3A_556 = arith.addi %add3A_554, %add3A_555 : i32
    %dma_start3A_557 = tpu.memref_slice %arg4[%add3A_556] : memref<33554432xf32, #tpu.memory_space<hbm>> -> memref<16384xf32, #tpu.memory_space<hbm>>
    %dma_start3A_558 = tpu.memref_slice %arg4[%add3A_556] : memref<33554432xf32, #tpu.memory_space<hbm>> -> memref<16384xf32, #tpu.memory_space<hbm>>
    tpu.enqueue_dma source(%arg7 : memref<16384xf32, #tpu.memory_space<vmem>>) target(%dma_start3A_558 : memref<16384xf32, #tpu.memory_space<hbm>>) target_semaphore(%arg19 : memref<!tpu.dma_semaphore, #tpu.memory_space<semaphore_mem>>)
    %dma_wait3A_559 = tpu.memref_slice %arg4[%add3A_540] : memref<33554432xf32, #tpu.memory_space<hbm>> -> memref<16384xf32, #tpu.memory_space<hbm>>
    %dma_wait3A_560 = tpu.memref_slice %arg4[%add3A_540] : memref<33554432xf32, #tpu.memory_space<hbm>> -> memref<16384xf32, #tpu.memory_space<hbm>>
    tpu.wait_dma2 semaphore(%arg18 : memref<!tpu.dma_semaphore, #tpu.memory_space<semaphore_mem>>) src(%arg6 : memref<16384xf32, #tpu.memory_space<vmem>>) dst(%dma_wait3A_560 : memref<16384xf32, #tpu.memory_space<hbm>>)
    %add3A_561 = arith.constant 8388608 : i32
    %add3A_562 = arith.addi %add3A_561, %mul3A_4 : i32
    %add3A_563 = arith.constant 131072 : i32
    %add3A_564 = arith.addi %add3A_562, %add3A_563 : i32
    %dma_start3A_565 = tpu.memref_slice %arg2[%add3A_564] : memref<33554432xf32, #tpu.memory_space<hbm>> -> memref<16384xf32, #tpu.memory_space<hbm>>
    %dma_start3A_566 = tpu.memref_slice %arg2[%add3A_564] : memref<33554432xf32, #tpu.memory_space<hbm>> -> memref<16384xf32, #tpu.memory_space<hbm>>
    tpu.enqueue_dma source(%dma_start3A_566 : memref<16384xf32, #tpu.memory_space<hbm>>) target(%arg6 : memref<16384xf32, #tpu.memory_space<vmem>>) target_semaphore(%arg12 : memref<!tpu.dma_semaphore, #tpu.memory_space<semaphore_mem>>)
    %dma_wait3A_567 = tpu.memref_slice %arg2[%add3A_532] : memref<33554432xf32, #tpu.memory_space<hbm>> -> memref<16384xf32, #tpu.memory_space<hbm>>
    %dma_wait3A_568 = tpu.memref_slice %arg2[%add3A_532] : memref<33554432xf32, #tpu.memory_space<hbm>> -> memref<16384xf32, #tpu.memory_space<hbm>>
    tpu.wait_dma2 semaphore(%arg14 : memref<!tpu.dma_semaphore, #tpu.memory_space<semaphore_mem>>) src(%dma_wait3A_568 : memref<16384xf32, #tpu.memory_space<hbm>>) dst(%arg8 : memref<16384xf32, #tpu.memory_space<vmem>>)
    %add3A_569 = arith.constant 25165824 : i32
    %add3A_570 = arith.addi %add3A_569, %mul3A_4 : i32
    %add3A_571 = arith.constant 114688 : i32
    %add3A_572 = arith.addi %add3A_570, %add3A_571 : i32
    %dma_start3A_573 = tpu.memref_slice %arg4[%add3A_572] : memref<33554432xf32, #tpu.memory_space<hbm>> -> memref<16384xf32, #tpu.memory_space<hbm>>
    %dma_start3A_574 = tpu.memref_slice %arg4[%add3A_572] : memref<33554432xf32, #tpu.memory_space<hbm>> -> memref<16384xf32, #tpu.memory_space<hbm>>
    tpu.enqueue_dma source(%arg8 : memref<16384xf32, #tpu.memory_space<vmem>>) target(%dma_start3A_574 : memref<16384xf32, #tpu.memory_space<hbm>>) target_semaphore(%arg20 : memref<!tpu.dma_semaphore, #tpu.memory_space<semaphore_mem>>)
    %dma_wait3A_575 = tpu.memref_slice %arg4[%add3A_556] : memref<33554432xf32, #tpu.memory_space<hbm>> -> memref<16384xf32, #tpu.memory_space<hbm>>
    %dma_wait3A_576 = tpu.memref_slice %arg4[%add3A_556] : memref<33554432xf32, #tpu.memory_space<hbm>> -> memref<16384xf32, #tpu.memory_space<hbm>>
    tpu.wait_dma2 semaphore(%arg19 : memref<!tpu.dma_semaphore, #tpu.memory_space<semaphore_mem>>) src(%arg7 : memref<16384xf32, #tpu.memory_space<vmem>>) dst(%dma_wait3A_576 : memref<16384xf32, #tpu.memory_space<hbm>>)
    %add3A_577 = arith.constant 16777216 : i32
    %add3A_578 = arith.addi %add3A_577, %mul3A_4 : i32
    %add3A_579 = arith.constant 131072 : i32
    %add3A_580 = arith.addi %add3A_578, %add3A_579 : i32
    %dma_start3A_581 = tpu.memref_slice %arg2[%add3A_580] : memref<33554432xf32, #tpu.memory_space<hbm>> -> memref<16384xf32, #tpu.memory_space<hbm>>
    %dma_start3A_582 = tpu.memref_slice %arg2[%add3A_580] : memref<33554432xf32, #tpu.memory_space<hbm>> -> memref<16384xf32, #tpu.memory_space<hbm>>
    tpu.enqueue_dma source(%dma_start3A_582 : memref<16384xf32, #tpu.memory_space<hbm>>) target(%arg7 : memref<16384xf32, #tpu.memory_space<vmem>>) target_semaphore(%arg13 : memref<!tpu.dma_semaphore, #tpu.memory_space<semaphore_mem>>)
    %add3A_583 = arith.constant 147456 : i32
    %add3A_584 = arith.addi %mul3A_4, %add3A_583 : i32
    %dma_start3A_585 = tpu.memref_slice %arg3[%add3A_584] : memref<8388608xf32, #tpu.memory_space<hbm>> -> memref<16384xf32, #tpu.memory_space<hbm>>
    %dma_start3A_586 = tpu.memref_slice %arg3[%add3A_584] : memref<8388608xf32, #tpu.memory_space<hbm>> -> memref<16384xf32, #tpu.memory_space<hbm>>
    tpu.enqueue_dma source(%dma_start3A_586 : memref<16384xf32, #tpu.memory_space<hbm>>) target(%arg10 : memref<16384xf32, #tpu.memory_space<vmem>>) target_semaphore(%arg16 : memref<!tpu.dma_semaphore, #tpu.memory_space<semaphore_mem>>)
    %dma_wait3A_587 = tpu.memref_slice %arg3[%add3A_514] : memref<8388608xf32, #tpu.memory_space<hbm>> -> memref<16384xf32, #tpu.memory_space<hbm>>
    %dma_wait3A_588 = tpu.memref_slice %arg3[%add3A_514] : memref<8388608xf32, #tpu.memory_space<hbm>> -> memref<16384xf32, #tpu.memory_space<hbm>>
    tpu.wait_dma2 semaphore(%arg15 : memref<!tpu.dma_semaphore, #tpu.memory_space<semaphore_mem>>) src(%dma_wait3A_588 : memref<16384xf32, #tpu.memory_space<hbm>>) dst(%arg9 : memref<16384xf32, #tpu.memory_space<vmem>>)
    %dma_wait3A_589 = tpu.memref_slice %arg2[%add3A_548] : memref<33554432xf32, #tpu.memory_space<hbm>> -> memref<16384xf32, #tpu.memory_space<hbm>>
    %dma_wait3A_590 = tpu.memref_slice %arg2[%add3A_548] : memref<33554432xf32, #tpu.memory_space<hbm>> -> memref<16384xf32, #tpu.memory_space<hbm>>
    tpu.wait_dma2 semaphore(%arg11 : memref<!tpu.dma_semaphore, #tpu.memory_space<semaphore_mem>>) src(%dma_wait3A_590 : memref<16384xf32, #tpu.memory_space<hbm>>) dst(%arg5 : memref<16384xf32, #tpu.memory_space<vmem>>)
    %add3A_591 = arith.constant 0 : i32
    %add3A_592 = arith.addi %add3A_591, %mul3A_4 : i32
    %add3A_593 = arith.constant 131072 : i32
    %add3A_594 = arith.addi %add3A_592, %add3A_593 : i32
    %dma_start3A_595 = tpu.memref_slice %arg4[%add3A_594] : memref<33554432xf32, #tpu.memory_space<hbm>> -> memref<16384xf32, #tpu.memory_space<hbm>>
    %dma_start3A_596 = tpu.memref_slice %arg4[%add3A_594] : memref<33554432xf32, #tpu.memory_space<hbm>> -> memref<16384xf32, #tpu.memory_space<hbm>>
    tpu.enqueue_dma source(%arg5 : memref<16384xf32, #tpu.memory_space<vmem>>) target(%dma_start3A_596 : memref<16384xf32, #tpu.memory_space<hbm>>) target_semaphore(%arg17 : memref<!tpu.dma_semaphore, #tpu.memory_space<semaphore_mem>>)
    %dma_wait3A_597 = tpu.memref_slice %arg4[%add3A_572] : memref<33554432xf32, #tpu.memory_space<hbm>> -> memref<16384xf32, #tpu.memory_space<hbm>>
    %dma_wait3A_598 = tpu.memref_slice %arg4[%add3A_572] : memref<33554432xf32, #tpu.memory_space<hbm>> -> memref<16384xf32, #tpu.memory_space<hbm>>
    tpu.wait_dma2 semaphore(%arg20 : memref<!tpu.dma_semaphore, #tpu.memory_space<semaphore_mem>>) src(%arg8 : memref<16384xf32, #tpu.memory_space<vmem>>) dst(%dma_wait3A_598 : memref<16384xf32, #tpu.memory_space<hbm>>)
    %add3A_599 = arith.constant 25165824 : i32
    %add3A_600 = arith.addi %add3A_599, %mul3A_4 : i32
    %add3A_601 = arith.constant 131072 : i32
    %add3A_602 = arith.addi %add3A_600, %add3A_601 : i32
    %dma_start3A_603 = tpu.memref_slice %arg2[%add3A_602] : memref<33554432xf32, #tpu.memory_space<hbm>> -> memref<16384xf32, #tpu.memory_space<hbm>>
    %dma_start3A_604 = tpu.memref_slice %arg2[%add3A_602] : memref<33554432xf32, #tpu.memory_space<hbm>> -> memref<16384xf32, #tpu.memory_space<hbm>>
    tpu.enqueue_dma source(%dma_start3A_604 : memref<16384xf32, #tpu.memory_space<hbm>>) target(%arg8 : memref<16384xf32, #tpu.memory_space<vmem>>) target_semaphore(%arg14 : memref<!tpu.dma_semaphore, #tpu.memory_space<semaphore_mem>>)
    %dma_wait3A_605 = tpu.memref_slice %arg2[%add3A_564] : memref<33554432xf32, #tpu.memory_space<hbm>> -> memref<16384xf32, #tpu.memory_space<hbm>>
    %dma_wait3A_606 = tpu.memref_slice %arg2[%add3A_564] : memref<33554432xf32, #tpu.memory_space<hbm>> -> memref<16384xf32, #tpu.memory_space<hbm>>
    tpu.wait_dma2 semaphore(%arg12 : memref<!tpu.dma_semaphore, #tpu.memory_space<semaphore_mem>>) src(%dma_wait3A_606 : memref<16384xf32, #tpu.memory_space<hbm>>) dst(%arg6 : memref<16384xf32, #tpu.memory_space<vmem>>)
    %add3A_607 = arith.constant 8388608 : i32
    %add3A_608 = arith.addi %add3A_607, %mul3A_4 : i32
    %add3A_609 = arith.constant 131072 : i32
    %add3A_610 = arith.addi %add3A_608, %add3A_609 : i32
    %dma_start3A_611 = tpu.memref_slice %arg4[%add3A_610] : memref<33554432xf32, #tpu.memory_space<hbm>> -> memref<16384xf32, #tpu.memory_space<hbm>>
    %dma_start3A_612 = tpu.memref_slice %arg4[%add3A_610] : memref<33554432xf32, #tpu.memory_space<hbm>> -> memref<16384xf32, #tpu.memory_space<hbm>>
    tpu.enqueue_dma source(%arg6 : memref<16384xf32, #tpu.memory_space<vmem>>) target(%dma_start3A_612 : memref<16384xf32, #tpu.memory_space<hbm>>) target_semaphore(%arg18 : memref<!tpu.dma_semaphore, #tpu.memory_space<semaphore_mem>>)
    %dma_wait3A_613 = tpu.memref_slice %arg4[%add3A_594] : memref<33554432xf32, #tpu.memory_space<hbm>> -> memref<16384xf32, #tpu.memory_space<hbm>>
    %dma_wait3A_614 = tpu.memref_slice %arg4[%add3A_594] : memref<33554432xf32, #tpu.memory_space<hbm>> -> memref<16384xf32, #tpu.memory_space<hbm>>
    tpu.wait_dma2 semaphore(%arg17 : memref<!tpu.dma_semaphore, #tpu.memory_space<semaphore_mem>>) src(%arg5 : memref<16384xf32, #tpu.memory_space<vmem>>) dst(%dma_wait3A_614 : memref<16384xf32, #tpu.memory_space<hbm>>)
    %add3A_615 = arith.constant 0 : i32
    %add3A_616 = arith.addi %add3A_615, %mul3A_4 : i32
    %add3A_617 = arith.constant 147456 : i32
    %add3A_618 = arith.addi %add3A_616, %add3A_617 : i32
    %dma_start3A_619 = tpu.memref_slice %arg2[%add3A_618] : memref<33554432xf32, #tpu.memory_space<hbm>> -> memref<16384xf32, #tpu.memory_space<hbm>>
    %dma_start3A_620 = tpu.memref_slice %arg2[%add3A_618] : memref<33554432xf32, #tpu.memory_space<hbm>> -> memref<16384xf32, #tpu.memory_space<hbm>>
    tpu.enqueue_dma source(%dma_start3A_620 : memref<16384xf32, #tpu.memory_space<hbm>>) target(%arg5 : memref<16384xf32, #tpu.memory_space<vmem>>) target_semaphore(%arg11 : memref<!tpu.dma_semaphore, #tpu.memory_space<semaphore_mem>>)
    %dma_wait3A_621 = tpu.memref_slice %arg2[%add3A_580] : memref<33554432xf32, #tpu.memory_space<hbm>> -> memref<16384xf32, #tpu.memory_space<hbm>>
    %dma_wait3A_622 = tpu.memref_slice %arg2[%add3A_580] : memref<33554432xf32, #tpu.memory_space<hbm>> -> memref<16384xf32, #tpu.memory_space<hbm>>
    tpu.wait_dma2 semaphore(%arg13 : memref<!tpu.dma_semaphore, #tpu.memory_space<semaphore_mem>>) src(%dma_wait3A_622 : memref<16384xf32, #tpu.memory_space<hbm>>) dst(%arg7 : memref<16384xf32, #tpu.memory_space<vmem>>)
    %add3A_623 = arith.constant 16777216 : i32
    %add3A_624 = arith.addi %add3A_623, %mul3A_4 : i32
    %add3A_625 = arith.constant 131072 : i32
    %add3A_626 = arith.addi %add3A_624, %add3A_625 : i32
    %dma_start3A_627 = tpu.memref_slice %arg4[%add3A_626] : memref<33554432xf32, #tpu.memory_space<hbm>> -> memref<16384xf32, #tpu.memory_space<hbm>>
    %dma_start3A_628 = tpu.memref_slice %arg4[%add3A_626] : memref<33554432xf32, #tpu.memory_space<hbm>> -> memref<16384xf32, #tpu.memory_space<hbm>>
    tpu.enqueue_dma source(%arg7 : memref<16384xf32, #tpu.memory_space<vmem>>) target(%dma_start3A_628 : memref<16384xf32, #tpu.memory_space<hbm>>) target_semaphore(%arg19 : memref<!tpu.dma_semaphore, #tpu.memory_space<semaphore_mem>>)
    %dma_wait3A_629 = tpu.memref_slice %arg4[%add3A_610] : memref<33554432xf32, #tpu.memory_space<hbm>> -> memref<16384xf32, #tpu.memory_space<hbm>>
    %dma_wait3A_630 = tpu.memref_slice %arg4[%add3A_610] : memref<33554432xf32, #tpu.memory_space<hbm>> -> memref<16384xf32, #tpu.memory_space<hbm>>
    tpu.wait_dma2 semaphore(%arg18 : memref<!tpu.dma_semaphore, #tpu.memory_space<semaphore_mem>>) src(%arg6 : memref<16384xf32, #tpu.memory_space<vmem>>) dst(%dma_wait3A_630 : memref<16384xf32, #tpu.memory_space<hbm>>)
    %add3A_631 = arith.constant 8388608 : i32
    %add3A_632 = arith.addi %add3A_631, %mul3A_4 : i32
    %add3A_633 = arith.constant 147456 : i32
    %add3A_634 = arith.addi %add3A_632, %add3A_633 : i32
    %dma_start3A_635 = tpu.memref_slice %arg2[%add3A_634] : memref<33554432xf32, #tpu.memory_space<hbm>> -> memref<16384xf32, #tpu.memory_space<hbm>>
    %dma_start3A_636 = tpu.memref_slice %arg2[%add3A_634] : memref<33554432xf32, #tpu.memory_space<hbm>> -> memref<16384xf32, #tpu.memory_space<hbm>>
    tpu.enqueue_dma source(%dma_start3A_636 : memref<16384xf32, #tpu.memory_space<hbm>>) target(%arg6 : memref<16384xf32, #tpu.memory_space<vmem>>) target_semaphore(%arg12 : memref<!tpu.dma_semaphore, #tpu.memory_space<semaphore_mem>>)
    %dma_wait3A_637 = tpu.memref_slice %arg2[%add3A_602] : memref<33554432xf32, #tpu.memory_space<hbm>> -> memref<16384xf32, #tpu.memory_space<hbm>>
    %dma_wait3A_638 = tpu.memref_slice %arg2[%add3A_602] : memref<33554432xf32, #tpu.memory_space<hbm>> -> memref<16384xf32, #tpu.memory_space<hbm>>
    tpu.wait_dma2 semaphore(%arg14 : memref<!tpu.dma_semaphore, #tpu.memory_space<semaphore_mem>>) src(%dma_wait3A_638 : memref<16384xf32, #tpu.memory_space<hbm>>) dst(%arg8 : memref<16384xf32, #tpu.memory_space<vmem>>)
    %add3A_639 = arith.constant 25165824 : i32
    %add3A_640 = arith.addi %add3A_639, %mul3A_4 : i32
    %add3A_641 = arith.constant 131072 : i32
    %add3A_642 = arith.addi %add3A_640, %add3A_641 : i32
    %dma_start3A_643 = tpu.memref_slice %arg4[%add3A_642] : memref<33554432xf32, #tpu.memory_space<hbm>> -> memref<16384xf32, #tpu.memory_space<hbm>>
    %dma_start3A_644 = tpu.memref_slice %arg4[%add3A_642] : memref<33554432xf32, #tpu.memory_space<hbm>> -> memref<16384xf32, #tpu.memory_space<hbm>>
    tpu.enqueue_dma source(%arg8 : memref<16384xf32, #tpu.memory_space<vmem>>) target(%dma_start3A_644 : memref<16384xf32, #tpu.memory_space<hbm>>) target_semaphore(%arg20 : memref<!tpu.dma_semaphore, #tpu.memory_space<semaphore_mem>>)
    %dma_wait3A_645 = tpu.memref_slice %arg4[%add3A_626] : memref<33554432xf32, #tpu.memory_space<hbm>> -> memref<16384xf32, #tpu.memory_space<hbm>>
    %dma_wait3A_646 = tpu.memref_slice %arg4[%add3A_626] : memref<33554432xf32, #tpu.memory_space<hbm>> -> memref<16384xf32, #tpu.memory_space<hbm>>
    tpu.wait_dma2 semaphore(%arg19 : memref<!tpu.dma_semaphore, #tpu.memory_space<semaphore_mem>>) src(%arg7 : memref<16384xf32, #tpu.memory_space<vmem>>) dst(%dma_wait3A_646 : memref<16384xf32, #tpu.memory_space<hbm>>)
    %add3A_647 = arith.constant 16777216 : i32
    %add3A_648 = arith.addi %add3A_647, %mul3A_4 : i32
    %add3A_649 = arith.constant 147456 : i32
    %add3A_650 = arith.addi %add3A_648, %add3A_649 : i32
    %dma_start3A_651 = tpu.memref_slice %arg2[%add3A_650] : memref<33554432xf32, #tpu.memory_space<hbm>> -> memref<16384xf32, #tpu.memory_space<hbm>>
    %dma_start3A_652 = tpu.memref_slice %arg2[%add3A_650] : memref<33554432xf32, #tpu.memory_space<hbm>> -> memref<16384xf32, #tpu.memory_space<hbm>>
    tpu.enqueue_dma source(%dma_start3A_652 : memref<16384xf32, #tpu.memory_space<hbm>>) target(%arg7 : memref<16384xf32, #tpu.memory_space<vmem>>) target_semaphore(%arg13 : memref<!tpu.dma_semaphore, #tpu.memory_space<semaphore_mem>>)
    %add3A_653 = arith.constant 163840 : i32
    %add3A_654 = arith.addi %mul3A_4, %add3A_653 : i32
    %dma_start3A_655 = tpu.memref_slice %arg3[%add3A_654] : memref<8388608xf32, #tpu.memory_space<hbm>> -> memref<16384xf32, #tpu.memory_space<hbm>>
    %dma_start3A_656 = tpu.memref_slice %arg3[%add3A_654] : memref<8388608xf32, #tpu.memory_space<hbm>> -> memref<16384xf32, #tpu.memory_space<hbm>>
    tpu.enqueue_dma source(%dma_start3A_656 : memref<16384xf32, #tpu.memory_space<hbm>>) target(%arg9 : memref<16384xf32, #tpu.memory_space<vmem>>) target_semaphore(%arg15 : memref<!tpu.dma_semaphore, #tpu.memory_space<semaphore_mem>>)
    %dma_wait3A_657 = tpu.memref_slice %arg3[%add3A_584] : memref<8388608xf32, #tpu.memory_space<hbm>> -> memref<16384xf32, #tpu.memory_space<hbm>>
    %dma_wait3A_658 = tpu.memref_slice %arg3[%add3A_584] : memref<8388608xf32, #tpu.memory_space<hbm>> -> memref<16384xf32, #tpu.memory_space<hbm>>
    tpu.wait_dma2 semaphore(%arg16 : memref<!tpu.dma_semaphore, #tpu.memory_space<semaphore_mem>>) src(%dma_wait3A_658 : memref<16384xf32, #tpu.memory_space<hbm>>) dst(%arg10 : memref<16384xf32, #tpu.memory_space<vmem>>)
    %dma_wait3A_659 = tpu.memref_slice %arg2[%add3A_618] : memref<33554432xf32, #tpu.memory_space<hbm>> -> memref<16384xf32, #tpu.memory_space<hbm>>
    %dma_wait3A_660 = tpu.memref_slice %arg2[%add3A_618] : memref<33554432xf32, #tpu.memory_space<hbm>> -> memref<16384xf32, #tpu.memory_space<hbm>>
    tpu.wait_dma2 semaphore(%arg11 : memref<!tpu.dma_semaphore, #tpu.memory_space<semaphore_mem>>) src(%dma_wait3A_660 : memref<16384xf32, #tpu.memory_space<hbm>>) dst(%arg5 : memref<16384xf32, #tpu.memory_space<vmem>>)
    %add3A_661 = arith.constant 0 : i32
    %add3A_662 = arith.addi %add3A_661, %mul3A_4 : i32
    %add3A_663 = arith.constant 147456 : i32
    %add3A_664 = arith.addi %add3A_662, %add3A_663 : i32
    %dma_start3A_665 = tpu.memref_slice %arg4[%add3A_664] : memref<33554432xf32, #tpu.memory_space<hbm>> -> memref<16384xf32, #tpu.memory_space<hbm>>
    %dma_start3A_666 = tpu.memref_slice %arg4[%add3A_664] : memref<33554432xf32, #tpu.memory_space<hbm>> -> memref<16384xf32, #tpu.memory_space<hbm>>
    tpu.enqueue_dma source(%arg5 : memref<16384xf32, #tpu.memory_space<vmem>>) target(%dma_start3A_666 : memref<16384xf32, #tpu.memory_space<hbm>>) target_semaphore(%arg17 : memref<!tpu.dma_semaphore, #tpu.memory_space<semaphore_mem>>)
    %dma_wait3A_667 = tpu.memref_slice %arg4[%add3A_642] : memref<33554432xf32, #tpu.memory_space<hbm>> -> memref<16384xf32, #tpu.memory_space<hbm>>
    %dma_wait3A_668 = tpu.memref_slice %arg4[%add3A_642] : memref<33554432xf32, #tpu.memory_space<hbm>> -> memref<16384xf32, #tpu.memory_space<hbm>>
    tpu.wait_dma2 semaphore(%arg20 : memref<!tpu.dma_semaphore, #tpu.memory_space<semaphore_mem>>) src(%arg8 : memref<16384xf32, #tpu.memory_space<vmem>>) dst(%dma_wait3A_668 : memref<16384xf32, #tpu.memory_space<hbm>>)
    %add3A_669 = arith.constant 25165824 : i32
    %add3A_670 = arith.addi %add3A_669, %mul3A_4 : i32
    %add3A_671 = arith.constant 147456 : i32
    %add3A_672 = arith.addi %add3A_670, %add3A_671 : i32
    %dma_start3A_673 = tpu.memref_slice %arg2[%add3A_672] : memref<33554432xf32, #tpu.memory_space<hbm>> -> memref<16384xf32, #tpu.memory_space<hbm>>
    %dma_start3A_674 = tpu.memref_slice %arg2[%add3A_672] : memref<33554432xf32, #tpu.memory_space<hbm>> -> memref<16384xf32, #tpu.memory_space<hbm>>
    tpu.enqueue_dma source(%dma_start3A_674 : memref<16384xf32, #tpu.memory_space<hbm>>) target(%arg8 : memref<16384xf32, #tpu.memory_space<vmem>>) target_semaphore(%arg14 : memref<!tpu.dma_semaphore, #tpu.memory_space<semaphore_mem>>)
    %dma_wait3A_675 = tpu.memref_slice %arg2[%add3A_634] : memref<33554432xf32, #tpu.memory_space<hbm>> -> memref<16384xf32, #tpu.memory_space<hbm>>
    %dma_wait3A_676 = tpu.memref_slice %arg2[%add3A_634] : memref<33554432xf32, #tpu.memory_space<hbm>> -> memref<16384xf32, #tpu.memory_space<hbm>>
    tpu.wait_dma2 semaphore(%arg12 : memref<!tpu.dma_semaphore, #tpu.memory_space<semaphore_mem>>) src(%dma_wait3A_676 : memref<16384xf32, #tpu.memory_space<hbm>>) dst(%arg6 : memref<16384xf32, #tpu.memory_space<vmem>>)
    %add3A_677 = arith.constant 8388608 : i32
    %add3A_678 = arith.addi %add3A_677, %mul3A_4 : i32
    %add3A_679 = arith.constant 147456 : i32
    %add3A_680 = arith.addi %add3A_678, %add3A_679 : i32
    %dma_start3A_681 = tpu.memref_slice %arg4[%add3A_680] : memref<33554432xf32, #tpu.memory_space<hbm>> -> memref<16384xf32, #tpu.memory_space<hbm>>
    %dma_start3A_682 = tpu.memref_slice %arg4[%add3A_680] : memref<33554432xf32, #tpu.memory_space<hbm>> -> memref<16384xf32, #tpu.memory_space<hbm>>
    tpu.enqueue_dma source(%arg6 : memref<16384xf32, #tpu.memory_space<vmem>>) target(%dma_start3A_682 : memref<16384xf32, #tpu.memory_space<hbm>>) target_semaphore(%arg18 : memref<!tpu.dma_semaphore, #tpu.memory_space<semaphore_mem>>)
    %dma_wait3A_683 = tpu.memref_slice %arg4[%add3A_664] : memref<33554432xf32, #tpu.memory_space<hbm>> -> memref<16384xf32, #tpu.memory_space<hbm>>
    %dma_wait3A_684 = tpu.memref_slice %arg4[%add3A_664] : memref<33554432xf32, #tpu.memory_space<hbm>> -> memref<16384xf32, #tpu.memory_space<hbm>>
    tpu.wait_dma2 semaphore(%arg17 : memref<!tpu.dma_semaphore, #tpu.memory_space<semaphore_mem>>) src(%arg5 : memref<16384xf32, #tpu.memory_space<vmem>>) dst(%dma_wait3A_684 : memref<16384xf32, #tpu.memory_space<hbm>>)
    %add3A_685 = arith.constant 0 : i32
    %add3A_686 = arith.addi %add3A_685, %mul3A_4 : i32
    %add3A_687 = arith.constant 163840 : i32
    %add3A_688 = arith.addi %add3A_686, %add3A_687 : i32
    %dma_start3A_689 = tpu.memref_slice %arg2[%add3A_688] : memref<33554432xf32, #tpu.memory_space<hbm>> -> memref<16384xf32, #tpu.memory_space<hbm>>
    %dma_start3A_690 = tpu.memref_slice %arg2[%add3A_688] : memref<33554432xf32, #tpu.memory_space<hbm>> -> memref<16384xf32, #tpu.memory_space<hbm>>
    tpu.enqueue_dma source(%dma_start3A_690 : memref<16384xf32, #tpu.memory_space<hbm>>) target(%arg5 : memref<16384xf32, #tpu.memory_space<vmem>>) target_semaphore(%arg11 : memref<!tpu.dma_semaphore, #tpu.memory_space<semaphore_mem>>)
    %dma_wait3A_691 = tpu.memref_slice %arg2[%add3A_650] : memref<33554432xf32, #tpu.memory_space<hbm>> -> memref<16384xf32, #tpu.memory_space<hbm>>
    %dma_wait3A_692 = tpu.memref_slice %arg2[%add3A_650] : memref<33554432xf32, #tpu.memory_space<hbm>> -> memref<16384xf32, #tpu.memory_space<hbm>>
    tpu.wait_dma2 semaphore(%arg13 : memref<!tpu.dma_semaphore, #tpu.memory_space<semaphore_mem>>) src(%dma_wait3A_692 : memref<16384xf32, #tpu.memory_space<hbm>>) dst(%arg7 : memref<16384xf32, #tpu.memory_space<vmem>>)
    %add3A_693 = arith.constant 16777216 : i32
    %add3A_694 = arith.addi %add3A_693, %mul3A_4 : i32
    %add3A_695 = arith.constant 147456 : i32
    %add3A_696 = arith.addi %add3A_694, %add3A_695 : i32
    %dma_start3A_697 = tpu.memref_slice %arg4[%add3A_696] : memref<33554432xf32, #tpu.memory_space<hbm>> -> memref<16384xf32, #tpu.memory_space<hbm>>
    %dma_start3A_698 = tpu.memref_slice %arg4[%add3A_696] : memref<33554432xf32, #tpu.memory_space<hbm>> -> memref<16384xf32, #tpu.memory_space<hbm>>
    tpu.enqueue_dma source(%arg7 : memref<16384xf32, #tpu.memory_space<vmem>>) target(%dma_start3A_698 : memref<16384xf32, #tpu.memory_space<hbm>>) target_semaphore(%arg19 : memref<!tpu.dma_semaphore, #tpu.memory_space<semaphore_mem>>)
    %dma_wait3A_699 = tpu.memref_slice %arg4[%add3A_680] : memref<33554432xf32, #tpu.memory_space<hbm>> -> memref<16384xf32, #tpu.memory_space<hbm>>
    %dma_wait3A_700 = tpu.memref_slice %arg4[%add3A_680] : memref<33554432xf32, #tpu.memory_space<hbm>> -> memref<16384xf32, #tpu.memory_space<hbm>>
    tpu.wait_dma2 semaphore(%arg18 : memref<!tpu.dma_semaphore, #tpu.memory_space<semaphore_mem>>) src(%arg6 : memref<16384xf32, #tpu.memory_space<vmem>>) dst(%dma_wait3A_700 : memref<16384xf32, #tpu.memory_space<hbm>>)
    %add3A_701 = arith.constant 8388608 : i32
    %add3A_702 = arith.addi %add3A_701, %mul3A_4 : i32
    %add3A_703 = arith.constant 163840 : i32
    %add3A_704 = arith.addi %add3A_702, %add3A_703 : i32
    %dma_start3A_705 = tpu.memref_slice %arg2[%add3A_704] : memref<33554432xf32, #tpu.memory_space<hbm>> -> memref<16384xf32, #tpu.memory_space<hbm>>
    %dma_start3A_706 = tpu.memref_slice %arg2[%add3A_704] : memref<33554432xf32, #tpu.memory_space<hbm>> -> memref<16384xf32, #tpu.memory_space<hbm>>
    tpu.enqueue_dma source(%dma_start3A_706 : memref<16384xf32, #tpu.memory_space<hbm>>) target(%arg6 : memref<16384xf32, #tpu.memory_space<vmem>>) target_semaphore(%arg12 : memref<!tpu.dma_semaphore, #tpu.memory_space<semaphore_mem>>)
    %dma_wait3A_707 = tpu.memref_slice %arg2[%add3A_672] : memref<33554432xf32, #tpu.memory_space<hbm>> -> memref<16384xf32, #tpu.memory_space<hbm>>
    %dma_wait3A_708 = tpu.memref_slice %arg2[%add3A_672] : memref<33554432xf32, #tpu.memory_space<hbm>> -> memref<16384xf32, #tpu.memory_space<hbm>>
    tpu.wait_dma2 semaphore(%arg14 : memref<!tpu.dma_semaphore, #tpu.memory_space<semaphore_mem>>) src(%dma_wait3A_708 : memref<16384xf32, #tpu.memory_space<hbm>>) dst(%arg8 : memref<16384xf32, #tpu.memory_space<vmem>>)
    %add3A_709 = arith.constant 25165824 : i32
    %add3A_710 = arith.addi %add3A_709, %mul3A_4 : i32
    %add3A_711 = arith.constant 147456 : i32
    %add3A_712 = arith.addi %add3A_710, %add3A_711 : i32
    %dma_start3A_713 = tpu.memref_slice %arg4[%add3A_712] : memref<33554432xf32, #tpu.memory_space<hbm>> -> memref<16384xf32, #tpu.memory_space<hbm>>
    %dma_start3A_714 = tpu.memref_slice %arg4[%add3A_712] : memref<33554432xf32, #tpu.memory_space<hbm>> -> memref<16384xf32, #tpu.memory_space<hbm>>
    tpu.enqueue_dma source(%arg8 : memref<16384xf32, #tpu.memory_space<vmem>>) target(%dma_start3A_714 : memref<16384xf32, #tpu.memory_space<hbm>>) target_semaphore(%arg20 : memref<!tpu.dma_semaphore, #tpu.memory_space<semaphore_mem>>)
    %dma_wait3A_715 = tpu.memref_slice %arg4[%add3A_696] : memref<33554432xf32, #tpu.memory_space<hbm>> -> memref<16384xf32, #tpu.memory_space<hbm>>
    %dma_wait3A_716 = tpu.memref_slice %arg4[%add3A_696] : memref<33554432xf32, #tpu.memory_space<hbm>> -> memref<16384xf32, #tpu.memory_space<hbm>>
    tpu.wait_dma2 semaphore(%arg19 : memref<!tpu.dma_semaphore, #tpu.memory_space<semaphore_mem>>) src(%arg7 : memref<16384xf32, #tpu.memory_space<vmem>>) dst(%dma_wait3A_716 : memref<16384xf32, #tpu.memory_space<hbm>>)
    %add3A_717 = arith.constant 16777216 : i32
    %add3A_718 = arith.addi %add3A_717, %mul3A_4 : i32
    %add3A_719 = arith.constant 163840 : i32
    %add3A_720 = arith.addi %add3A_718, %add3A_719 : i32
    %dma_start3A_721 = tpu.memref_slice %arg2[%add3A_720] : memref<33554432xf32, #tpu.memory_space<hbm>> -> memref<16384xf32, #tpu.memory_space<hbm>>
    %dma_start3A_722 = tpu.memref_slice %arg2[%add3A_720] : memref<33554432xf32, #tpu.memory_space<hbm>> -> memref<16384xf32, #tpu.memory_space<hbm>>
    tpu.enqueue_dma source(%dma_start3A_722 : memref<16384xf32, #tpu.memory_space<hbm>>) target(%arg7 : memref<16384xf32, #tpu.memory_space<vmem>>) target_semaphore(%arg13 : memref<!tpu.dma_semaphore, #tpu.memory_space<semaphore_mem>>)
    %add3A_723 = arith.constant 180224 : i32
    %add3A_724 = arith.addi %mul3A_4, %add3A_723 : i32
    %dma_start3A_725 = tpu.memref_slice %arg3[%add3A_724] : memref<8388608xf32, #tpu.memory_space<hbm>> -> memref<16384xf32, #tpu.memory_space<hbm>>
    %dma_start3A_726 = tpu.memref_slice %arg3[%add3A_724] : memref<8388608xf32, #tpu.memory_space<hbm>> -> memref<16384xf32, #tpu.memory_space<hbm>>
    tpu.enqueue_dma source(%dma_start3A_726 : memref<16384xf32, #tpu.memory_space<hbm>>) target(%arg10 : memref<16384xf32, #tpu.memory_space<vmem>>) target_semaphore(%arg16 : memref<!tpu.dma_semaphore, #tpu.memory_space<semaphore_mem>>)
    %dma_wait3A_727 = tpu.memref_slice %arg3[%add3A_654] : memref<8388608xf32, #tpu.memory_space<hbm>> -> memref<16384xf32, #tpu.memory_space<hbm>>
    %dma_wait3A_728 = tpu.memref_slice %arg3[%add3A_654] : memref<8388608xf32, #tpu.memory_space<hbm>> -> memref<16384xf32, #tpu.memory_space<hbm>>
    tpu.wait_dma2 semaphore(%arg15 : memref<!tpu.dma_semaphore, #tpu.memory_space<semaphore_mem>>) src(%dma_wait3A_728 : memref<16384xf32, #tpu.memory_space<hbm>>) dst(%arg9 : memref<16384xf32, #tpu.memory_space<vmem>>)
    %dma_wait3A_729 = tpu.memref_slice %arg2[%add3A_688] : memref<33554432xf32, #tpu.memory_space<hbm>> -> memref<16384xf32, #tpu.memory_space<hbm>>
    %dma_wait3A_730 = tpu.memref_slice %arg2[%add3A_688] : memref<33554432xf32, #tpu.memory_space<hbm>> -> memref<16384xf32, #tpu.memory_space<hbm>>
    tpu.wait_dma2 semaphore(%arg11 : memref<!tpu.dma_semaphore, #tpu.memory_space<semaphore_mem>>) src(%dma_wait3A_730 : memref<16384xf32, #tpu.memory_space<hbm>>) dst(%arg5 : memref<16384xf32, #tpu.memory_space<vmem>>)
    %add3A_731 = arith.constant 0 : i32
    %add3A_732 = arith.addi %add3A_731, %mul3A_4 : i32
    %add3A_733 = arith.constant 163840 : i32
    %add3A_734 = arith.addi %add3A_732, %add3A_733 : i32
    %dma_start3A_735 = tpu.memref_slice %arg4[%add3A_734] : memref<33554432xf32, #tpu.memory_space<hbm>> -> memref<16384xf32, #tpu.memory_space<hbm>>
    %dma_start3A_736 = tpu.memref_slice %arg4[%add3A_734] : memref<33554432xf32, #tpu.memory_space<hbm>> -> memref<16384xf32, #tpu.memory_space<hbm>>
    tpu.enqueue_dma source(%arg5 : memref<16384xf32, #tpu.memory_space<vmem>>) target(%dma_start3A_736 : memref<16384xf32, #tpu.memory_space<hbm>>) target_semaphore(%arg17 : memref<!tpu.dma_semaphore, #tpu.memory_space<semaphore_mem>>)
    %dma_wait3A_737 = tpu.memref_slice %arg4[%add3A_712] : memref<33554432xf32, #tpu.memory_space<hbm>> -> memref<16384xf32, #tpu.memory_space<hbm>>
    %dma_wait3A_738 = tpu.memref_slice %arg4[%add3A_712] : memref<33554432xf32, #tpu.memory_space<hbm>> -> memref<16384xf32, #tpu.memory_space<hbm>>
    tpu.wait_dma2 semaphore(%arg20 : memref<!tpu.dma_semaphore, #tpu.memory_space<semaphore_mem>>) src(%arg8 : memref<16384xf32, #tpu.memory_space<vmem>>) dst(%dma_wait3A_738 : memref<16384xf32, #tpu.memory_space<hbm>>)
    %add3A_739 = arith.constant 25165824 : i32
    %add3A_740 = arith.addi %add3A_739, %mul3A_4 : i32
    %add3A_741 = arith.constant 163840 : i32
    %add3A_742 = arith.addi %add3A_740, %add3A_741 : i32
    %dma_start3A_743 = tpu.memref_slice %arg2[%add3A_742] : memref<33554432xf32, #tpu.memory_space<hbm>> -> memref<16384xf32, #tpu.memory_space<hbm>>
    %dma_start3A_744 = tpu.memref_slice %arg2[%add3A_742] : memref<33554432xf32, #tpu.memory_space<hbm>> -> memref<16384xf32, #tpu.memory_space<hbm>>
    tpu.enqueue_dma source(%dma_start3A_744 : memref<16384xf32, #tpu.memory_space<hbm>>) target(%arg8 : memref<16384xf32, #tpu.memory_space<vmem>>) target_semaphore(%arg14 : memref<!tpu.dma_semaphore, #tpu.memory_space<semaphore_mem>>)
    %dma_wait3A_745 = tpu.memref_slice %arg2[%add3A_704] : memref<33554432xf32, #tpu.memory_space<hbm>> -> memref<16384xf32, #tpu.memory_space<hbm>>
    %dma_wait3A_746 = tpu.memref_slice %arg2[%add3A_704] : memref<33554432xf32, #tpu.memory_space<hbm>> -> memref<16384xf32, #tpu.memory_space<hbm>>
    tpu.wait_dma2 semaphore(%arg12 : memref<!tpu.dma_semaphore, #tpu.memory_space<semaphore_mem>>) src(%dma_wait3A_746 : memref<16384xf32, #tpu.memory_space<hbm>>) dst(%arg6 : memref<16384xf32, #tpu.memory_space<vmem>>)
    %add3A_747 = arith.constant 8388608 : i32
    %add3A_748 = arith.addi %add3A_747, %mul3A_4 : i32
    %add3A_749 = arith.constant 163840 : i32
    %add3A_750 = arith.addi %add3A_748, %add3A_749 : i32
    %dma_start3A_751 = tpu.memref_slice %arg4[%add3A_750] : memref<33554432xf32, #tpu.memory_space<hbm>> -> memref<16384xf32, #tpu.memory_space<hbm>>
    %dma_start3A_752 = tpu.memref_slice %arg4[%add3A_750] : memref<33554432xf32, #tpu.memory_space<hbm>> -> memref<16384xf32, #tpu.memory_space<hbm>>
    tpu.enqueue_dma source(%arg6 : memref<16384xf32, #tpu.memory_space<vmem>>) target(%dma_start3A_752 : memref<16384xf32, #tpu.memory_space<hbm>>) target_semaphore(%arg18 : memref<!tpu.dma_semaphore, #tpu.memory_space<semaphore_mem>>)
    %dma_wait3A_753 = tpu.memref_slice %arg4[%add3A_734] : memref<33554432xf32, #tpu.memory_space<hbm>> -> memref<16384xf32, #tpu.memory_space<hbm>>
    %dma_wait3A_754 = tpu.memref_slice %arg4[%add3A_734] : memref<33554432xf32, #tpu.memory_space<hbm>> -> memref<16384xf32, #tpu.memory_space<hbm>>
    tpu.wait_dma2 semaphore(%arg17 : memref<!tpu.dma_semaphore, #tpu.memory_space<semaphore_mem>>) src(%arg5 : memref<16384xf32, #tpu.memory_space<vmem>>) dst(%dma_wait3A_754 : memref<16384xf32, #tpu.memory_space<hbm>>)
    %add3A_755 = arith.constant 0 : i32
    %add3A_756 = arith.addi %add3A_755, %mul3A_4 : i32
    %add3A_757 = arith.constant 180224 : i32
    %add3A_758 = arith.addi %add3A_756, %add3A_757 : i32
    %dma_start3A_759 = tpu.memref_slice %arg2[%add3A_758] : memref<33554432xf32, #tpu.memory_space<hbm>> -> memref<16384xf32, #tpu.memory_space<hbm>>
    %dma_start3A_760 = tpu.memref_slice %arg2[%add3A_758] : memref<33554432xf32, #tpu.memory_space<hbm>> -> memref<16384xf32, #tpu.memory_space<hbm>>
    tpu.enqueue_dma source(%dma_start3A_760 : memref<16384xf32, #tpu.memory_space<hbm>>) target(%arg5 : memref<16384xf32, #tpu.memory_space<vmem>>) target_semaphore(%arg11 : memref<!tpu.dma_semaphore, #tpu.memory_space<semaphore_mem>>)
    %dma_wait3A_761 = tpu.memref_slice %arg2[%add3A_720] : memref<33554432xf32, #tpu.memory_space<hbm>> -> memref<16384xf32, #tpu.memory_space<hbm>>
    %dma_wait3A_762 = tpu.memref_slice %arg2[%add3A_720] : memref<33554432xf32, #tpu.memory_space<hbm>> -> memref<16384xf32, #tpu.memory_space<hbm>>
    tpu.wait_dma2 semaphore(%arg13 : memref<!tpu.dma_semaphore, #tpu.memory_space<semaphore_mem>>) src(%dma_wait3A_762 : memref<16384xf32, #tpu.memory_space<hbm>>) dst(%arg7 : memref<16384xf32, #tpu.memory_space<vmem>>)
    %add3A_763 = arith.constant 16777216 : i32
    %add3A_764 = arith.addi %add3A_763, %mul3A_4 : i32
    %add3A_765 = arith.constant 163840 : i32
    %add3A_766 = arith.addi %add3A_764, %add3A_765 : i32
    %dma_start3A_767 = tpu.memref_slice %arg4[%add3A_766] : memref<33554432xf32, #tpu.memory_space<hbm>> -> memref<16384xf32, #tpu.memory_space<hbm>>
    %dma_start3A_768 = tpu.memref_slice %arg4[%add3A_766] : memref<33554432xf32, #tpu.memory_space<hbm>> -> memref<16384xf32, #tpu.memory_space<hbm>>
    tpu.enqueue_dma source(%arg7 : memref<16384xf32, #tpu.memory_space<vmem>>) target(%dma_start3A_768 : memref<16384xf32, #tpu.memory_space<hbm>>) target_semaphore(%arg19 : memref<!tpu.dma_semaphore, #tpu.memory_space<semaphore_mem>>)
    %dma_wait3A_769 = tpu.memref_slice %arg4[%add3A_750] : memref<33554432xf32, #tpu.memory_space<hbm>> -> memref<16384xf32, #tpu.memory_space<hbm>>
    %dma_wait3A_770 = tpu.memref_slice %arg4[%add3A_750] : memref<33554432xf32, #tpu.memory_space<hbm>> -> memref<16384xf32, #tpu.memory_space<hbm>>
    tpu.wait_dma2 semaphore(%arg18 : memref<!tpu.dma_semaphore, #tpu.memory_space<semaphore_mem>>) src(%arg6 : memref<16384xf32, #tpu.memory_space<vmem>>) dst(%dma_wait3A_770 : memref<16384xf32, #tpu.memory_space<hbm>>)
    %add3A_771 = arith.constant 8388608 : i32
    %add3A_772 = arith.addi %add3A_771, %mul3A_4 : i32
    %add3A_773 = arith.constant 180224 : i32
    %add3A_774 = arith.addi %add3A_772, %add3A_773 : i32
    %dma_start3A_775 = tpu.memref_slice %arg2[%add3A_774] : memref<33554432xf32, #tpu.memory_space<hbm>> -> memref<16384xf32, #tpu.memory_space<hbm>>
    %dma_start3A_776 = tpu.memref_slice %arg2[%add3A_774] : memref<33554432xf32, #tpu.memory_space<hbm>> -> memref<16384xf32, #tpu.memory_space<hbm>>
    tpu.enqueue_dma source(%dma_start3A_776 : memref<16384xf32, #tpu.memory_space<hbm>>) target(%arg6 : memref<16384xf32, #tpu.memory_space<vmem>>) target_semaphore(%arg12 : memref<!tpu.dma_semaphore, #tpu.memory_space<semaphore_mem>>)
    %dma_wait3A_777 = tpu.memref_slice %arg2[%add3A_742] : memref<33554432xf32, #tpu.memory_space<hbm>> -> memref<16384xf32, #tpu.memory_space<hbm>>
    %dma_wait3A_778 = tpu.memref_slice %arg2[%add3A_742] : memref<33554432xf32, #tpu.memory_space<hbm>> -> memref<16384xf32, #tpu.memory_space<hbm>>
    tpu.wait_dma2 semaphore(%arg14 : memref<!tpu.dma_semaphore, #tpu.memory_space<semaphore_mem>>) src(%dma_wait3A_778 : memref<16384xf32, #tpu.memory_space<hbm>>) dst(%arg8 : memref<16384xf32, #tpu.memory_space<vmem>>)
    %add3A_779 = arith.constant 25165824 : i32
    %add3A_780 = arith.addi %add3A_779, %mul3A_4 : i32
    %add3A_781 = arith.constant 163840 : i32
    %add3A_782 = arith.addi %add3A_780, %add3A_781 : i32
    %dma_start3A_783 = tpu.memref_slice %arg4[%add3A_782] : memref<33554432xf32, #tpu.memory_space<hbm>> -> memref<16384xf32, #tpu.memory_space<hbm>>
    %dma_start3A_784 = tpu.memref_slice %arg4[%add3A_782] : memref<33554432xf32, #tpu.memory_space<hbm>> -> memref<16384xf32, #tpu.memory_space<hbm>>
    tpu.enqueue_dma source(%arg8 : memref<16384xf32, #tpu.memory_space<vmem>>) target(%dma_start3A_784 : memref<16384xf32, #tpu.memory_space<hbm>>) target_semaphore(%arg20 : memref<!tpu.dma_semaphore, #tpu.memory_space<semaphore_mem>>)
    %dma_wait3A_785 = tpu.memref_slice %arg4[%add3A_766] : memref<33554432xf32, #tpu.memory_space<hbm>> -> memref<16384xf32, #tpu.memory_space<hbm>>
    %dma_wait3A_786 = tpu.memref_slice %arg4[%add3A_766] : memref<33554432xf32, #tpu.memory_space<hbm>> -> memref<16384xf32, #tpu.memory_space<hbm>>
    tpu.wait_dma2 semaphore(%arg19 : memref<!tpu.dma_semaphore, #tpu.memory_space<semaphore_mem>>) src(%arg7 : memref<16384xf32, #tpu.memory_space<vmem>>) dst(%dma_wait3A_786 : memref<16384xf32, #tpu.memory_space<hbm>>)
    %add3A_787 = arith.constant 16777216 : i32
    %add3A_788 = arith.addi %add3A_787, %mul3A_4 : i32
    %add3A_789 = arith.constant 180224 : i32
    %add3A_790 = arith.addi %add3A_788, %add3A_789 : i32
    %dma_start3A_791 = tpu.memref_slice %arg2[%add3A_790] : memref<33554432xf32, #tpu.memory_space<hbm>> -> memref<16384xf32, #tpu.memory_space<hbm>>
    %dma_start3A_792 = tpu.memref_slice %arg2[%add3A_790] : memref<33554432xf32, #tpu.memory_space<hbm>> -> memref<16384xf32, #tpu.memory_space<hbm>>
    tpu.enqueue_dma source(%dma_start3A_792 : memref<16384xf32, #tpu.memory_space<hbm>>) target(%arg7 : memref<16384xf32, #tpu.memory_space<vmem>>) target_semaphore(%arg13 : memref<!tpu.dma_semaphore, #tpu.memory_space<semaphore_mem>>)
    %add3A_793 = arith.constant 196608 : i32
    %add3A_794 = arith.addi %mul3A_4, %add3A_793 : i32
    %dma_start3A_795 = tpu.memref_slice %arg3[%add3A_794] : memref<8388608xf32, #tpu.memory_space<hbm>> -> memref<16384xf32, #tpu.memory_space<hbm>>
    %dma_start3A_796 = tpu.memref_slice %arg3[%add3A_794] : memref<8388608xf32, #tpu.memory_space<hbm>> -> memref<16384xf32, #tpu.memory_space<hbm>>
    tpu.enqueue_dma source(%dma_start3A_796 : memref<16384xf32, #tpu.memory_space<hbm>>) target(%arg9 : memref<16384xf32, #tpu.memory_space<vmem>>) target_semaphore(%arg15 : memref<!tpu.dma_semaphore, #tpu.memory_space<semaphore_mem>>)
    %dma_wait3A_797 = tpu.memref_slice %arg3[%add3A_724] : memref<8388608xf32, #tpu.memory_space<hbm>> -> memref<16384xf32, #tpu.memory_space<hbm>>
    %dma_wait3A_798 = tpu.memref_slice %arg3[%add3A_724] : memref<8388608xf32, #tpu.memory_space<hbm>> -> memref<16384xf32, #tpu.memory_space<hbm>>
    tpu.wait_dma2 semaphore(%arg16 : memref<!tpu.dma_semaphore, #tpu.memory_space<semaphore_mem>>) src(%dma_wait3A_798 : memref<16384xf32, #tpu.memory_space<hbm>>) dst(%arg10 : memref<16384xf32, #tpu.memory_space<vmem>>)
    %dma_wait3A_799 = tpu.memref_slice %arg2[%add3A_758] : memref<33554432xf32, #tpu.memory_space<hbm>> -> memref<16384xf32, #tpu.memory_space<hbm>>
    %dma_wait3A_800 = tpu.memref_slice %arg2[%add3A_758] : memref<33554432xf32, #tpu.memory_space<hbm>> -> memref<16384xf32, #tpu.memory_space<hbm>>
    tpu.wait_dma2 semaphore(%arg11 : memref<!tpu.dma_semaphore, #tpu.memory_space<semaphore_mem>>) src(%dma_wait3A_800 : memref<16384xf32, #tpu.memory_space<hbm>>) dst(%arg5 : memref<16384xf32, #tpu.memory_space<vmem>>)
    %add3A_801 = arith.constant 0 : i32
    %add3A_802 = arith.addi %add3A_801, %mul3A_4 : i32
    %add3A_803 = arith.constant 180224 : i32
    %add3A_804 = arith.addi %add3A_802, %add3A_803 : i32
    %dma_start3A_805 = tpu.memref_slice %arg4[%add3A_804] : memref<33554432xf32, #tpu.memory_space<hbm>> -> memref<16384xf32, #tpu.memory_space<hbm>>
    %dma_start3A_806 = tpu.memref_slice %arg4[%add3A_804] : memref<33554432xf32, #tpu.memory_space<hbm>> -> memref<16384xf32, #tpu.memory_space<hbm>>
    tpu.enqueue_dma source(%arg5 : memref<16384xf32, #tpu.memory_space<vmem>>) target(%dma_start3A_806 : memref<16384xf32, #tpu.memory_space<hbm>>) target_semaphore(%arg17 : memref<!tpu.dma_semaphore, #tpu.memory_space<semaphore_mem>>)
    %dma_wait3A_807 = tpu.memref_slice %arg4[%add3A_782] : memref<33554432xf32, #tpu.memory_space<hbm>> -> memref<16384xf32, #tpu.memory_space<hbm>>
    %dma_wait3A_808 = tpu.memref_slice %arg4[%add3A_782] : memref<33554432xf32, #tpu.memory_space<hbm>> -> memref<16384xf32, #tpu.memory_space<hbm>>
    tpu.wait_dma2 semaphore(%arg20 : memref<!tpu.dma_semaphore, #tpu.memory_space<semaphore_mem>>) src(%arg8 : memref<16384xf32, #tpu.memory_space<vmem>>) dst(%dma_wait3A_808 : memref<16384xf32, #tpu.memory_space<hbm>>)
    %add3A_809 = arith.constant 25165824 : i32
    %add3A_810 = arith.addi %add3A_809, %mul3A_4 : i32
    %add3A_811 = arith.constant 180224 : i32
    %add3A_812 = arith.addi %add3A_810, %add3A_811 : i32
    %dma_start3A_813 = tpu.memref_slice %arg2[%add3A_812] : memref<33554432xf32, #tpu.memory_space<hbm>> -> memref<16384xf32, #tpu.memory_space<hbm>>
    %dma_start3A_814 = tpu.memref_slice %arg2[%add3A_812] : memref<33554432xf32, #tpu.memory_space<hbm>> -> memref<16384xf32, #tpu.memory_space<hbm>>
    tpu.enqueue_dma source(%dma_start3A_814 : memref<16384xf32, #tpu.memory_space<hbm>>) target(%arg8 : memref<16384xf32, #tpu.memory_space<vmem>>) target_semaphore(%arg14 : memref<!tpu.dma_semaphore, #tpu.memory_space<semaphore_mem>>)
    %dma_wait3A_815 = tpu.memref_slice %arg2[%add3A_774] : memref<33554432xf32, #tpu.memory_space<hbm>> -> memref<16384xf32, #tpu.memory_space<hbm>>
    %dma_wait3A_816 = tpu.memref_slice %arg2[%add3A_774] : memref<33554432xf32, #tpu.memory_space<hbm>> -> memref<16384xf32, #tpu.memory_space<hbm>>
    tpu.wait_dma2 semaphore(%arg12 : memref<!tpu.dma_semaphore, #tpu.memory_space<semaphore_mem>>) src(%dma_wait3A_816 : memref<16384xf32, #tpu.memory_space<hbm>>) dst(%arg6 : memref<16384xf32, #tpu.memory_space<vmem>>)
    %add3A_817 = arith.constant 8388608 : i32
    %add3A_818 = arith.addi %add3A_817, %mul3A_4 : i32
    %add3A_819 = arith.constant 180224 : i32
    %add3A_820 = arith.addi %add3A_818, %add3A_819 : i32
    %dma_start3A_821 = tpu.memref_slice %arg4[%add3A_820] : memref<33554432xf32, #tpu.memory_space<hbm>> -> memref<16384xf32, #tpu.memory_space<hbm>>
    %dma_start3A_822 = tpu.memref_slice %arg4[%add3A_820] : memref<33554432xf32, #tpu.memory_space<hbm>> -> memref<16384xf32, #tpu.memory_space<hbm>>
    tpu.enqueue_dma source(%arg6 : memref<16384xf32, #tpu.memory_space<vmem>>) target(%dma_start3A_822 : memref<16384xf32, #tpu.memory_space<hbm>>) target_semaphore(%arg18 : memref<!tpu.dma_semaphore, #tpu.memory_space<semaphore_mem>>)
    %dma_wait3A_823 = tpu.memref_slice %arg4[%add3A_804] : memref<33554432xf32, #tpu.memory_space<hbm>> -> memref<16384xf32, #tpu.memory_space<hbm>>
    %dma_wait3A_824 = tpu.memref_slice %arg4[%add3A_804] : memref<33554432xf32, #tpu.memory_space<hbm>> -> memref<16384xf32, #tpu.memory_space<hbm>>
    tpu.wait_dma2 semaphore(%arg17 : memref<!tpu.dma_semaphore, #tpu.memory_space<semaphore_mem>>) src(%arg5 : memref<16384xf32, #tpu.memory_space<vmem>>) dst(%dma_wait3A_824 : memref<16384xf32, #tpu.memory_space<hbm>>)
    %add3A_825 = arith.constant 0 : i32
    %add3A_826 = arith.addi %add3A_825, %mul3A_4 : i32
    %add3A_827 = arith.constant 196608 : i32
    %add3A_828 = arith.addi %add3A_826, %add3A_827 : i32
    %dma_start3A_829 = tpu.memref_slice %arg2[%add3A_828] : memref<33554432xf32, #tpu.memory_space<hbm>> -> memref<16384xf32, #tpu.memory_space<hbm>>
    %dma_start3A_830 = tpu.memref_slice %arg2[%add3A_828] : memref<33554432xf32, #tpu.memory_space<hbm>> -> memref<16384xf32, #tpu.memory_space<hbm>>
    tpu.enqueue_dma source(%dma_start3A_830 : memref<16384xf32, #tpu.memory_space<hbm>>) target(%arg5 : memref<16384xf32, #tpu.memory_space<vmem>>) target_semaphore(%arg11 : memref<!tpu.dma_semaphore, #tpu.memory_space<semaphore_mem>>)
    %dma_wait3A_831 = tpu.memref_slice %arg2[%add3A_790] : memref<33554432xf32, #tpu.memory_space<hbm>> -> memref<16384xf32, #tpu.memory_space<hbm>>
    %dma_wait3A_832 = tpu.memref_slice %arg2[%add3A_790] : memref<33554432xf32, #tpu.memory_space<hbm>> -> memref<16384xf32, #tpu.memory_space<hbm>>
    tpu.wait_dma2 semaphore(%arg13 : memref<!tpu.dma_semaphore, #tpu.memory_space<semaphore_mem>>) src(%dma_wait3A_832 : memref<16384xf32, #tpu.memory_space<hbm>>) dst(%arg7 : memref<16384xf32, #tpu.memory_space<vmem>>)
    %add3A_833 = arith.constant 16777216 : i32
    %add3A_834 = arith.addi %add3A_833, %mul3A_4 : i32
    %add3A_835 = arith.constant 180224 : i32
    %add3A_836 = arith.addi %add3A_834, %add3A_835 : i32
    %dma_start3A_837 = tpu.memref_slice %arg4[%add3A_836] : memref<33554432xf32, #tpu.memory_space<hbm>> -> memref<16384xf32, #tpu.memory_space<hbm>>
    %dma_start3A_838 = tpu.memref_slice %arg4[%add3A_836] : memref<33554432xf32, #tpu.memory_space<hbm>> -> memref<16384xf32, #tpu.memory_space<hbm>>
    tpu.enqueue_dma source(%arg7 : memref<16384xf32, #tpu.memory_space<vmem>>) target(%dma_start3A_838 : memref<16384xf32, #tpu.memory_space<hbm>>) target_semaphore(%arg19 : memref<!tpu.dma_semaphore, #tpu.memory_space<semaphore_mem>>)
    %dma_wait3A_839 = tpu.memref_slice %arg4[%add3A_820] : memref<33554432xf32, #tpu.memory_space<hbm>> -> memref<16384xf32, #tpu.memory_space<hbm>>
    %dma_wait3A_840 = tpu.memref_slice %arg4[%add3A_820] : memref<33554432xf32, #tpu.memory_space<hbm>> -> memref<16384xf32, #tpu.memory_space<hbm>>
    tpu.wait_dma2 semaphore(%arg18 : memref<!tpu.dma_semaphore, #tpu.memory_space<semaphore_mem>>) src(%arg6 : memref<16384xf32, #tpu.memory_space<vmem>>) dst(%dma_wait3A_840 : memref<16384xf32, #tpu.memory_space<hbm>>)
    %add3A_841 = arith.constant 8388608 : i32
    %add3A_842 = arith.addi %add3A_841, %mul3A_4 : i32
    %add3A_843 = arith.constant 196608 : i32
    %add3A_844 = arith.addi %add3A_842, %add3A_843 : i32
    %dma_start3A_845 = tpu.memref_slice %arg2[%add3A_844] : memref<33554432xf32, #tpu.memory_space<hbm>> -> memref<16384xf32, #tpu.memory_space<hbm>>
    %dma_start3A_846 = tpu.memref_slice %arg2[%add3A_844] : memref<33554432xf32, #tpu.memory_space<hbm>> -> memref<16384xf32, #tpu.memory_space<hbm>>
    tpu.enqueue_dma source(%dma_start3A_846 : memref<16384xf32, #tpu.memory_space<hbm>>) target(%arg6 : memref<16384xf32, #tpu.memory_space<vmem>>) target_semaphore(%arg12 : memref<!tpu.dma_semaphore, #tpu.memory_space<semaphore_mem>>)
    %dma_wait3A_847 = tpu.memref_slice %arg2[%add3A_812] : memref<33554432xf32, #tpu.memory_space<hbm>> -> memref<16384xf32, #tpu.memory_space<hbm>>
    %dma_wait3A_848 = tpu.memref_slice %arg2[%add3A_812] : memref<33554432xf32, #tpu.memory_space<hbm>> -> memref<16384xf32, #tpu.memory_space<hbm>>
    tpu.wait_dma2 semaphore(%arg14 : memref<!tpu.dma_semaphore, #tpu.memory_space<semaphore_mem>>) src(%dma_wait3A_848 : memref<16384xf32, #tpu.memory_space<hbm>>) dst(%arg8 : memref<16384xf32, #tpu.memory_space<vmem>>)
    %add3A_849 = arith.constant 25165824 : i32
    %add3A_850 = arith.addi %add3A_849, %mul3A_4 : i32
    %add3A_851 = arith.constant 180224 : i32
    %add3A_852 = arith.addi %add3A_850, %add3A_851 : i32
    %dma_start3A_853 = tpu.memref_slice %arg4[%add3A_852] : memref<33554432xf32, #tpu.memory_space<hbm>> -> memref<16384xf32, #tpu.memory_space<hbm>>
    %dma_start3A_854 = tpu.memref_slice %arg4[%add3A_852] : memref<33554432xf32, #tpu.memory_space<hbm>> -> memref<16384xf32, #tpu.memory_space<hbm>>
    tpu.enqueue_dma source(%arg8 : memref<16384xf32, #tpu.memory_space<vmem>>) target(%dma_start3A_854 : memref<16384xf32, #tpu.memory_space<hbm>>) target_semaphore(%arg20 : memref<!tpu.dma_semaphore, #tpu.memory_space<semaphore_mem>>)
    %dma_wait3A_855 = tpu.memref_slice %arg4[%add3A_836] : memref<33554432xf32, #tpu.memory_space<hbm>> -> memref<16384xf32, #tpu.memory_space<hbm>>
    %dma_wait3A_856 = tpu.memref_slice %arg4[%add3A_836] : memref<33554432xf32, #tpu.memory_space<hbm>> -> memref<16384xf32, #tpu.memory_space<hbm>>
    tpu.wait_dma2 semaphore(%arg19 : memref<!tpu.dma_semaphore, #tpu.memory_space<semaphore_mem>>) src(%arg7 : memref<16384xf32, #tpu.memory_space<vmem>>) dst(%dma_wait3A_856 : memref<16384xf32, #tpu.memory_space<hbm>>)
    %add3A_857 = arith.constant 16777216 : i32
    %add3A_858 = arith.addi %add3A_857, %mul3A_4 : i32
    %add3A_859 = arith.constant 196608 : i32
    %add3A_860 = arith.addi %add3A_858, %add3A_859 : i32
    %dma_start3A_861 = tpu.memref_slice %arg2[%add3A_860] : memref<33554432xf32, #tpu.memory_space<hbm>> -> memref<16384xf32, #tpu.memory_space<hbm>>
    %dma_start3A_862 = tpu.memref_slice %arg2[%add3A_860] : memref<33554432xf32, #tpu.memory_space<hbm>> -> memref<16384xf32, #tpu.memory_space<hbm>>
    tpu.enqueue_dma source(%dma_start3A_862 : memref<16384xf32, #tpu.memory_space<hbm>>) target(%arg7 : memref<16384xf32, #tpu.memory_space<vmem>>) target_semaphore(%arg13 : memref<!tpu.dma_semaphore, #tpu.memory_space<semaphore_mem>>)
    %add3A_863 = arith.constant 212992 : i32
    %add3A_864 = arith.addi %mul3A_4, %add3A_863 : i32
    %dma_start3A_865 = tpu.memref_slice %arg3[%add3A_864] : memref<8388608xf32, #tpu.memory_space<hbm>> -> memref<16384xf32, #tpu.memory_space<hbm>>
    %dma_start3A_866 = tpu.memref_slice %arg3[%add3A_864] : memref<8388608xf32, #tpu.memory_space<hbm>> -> memref<16384xf32, #tpu.memory_space<hbm>>
    tpu.enqueue_dma source(%dma_start3A_866 : memref<16384xf32, #tpu.memory_space<hbm>>) target(%arg10 : memref<16384xf32, #tpu.memory_space<vmem>>) target_semaphore(%arg16 : memref<!tpu.dma_semaphore, #tpu.memory_space<semaphore_mem>>)
    %dma_wait3A_867 = tpu.memref_slice %arg3[%add3A_794] : memref<8388608xf32, #tpu.memory_space<hbm>> -> memref<16384xf32, #tpu.memory_space<hbm>>
    %dma_wait3A_868 = tpu.memref_slice %arg3[%add3A_794] : memref<8388608xf32, #tpu.memory_space<hbm>> -> memref<16384xf32, #tpu.memory_space<hbm>>
    tpu.wait_dma2 semaphore(%arg15 : memref<!tpu.dma_semaphore, #tpu.memory_space<semaphore_mem>>) src(%dma_wait3A_868 : memref<16384xf32, #tpu.memory_space<hbm>>) dst(%arg9 : memref<16384xf32, #tpu.memory_space<vmem>>)
    %dma_wait3A_869 = tpu.memref_slice %arg2[%add3A_828] : memref<33554432xf32, #tpu.memory_space<hbm>> -> memref<16384xf32, #tpu.memory_space<hbm>>
    %dma_wait3A_870 = tpu.memref_slice %arg2[%add3A_828] : memref<33554432xf32, #tpu.memory_space<hbm>> -> memref<16384xf32, #tpu.memory_space<hbm>>
    tpu.wait_dma2 semaphore(%arg11 : memref<!tpu.dma_semaphore, #tpu.memory_space<semaphore_mem>>) src(%dma_wait3A_870 : memref<16384xf32, #tpu.memory_space<hbm>>) dst(%arg5 : memref<16384xf32, #tpu.memory_space<vmem>>)
    %add3A_871 = arith.constant 0 : i32
    %add3A_872 = arith.addi %add3A_871, %mul3A_4 : i32
    %add3A_873 = arith.constant 196608 : i32
    %add3A_874 = arith.addi %add3A_872, %add3A_873 : i32
    %dma_start3A_875 = tpu.memref_slice %arg4[%add3A_874] : memref<33554432xf32, #tpu.memory_space<hbm>> -> memref<16384xf32, #tpu.memory_space<hbm>>
    %dma_start3A_876 = tpu.memref_slice %arg4[%add3A_874] : memref<33554432xf32, #tpu.memory_space<hbm>> -> memref<16384xf32, #tpu.memory_space<hbm>>
    tpu.enqueue_dma source(%arg5 : memref<16384xf32, #tpu.memory_space<vmem>>) target(%dma_start3A_876 : memref<16384xf32, #tpu.memory_space<hbm>>) target_semaphore(%arg17 : memref<!tpu.dma_semaphore, #tpu.memory_space<semaphore_mem>>)
    %dma_wait3A_877 = tpu.memref_slice %arg4[%add3A_852] : memref<33554432xf32, #tpu.memory_space<hbm>> -> memref<16384xf32, #tpu.memory_space<hbm>>
    %dma_wait3A_878 = tpu.memref_slice %arg4[%add3A_852] : memref<33554432xf32, #tpu.memory_space<hbm>> -> memref<16384xf32, #tpu.memory_space<hbm>>
    tpu.wait_dma2 semaphore(%arg20 : memref<!tpu.dma_semaphore, #tpu.memory_space<semaphore_mem>>) src(%arg8 : memref<16384xf32, #tpu.memory_space<vmem>>) dst(%dma_wait3A_878 : memref<16384xf32, #tpu.memory_space<hbm>>)
    %add3A_879 = arith.constant 25165824 : i32
    %add3A_880 = arith.addi %add3A_879, %mul3A_4 : i32
    %add3A_881 = arith.constant 196608 : i32
    %add3A_882 = arith.addi %add3A_880, %add3A_881 : i32
    %dma_start3A_883 = tpu.memref_slice %arg2[%add3A_882] : memref<33554432xf32, #tpu.memory_space<hbm>> -> memref<16384xf32, #tpu.memory_space<hbm>>
    %dma_start3A_884 = tpu.memref_slice %arg2[%add3A_882] : memref<33554432xf32, #tpu.memory_space<hbm>> -> memref<16384xf32, #tpu.memory_space<hbm>>
    tpu.enqueue_dma source(%dma_start3A_884 : memref<16384xf32, #tpu.memory_space<hbm>>) target(%arg8 : memref<16384xf32, #tpu.memory_space<vmem>>) target_semaphore(%arg14 : memref<!tpu.dma_semaphore, #tpu.memory_space<semaphore_mem>>)
    %dma_wait3A_885 = tpu.memref_slice %arg2[%add3A_844] : memref<33554432xf32, #tpu.memory_space<hbm>> -> memref<16384xf32, #tpu.memory_space<hbm>>
    %dma_wait3A_886 = tpu.memref_slice %arg2[%add3A_844] : memref<33554432xf32, #tpu.memory_space<hbm>> -> memref<16384xf32, #tpu.memory_space<hbm>>
    tpu.wait_dma2 semaphore(%arg12 : memref<!tpu.dma_semaphore, #tpu.memory_space<semaphore_mem>>) src(%dma_wait3A_886 : memref<16384xf32, #tpu.memory_space<hbm>>) dst(%arg6 : memref<16384xf32, #tpu.memory_space<vmem>>)
    %add3A_887 = arith.constant 8388608 : i32
    %add3A_888 = arith.addi %add3A_887, %mul3A_4 : i32
    %add3A_889 = arith.constant 196608 : i32
    %add3A_890 = arith.addi %add3A_888, %add3A_889 : i32
    %dma_start3A_891 = tpu.memref_slice %arg4[%add3A_890] : memref<33554432xf32, #tpu.memory_space<hbm>> -> memref<16384xf32, #tpu.memory_space<hbm>>
    %dma_start3A_892 = tpu.memref_slice %arg4[%add3A_890] : memref<33554432xf32, #tpu.memory_space<hbm>> -> memref<16384xf32, #tpu.memory_space<hbm>>
    tpu.enqueue_dma source(%arg6 : memref<16384xf32, #tpu.memory_space<vmem>>) target(%dma_start3A_892 : memref<16384xf32, #tpu.memory_space<hbm>>) target_semaphore(%arg18 : memref<!tpu.dma_semaphore, #tpu.memory_space<semaphore_mem>>)
    %dma_wait3A_893 = tpu.memref_slice %arg4[%add3A_874] : memref<33554432xf32, #tpu.memory_space<hbm>> -> memref<16384xf32, #tpu.memory_space<hbm>>
    %dma_wait3A_894 = tpu.memref_slice %arg4[%add3A_874] : memref<33554432xf32, #tpu.memory_space<hbm>> -> memref<16384xf32, #tpu.memory_space<hbm>>
    tpu.wait_dma2 semaphore(%arg17 : memref<!tpu.dma_semaphore, #tpu.memory_space<semaphore_mem>>) src(%arg5 : memref<16384xf32, #tpu.memory_space<vmem>>) dst(%dma_wait3A_894 : memref<16384xf32, #tpu.memory_space<hbm>>)
    %add3A_895 = arith.constant 0 : i32
    %add3A_896 = arith.addi %add3A_895, %mul3A_4 : i32
    %add3A_897 = arith.constant 212992 : i32
    %add3A_898 = arith.addi %add3A_896, %add3A_897 : i32
    %dma_start3A_899 = tpu.memref_slice %arg2[%add3A_898] : memref<33554432xf32, #tpu.memory_space<hbm>> -> memref<16384xf32, #tpu.memory_space<hbm>>
    %dma_start3A_900 = tpu.memref_slice %arg2[%add3A_898] : memref<33554432xf32, #tpu.memory_space<hbm>> -> memref<16384xf32, #tpu.memory_space<hbm>>
    tpu.enqueue_dma source(%dma_start3A_900 : memref<16384xf32, #tpu.memory_space<hbm>>) target(%arg5 : memref<16384xf32, #tpu.memory_space<vmem>>) target_semaphore(%arg11 : memref<!tpu.dma_semaphore, #tpu.memory_space<semaphore_mem>>)
    %dma_wait3A_901 = tpu.memref_slice %arg2[%add3A_860] : memref<33554432xf32, #tpu.memory_space<hbm>> -> memref<16384xf32, #tpu.memory_space<hbm>>
    %dma_wait3A_902 = tpu.memref_slice %arg2[%add3A_860] : memref<33554432xf32, #tpu.memory_space<hbm>> -> memref<16384xf32, #tpu.memory_space<hbm>>
    tpu.wait_dma2 semaphore(%arg13 : memref<!tpu.dma_semaphore, #tpu.memory_space<semaphore_mem>>) src(%dma_wait3A_902 : memref<16384xf32, #tpu.memory_space<hbm>>) dst(%arg7 : memref<16384xf32, #tpu.memory_space<vmem>>)
    %add3A_903 = arith.constant 16777216 : i32
    %add3A_904 = arith.addi %add3A_903, %mul3A_4 : i32
    %add3A_905 = arith.constant 196608 : i32
    %add3A_906 = arith.addi %add3A_904, %add3A_905 : i32
    %dma_start3A_907 = tpu.memref_slice %arg4[%add3A_906] : memref<33554432xf32, #tpu.memory_space<hbm>> -> memref<16384xf32, #tpu.memory_space<hbm>>
    %dma_start3A_908 = tpu.memref_slice %arg4[%add3A_906] : memref<33554432xf32, #tpu.memory_space<hbm>> -> memref<16384xf32, #tpu.memory_space<hbm>>
    tpu.enqueue_dma source(%arg7 : memref<16384xf32, #tpu.memory_space<vmem>>) target(%dma_start3A_908 : memref<16384xf32, #tpu.memory_space<hbm>>) target_semaphore(%arg19 : memref<!tpu.dma_semaphore, #tpu.memory_space<semaphore_mem>>)
    %dma_wait3A_909 = tpu.memref_slice %arg4[%add3A_890] : memref<33554432xf32, #tpu.memory_space<hbm>> -> memref<16384xf32, #tpu.memory_space<hbm>>
    %dma_wait3A_910 = tpu.memref_slice %arg4[%add3A_890] : memref<33554432xf32, #tpu.memory_space<hbm>> -> memref<16384xf32, #tpu.memory_space<hbm>>
    tpu.wait_dma2 semaphore(%arg18 : memref<!tpu.dma_semaphore, #tpu.memory_space<semaphore_mem>>) src(%arg6 : memref<16384xf32, #tpu.memory_space<vmem>>) dst(%dma_wait3A_910 : memref<16384xf32, #tpu.memory_space<hbm>>)
    %add3A_911 = arith.constant 8388608 : i32
    %add3A_912 = arith.addi %add3A_911, %mul3A_4 : i32
    %add3A_913 = arith.constant 212992 : i32
    %add3A_914 = arith.addi %add3A_912, %add3A_913 : i32
    %dma_start3A_915 = tpu.memref_slice %arg2[%add3A_914] : memref<33554432xf32, #tpu.memory_space<hbm>> -> memref<16384xf32, #tpu.memory_space<hbm>>
    %dma_start3A_916 = tpu.memref_slice %arg2[%add3A_914] : memref<33554432xf32, #tpu.memory_space<hbm>> -> memref<16384xf32, #tpu.memory_space<hbm>>
    tpu.enqueue_dma source(%dma_start3A_916 : memref<16384xf32, #tpu.memory_space<hbm>>) target(%arg6 : memref<16384xf32, #tpu.memory_space<vmem>>) target_semaphore(%arg12 : memref<!tpu.dma_semaphore, #tpu.memory_space<semaphore_mem>>)
    %dma_wait3A_917 = tpu.memref_slice %arg2[%add3A_882] : memref<33554432xf32, #tpu.memory_space<hbm>> -> memref<16384xf32, #tpu.memory_space<hbm>>
    %dma_wait3A_918 = tpu.memref_slice %arg2[%add3A_882] : memref<33554432xf32, #tpu.memory_space<hbm>> -> memref<16384xf32, #tpu.memory_space<hbm>>
    tpu.wait_dma2 semaphore(%arg14 : memref<!tpu.dma_semaphore, #tpu.memory_space<semaphore_mem>>) src(%dma_wait3A_918 : memref<16384xf32, #tpu.memory_space<hbm>>) dst(%arg8 : memref<16384xf32, #tpu.memory_space<vmem>>)
    %add3A_919 = arith.constant 25165824 : i32
    %add3A_920 = arith.addi %add3A_919, %mul3A_4 : i32
    %add3A_921 = arith.constant 196608 : i32
    %add3A_922 = arith.addi %add3A_920, %add3A_921 : i32
    %dma_start3A_923 = tpu.memref_slice %arg4[%add3A_922] : memref<33554432xf32, #tpu.memory_space<hbm>> -> memref<16384xf32, #tpu.memory_space<hbm>>
    %dma_start3A_924 = tpu.memref_slice %arg4[%add3A_922] : memref<33554432xf32, #tpu.memory_space<hbm>> -> memref<16384xf32, #tpu.memory_space<hbm>>
    tpu.enqueue_dma source(%arg8 : memref<16384xf32, #tpu.memory_space<vmem>>) target(%dma_start3A_924 : memref<16384xf32, #tpu.memory_space<hbm>>) target_semaphore(%arg20 : memref<!tpu.dma_semaphore, #tpu.memory_space<semaphore_mem>>)
    %dma_wait3A_925 = tpu.memref_slice %arg4[%add3A_906] : memref<33554432xf32, #tpu.memory_space<hbm>> -> memref<16384xf32, #tpu.memory_space<hbm>>
    %dma_wait3A_926 = tpu.memref_slice %arg4[%add3A_906] : memref<33554432xf32, #tpu.memory_space<hbm>> -> memref<16384xf32, #tpu.memory_space<hbm>>
    tpu.wait_dma2 semaphore(%arg19 : memref<!tpu.dma_semaphore, #tpu.memory_space<semaphore_mem>>) src(%arg7 : memref<16384xf32, #tpu.memory_space<vmem>>) dst(%dma_wait3A_926 : memref<16384xf32, #tpu.memory_space<hbm>>)
    %add3A_927 = arith.constant 16777216 : i32
    %add3A_928 = arith.addi %add3A_927, %mul3A_4 : i32
    %add3A_929 = arith.constant 212992 : i32
    %add3A_930 = arith.addi %add3A_928, %add3A_929 : i32
    %dma_start3A_931 = tpu.memref_slice %arg2[%add3A_930] : memref<33554432xf32, #tpu.memory_space<hbm>> -> memref<16384xf32, #tpu.memory_space<hbm>>
    %dma_start3A_932 = tpu.memref_slice %arg2[%add3A_930] : memref<33554432xf32, #tpu.memory_space<hbm>> -> memref<16384xf32, #tpu.memory_space<hbm>>
    tpu.enqueue_dma source(%dma_start3A_932 : memref<16384xf32, #tpu.memory_space<hbm>>) target(%arg7 : memref<16384xf32, #tpu.memory_space<vmem>>) target_semaphore(%arg13 : memref<!tpu.dma_semaphore, #tpu.memory_space<semaphore_mem>>)
    %add3A_933 = arith.constant 229376 : i32
    %add3A_934 = arith.addi %mul3A_4, %add3A_933 : i32
    %dma_start3A_935 = tpu.memref_slice %arg3[%add3A_934] : memref<8388608xf32, #tpu.memory_space<hbm>> -> memref<16384xf32, #tpu.memory_space<hbm>>
    %dma_start3A_936 = tpu.memref_slice %arg3[%add3A_934] : memref<8388608xf32, #tpu.memory_space<hbm>> -> memref<16384xf32, #tpu.memory_space<hbm>>
    tpu.enqueue_dma source(%dma_start3A_936 : memref<16384xf32, #tpu.memory_space<hbm>>) target(%arg9 : memref<16384xf32, #tpu.memory_space<vmem>>) target_semaphore(%arg15 : memref<!tpu.dma_semaphore, #tpu.memory_space<semaphore_mem>>)
    %dma_wait3A_937 = tpu.memref_slice %arg3[%add3A_864] : memref<8388608xf32, #tpu.memory_space<hbm>> -> memref<16384xf32, #tpu.memory_space<hbm>>
    %dma_wait3A_938 = tpu.memref_slice %arg3[%add3A_864] : memref<8388608xf32, #tpu.memory_space<hbm>> -> memref<16384xf32, #tpu.memory_space<hbm>>
    tpu.wait_dma2 semaphore(%arg16 : memref<!tpu.dma_semaphore, #tpu.memory_space<semaphore_mem>>) src(%dma_wait3A_938 : memref<16384xf32, #tpu.memory_space<hbm>>) dst(%arg10 : memref<16384xf32, #tpu.memory_space<vmem>>)
    %dma_wait3A_939 = tpu.memref_slice %arg2[%add3A_898] : memref<33554432xf32, #tpu.memory_space<hbm>> -> memref<16384xf32, #tpu.memory_space<hbm>>
    %dma_wait3A_940 = tpu.memref_slice %arg2[%add3A_898] : memref<33554432xf32, #tpu.memory_space<hbm>> -> memref<16384xf32, #tpu.memory_space<hbm>>
    tpu.wait_dma2 semaphore(%arg11 : memref<!tpu.dma_semaphore, #tpu.memory_space<semaphore_mem>>) src(%dma_wait3A_940 : memref<16384xf32, #tpu.memory_space<hbm>>) dst(%arg5 : memref<16384xf32, #tpu.memory_space<vmem>>)
    %add3A_941 = arith.constant 0 : i32
    %add3A_942 = arith.addi %add3A_941, %mul3A_4 : i32
    %add3A_943 = arith.constant 212992 : i32
    %add3A_944 = arith.addi %add3A_942, %add3A_943 : i32
    %dma_start3A_945 = tpu.memref_slice %arg4[%add3A_944] : memref<33554432xf32, #tpu.memory_space<hbm>> -> memref<16384xf32, #tpu.memory_space<hbm>>
    %dma_start3A_946 = tpu.memref_slice %arg4[%add3A_944] : memref<33554432xf32, #tpu.memory_space<hbm>> -> memref<16384xf32, #tpu.memory_space<hbm>>
    tpu.enqueue_dma source(%arg5 : memref<16384xf32, #tpu.memory_space<vmem>>) target(%dma_start3A_946 : memref<16384xf32, #tpu.memory_space<hbm>>) target_semaphore(%arg17 : memref<!tpu.dma_semaphore, #tpu.memory_space<semaphore_mem>>)
    %dma_wait3A_947 = tpu.memref_slice %arg4[%add3A_922] : memref<33554432xf32, #tpu.memory_space<hbm>> -> memref<16384xf32, #tpu.memory_space<hbm>>
    %dma_wait3A_948 = tpu.memref_slice %arg4[%add3A_922] : memref<33554432xf32, #tpu.memory_space<hbm>> -> memref<16384xf32, #tpu.memory_space<hbm>>
    tpu.wait_dma2 semaphore(%arg20 : memref<!tpu.dma_semaphore, #tpu.memory_space<semaphore_mem>>) src(%arg8 : memref<16384xf32, #tpu.memory_space<vmem>>) dst(%dma_wait3A_948 : memref<16384xf32, #tpu.memory_space<hbm>>)
    %add3A_949 = arith.constant 25165824 : i32
    %add3A_950 = arith.addi %add3A_949, %mul3A_4 : i32
    %add3A_951 = arith.constant 212992 : i32
    %add3A_952 = arith.addi %add3A_950, %add3A_951 : i32
    %dma_start3A_953 = tpu.memref_slice %arg2[%add3A_952] : memref<33554432xf32, #tpu.memory_space<hbm>> -> memref<16384xf32, #tpu.memory_space<hbm>>
    %dma_start3A_954 = tpu.memref_slice %arg2[%add3A_952] : memref<33554432xf32, #tpu.memory_space<hbm>> -> memref<16384xf32, #tpu.memory_space<hbm>>
    tpu.enqueue_dma source(%dma_start3A_954 : memref<16384xf32, #tpu.memory_space<hbm>>) target(%arg8 : memref<16384xf32, #tpu.memory_space<vmem>>) target_semaphore(%arg14 : memref<!tpu.dma_semaphore, #tpu.memory_space<semaphore_mem>>)
    %dma_wait3A_955 = tpu.memref_slice %arg2[%add3A_914] : memref<33554432xf32, #tpu.memory_space<hbm>> -> memref<16384xf32, #tpu.memory_space<hbm>>
    %dma_wait3A_956 = tpu.memref_slice %arg2[%add3A_914] : memref<33554432xf32, #tpu.memory_space<hbm>> -> memref<16384xf32, #tpu.memory_space<hbm>>
    tpu.wait_dma2 semaphore(%arg12 : memref<!tpu.dma_semaphore, #tpu.memory_space<semaphore_mem>>) src(%dma_wait3A_956 : memref<16384xf32, #tpu.memory_space<hbm>>) dst(%arg6 : memref<16384xf32, #tpu.memory_space<vmem>>)
    %add3A_957 = arith.constant 8388608 : i32
    %add3A_958 = arith.addi %add3A_957, %mul3A_4 : i32
    %add3A_959 = arith.constant 212992 : i32
    %add3A_960 = arith.addi %add3A_958, %add3A_959 : i32
    %dma_start3A_961 = tpu.memref_slice %arg4[%add3A_960] : memref<33554432xf32, #tpu.memory_space<hbm>> -> memref<16384xf32, #tpu.memory_space<hbm>>
    %dma_start3A_962 = tpu.memref_slice %arg4[%add3A_960] : memref<33554432xf32, #tpu.memory_space<hbm>> -> memref<16384xf32, #tpu.memory_space<hbm>>
    tpu.enqueue_dma source(%arg6 : memref<16384xf32, #tpu.memory_space<vmem>>) target(%dma_start3A_962 : memref<16384xf32, #tpu.memory_space<hbm>>) target_semaphore(%arg18 : memref<!tpu.dma_semaphore, #tpu.memory_space<semaphore_mem>>)
    %dma_wait3A_963 = tpu.memref_slice %arg4[%add3A_944] : memref<33554432xf32, #tpu.memory_space<hbm>> -> memref<16384xf32, #tpu.memory_space<hbm>>
    %dma_wait3A_964 = tpu.memref_slice %arg4[%add3A_944] : memref<33554432xf32, #tpu.memory_space<hbm>> -> memref<16384xf32, #tpu.memory_space<hbm>>
    tpu.wait_dma2 semaphore(%arg17 : memref<!tpu.dma_semaphore, #tpu.memory_space<semaphore_mem>>) src(%arg5 : memref<16384xf32, #tpu.memory_space<vmem>>) dst(%dma_wait3A_964 : memref<16384xf32, #tpu.memory_space<hbm>>)
    %add3A_965 = arith.constant 0 : i32
    %add3A_966 = arith.addi %add3A_965, %mul3A_4 : i32
    %add3A_967 = arith.constant 229376 : i32
    %add3A_968 = arith.addi %add3A_966, %add3A_967 : i32
    %dma_start3A_969 = tpu.memref_slice %arg2[%add3A_968] : memref<33554432xf32, #tpu.memory_space<hbm>> -> memref<16384xf32, #tpu.memory_space<hbm>>
    %dma_start3A_970 = tpu.memref_slice %arg2[%add3A_968] : memref<33554432xf32, #tpu.memory_space<hbm>> -> memref<16384xf32, #tpu.memory_space<hbm>>
    tpu.enqueue_dma source(%dma_start3A_970 : memref<16384xf32, #tpu.memory_space<hbm>>) target(%arg5 : memref<16384xf32, #tpu.memory_space<vmem>>) target_semaphore(%arg11 : memref<!tpu.dma_semaphore, #tpu.memory_space<semaphore_mem>>)
    %dma_wait3A_971 = tpu.memref_slice %arg2[%add3A_930] : memref<33554432xf32, #tpu.memory_space<hbm>> -> memref<16384xf32, #tpu.memory_space<hbm>>
    %dma_wait3A_972 = tpu.memref_slice %arg2[%add3A_930] : memref<33554432xf32, #tpu.memory_space<hbm>> -> memref<16384xf32, #tpu.memory_space<hbm>>
    tpu.wait_dma2 semaphore(%arg13 : memref<!tpu.dma_semaphore, #tpu.memory_space<semaphore_mem>>) src(%dma_wait3A_972 : memref<16384xf32, #tpu.memory_space<hbm>>) dst(%arg7 : memref<16384xf32, #tpu.memory_space<vmem>>)
    %add3A_973 = arith.constant 16777216 : i32
    %add3A_974 = arith.addi %add3A_973, %mul3A_4 : i32
    %add3A_975 = arith.constant 212992 : i32
    %add3A_976 = arith.addi %add3A_974, %add3A_975 : i32
    %dma_start3A_977 = tpu.memref_slice %arg4[%add3A_976] : memref<33554432xf32, #tpu.memory_space<hbm>> -> memref<16384xf32, #tpu.memory_space<hbm>>
    %dma_start3A_978 = tpu.memref_slice %arg4[%add3A_976] : memref<33554432xf32, #tpu.memory_space<hbm>> -> memref<16384xf32, #tpu.memory_space<hbm>>
    tpu.enqueue_dma source(%arg7 : memref<16384xf32, #tpu.memory_space<vmem>>) target(%dma_start3A_978 : memref<16384xf32, #tpu.memory_space<hbm>>) target_semaphore(%arg19 : memref<!tpu.dma_semaphore, #tpu.memory_space<semaphore_mem>>)
    %dma_wait3A_979 = tpu.memref_slice %arg4[%add3A_960] : memref<33554432xf32, #tpu.memory_space<hbm>> -> memref<16384xf32, #tpu.memory_space<hbm>>
    %dma_wait3A_980 = tpu.memref_slice %arg4[%add3A_960] : memref<33554432xf32, #tpu.memory_space<hbm>> -> memref<16384xf32, #tpu.memory_space<hbm>>
    tpu.wait_dma2 semaphore(%arg18 : memref<!tpu.dma_semaphore, #tpu.memory_space<semaphore_mem>>) src(%arg6 : memref<16384xf32, #tpu.memory_space<vmem>>) dst(%dma_wait3A_980 : memref<16384xf32, #tpu.memory_space<hbm>>)
    %add3A_981 = arith.constant 8388608 : i32
    %add3A_982 = arith.addi %add3A_981, %mul3A_4 : i32
    %add3A_983 = arith.constant 229376 : i32
    %add3A_984 = arith.addi %add3A_982, %add3A_983 : i32
    %dma_start3A_985 = tpu.memref_slice %arg2[%add3A_984] : memref<33554432xf32, #tpu.memory_space<hbm>> -> memref<16384xf32, #tpu.memory_space<hbm>>
    %dma_start3A_986 = tpu.memref_slice %arg2[%add3A_984] : memref<33554432xf32, #tpu.memory_space<hbm>> -> memref<16384xf32, #tpu.memory_space<hbm>>
    tpu.enqueue_dma source(%dma_start3A_986 : memref<16384xf32, #tpu.memory_space<hbm>>) target(%arg6 : memref<16384xf32, #tpu.memory_space<vmem>>) target_semaphore(%arg12 : memref<!tpu.dma_semaphore, #tpu.memory_space<semaphore_mem>>)
    %dma_wait3A_987 = tpu.memref_slice %arg2[%add3A_952] : memref<33554432xf32, #tpu.memory_space<hbm>> -> memref<16384xf32, #tpu.memory_space<hbm>>
    %dma_wait3A_988 = tpu.memref_slice %arg2[%add3A_952] : memref<33554432xf32, #tpu.memory_space<hbm>> -> memref<16384xf32, #tpu.memory_space<hbm>>
    tpu.wait_dma2 semaphore(%arg14 : memref<!tpu.dma_semaphore, #tpu.memory_space<semaphore_mem>>) src(%dma_wait3A_988 : memref<16384xf32, #tpu.memory_space<hbm>>) dst(%arg8 : memref<16384xf32, #tpu.memory_space<vmem>>)
    %add3A_989 = arith.constant 25165824 : i32
    %add3A_990 = arith.addi %add3A_989, %mul3A_4 : i32
    %add3A_991 = arith.constant 212992 : i32
    %add3A_992 = arith.addi %add3A_990, %add3A_991 : i32
    %dma_start3A_993 = tpu.memref_slice %arg4[%add3A_992] : memref<33554432xf32, #tpu.memory_space<hbm>> -> memref<16384xf32, #tpu.memory_space<hbm>>
    %dma_start3A_994 = tpu.memref_slice %arg4[%add3A_992] : memref<33554432xf32, #tpu.memory_space<hbm>> -> memref<16384xf32, #tpu.memory_space<hbm>>
    tpu.enqueue_dma source(%arg8 : memref<16384xf32, #tpu.memory_space<vmem>>) target(%dma_start3A_994 : memref<16384xf32, #tpu.memory_space<hbm>>) target_semaphore(%arg20 : memref<!tpu.dma_semaphore, #tpu.memory_space<semaphore_mem>>)
    %dma_wait3A_995 = tpu.memref_slice %arg4[%add3A_976] : memref<33554432xf32, #tpu.memory_space<hbm>> -> memref<16384xf32, #tpu.memory_space<hbm>>
    %dma_wait3A_996 = tpu.memref_slice %arg4[%add3A_976] : memref<33554432xf32, #tpu.memory_space<hbm>> -> memref<16384xf32, #tpu.memory_space<hbm>>
    tpu.wait_dma2 semaphore(%arg19 : memref<!tpu.dma_semaphore, #tpu.memory_space<semaphore_mem>>) src(%arg7 : memref<16384xf32, #tpu.memory_space<vmem>>) dst(%dma_wait3A_996 : memref<16384xf32, #tpu.memory_space<hbm>>)
    %add3A_997 = arith.constant 16777216 : i32
    %add3A_998 = arith.addi %add3A_997, %mul3A_4 : i32
    %add3A_999 = arith.constant 229376 : i32
    %add3A_1000 = arith.addi %add3A_998, %add3A_999 : i32
    %dma_start3A_1001 = tpu.memref_slice %arg2[%add3A_1000] : memref<33554432xf32, #tpu.memory_space<hbm>> -> memref<16384xf32, #tpu.memory_space<hbm>>
    %dma_start3A_1002 = tpu.memref_slice %arg2[%add3A_1000] : memref<33554432xf32, #tpu.memory_space<hbm>> -> memref<16384xf32, #tpu.memory_space<hbm>>
    tpu.enqueue_dma source(%dma_start3A_1002 : memref<16384xf32, #tpu.memory_space<hbm>>) target(%arg7 : memref<16384xf32, #tpu.memory_space<vmem>>) target_semaphore(%arg13 : memref<!tpu.dma_semaphore, #tpu.memory_space<semaphore_mem>>)
    %add3A_1003 = arith.constant 245760 : i32
    %add3A_1004 = arith.addi %mul3A_4, %add3A_1003 : i32
    %dma_start3A_1005 = tpu.memref_slice %arg3[%add3A_1004] : memref<8388608xf32, #tpu.memory_space<hbm>> -> memref<16384xf32, #tpu.memory_space<hbm>>
    %dma_start3A_1006 = tpu.memref_slice %arg3[%add3A_1004] : memref<8388608xf32, #tpu.memory_space<hbm>> -> memref<16384xf32, #tpu.memory_space<hbm>>
    tpu.enqueue_dma source(%dma_start3A_1006 : memref<16384xf32, #tpu.memory_space<hbm>>) target(%arg10 : memref<16384xf32, #tpu.memory_space<vmem>>) target_semaphore(%arg16 : memref<!tpu.dma_semaphore, #tpu.memory_space<semaphore_mem>>)
    %dma_wait3A_1007 = tpu.memref_slice %arg3[%add3A_934] : memref<8388608xf32, #tpu.memory_space<hbm>> -> memref<16384xf32, #tpu.memory_space<hbm>>
    %dma_wait3A_1008 = tpu.memref_slice %arg3[%add3A_934] : memref<8388608xf32, #tpu.memory_space<hbm>> -> memref<16384xf32, #tpu.memory_space<hbm>>
    tpu.wait_dma2 semaphore(%arg15 : memref<!tpu.dma_semaphore, #tpu.memory_space<semaphore_mem>>) src(%dma_wait3A_1008 : memref<16384xf32, #tpu.memory_space<hbm>>) dst(%arg9 : memref<16384xf32, #tpu.memory_space<vmem>>)
    %dma_wait3A_1009 = tpu.memref_slice %arg2[%add3A_968] : memref<33554432xf32, #tpu.memory_space<hbm>> -> memref<16384xf32, #tpu.memory_space<hbm>>
    %dma_wait3A_1010 = tpu.memref_slice %arg2[%add3A_968] : memref<33554432xf32, #tpu.memory_space<hbm>> -> memref<16384xf32, #tpu.memory_space<hbm>>
    tpu.wait_dma2 semaphore(%arg11 : memref<!tpu.dma_semaphore, #tpu.memory_space<semaphore_mem>>) src(%dma_wait3A_1010 : memref<16384xf32, #tpu.memory_space<hbm>>) dst(%arg5 : memref<16384xf32, #tpu.memory_space<vmem>>)
    %add3A_1011 = arith.constant 0 : i32
    %add3A_1012 = arith.addi %add3A_1011, %mul3A_4 : i32
    %add3A_1013 = arith.constant 229376 : i32
    %add3A_1014 = arith.addi %add3A_1012, %add3A_1013 : i32
    %dma_start3A_1015 = tpu.memref_slice %arg4[%add3A_1014] : memref<33554432xf32, #tpu.memory_space<hbm>> -> memref<16384xf32, #tpu.memory_space<hbm>>
    %dma_start3A_1016 = tpu.memref_slice %arg4[%add3A_1014] : memref<33554432xf32, #tpu.memory_space<hbm>> -> memref<16384xf32, #tpu.memory_space<hbm>>
    tpu.enqueue_dma source(%arg5 : memref<16384xf32, #tpu.memory_space<vmem>>) target(%dma_start3A_1016 : memref<16384xf32, #tpu.memory_space<hbm>>) target_semaphore(%arg17 : memref<!tpu.dma_semaphore, #tpu.memory_space<semaphore_mem>>)
    %dma_wait3A_1017 = tpu.memref_slice %arg4[%add3A_992] : memref<33554432xf32, #tpu.memory_space<hbm>> -> memref<16384xf32, #tpu.memory_space<hbm>>
    %dma_wait3A_1018 = tpu.memref_slice %arg4[%add3A_992] : memref<33554432xf32, #tpu.memory_space<hbm>> -> memref<16384xf32, #tpu.memory_space<hbm>>
    tpu.wait_dma2 semaphore(%arg20 : memref<!tpu.dma_semaphore, #tpu.memory_space<semaphore_mem>>) src(%arg8 : memref<16384xf32, #tpu.memory_space<vmem>>) dst(%dma_wait3A_1018 : memref<16384xf32, #tpu.memory_space<hbm>>)
    %add3A_1019 = arith.constant 25165824 : i32
    %add3A_1020 = arith.addi %add3A_1019, %mul3A_4 : i32
    %add3A_1021 = arith.constant 229376 : i32
    %add3A_1022 = arith.addi %add3A_1020, %add3A_1021 : i32
    %dma_start3A_1023 = tpu.memref_slice %arg2[%add3A_1022] : memref<33554432xf32, #tpu.memory_space<hbm>> -> memref<16384xf32, #tpu.memory_space<hbm>>
    %dma_start3A_1024 = tpu.memref_slice %arg2[%add3A_1022] : memref<33554432xf32, #tpu.memory_space<hbm>> -> memref<16384xf32, #tpu.memory_space<hbm>>
    tpu.enqueue_dma source(%dma_start3A_1024 : memref<16384xf32, #tpu.memory_space<hbm>>) target(%arg8 : memref<16384xf32, #tpu.memory_space<vmem>>) target_semaphore(%arg14 : memref<!tpu.dma_semaphore, #tpu.memory_space<semaphore_mem>>)
    %dma_wait3A_1025 = tpu.memref_slice %arg2[%add3A_984] : memref<33554432xf32, #tpu.memory_space<hbm>> -> memref<16384xf32, #tpu.memory_space<hbm>>
    %dma_wait3A_1026 = tpu.memref_slice %arg2[%add3A_984] : memref<33554432xf32, #tpu.memory_space<hbm>> -> memref<16384xf32, #tpu.memory_space<hbm>>
    tpu.wait_dma2 semaphore(%arg12 : memref<!tpu.dma_semaphore, #tpu.memory_space<semaphore_mem>>) src(%dma_wait3A_1026 : memref<16384xf32, #tpu.memory_space<hbm>>) dst(%arg6 : memref<16384xf32, #tpu.memory_space<vmem>>)
    %add3A_1027 = arith.constant 8388608 : i32
    %add3A_1028 = arith.addi %add3A_1027, %mul3A_4 : i32
    %add3A_1029 = arith.constant 229376 : i32
    %add3A_1030 = arith.addi %add3A_1028, %add3A_1029 : i32
    %dma_start3A_1031 = tpu.memref_slice %arg4[%add3A_1030] : memref<33554432xf32, #tpu.memory_space<hbm>> -> memref<16384xf32, #tpu.memory_space<hbm>>
    %dma_start3A_1032 = tpu.memref_slice %arg4[%add3A_1030] : memref<33554432xf32, #tpu.memory_space<hbm>> -> memref<16384xf32, #tpu.memory_space<hbm>>
    tpu.enqueue_dma source(%arg6 : memref<16384xf32, #tpu.memory_space<vmem>>) target(%dma_start3A_1032 : memref<16384xf32, #tpu.memory_space<hbm>>) target_semaphore(%arg18 : memref<!tpu.dma_semaphore, #tpu.memory_space<semaphore_mem>>)
    %dma_wait3A_1033 = tpu.memref_slice %arg4[%add3A_1014] : memref<33554432xf32, #tpu.memory_space<hbm>> -> memref<16384xf32, #tpu.memory_space<hbm>>
    %dma_wait3A_1034 = tpu.memref_slice %arg4[%add3A_1014] : memref<33554432xf32, #tpu.memory_space<hbm>> -> memref<16384xf32, #tpu.memory_space<hbm>>
    tpu.wait_dma2 semaphore(%arg17 : memref<!tpu.dma_semaphore, #tpu.memory_space<semaphore_mem>>) src(%arg5 : memref<16384xf32, #tpu.memory_space<vmem>>) dst(%dma_wait3A_1034 : memref<16384xf32, #tpu.memory_space<hbm>>)
    %add3A_1035 = arith.constant 0 : i32
    %add3A_1036 = arith.addi %add3A_1035, %mul3A_4 : i32
    %add3A_1037 = arith.constant 245760 : i32
    %add3A_1038 = arith.addi %add3A_1036, %add3A_1037 : i32
    %dma_start3A_1039 = tpu.memref_slice %arg2[%add3A_1038] : memref<33554432xf32, #tpu.memory_space<hbm>> -> memref<16384xf32, #tpu.memory_space<hbm>>
    %dma_start3A_1040 = tpu.memref_slice %arg2[%add3A_1038] : memref<33554432xf32, #tpu.memory_space<hbm>> -> memref<16384xf32, #tpu.memory_space<hbm>>
    tpu.enqueue_dma source(%dma_start3A_1040 : memref<16384xf32, #tpu.memory_space<hbm>>) target(%arg5 : memref<16384xf32, #tpu.memory_space<vmem>>) target_semaphore(%arg11 : memref<!tpu.dma_semaphore, #tpu.memory_space<semaphore_mem>>)
    %dma_wait3A_1041 = tpu.memref_slice %arg2[%add3A_1000] : memref<33554432xf32, #tpu.memory_space<hbm>> -> memref<16384xf32, #tpu.memory_space<hbm>>
    %dma_wait3A_1042 = tpu.memref_slice %arg2[%add3A_1000] : memref<33554432xf32, #tpu.memory_space<hbm>> -> memref<16384xf32, #tpu.memory_space<hbm>>
    tpu.wait_dma2 semaphore(%arg13 : memref<!tpu.dma_semaphore, #tpu.memory_space<semaphore_mem>>) src(%dma_wait3A_1042 : memref<16384xf32, #tpu.memory_space<hbm>>) dst(%arg7 : memref<16384xf32, #tpu.memory_space<vmem>>)
    %add3A_1043 = arith.constant 16777216 : i32
    %add3A_1044 = arith.addi %add3A_1043, %mul3A_4 : i32
    %add3A_1045 = arith.constant 229376 : i32
    %add3A_1046 = arith.addi %add3A_1044, %add3A_1045 : i32
    %dma_start3A_1047 = tpu.memref_slice %arg4[%add3A_1046] : memref<33554432xf32, #tpu.memory_space<hbm>> -> memref<16384xf32, #tpu.memory_space<hbm>>
    %dma_start3A_1048 = tpu.memref_slice %arg4[%add3A_1046] : memref<33554432xf32, #tpu.memory_space<hbm>> -> memref<16384xf32, #tpu.memory_space<hbm>>
    tpu.enqueue_dma source(%arg7 : memref<16384xf32, #tpu.memory_space<vmem>>) target(%dma_start3A_1048 : memref<16384xf32, #tpu.memory_space<hbm>>) target_semaphore(%arg19 : memref<!tpu.dma_semaphore, #tpu.memory_space<semaphore_mem>>)
    %dma_wait3A_1049 = tpu.memref_slice %arg4[%add3A_1030] : memref<33554432xf32, #tpu.memory_space<hbm>> -> memref<16384xf32, #tpu.memory_space<hbm>>
    %dma_wait3A_1050 = tpu.memref_slice %arg4[%add3A_1030] : memref<33554432xf32, #tpu.memory_space<hbm>> -> memref<16384xf32, #tpu.memory_space<hbm>>
    tpu.wait_dma2 semaphore(%arg18 : memref<!tpu.dma_semaphore, #tpu.memory_space<semaphore_mem>>) src(%arg6 : memref<16384xf32, #tpu.memory_space<vmem>>) dst(%dma_wait3A_1050 : memref<16384xf32, #tpu.memory_space<hbm>>)
    %add3A_1051 = arith.constant 8388608 : i32
    %add3A_1052 = arith.addi %add3A_1051, %mul3A_4 : i32
    %add3A_1053 = arith.constant 245760 : i32
    %add3A_1054 = arith.addi %add3A_1052, %add3A_1053 : i32
    %dma_start3A_1055 = tpu.memref_slice %arg2[%add3A_1054] : memref<33554432xf32, #tpu.memory_space<hbm>> -> memref<16384xf32, #tpu.memory_space<hbm>>
    %dma_start3A_1056 = tpu.memref_slice %arg2[%add3A_1054] : memref<33554432xf32, #tpu.memory_space<hbm>> -> memref<16384xf32, #tpu.memory_space<hbm>>
    tpu.enqueue_dma source(%dma_start3A_1056 : memref<16384xf32, #tpu.memory_space<hbm>>) target(%arg6 : memref<16384xf32, #tpu.memory_space<vmem>>) target_semaphore(%arg12 : memref<!tpu.dma_semaphore, #tpu.memory_space<semaphore_mem>>)
    %dma_wait3A_1057 = tpu.memref_slice %arg2[%add3A_1022] : memref<33554432xf32, #tpu.memory_space<hbm>> -> memref<16384xf32, #tpu.memory_space<hbm>>
    %dma_wait3A_1058 = tpu.memref_slice %arg2[%add3A_1022] : memref<33554432xf32, #tpu.memory_space<hbm>> -> memref<16384xf32, #tpu.memory_space<hbm>>
    tpu.wait_dma2 semaphore(%arg14 : memref<!tpu.dma_semaphore, #tpu.memory_space<semaphore_mem>>) src(%dma_wait3A_1058 : memref<16384xf32, #tpu.memory_space<hbm>>) dst(%arg8 : memref<16384xf32, #tpu.memory_space<vmem>>)
    %add3A_1059 = arith.constant 25165824 : i32
    %add3A_1060 = arith.addi %add3A_1059, %mul3A_4 : i32
    %add3A_1061 = arith.constant 229376 : i32
    %add3A_1062 = arith.addi %add3A_1060, %add3A_1061 : i32
    %dma_start3A_1063 = tpu.memref_slice %arg4[%add3A_1062] : memref<33554432xf32, #tpu.memory_space<hbm>> -> memref<16384xf32, #tpu.memory_space<hbm>>
    %dma_start3A_1064 = tpu.memref_slice %arg4[%add3A_1062] : memref<33554432xf32, #tpu.memory_space<hbm>> -> memref<16384xf32, #tpu.memory_space<hbm>>
    tpu.enqueue_dma source(%arg8 : memref<16384xf32, #tpu.memory_space<vmem>>) target(%dma_start3A_1064 : memref<16384xf32, #tpu.memory_space<hbm>>) target_semaphore(%arg20 : memref<!tpu.dma_semaphore, #tpu.memory_space<semaphore_mem>>)
    %dma_wait3A_1065 = tpu.memref_slice %arg4[%add3A_1046] : memref<33554432xf32, #tpu.memory_space<hbm>> -> memref<16384xf32, #tpu.memory_space<hbm>>
    %dma_wait3A_1066 = tpu.memref_slice %arg4[%add3A_1046] : memref<33554432xf32, #tpu.memory_space<hbm>> -> memref<16384xf32, #tpu.memory_space<hbm>>
    tpu.wait_dma2 semaphore(%arg19 : memref<!tpu.dma_semaphore, #tpu.memory_space<semaphore_mem>>) src(%arg7 : memref<16384xf32, #tpu.memory_space<vmem>>) dst(%dma_wait3A_1066 : memref<16384xf32, #tpu.memory_space<hbm>>)
    %add3A_1067 = arith.constant 16777216 : i32
    %add3A_1068 = arith.addi %add3A_1067, %mul3A_4 : i32
    %add3A_1069 = arith.constant 245760 : i32
    %add3A_1070 = arith.addi %add3A_1068, %add3A_1069 : i32
    %dma_start3A_1071 = tpu.memref_slice %arg2[%add3A_1070] : memref<33554432xf32, #tpu.memory_space<hbm>> -> memref<16384xf32, #tpu.memory_space<hbm>>
    %dma_start3A_1072 = tpu.memref_slice %arg2[%add3A_1070] : memref<33554432xf32, #tpu.memory_space<hbm>> -> memref<16384xf32, #tpu.memory_space<hbm>>
    tpu.enqueue_dma source(%dma_start3A_1072 : memref<16384xf32, #tpu.memory_space<hbm>>) target(%arg7 : memref<16384xf32, #tpu.memory_space<vmem>>) target_semaphore(%arg13 : memref<!tpu.dma_semaphore, #tpu.memory_space<semaphore_mem>>)
    %dma_wait3A_1073 = tpu.memref_slice %arg3[%add3A_1004] : memref<8388608xf32, #tpu.memory_space<hbm>> -> memref<16384xf32, #tpu.memory_space<hbm>>
    %dma_wait3A_1074 = tpu.memref_slice %arg3[%add3A_1004] : memref<8388608xf32, #tpu.memory_space<hbm>> -> memref<16384xf32, #tpu.memory_space<hbm>>
    tpu.wait_dma2 semaphore(%arg16 : memref<!tpu.dma_semaphore, #tpu.memory_space<semaphore_mem>>) src(%dma_wait3A_1074 : memref<16384xf32, #tpu.memory_space<hbm>>) dst(%arg10 : memref<16384xf32, #tpu.memory_space<vmem>>)
    %dma_wait3A_1075 = tpu.memref_slice %arg2[%add3A_1038] : memref<33554432xf32, #tpu.memory_space<hbm>> -> memref<16384xf32, #tpu.memory_space<hbm>>
    %dma_wait3A_1076 = tpu.memref_slice %arg2[%add3A_1038] : memref<33554432xf32, #tpu.memory_space<hbm>> -> memref<16384xf32, #tpu.memory_space<hbm>>
    tpu.wait_dma2 semaphore(%arg11 : memref<!tpu.dma_semaphore, #tpu.memory_space<semaphore_mem>>) src(%dma_wait3A_1076 : memref<16384xf32, #tpu.memory_space<hbm>>) dst(%arg5 : memref<16384xf32, #tpu.memory_space<vmem>>)
    %add3A_1077 = arith.constant 0 : i32
    %add3A_1078 = arith.addi %add3A_1077, %mul3A_4 : i32
    %add3A_1079 = arith.constant 245760 : i32
    %add3A_1080 = arith.addi %add3A_1078, %add3A_1079 : i32
    %dma_start3A_1081 = tpu.memref_slice %arg4[%add3A_1080] : memref<33554432xf32, #tpu.memory_space<hbm>> -> memref<16384xf32, #tpu.memory_space<hbm>>
    %dma_start3A_1082 = tpu.memref_slice %arg4[%add3A_1080] : memref<33554432xf32, #tpu.memory_space<hbm>> -> memref<16384xf32, #tpu.memory_space<hbm>>
    tpu.enqueue_dma source(%arg5 : memref<16384xf32, #tpu.memory_space<vmem>>) target(%dma_start3A_1082 : memref<16384xf32, #tpu.memory_space<hbm>>) target_semaphore(%arg17 : memref<!tpu.dma_semaphore, #tpu.memory_space<semaphore_mem>>)
    %dma_wait3A_1083 = tpu.memref_slice %arg4[%add3A_1062] : memref<33554432xf32, #tpu.memory_space<hbm>> -> memref<16384xf32, #tpu.memory_space<hbm>>
    %dma_wait3A_1084 = tpu.memref_slice %arg4[%add3A_1062] : memref<33554432xf32, #tpu.memory_space<hbm>> -> memref<16384xf32, #tpu.memory_space<hbm>>
    tpu.wait_dma2 semaphore(%arg20 : memref<!tpu.dma_semaphore, #tpu.memory_space<semaphore_mem>>) src(%arg8 : memref<16384xf32, #tpu.memory_space<vmem>>) dst(%dma_wait3A_1084 : memref<16384xf32, #tpu.memory_space<hbm>>)
    %add3A_1085 = arith.constant 25165824 : i32
    %add3A_1086 = arith.addi %add3A_1085, %mul3A_4 : i32
    %add3A_1087 = arith.constant 245760 : i32
    %add3A_1088 = arith.addi %add3A_1086, %add3A_1087 : i32
    %dma_start3A_1089 = tpu.memref_slice %arg2[%add3A_1088] : memref<33554432xf32, #tpu.memory_space<hbm>> -> memref<16384xf32, #tpu.memory_space<hbm>>
    %dma_start3A_1090 = tpu.memref_slice %arg2[%add3A_1088] : memref<33554432xf32, #tpu.memory_space<hbm>> -> memref<16384xf32, #tpu.memory_space<hbm>>
    tpu.enqueue_dma source(%dma_start3A_1090 : memref<16384xf32, #tpu.memory_space<hbm>>) target(%arg8 : memref<16384xf32, #tpu.memory_space<vmem>>) target_semaphore(%arg14 : memref<!tpu.dma_semaphore, #tpu.memory_space<semaphore_mem>>)
    %dma_wait3A_1091 = tpu.memref_slice %arg2[%add3A_1054] : memref<33554432xf32, #tpu.memory_space<hbm>> -> memref<16384xf32, #tpu.memory_space<hbm>>
    %dma_wait3A_1092 = tpu.memref_slice %arg2[%add3A_1054] : memref<33554432xf32, #tpu.memory_space<hbm>> -> memref<16384xf32, #tpu.memory_space<hbm>>
    tpu.wait_dma2 semaphore(%arg12 : memref<!tpu.dma_semaphore, #tpu.memory_space<semaphore_mem>>) src(%dma_wait3A_1092 : memref<16384xf32, #tpu.memory_space<hbm>>) dst(%arg6 : memref<16384xf32, #tpu.memory_space<vmem>>)
    %add3A_1093 = arith.constant 8388608 : i32
    %add3A_1094 = arith.addi %add3A_1093, %mul3A_4 : i32
    %add3A_1095 = arith.constant 245760 : i32
    %add3A_1096 = arith.addi %add3A_1094, %add3A_1095 : i32
    %dma_start3A_1097 = tpu.memref_slice %arg4[%add3A_1096] : memref<33554432xf32, #tpu.memory_space<hbm>> -> memref<16384xf32, #tpu.memory_space<hbm>>
    %dma_start3A_1098 = tpu.memref_slice %arg4[%add3A_1096] : memref<33554432xf32, #tpu.memory_space<hbm>> -> memref<16384xf32, #tpu.memory_space<hbm>>
    tpu.enqueue_dma source(%arg6 : memref<16384xf32, #tpu.memory_space<vmem>>) target(%dma_start3A_1098 : memref<16384xf32, #tpu.memory_space<hbm>>) target_semaphore(%arg18 : memref<!tpu.dma_semaphore, #tpu.memory_space<semaphore_mem>>)
    %dma_wait3A_1099 = tpu.memref_slice %arg2[%add3A_1070] : memref<33554432xf32, #tpu.memory_space<hbm>> -> memref<16384xf32, #tpu.memory_space<hbm>>
    %dma_wait3A_1100 = tpu.memref_slice %arg2[%add3A_1070] : memref<33554432xf32, #tpu.memory_space<hbm>> -> memref<16384xf32, #tpu.memory_space<hbm>>
    tpu.wait_dma2 semaphore(%arg13 : memref<!tpu.dma_semaphore, #tpu.memory_space<semaphore_mem>>) src(%dma_wait3A_1100 : memref<16384xf32, #tpu.memory_space<hbm>>) dst(%arg7 : memref<16384xf32, #tpu.memory_space<vmem>>)
    %add3A_1101 = arith.constant 16777216 : i32
    %add3A_1102 = arith.addi %add3A_1101, %mul3A_4 : i32
    %add3A_1103 = arith.constant 245760 : i32
    %add3A_1104 = arith.addi %add3A_1102, %add3A_1103 : i32
    %dma_start3A_1105 = tpu.memref_slice %arg4[%add3A_1104] : memref<33554432xf32, #tpu.memory_space<hbm>> -> memref<16384xf32, #tpu.memory_space<hbm>>
    %dma_start3A_1106 = tpu.memref_slice %arg4[%add3A_1104] : memref<33554432xf32, #tpu.memory_space<hbm>> -> memref<16384xf32, #tpu.memory_space<hbm>>
    tpu.enqueue_dma source(%arg7 : memref<16384xf32, #tpu.memory_space<vmem>>) target(%dma_start3A_1106 : memref<16384xf32, #tpu.memory_space<hbm>>) target_semaphore(%arg19 : memref<!tpu.dma_semaphore, #tpu.memory_space<semaphore_mem>>)
    %dma_wait3A_1107 = tpu.memref_slice %arg2[%add3A_1088] : memref<33554432xf32, #tpu.memory_space<hbm>> -> memref<16384xf32, #tpu.memory_space<hbm>>
    %dma_wait3A_1108 = tpu.memref_slice %arg2[%add3A_1088] : memref<33554432xf32, #tpu.memory_space<hbm>> -> memref<16384xf32, #tpu.memory_space<hbm>>
    tpu.wait_dma2 semaphore(%arg14 : memref<!tpu.dma_semaphore, #tpu.memory_space<semaphore_mem>>) src(%dma_wait3A_1108 : memref<16384xf32, #tpu.memory_space<hbm>>) dst(%arg8 : memref<16384xf32, #tpu.memory_space<vmem>>)
    %add3A_1109 = arith.constant 25165824 : i32
    %add3A_1110 = arith.addi %add3A_1109, %mul3A_4 : i32
    %add3A_1111 = arith.constant 245760 : i32
    %add3A_1112 = arith.addi %add3A_1110, %add3A_1111 : i32
    %dma_start3A_1113 = tpu.memref_slice %arg4[%add3A_1112] : memref<33554432xf32, #tpu.memory_space<hbm>> -> memref<16384xf32, #tpu.memory_space<hbm>>
    %dma_start3A_1114 = tpu.memref_slice %arg4[%add3A_1112] : memref<33554432xf32, #tpu.memory_space<hbm>> -> memref<16384xf32, #tpu.memory_space<hbm>>
    tpu.enqueue_dma source(%arg8 : memref<16384xf32, #tpu.memory_space<vmem>>) target(%dma_start3A_1114 : memref<16384xf32, #tpu.memory_space<hbm>>) target_semaphore(%arg20 : memref<!tpu.dma_semaphore, #tpu.memory_space<semaphore_mem>>)
    %dma_wait3A_1115 = tpu.memref_slice %arg4[%add3A_1080] : memref<33554432xf32, #tpu.memory_space<hbm>> -> memref<16384xf32, #tpu.memory_space<hbm>>
    %dma_wait3A_1116 = tpu.memref_slice %arg4[%add3A_1080] : memref<33554432xf32, #tpu.memory_space<hbm>> -> memref<16384xf32, #tpu.memory_space<hbm>>
    tpu.wait_dma2 semaphore(%arg17 : memref<!tpu.dma_semaphore, #tpu.memory_space<semaphore_mem>>) src(%arg5 : memref<16384xf32, #tpu.memory_space<vmem>>) dst(%dma_wait3A_1116 : memref<16384xf32, #tpu.memory_space<hbm>>)
    %dma_wait3A_1117 = tpu.memref_slice %arg4[%add3A_1096] : memref<33554432xf32, #tpu.memory_space<hbm>> -> memref<16384xf32, #tpu.memory_space<hbm>>
    %dma_wait3A_1118 = tpu.memref_slice %arg4[%add3A_1096] : memref<33554432xf32, #tpu.memory_space<hbm>> -> memref<16384xf32, #tpu.memory_space<hbm>>
    tpu.wait_dma2 semaphore(%arg18 : memref<!tpu.dma_semaphore, #tpu.memory_space<semaphore_mem>>) src(%arg6 : memref<16384xf32, #tpu.memory_space<vmem>>) dst(%dma_wait3A_1118 : memref<16384xf32, #tpu.memory_space<hbm>>)
    %dma_wait3A_1119 = tpu.memref_slice %arg4[%add3A_1104] : memref<33554432xf32, #tpu.memory_space<hbm>> -> memref<16384xf32, #tpu.memory_space<hbm>>
    %dma_wait3A_1120 = tpu.memref_slice %arg4[%add3A_1104] : memref<33554432xf32, #tpu.memory_space<hbm>> -> memref<16384xf32, #tpu.memory_space<hbm>>
    tpu.wait_dma2 semaphore(%arg19 : memref<!tpu.dma_semaphore, #tpu.memory_space<semaphore_mem>>) src(%arg7 : memref<16384xf32, #tpu.memory_space<vmem>>) dst(%dma_wait3A_1120 : memref<16384xf32, #tpu.memory_space<hbm>>)
    %dma_wait3A_1121 = tpu.memref_slice %arg4[%add3A_1112] : memref<33554432xf32, #tpu.memory_space<hbm>> -> memref<16384xf32, #tpu.memory_space<hbm>>
    %dma_wait3A_1122 = tpu.memref_slice %arg4[%add3A_1112] : memref<33554432xf32, #tpu.memory_space<hbm>> -> memref<16384xf32, #tpu.memory_space<hbm>>
    tpu.wait_dma2 semaphore(%arg20 : memref<!tpu.dma_semaphore, #tpu.memory_space<semaphore_mem>>) src(%arg8 : memref<16384xf32, #tpu.memory_space<vmem>>) dst(%dma_wait3A_1122 : memref<16384xf32, #tpu.memory_space<hbm>>)
    return
  }
}

</mosaic_0001>

<sc_bundles>
// kernel: kernel.3.cloned.1.call-start
scs
__scs_entry_jumppad:
0x0: {  	(pc) =	sbr.rel $0x88, $3  }
0x1: {  	(tag) =	ssettag $0x0;
	lr =	simm.s32 $0x1  }
0x2: {  	[smem:$0x3F9F] =	sst lr;
	_ =	strace $0xD0000000  }
0x3: {  	_ = 	snop  }
0x4: {  	_ = 	snop  }
0x5: {  	_ = 	snop  }
0x6: {  	_ = 	snop  }
0x7: {  	_ = 	snop  }
__scs_overlays_trampoline_lowered:
0x8: {  	[smem:$0x3FAE] =	sst s0  }
0x9: {  	[smem:$0x3FAF] =	sst s1  }
0xa: {  	[smem:$0x3FB0] =	sst s2  }
0xb: {  	[smem:$0x3FB1] =	sst s3  }
0xc: {  	[smem:$0x3FB2] =	sst s4  }
0xd: {  	[smem:$0x3FB3] =	sst s5  }
0xe: {  	[smem:$0x3FB4] =	sst s6  }
0xf: {  	[smem:$0x3FB5] =	sst s7  }
0x10: {  	[smem:$0x3FB6] =	sst s8  }
0x11: {  	[smem:$0x3FB7] =	sst s9;
	s0 =	simm.s32 @!p0 $0x0  }
0x12: {  	s1 =	sld [smem:$0x3F9D];
	s0 =	simm.s32 @p0 $0x1  }
0x13: {  	[smem:$0x3FB8] =	sst s0;
	s0 =	simm.s32 @!p1 $0x0  }
0x14: {  	s2 =	sld [smem:$0x3F9C];
	s0 =	simm.s32 @p1 $0x1  }
0x15: {  	[smem:$0x3FB9] =	sst s0;
	s0 =	simm.s32 @!p2 $0x0  }
0x16: {  	s3 =	sld [smem:$0x3FDB];
	s0 =	simm.s32 @p2 $0x1  }
0x17: {  	s4 =	simm.s32 $0x1BF5;
	[smem:$0x3FBB] =	sst s0  }
0x18: {  	s0 =	sld [smem:$0x3F9E];
	_ =	swait.ge [sflag:s4], $0x0  }
0x19: {  	s7 =	sld [smem:$0x3F9F]  }
0x1a: {  	s8 =	sadd.s32 $0xFFFFE003, lr  }
0x1b: {  	s9 =	sadd.s32 $0xFFFFFEF7, lr;
	s5 =	simm.s32 $0xFFFFFFFF;
	p2 =	slt.u32 s8, $0xFFFFF086  }
0x1c: {  	p1 =	slt.u32 s9, $0xF7A;
	s5 =	simm.s32 @!p2 $0x0  }
0x1d: {  	s5 =	simm.s32 @p1 $0x1;
	p0 =	seq.s32 s7, s2  }
0x1e: {  	s7 =	smul.u32 @!p0 $0xF7A, s2;
	p2 =	seq.s32 @!p0 s5, $0x0  }
0x1f: {  	s9 =	smul.u32 $0xF7A, s1;
	s8 =	simm.s32 @!p0 $0x1BF5;
	p2 =	por !p2, p0  }
0x20: {  	[sflag:s8] =	ssyncset.s32 @!p0 $0xFFFFF086;
	s6 =	sadd.s32 @!p0 s3, s7;
	s7 =	simm.s32 @!p0 $0x108  }
0x21: {  	s3 =	sadd.s32 s3, s9;
	s6 =	sadd.s32 @!p0 $0x88, s6;
	s7 =	simm.s32 @p2 $0x1082  }
0x22: {  	[simem:s7], [sflag:s8] =	dma.local @!p0 [hbm:s6], $0xF7A  }
0x23: {  	s9 =	sor.u32 $0xD0000000, s2;
	s6 =	simm.s32 $0x108;
	_ =	swait.ge @!p0 [sflag:s8], $0x0  }
0x24: {  	s3 =	sadd.s32 $0x88, s3;
	s6 =	simm.s32 @!p1 $0x1082;
	[sflag:s4] =	ssyncset.s32 $0xFFFFF086  }
0x25: {  	[simem:s6], [sflag:s4] =	dma.local [hbm:s3], $0xF7A  }
0x26: {  	[smem:$0x3F9F] =	sst s1;
	(tag) =	ssettag s2;
	_ =	strace s9  }
0x27: {  	s1 =	sld [smem:$0x3FAF]  }
0x28: {  	s2 =	sld [smem:$0x3FB0]  }
0x29: {  	s4 =	sld [smem:$0x3FB2]  }
0x2a: {  	p0 =	seq.s32 s5, $0x0;
	s5 =	sld [smem:$0x3FB3]  }
0x2b: {  	s6 =	sld [smem:$0x3FB4]  }
0x2c: {  	s7 =	sld [smem:$0x3FB5]  }
0x2d: {  	s3 =	simm.s32 $0x108;
	s8 =	sld [smem:$0x3FB6]  }
0x2e: {  	s3 =	simm.s32 @!p0 $0x1082;
	s9 =	sld [smem:$0x3FB7]  }
0x2f: {  	lr =	sadd.s32 s0, s3;
	s0 =	sld [smem:$0x3FAE]  }
0x30: {  	s3 =	sld [smem:$0x3FB1]  }
0x31: {  	[smem:$0x3FBA] =	sst s10  }
0x32: {  	s10 =	sld [smem:$0x3FB8];
	_ =	sdelay $0x3  }
0x33: {  	p0 =	seq.s32 s10, $0x1;
	s10 =	sld [smem:$0x3FBA];
	_ =	sdelay $0x3  }
0x34: {  	[smem:$0x3FBA] =	sst s10  }
0x35: {  	s10 =	sld [smem:$0x3FB9];
	_ =	sdelay $0x3  }
0x36: {  	p1 =	seq.s32 s10, $0x1;
	s10 =	sld [smem:$0x3FBA];
	_ =	sdelay $0x3  }
0x37: {  	[smem:$0x3FBA] =	sst s10  }
0x38: {  	s10 =	sld [smem:$0x3FBB]  }
0x39: {  	_ = 	snop;
	(pc) =	sbr.ind lr, $3  }
0x3a: {  	_ = 	snop  }
0x3b: {  	_ = 	snop  }
0x3c: {  	p2 =	seq.s32 s10, $0x1;
	s10 =	sld [smem:$0x3FBA]  }
0x3d: {  	_ =	shalt  }
0x3e: {  	_ =	shalt  }
0x3f: {  	_ =	shalt  }
0x40: {  	_ =	shalt  }
0x41: {  	_ =	shalt  }
0x42: {  	_ =	shalt  }
0x43: {  	_ =	shalt  }
0x44: {  	_ =	shalt  }
0x45: {  	_ =	shalt  }
0x46: {  	_ =	shalt  }
0x47: {  	_ =	shalt  }
0x48: {  	_ =	shalt  }
0x49: {  	_ =	shalt  }
0x4a: {  	_ =	shalt  }
0x4b: {  	_ =	shalt  }
0x4c: {  	_ =	shalt  }
0x4d: {  	_ =	shalt  }
0x4e: {  	_ =	shalt  }
0x4f: {  	_ =	shalt  }
0x50: {  	_ =	shalt  }
0x51: {  	_ =	shalt  }
0x52: {  	_ =	shalt  }
0x53: {  	_ =	shalt  }
0x54: {  	_ =	shalt  }
0x55: {  	_ =	shalt  }
0x56: {  	_ =	shalt  }
0x57: {  	_ =	shalt  }
0x58: {  	_ =	shalt  }
0x59: {  	_ =	shalt  }
0x5a: {  	_ =	shalt  }
0x5b: {  	_ =	shalt  }
0x5c: {  	_ =	shalt  }
0x5d: {  	_ =	shalt  }
0x5e: {  	_ =	shalt  }
0x5f: {  	_ =	shalt  }
0x60: {  	_ =	shalt  }
0x61: {  	_ =	shalt  }
0x62: {  	_ =	shalt  }
0x63: {  	_ =	shalt  }
0x64: {  	_ =	shalt  }
0x65: {  	_ =	shalt  }
0x66: {  	_ =	shalt  }
0x67: {  	_ =	shalt  }
0x68: {  	_ =	shalt  }
0x69: {  	_ =	shalt  }
0x6a: {  	_ =	shalt  }
0x6b: {  	_ =	shalt  }
0x6c: {  	_ =	shalt  }
0x6d: {  	_ =	shalt  }
0x6e: {  	_ =	shalt  }
0x6f: {  	_ =	shalt  }
0x70: {  	_ =	shalt  }
0x71: {  	_ =	shalt  }
0x72: {  	_ =	shalt  }
0x73: {  	_ =	shalt  }
0x74: {  	_ =	shalt  }
0x75: {  	_ =	shalt  }
0x76: {  	_ =	shalt  }
0x77: {  	_ =	shalt  }
0x78: {  	_ =	shalt  }
0x79: {  	_ =	shalt  }
0x7a: {  	_ =	shalt  }
0x7b: {  	_ =	shalt  }
0x7c: {  	_ =	shalt  }
0x7d: {  	_ =	shalt  }
0x7e: {  	_ =	shalt  }
0x7f: {  	_ =	shalt  }
0x80: {  	_ =	shalt  }
0x81: {  	_ =	shalt  }
0x82: {  	_ =	shalt  }
0x83: {  	_ =	shalt  }
0x84: {  	_ =	shalt  }
0x85: {  	_ =	shalt  }
0x86: {  	_ =	shalt  }
0x87: {  	_ =	shalt  }
.Lfunc_end0:
.L_simem_size_0:
called_computation.2_lowered:
.L_overlay_start_0:
0x88: {  	s2 =	sld [smem:$0x3FD9]  }
0x89: {  	s3 =	sld [smem:$0x3FFE];
	_ =	sdelay $0x1  }
0x8a: {  	s1 =	srdreg.scid  }
0x8b: {  	s0 =	sand.u32 $0x1, s1  }
0x8c: {  	s17 =	sshll.u32 s0, $0xA;
	s2 =	sadd.s32 s3, s2  }
0x8d: {  	s2 =	sadd.s32 s2, s17  }
0x8e: {  	[smem:$0x3FC6] =	sst s2  }
0x8f: {  	_ = 	snop  }
0x90: {  	s2 =	sld [smem:$0x3FD0];
	(tm) =	ssettm $0x1  }
0x91: {  	s18 =	sld [smem:$0x3FFB];
	_ =	sdelay $0x3  }
0x92: {  	_ =	strace s18  }
0x93: {  	s3 =	sld [smem:$0x3FFC];
	_ =	sdelay $0x3  }
0x94: {  	_ =	strace s3  }
0x95: {  	s3 =	sld [smem:$0x3FFD];
	_ =	sdelay $0x3  }
0x96: {  	_ =	strace s3  }
0x97: {  	_ =	strace $0x8FFFFFFF  }
0x98: {  	s19 =	sld [smem:$0x3FDB];
	_ =	sdelay $0x1  }
0x99: {  	s4 =	simm.s32 $_scs_section_size  }
0x9a: {  	s5 =	simm.s32 $_size__tile_overlayer_lowered;
	s6 =	simm.s32 $_tile_overlayer_lowered  }
0x9b: {  	s22 =	simm.s32 $0x1BFF;
	s21 =	sshll.u32 s6, $0x1;
	s3 =	sadd.s32 s4, s19  }
0x9c: {  	s7 =	simm.s32 $0x0;
	s20 =	sshll.u32 s5, $0x1;
	s5 =	sadd.s32 s21, s3  }
0x9d: {  	[timem:s7], [sflag:s22] =	dma.local [hbm:s5], s20  }
0x9e: {  	_ =	swait.ge [sflag:s22], s20  }
0x9f: {  	s4 =	ssub.s32 $0x0, s20;
	[sflag:s22] =	ssyncset.done $0x0  }
0xa0: {  	[sflag:s22] =	ssyncadd.s32 s4;
	_ =	sdelay $0x1  }
0xa1: {  	s23 =	simm.s32 $0x1B8B  }
0xa2: {  	_ =	swait.ge [sflag:s23], $0x1  }
0xa3: {  	[sflag:s23] =	ssyncset.done $0x0  }
0xa4: {  	s25 =	simm.s32 $0x1B8E;
	s24 =	sld [smem:$0x3FFE];
	[sflag:s23] =	ssyncadd.s32 $0xFFFFFFFF  }
0xa5: {  	s26 =	simm.s32 $execute0_lowered;
	[smem:$0x3FD2] =	sst s25  }
0xa6: {  	s5 =	sshll.u32 s26, $0x1;
	_ =	strace $0x8000004C;
	[dreg:$0x1] =	wrdreg $0xFFFFFFFF  }
0xa7: {  	s28 =	simm.s32 $_size_execute0_lowered;
	s3 =	sadd.s32 s3, s5;
	[dreg:$0x0] =	wrdreg $0x0  }
0xa8: {  	s5 =	sshll.u32 s28, $0x1;
	[dreg:$0x2] =	wrdreg s3  }
0xa9: {  	[dreg:$0x3] =	wrdreg s5  }
0xaa: {  	[dreg:$0x4] =	wrdreg $0xC0  }
0xab: {  	_ =	task [dreg:s7], $0x5FFFF  }
0xac: {  	[dreg:$0x1] =	wrdreg $0xFFFFFFFF  }
0xad: {  	[dreg:$0x0] =	wrdreg $0x60  }
0xae: {  	[dreg:$0x2] =	wrdreg s2  }
0xaf: {  	[dreg:$0x3] =	wrdreg s24  }
0xb0: {  	[dreg:$0x4] =	wrdreg $0x9  }
0xb1: {  	_ =	task.clear_ibuf [dreg:s7], $0x5FFFF;
	_ =	strace $0x9000004C  }
0xb2: {  	s29 =	simm.s32 $0x9;
	_ =	strace $0x8000004E  }
0xb3: {  	_ =	swait.ge [sflag:s29], $0x1  }
0xb4: {  	[sflag:s29] =	ssyncadd.s32 $0xFFFFFFFF  }
0xb5: {  	_ =	strace $0x9000004E  }
0xb6: {  	_ =	sfence  }
0xb7: {  	s30 =	sld [smem:$0x0];
	_ =	sdelay $0x2  }
0xb8: {  	s31 =	sshll.u32 s1, $0xD;
	s1 =	sshrl.u32 s1, $0x2  }
0xb9: {  	s3 =	sand.u32 $0x4000, s31;
	s1 =	sadd.s32 s1, s30  }
0xba: {  	s0 =	sor.u32 s3, s0;
	s1 =	sshll.u32 s1, $0x11  }
0xbb: {  	s0 =	sor.u32 s1, s0  }
0xbc: {  	s0 =	sadd.s32 $0x8F2B, s0  }
0xbd: {  	[sflag:s0] =	ssyncadd.remote.s32 $0x1  }
0xbe: {  	_ =	sfence.sel $0xFFFF  }
0xbf: {  	[dreg:$0x0] =	wrdreg $0xFFFFFFFF;
	(pc) =	sbr.abs _section_cstart, $3  }
0xc0: {  	[dreg:$0x1] =	wrdreg $0xFFFFFFFF  }
0xc1: {  	_ =	task.clear_ibuf [dreg:s7], $0x2FFFF;
	_ =	strace $0x9FFFFFFF  }
0xc2: {  	(tm) =	ssettm $0x7FFFFFFF  }
0xc3: {  	_ =	shalt  }
tec
execute0_lowered:
.L_overlay_start_1:
0x0: {  	(tag) =	ssettag $0x1  }
0x1: {  	s2 =	srdreg.scid  }
0x2: {  	s1 =	rddreg [dreg:$0x1];
	s3 =	stileid.u32;
	s5 =	sand.u32 $0x1, s2  }
0x3: {  	s2 =	simm.s32 $0x0;
	s3 =	sshll.u32 s3, $0x10;
	s6 =	sshll.u32 s5, $0xF  }
0x4: {  	s4 =	sadd.s32 $0xC00, s1;
	[smem:$0x7FF] =	sst s2;
	s3 =	sor.u32 s6, s3  }
0x5: {  	s0 =	rddreg [dreg:$0x0];
	_ =	strace $0x8000004D;
	s6 =	sadd.s32 s4, s3  }
0x6: {  	s20 =	sadd.s32 s0, s3;
	s7 =	sor.u32 $0x100000, s3;
	[dreg:$0x3] =	wrdreg s6  }
0x7: {  	s8 =	sor.u32 $0x200000, s3;
	[dreg:$0x4] =	wrdreg s20;
	s21 =	sadd.s32 s0, s7  }
0x8: {  	s10 =	sor.u32 $0x800, s3;
	s9 =	sadd.s32 s0, s8;
	[dreg:$0x5] =	wrdreg s21  }
0x9: {  	s24 =	sor.u32 $0x300000, s3;
	s22 =	sadd.s32 s4, s10;
	[dreg:$0x6] =	wrdreg s9  }
0xa: {  	s12 =	sor.u32 $0x100800, s3;
	s25 =	sadd.s32 s0, s24;
	[dreg:$0x7] =	wrdreg s22  }
0xb: {  	s15 =	sor.u32 $0x200800, s3;
	s13 =	sadd.s32 s0, s12;
	[dreg:$0x9] =	wrdreg s25  }
0xc: {  	s17 =	sor.u32 $0x1000, s3;
	s16 =	sadd.s32 s0, s15;
	[dreg:$0xd] =	wrdreg s13  }
0xd: {  	s18 =	sadd.s32 s4, s17;
	[dreg:$0xf] =	wrdreg s16  }
0xe: {  	s6 =	sadd.s32 $0x100C00, s1;
	[dreg:$0x10] =	wrdreg s18  }
0xf: {  	s23 =	sadd.s32 s6, s3;
	s1 =	rddreg [dreg:$0x3]  }
0x10: {  	s26 =	sadd.s32 s6, s7;
	[dreg:$0x8] =	wrdreg s23  }
0x11: {  	s7 =	sadd.s32 s0, s10;
	[dreg:$0xa] =	wrdreg s26  }
0x12: {  	s11 =	sadd.s32 s6, s8;
	[dreg:$0xb] =	wrdreg s7  }
0x13: {  	s14 =	sadd.s32 s6, s24;
	[dreg:$0xc] =	wrdreg s11  }
0x14: {  	s20 =	sor.u32 $0x300800, s3;
	s19 =	sadd.s32 s6, s10;
	[dreg:$0xe] =	wrdreg s14  }
0x15: {  	s21 =	sadd.s32 s0, s20;
	[dreg:$0x11] =	wrdreg s19  }
0x16: {  	s22 =	sadd.s32 s6, s12;
	[dreg:$0x12] =	wrdreg s21  }
0x17: {  	s24 =	sadd.s32 s6, s15;
	[dreg:$0x13] =	wrdreg s22  }
0x18: {  	s8 =	sadd.s32 s6, s20;
	[dreg:$0x15] =	wrdreg s24  }
0x19: {  	s25 =	sor.u32 $0x101000, s3;
	s23 =	sadd.s32 s0, s17;
	[dreg:$0x17] =	wrdreg s8  }
0x1a: {  	s10 =	sor.u32 $0x201000, s3;
	s26 =	sadd.s32 s0, s25;
	[dreg:$0x14] =	wrdreg s23  }
0x1b: {  	s12 =	sor.u32 $0x1800, s3;
	s11 =	sadd.s32 s0, s10;
	[dreg:$0x16] =	wrdreg s26  }
0x1c: {  	s13 =	sadd.s32 s4, s12;
	[dreg:$0x18] =	wrdreg s11  }
0x1d: {  	s15 =	sor.u32 $0x301000, s3;
	s14 =	sadd.s32 s6, s17;
	[dreg:$0x19] =	wrdreg s13  }
0x1e: {  	s16 =	sadd.s32 s0, s15;
	[dreg:$0x1a] =	wrdreg s14  }
0x1f: {  	s17 =	sadd.s32 s6, s25;
	[dreg:$0x1b] =	wrdreg s16  }
0x20: {  	s18 =	sadd.s32 s0, s12;
	[dreg:$0x1c] =	wrdreg s17  }
0x21: {  	s20 =	sor.u32 $0x101800, s3;
	s19 =	sadd.s32 s6, s10;
	[dreg:$0x1d] =	wrdreg s18  }
0x22: {  	s21 =	sadd.s32 s0, s20;
	[dreg:$0x1e] =	wrdreg s19  }
0x23: {  	s22 =	sadd.s32 s6, s15;
	[dreg:$0x1f] =	wrdreg s21  }
0x24: {  	s25 =	sor.u32 $0x2000, s3;
	s10 =	sadd.s32 s6, s12;
	[smem:$0x798] =	sst s22  }
0x25: {  	s26 =	sadd.s32 s4, s25;
	[smem:$0x79B] =	sst s10  }
0x26: {  	s13 =	sadd.s32 s6, s20;
	[smem:$0x79A] =	sst s26  }
0x27: {  	s23 =	sor.u32 $0x201800, s3;
	s14 =	sadd.s32 s0, s25;
	[smem:$0x79D] =	sst s13  }
0x28: {  	s11 =	sor.u32 $0x301800, s3;
	s24 =	sadd.s32 s0, s23;
	[smem:$0x79E] =	sst s14  }
0x29: {  	s12 =	sadd.s32 s0, s11;
	[smem:$0x799] =	sst s24  }
0x2a: {  	s16 =	sor.u32 $0x102000, s3;
	s15 =	sadd.s32 s6, s23;
	[smem:$0x79C] =	sst s12  }
0x2b: {  	s17 =	sadd.s32 s0, s16;
	[smem:$0x79F] =	sst s15  }
0x2c: {  	s19 =	sor.u32 $0x202000, s3;
	s18 =	sadd.s32 s6, s11;
	[smem:$0x7A0] =	sst s17  }
0x2d: {  	s21 =	sor.u32 $0x2800, s3;
	s20 =	sadd.s32 s0, s19;
	[smem:$0x7A1] =	sst s18  }
0x2e: {  	s22 =	sadd.s32 s4, s21;
	[smem:$0x7A2] =	sst s20  }
0x2f: {  	s23 =	sadd.s32 s6, s25;
	[smem:$0x7A3] =	sst s22  }
0x30: {  	s26 =	sadd.s32 s6, s16;
	[smem:$0x7A4] =	sst s23  }
0x31: {  	s7 =	sadd.s32 s0, s21;
	[smem:$0x7A6] =	sst s26  }
0x32: {  	s11 =	sadd.s32 s6, s19;
	[smem:$0x7A7] =	sst s7  }
0x33: {  	s10 =	sor.u32 $0x203000, s3;
	s19 =	sadd.s32 s6, s21;
	[smem:$0x7A8] =	sst s11  }
0x34: {  	[smem:$0x7AD] =	sst s19;
	s11 =	sadd.s32 s0, s10  }
0x35: {  	s24 =	sor.u32 $0x302000, s3;
	s19 =	sadd.s32 s6, s10;
	[smem:$0x7B4] =	sst s11  }
0x36: {  	s12 =	sor.u32 $0x102800, s3;
	s25 =	sadd.s32 s0, s24;
	[smem:$0x7BA] =	sst s19  }
0x37: {  	s13 =	sadd.s32 s0, s12;
	[smem:$0x7A5] =	sst s25  }
0x38: {  	s15 =	sor.u32 $0x202800, s3;
	s14 =	sadd.s32 s6, s24;
	[smem:$0x7A9] =	sst s13  }
0x39: {  	s17 =	sor.u32 $0x3000, s3;
	s16 =	sadd.s32 s0, s15;
	[smem:$0x7AA] =	sst s14  }
0x3a: {  	s20 =	sor.u32 $0x302800, s3;
	s18 =	sadd.s32 s4, s17;
	[smem:$0x7AB] =	sst s16  }
0x3b: {  	s21 =	sadd.s32 s0, s20;
	[smem:$0x7AC] =	sst s18  }
0x3c: {  	s22 =	sadd.s32 s6, s12;
	[smem:$0x7AE] =	sst s21  }
0x3d: {  	s23 =	sadd.s32 s0, s17;
	[smem:$0x7AF] =	sst s22  }
0x3e: {  	s24 =	sadd.s32 s6, s15;
	[smem:$0x7B0] =	sst s23  }
0x3f: {  	s8 =	sadd.s32 s6, s20;
	s12 =	sor.u32 $0x3800, s3;
	[smem:$0x7B1] =	sst s24  }
0x40: {  	[smem:$0x7B3] =	sst s8;
	s13 =	sadd.s32 s4, s12  }
0x41: {  	s15 =	sor.u32 $0x303000, s3;
	s14 =	sadd.s32 s6, s17;
	[smem:$0x7B5] =	sst s13  }
0x42: {  	s16 =	sadd.s32 s0, s15;
	[smem:$0x7B6] =	sst s14  }
0x43: {  	s20 =	sor.u32 $0x103800, s3;
	s18 =	sadd.s32 s0, s12;
	[smem:$0x7B7] =	sst s16  }
0x44: {  	s21 =	sadd.s32 s0, s20;
	[smem:$0x7B9] =	sst s18  }
0x45: {  	s22 =	sadd.s32 s6, s15;
	[smem:$0x7BB] =	sst s21  }
0x46: {  	s11 =	sor.u32 $0x303800, s3;
	s10 =	sadd.s32 s6, s12;
	[smem:$0x7BC] =	sst s22  }
0x47: {  	s25 =	sor.u32 $0x103000, s3;
	s12 =	sadd.s32 s0, s11;
	[smem:$0x7BF] =	sst s10  }
0x48: {  	s26 =	sadd.s32 s0, s25;
	[smem:$0x7C0] =	sst s12  }
0x49: {  	s23 =	sor.u32 $0x203800, s3;
	s17 =	sadd.s32 s6, s25;
	[smem:$0x7B2] =	sst s26  }
0x4a: {  	s24 =	sadd.s32 s0, s23;
	[smem:$0x7B8] =	sst s17  }
0x4b: {  	s13 =	sadd.s32 s6, s20;
	[smem:$0x7BD] =	sst s24  }
0x4c: {  	s15 =	sadd.s32 s6, s23;
	[smem:$0x7C1] =	sst s13  }
0x4d: {  	s19 =	sor.u32 $0x204000, s3;
	s18 =	sadd.s32 s6, s11;
	[smem:$0x7C3] =	sst s15  }
0x4e: {  	s20 =	sadd.s32 s0, s19;
	[smem:$0x7C5] =	sst s18  }
0x4f: {  	s25 =	sor.u32 $0x4000, s3;
	s11 =	sadd.s32 s6, s19;
	[smem:$0x7C6] =	sst s20  }
0x50: {  	s26 =	sadd.s32 s4, s25;
	[smem:$0x7CC] =	sst s11  }
0x51: {  	s16 =	sor.u32 $0x104000, s3;
	s14 =	sadd.s32 s0, s25;
	[smem:$0x7BE] =	sst s26  }
0x52: {  	s21 =	sor.u32 $0x4800, s3;
	s17 =	sadd.s32 s0, s16;
	[smem:$0x7C2] =	sst s14  }
0x53: {  	s22 =	sadd.s32 s4, s21;
	[smem:$0x7C4] =	sst s17  }
0x54: {  	s23 =	sadd.s32 s6, s25;
	[smem:$0x7C7] =	sst s22  }
0x55: {  	s12 =	sor.u32 $0x104800, s3;
	s7 =	sadd.s32 s0, s21;
	[smem:$0x7C8] =	sst s23  }
0x56: {  	s13 =	sadd.s32 s0, s12;
	[smem:$0x7CB] =	sst s7  }
0x57: {  	s10 =	sor.u32 $0x205000, s3;
	s19 =	sadd.s32 s6, s21;
	[smem:$0x7CD] =	sst s13  }
0x58: {  	s24 =	sor.u32 $0x304000, s3;
	s11 =	sadd.s32 s0, s10;
	[smem:$0x7D1] =	sst s19  }
0x59: {  	s25 =	sadd.s32 s0, s24;
	[smem:$0x7D8] =	sst s11  }
0x5a: {  	s26 =	sadd.s32 s6, s16;
	[smem:$0x7C9] =	sst s25  }
0x5b: {  	s15 =	sor.u32 $0x204800, s3;
	s14 =	sadd.s32 s6, s24;
	[smem:$0x7CA] =	sst s26  }
0x5c: {  	s20 =	sor.u32 $0x304800, s3;
	s16 =	sadd.s32 s0, s15;
	[smem:$0x7CE] =	sst s14  }
0x5d: {  	s21 =	sadd.s32 s0, s20;
	[smem:$0x7CF] =	sst s16  }
0x5e: {  	s22 =	sadd.s32 s6, s12;
	[smem:$0x7D2] =	sst s21  }
0x5f: {  	s24 =	sadd.s32 s6, s15;
	[smem:$0x7D3] =	sst s22  }
0x60: {  	s8 =	sadd.s32 s6, s20;
	[smem:$0x7D5] =	sst s24  }
0x61: {  	s17 =	sor.u32 $0x5000, s3;
	s19 =	sadd.s32 s6, s10;
	[smem:$0x7D7] =	sst s8  }
0x62: {  	s18 =	sadd.s32 s4, s17;
	[smem:$0x7DE] =	sst s19  }
0x63: {  	s12 =	sor.u32 $0x5800, s3;
	s23 =	sadd.s32 s0, s17;
	[smem:$0x7D0] =	sst s18  }
0x64: {  	s13 =	sadd.s32 s4, s12;
	[smem:$0x7D4] =	sst s23  }
0x65: {  	s15 =	sor.u32 $0x305000, s3;
	s14 =	sadd.s32 s6, s17;
	[smem:$0x7D9] =	sst s13  }
0x66: {  	s20 =	sor.u32 $0x105800, s3;
	s16 =	sadd.s32 s0, s15;
	[smem:$0x7DA] =	sst s14  }
0x67: {  	s21 =	sadd.s32 s0, s20;
	[smem:$0x7DB] =	sst s16  }
0x68: {  	s22 =	sadd.s32 s6, s15;
	[smem:$0x7DF] =	sst s21  }
0x69: {  	s25 =	sor.u32 $0x105000, s3;
	s10 =	sadd.s32 s6, s12;
	[smem:$0x7E0] =	sst s22  }
0x6a: {  	s26 =	sadd.s32 s0, s25;
	[smem:$0x7E3] =	sst s10  }
0x6b: {  	s17 =	sadd.s32 s6, s25;
	[smem:$0x7D6] =	sst s26  }
0x6c: {  	s11 =	sor.u32 $0x305800, s3;
	s18 =	sadd.s32 s0, s12;
	[smem:$0x7DC] =	sst s17  }
0x6d: {  	s12 =	sadd.s32 s0, s11;
	[smem:$0x7DD] =	sst s18  }
0x6e: {  	s19 =	sor.u32 $0x206000, s3;
	s13 =	sadd.s32 s6, s20;
	[smem:$0x7E4] =	sst s12  }
0x6f: {  	s31 =	simm.s32 $0x10000;
	s20 =	sadd.s32 s0, s19;
	[smem:$0x7E5] =	sst s13  }
0x70: {  	s23 =	sor.u32 $0x205800, s3;
	s8 =	sadd.s32 s6, s19;
	[smem:$0x7EA] =	sst s20  }
0x71: {  	s25 =	sor.u32 $0x6000, s3;
	s24 =	sadd.s32 s0, s23;
	[smem:$0x7F0] =	sst s8  }
0x72: {  	s30 =	simm.s32 $0x14000;
	s26 =	sadd.s32 s4, s25;
	[smem:$0x7E1] =	sst s24  }
0x73: {  	s29 =	simm.s32 $0x5;
	s14 =	sadd.s32 s0, s25;
	[smem:$0x7E2] =	sst s26  }
0x74: {  	s16 =	sor.u32 $0x106000, s3;
	s15 =	sadd.s32 s6, s23;
	[smem:$0x7E6] =	sst s14  }
0x75: {  	p0 =	por $0x0, $0x0;
	s17 =	sadd.s32 s0, s16;
	[smem:$0x7E7] =	sst s15  }
0x76: {  	s21 =	sor.u32 $0x6800, s3;
	s18 =	sadd.s32 s6, s11;
	[smem:$0x7E8] =	sst s17  }
0x77: {  	s28 =	simm.s32 $0x6;
	s22 =	sadd.s32 s4, s21;
	[smem:$0x7E9] =	sst s18  }
0x78: {  	s5 =	ssub.s32 $0x2, s5;
	s23 =	sadd.s32 s6, s25;
	[smem:$0x7EB] =	sst s22  }
0x79: {  	s19 =	sor.u32 $0x306800, s3;
	s7 =	sadd.s32 s0, s21;
	[smem:$0x7EC] =	sst s23  }
0x7a: {  	s9 =	simm.s32 $0xC000;
	s20 =	sadd.s32 s0, s19;
	[smem:$0x7EF] =	sst s7  }
0x7b: {  	s10 =	sor.u32 $0x207000, s3;
	s8 =	sadd.s32 s6, s19;
	[smem:$0x7F6] =	sst s20  }
0x7c: {  	s11 =	sor.u32 $0x106800, s3;
	s26 =	sadd.s32 s6, s16;
	[smem:$0x7FB] =	sst s8  }
0x7d: {  	s24 =	sor.u32 $0x306000, s3;
	s12 =	sadd.s32 s0, s11;
	[smem:$0x7EE] =	sst s26  }
0x7e: {  	s14 =	sor.u32 $0x206800, s3;
	s18 =	sadd.s32 s6, s21;
	[smem:$0x7F1] =	sst s12  }
0x7f: {  	s16 =	sor.u32 $0x7000, s3;
	s21 =	sadd.s32 s6, s11;
	[smem:$0x7F5] =	sst s18  }
0x80: {  	s11 =	sshrl.u32 s5, $0x1;
	s25 =	sadd.s32 s0, s24;
	[smem:$0x7F7] =	sst s21  }
0x81: {  	s8 =	simm.s32 $0x8000;
	s13 =	sadd.s32 s6, s24;
	[smem:$0x7ED] =	sst s25  }
0x82: {  	s7 =	simm.s32 $0xA;
	s15 =	sadd.s32 s0, s14;
	[smem:$0x7F2] =	sst s13  }
0x83: {  	s17 =	sadd.s32 s4, s16;
	s22 =	sadd.s32 s0, s16;
	[smem:$0x7F3] =	sst s15  }
0x84: {  	s23 =	sadd.s32 s6, s14;
	s24 =	sor.u32 $0x107000, s3;
	[smem:$0x7F4] =	sst s17  }
0x85: {  	s12 =	sadd.s32 s0, s10;
	s21 =	sadd.s32 s6, s10;
	[smem:$0x7F8] =	sst s22  }
0x86: {  	s10 =	simm.s32 $0x9;
	[smem:$0x7F9] =	sst s23;
	s26 =	sadd.s32 s0, s24  }
0x87: {  	s13 =	sor.u32 $0x7800, s3;
	[smem:$0x7FC] =	sst s12;
	s12 =	ssub.s32 s5, s11  }
0x88: {  	s15 =	sor.u32 $0x307000, s3;
	s24 =	sadd.s32 s6, s24;
	s17 =	sor.u32 $0x207800, s3  }
0x89: {  	s22 =	simm.s32 $0x1;
	[smem:$0x7FA] =	sst s26;
	s14 =	sadd.s32 s4, s13  }
0x8a: {  	s26 =	sadd.s32 s6, s16;
	s25 =	sadd.s32 s0, s15;
	s23 =	sadd.s32 s0, s13  }
0x8b: {  	s16 =	sor.u32 $0x107800, s3;
	s18 =	sadd.s32 s6, s15;
	s19 =	smax.u32 s12, $0x1  }
0x8c: {  	s15 =	sadd.s32 s0, s17;
	s13 =	sadd.s32 s6, s13;
	p1 =	sne.s32 s19, $0x1  }
.Ltmp0:
0x8d: {  	s3 =	sor.u32 $0x307800, s3;
	s4 =	sadd.s32 s6, s17;
	(pc) =	sbr.rel @!p1 .LBB2_5-.Ltmp0, $4  }
0x8e: {  	s17 =	simm.s32 $0x2;
	s12 =	simm.s32 $0x8;
	[smem:$0x7FD] =	sst s14  }
0x8f: {  	s20 =	sadd.s32 s0, s16;
	s11 =	sadd.s32 s0, s3;
	s5 =	sadd.s32 s6, s16  }
0x90: {  	s3 =	sadd.s32 s6, s3;
	s14 =	simm.s32 $0x4000;
	s6 =	simm.s32 $0x7  }
0x91: {  	s0 =	sadd.s32 $0xFFFFFFFF, s19;
	s19 =	simm.s32 $0x3;
	s16 =	simm.s32 $0x4  }
0x92: {  	[smem:$0x796] =	sst s0  }
0x93: {  	[tilespmem:s31], [sflag:$0x5] =	stream.linear.gather [hbm4b:s1+s2], $0x4000, $0x38;
	[tilespmem:$0x18000] =	vst v63  }
0x94: {  	s0 =	rddreg [dreg:$0x4]  }
0x95: {  	[tilespmem:s2], [sflag:$0x1] =	stream.linear.gather [hbm4b:s0+s2], $0x4000, $0x38;
	[tilespmem:$0x18000] =	vst v63  }
0x96: {  	s1 =	rddreg [dreg:$0x5]  }
0x97: {  	[tilespmem:s14], [sflag:$0x2] =	stream.linear.gather [hbm4b:s1+s2], $0x4000, $0x38;
	[tilespmem:$0x18000] =	vst v63  }
0x98: {  	s0 =	rddreg [dreg:$0x6]  }
0x99: {  	[tilespmem:s8], [sflag:$0x3] =	stream.linear.gather [hbm4b:s0+s2], $0x4000, $0x38;
	[tilespmem:$0x18000] =	vst v63  }
0x9a: {  	s1 =	rddreg [dreg:$0x7]  }
0x9b: {  	[tilespmem:s30], [sflag:$0x6] =	stream.linear.gather [hbm4b:s1+s2], $0x4000, $0x38;
	[tilespmem:$0x18000] =	vst v63  }
0x9c: {  	_ =	swait.ge [sflag:s29], $0x4000  }
0x9d: {  	[sflag:s29] =	ssyncset.done $0x0  }
0x9e: {  	[sflag:s29] =	ssyncadd.s32 $0xFFFFC000  }
0x9f: {  	_ =	swait.ge [sflag:s22], $0x4000  }
0xa0: {  	[sflag:s22] =	ssyncset.done $0x0  }
0xa1: {  	s0 =	rddreg [dreg:$0x8];
	[sflag:s22] =	ssyncadd.s32 $0xFFFFC000  }
0xa2: {  	[hbm4b:s0+s2] =	stream.linear.scatter [tilespmem:s2], [sflag:$0x7], $0x4000, $0x38;
	[tilespmem:$0x18000] =	vst v63  }
0xa3: {  	s1 =	rddreg [dreg:$0x9]  }
0xa4: {  	[tilespmem:s9], [sflag:$0x4] =	stream.linear.gather [hbm4b:s1+s2], $0x4000, $0x38;
	[tilespmem:$0x18000] =	vst v63  }
0xa5: {  	_ =	swait.ge [sflag:s17], $0x4000  }
0xa6: {  	[sflag:s17] =	ssyncset.done $0x0  }
0xa7: {  	s1 =	rddreg [dreg:$0xa];
	[sflag:s17] =	ssyncadd.s32 $0xFFFFC000  }
0xa8: {  	[hbm4b:s1+s2] =	stream.linear.scatter [tilespmem:s14], [sflag:$0x8], $0x4000, $0x38;
	[tilespmem:$0x18000] =	vst v63  }
0xa9: {  	_ =	swait.ge [sflag:s6], $0x4000  }
0xaa: {  	[sflag:s6] =	ssyncset.done $0x0  }
0xab: {  	s1 =	rddreg [dreg:$0xb];
	[sflag:s6] =	ssyncadd.s32 $0xFFFFC000  }
0xac: {  	[tilespmem:s2], [sflag:$0x1] =	stream.linear.gather [hbm4b:s1+s2], $0x4000, $0x38;
	[tilespmem:$0x18000] =	vst v63  }
0xad: {  	_ =	swait.ge [sflag:s19], $0x4000  }
0xae: {  	[sflag:s19] =	ssyncset.done $0x0  }
0xaf: {  	s1 =	rddreg [dreg:$0xc];
	[sflag:s19] =	ssyncadd.s32 $0xFFFFC000  }
0xb0: {  	[hbm4b:s1+s2] =	stream.linear.scatter [tilespmem:s8], [sflag:$0x9], $0x4000, $0x38;
	[tilespmem:$0x18000] =	vst v63  }
0xb1: {  	_ =	swait.ge [sflag:s12], $0x4000  }
0xb2: {  	[sflag:s12] =	ssyncset.done $0x0  }
0xb3: {  	s1 =	rddreg [dreg:$0xd];
	[sflag:s12] =	ssyncadd.s32 $0xFFFFC000  }
0xb4: {  	[tilespmem:s14], [sflag:$0x2] =	stream.linear.gather [hbm4b:s1+s2], $0x4000, $0x38;
	[tilespmem:$0x18000] =	vst v63  }
0xb5: {  	_ =	swait.ge [sflag:s16], $0x4000  }
0xb6: {  	[sflag:s16] =	ssyncset.done $0x0  }
0xb7: {  	s1 =	rddreg [dreg:$0xe];
	[sflag:s16] =	ssyncadd.s32 $0xFFFFC000  }
0xb8: {  	[hbm4b:s1+s2] =	stream.linear.scatter [tilespmem:s9], [sflag:$0xA], $0x4000, $0x38;
	[tilespmem:$0x18000] =	vst v63  }
0xb9: {  	_ =	swait.ge [sflag:s10], $0x4000  }
0xba: {  	[sflag:s10] =	ssyncset.done $0x0  }
0xbb: {  	s0 =	rddreg [dreg:$0xf];
	[sflag:s10] =	ssyncadd.s32 $0xFFFFC000  }
0xbc: {  	[tilespmem:s8], [sflag:$0x3] =	stream.linear.gather [hbm4b:s0+s2], $0x4000, $0x38;
	[tilespmem:$0x18000] =	vst v63  }
0xbd: {  	s1 =	rddreg [dreg:$0x10]  }
0xbe: {  	[tilespmem:s31], [sflag:$0x5] =	stream.linear.gather [hbm4b:s1+s2], $0x4000, $0x38;
	[tilespmem:$0x18000] =	vst v63  }
0xbf: {  	_ =	swait.ge [sflag:s28], $0x4000  }
0xc0: {  	[sflag:s28] =	ssyncset.done $0x0  }
0xc1: {  	[sflag:s28] =	ssyncadd.s32 $0xFFFFC000  }
0xc2: {  	_ =	swait.ge [sflag:s22], $0x4000  }
0xc3: {  	[sflag:s22] =	ssyncset.done $0x0  }
0xc4: {  	s1 =	rddreg [dreg:$0x11];
	[sflag:s22] =	ssyncadd.s32 $0xFFFFC000  }
0xc5: {  	[hbm4b:s1+s2] =	stream.linear.scatter [tilespmem:s2], [sflag:$0x7], $0x4000, $0x38;
	[tilespmem:$0x18000] =	vst v63  }
0xc6: {  	_ =	swait.ge [sflag:s7], $0x4000  }
0xc7: {  	[sflag:s7] =	ssyncset.done $0x0  }
0xc8: {  	s1 =	rddreg [dreg:$0x12];
	[sflag:s7] =	ssyncadd.s32 $0xFFFFC000  }
0xc9: {  	[tilespmem:s9], [sflag:$0x4] =	stream.linear.gather [hbm4b:s1+s2], $0x4000, $0x38;
	[tilespmem:$0x18000] =	vst v63  }
0xca: {  	_ =	swait.ge [sflag:s17], $0x4000  }
0xcb: {  	[sflag:s17] =	ssyncset.done $0x0  }
0xcc: {  	s1 =	rddreg [dreg:$0x13];
	[sflag:s17] =	ssyncadd.s32 $0xFFFFC000  }
0xcd: {  	[hbm4b:s1+s2] =	stream.linear.scatter [tilespmem:s14], [sflag:$0x8], $0x4000, $0x38;
	[tilespmem:$0x18000] =	vst v63  }
0xce: {  	_ =	swait.ge [sflag:s6], $0x4000  }
0xcf: {  	[sflag:s6] =	ssyncset.done $0x0  }
0xd0: {  	s1 =	rddreg [dreg:$0x14];
	[sflag:s6] =	ssyncadd.s32 $0xFFFFC000  }
0xd1: {  	[tilespmem:s2], [sflag:$0x1] =	stream.linear.gather [hbm4b:s1+s2], $0x4000, $0x38;
	[tilespmem:$0x18000] =	vst v63  }
0xd2: {  	_ =	swait.ge [sflag:s19], $0x4000  }
0xd3: {  	[sflag:s19] =	ssyncset.done $0x0  }
0xd4: {  	s1 =	rddreg [dreg:$0x15];
	[sflag:s19] =	ssyncadd.s32 $0xFFFFC000  }
0xd5: {  	[hbm4b:s1+s2] =	stream.linear.scatter [tilespmem:s8], [sflag:$0x9], $0x4000, $0x38;
	[tilespmem:$0x18000] =	vst v63  }
0xd6: {  	_ =	swait.ge [sflag:s12], $0x4000  }
0xd7: {  	[sflag:s12] =	ssyncset.done $0x0  }
0xd8: {  	s1 =	rddreg [dreg:$0x16];
	[sflag:s12] =	ssyncadd.s32 $0xFFFFC000  }
0xd9: {  	[tilespmem:s14], [sflag:$0x2] =	stream.linear.gather [hbm4b:s1+s2], $0x4000, $0x38;
	[tilespmem:$0x18000] =	vst v63  }
0xda: {  	_ =	swait.ge [sflag:s16], $0x4000  }
0xdb: {  	[sflag:s16] =	ssyncset.done $0x0  }
0xdc: {  	s1 =	rddreg [dreg:$0x17];
	[sflag:s16] =	ssyncadd.s32 $0xFFFFC000  }
0xdd: {  	[hbm4b:s1+s2] =	stream.linear.scatter [tilespmem:s9], [sflag:$0xA], $0x4000, $0x38;
	[tilespmem:$0x18000] =	vst v63  }
0xde: {  	_ =	swait.ge [sflag:s10], $0x4000  }
0xdf: {  	[sflag:s10] =	ssyncset.done $0x0  }
0xe0: {  	s0 =	rddreg [dreg:$0x18];
	[sflag:s10] =	ssyncadd.s32 $0xFFFFC000  }
0xe1: {  	[tilespmem:s8], [sflag:$0x3] =	stream.linear.gather [hbm4b:s0+s2], $0x4000, $0x38;
	[tilespmem:$0x18000] =	vst v63  }
0xe2: {  	s1 =	rddreg [dreg:$0x19]  }
0xe3: {  	[tilespmem:s30], [sflag:$0x6] =	stream.linear.gather [hbm4b:s1+s2], $0x4000, $0x38;
	[tilespmem:$0x18000] =	vst v63  }
0xe4: {  	_ =	swait.ge [sflag:s29], $0x4000  }
0xe5: {  	[sflag:s29] =	ssyncset.done $0x0  }
0xe6: {  	[sflag:s29] =	ssyncadd.s32 $0xFFFFC000  }
0xe7: {  	_ =	swait.ge [sflag:s22], $0x4000  }
0xe8: {  	[sflag:s22] =	ssyncset.done $0x0  }
0xe9: {  	s1 =	rddreg [dreg:$0x1a];
	[sflag:s22] =	ssyncadd.s32 $0xFFFFC000  }
0xea: {  	[hbm4b:s1+s2] =	stream.linear.scatter [tilespmem:s2], [sflag:$0x7], $0x4000, $0x38;
	[tilespmem:$0x18000] =	vst v63  }
0xeb: {  	_ =	swait.ge [sflag:s7], $0x4000  }
0xec: {  	[sflag:s7] =	ssyncset.done $0x0  }
0xed: {  	s1 =	rddreg [dreg:$0x1b];
	[sflag:s7] =	ssyncadd.s32 $0xFFFFC000  }
0xee: {  	[tilespmem:s9], [sflag:$0x4] =	stream.linear.gather [hbm4b:s1+s2], $0x4000, $0x38;
	[tilespmem:$0x18000] =	vst v63  }
0xef: {  	_ =	swait.ge [sflag:s17], $0x4000  }
0xf0: {  	[sflag:s17] =	ssyncset.done $0x0  }
0xf1: {  	s1 =	rddreg [dreg:$0x1c];
	[sflag:s17] =	ssyncadd.s32 $0xFFFFC000  }
0xf2: {  	[hbm4b:s1+s2] =	stream.linear.scatter [tilespmem:s14], [sflag:$0x8], $0x4000, $0x38;
	[tilespmem:$0x18000] =	vst v63  }
0xf3: {  	_ =	swait.ge [sflag:s6], $0x4000  }
0xf4: {  	[sflag:s6] =	ssyncset.done $0x0  }
0xf5: {  	s1 =	rddreg [dreg:$0x1d];
	[sflag:s6] =	ssyncadd.s32 $0xFFFFC000  }
0xf6: {  	[tilespmem:s2], [sflag:$0x1] =	stream.linear.gather [hbm4b:s1+s2], $0x4000, $0x38;
	[tilespmem:$0x18000] =	vst v63  }
0xf7: {  	_ =	swait.ge [sflag:s19], $0x4000  }
0xf8: {  	[sflag:s19] =	ssyncset.done $0x0  }
0xf9: {  	s1 =	rddreg [dreg:$0x1e];
	[sflag:s19] =	ssyncadd.s32 $0xFFFFC000  }
0xfa: {  	[hbm4b:s1+s2] =	stream.linear.scatter [tilespmem:s8], [sflag:$0x9], $0x4000, $0x38;
	[tilespmem:$0x18000] =	vst v63  }
0xfb: {  	_ =	swait.ge [sflag:s12], $0x4000  }
0xfc: {  	[sflag:s12] =	ssyncset.done $0x0  }
0xfd: {  	s1 =	rddreg [dreg:$0x1f];
	[sflag:s12] =	ssyncadd.s32 $0xFFFFC000  }
0xfe: {  	[tilespmem:s14], [sflag:$0x2] =	stream.linear.gather [hbm4b:s1+s2], $0x4000, $0x38;
	[tilespmem:$0x18000] =	vst v63  }
0xff: {  	_ =	swait.ge [sflag:s16], $0x4000  }
0x100: {  	s1 =	sld [smem:$0x798]  }
0x101: {  	[sflag:s16] =	ssyncset.done $0x0  }
0x102: {  	[sflag:s16] =	ssyncadd.s32 $0xFFFFC000  }
0x103: {  	[hbm4b:s1+s2] =	stream.linear.scatter [tilespmem:s9], [sflag:$0xA], $0x4000, $0x38;
	[tilespmem:$0x18000] =	vst v63  }
0x104: {  	_ =	swait.ge [sflag:s10], $0x4000  }
0x105: {  	s0 =	sld [smem:$0x799]  }
0x106: {  	[sflag:s10] =	ssyncset.done $0x0  }
0x107: {  	s1 =	sld [smem:$0x79A];
	[sflag:s10] =	ssyncadd.s32 $0xFFFFC000  }
0x108: {  	[tilespmem:s8], [sflag:$0x3] =	stream.linear.gather [hbm4b:s0+s2], $0x4000, $0x38;
	[tilespmem:$0x18000] =	vst v63  }
0x109: {  	_ = 	snop  }
0x10a: {  	[tilespmem:s31], [sflag:$0x5] =	stream.linear.gather [hbm4b:s1+s2], $0x4000, $0x38;
	[tilespmem:$0x18000] =	vst v63  }
0x10b: {  	_ =	swait.ge [sflag:s28], $0x4000  }
0x10c: {  	[sflag:s28] =	ssyncset.done $0x0  }
0x10d: {  	[sflag:s28] =	ssyncadd.s32 $0xFFFFC000  }
0x10e: {  	_ =	swait.ge [sflag:s22], $0x4000  }
0x10f: {  	s1 =	sld [smem:$0x79B]  }
0x110: {  	[sflag:s22] =	ssyncset.done $0x0  }
0x111: {  	[sflag:s22] =	ssyncadd.s32 $0xFFFFC000  }
0x112: {  	[hbm4b:s1+s2] =	stream.linear.scatter [tilespmem:s2], [sflag:$0x7], $0x4000, $0x38;
	[tilespmem:$0x18000] =	vst v63  }
0x113: {  	_ =	swait.ge [sflag:s7], $0x4000  }
0x114: {  	s1 =	sld [smem:$0x79C]  }
0x115: {  	[sflag:s7] =	ssyncset.done $0x0  }
0x116: {  	[sflag:s7] =	ssyncadd.s32 $0xFFFFC000  }
0x117: {  	[tilespmem:s9], [sflag:$0x4] =	stream.linear.gather [hbm4b:s1+s2], $0x4000, $0x38;
	[tilespmem:$0x18000] =	vst v63  }
0x118: {  	_ =	swait.ge [sflag:s17], $0x4000  }
0x119: {  	s1 =	sld [smem:$0x79D]  }
0x11a: {  	[sflag:s17] =	ssyncset.done $0x0  }
0x11b: {  	[sflag:s17] =	ssyncadd.s32 $0xFFFFC000  }
0x11c: {  	[hbm4b:s1+s2] =	stream.linear.scatter [tilespmem:s14], [sflag:$0x8], $0x4000, $0x38;
	[tilespmem:$0x18000] =	vst v63  }
0x11d: {  	_ =	swait.ge [sflag:s6], $0x4000  }
0x11e: {  	s1 =	sld [smem:$0x79E]  }
0x11f: {  	[sflag:s6] =	ssyncset.done $0x0  }
0x120: {  	[sflag:s6] =	ssyncadd.s32 $0xFFFFC000  }
0x121: {  	[tilespmem:s2], [sflag:$0x1] =	stream.linear.gather [hbm4b:s1+s2], $0x4000, $0x38;
	[tilespmem:$0x18000] =	vst v63  }
0x122: {  	_ =	swait.ge [sflag:s19], $0x4000  }
0x123: {  	s1 =	sld [smem:$0x79F]  }
0x124: {  	[sflag:s19] =	ssyncset.done $0x0  }
0x125: {  	[sflag:s19] =	ssyncadd.s32 $0xFFFFC000  }
0x126: {  	[hbm4b:s1+s2] =	stream.linear.scatter [tilespmem:s8], [sflag:$0x9], $0x4000, $0x38;
	[tilespmem:$0x18000] =	vst v63  }
0x127: {  	_ =	swait.ge [sflag:s12], $0x4000  }
0x128: {  	s1 =	sld [smem:$0x7A0]  }
0x129: {  	[sflag:s12] =	ssyncset.done $0x0  }
0x12a: {  	[sflag:s12] =	ssyncadd.s32 $0xFFFFC000  }
0x12b: {  	[tilespmem:s14], [sflag:$0x2] =	stream.linear.gather [hbm4b:s1+s2], $0x4000, $0x38;
	[tilespmem:$0x18000] =	vst v63  }
0x12c: {  	_ =	swait.ge [sflag:s16], $0x4000  }
0x12d: {  	s1 =	sld [smem:$0x7A1]  }
0x12e: {  	[sflag:s16] =	ssyncset.done $0x0  }
0x12f: {  	[sflag:s16] =	ssyncadd.s32 $0xFFFFC000  }
0x130: {  	[hbm4b:s1+s2] =	stream.linear.scatter [tilespmem:s9], [sflag:$0xA], $0x4000, $0x38;
	[tilespmem:$0x18000] =	vst v63  }
0x131: {  	_ =	swait.ge [sflag:s10], $0x4000  }
0x132: {  	s0 =	sld [smem:$0x7A2]  }
0x133: {  	[sflag:s10] =	ssyncset.done $0x0  }
0x134: {  	s1 =	sld [smem:$0x7A3];
	[sflag:s10] =	ssyncadd.s32 $0xFFFFC000  }
0x135: {  	[tilespmem:s8], [sflag:$0x3] =	stream.linear.gather [hbm4b:s0+s2], $0x4000, $0x38;
	[tilespmem:$0x18000] =	vst v63  }
0x136: {  	_ = 	snop  }
0x137: {  	[tilespmem:s30], [sflag:$0x6] =	stream.linear.gather [hbm4b:s1+s2], $0x4000, $0x38;
	[tilespmem:$0x18000] =	vst v63  }
0x138: {  	_ =	swait.ge [sflag:s29], $0x4000  }
0x139: {  	[sflag:s29] =	ssyncset.done $0x0  }
0x13a: {  	[sflag:s29] =	ssyncadd.s32 $0xFFFFC000  }
0x13b: {  	_ =	swait.ge [sflag:s22], $0x4000  }
0x13c: {  	s1 =	sld [smem:$0x7A4]  }
0x13d: {  	[sflag:s22] =	ssyncset.done $0x0  }
0x13e: {  	[sflag:s22] =	ssyncadd.s32 $0xFFFFC000  }
0x13f: {  	[hbm4b:s1+s2] =	stream.linear.scatter [tilespmem:s2], [sflag:$0x7], $0x4000, $0x38;
	[tilespmem:$0x18000] =	vst v63  }
0x140: {  	_ =	swait.ge [sflag:s7], $0x4000  }
0x141: {  	s1 =	sld [smem:$0x7A5]  }
0x142: {  	[sflag:s7] =	ssyncset.done $0x0  }
0x143: {  	[sflag:s7] =	ssyncadd.s32 $0xFFFFC000  }
0x144: {  	[tilespmem:s9], [sflag:$0x4] =	stream.linear.gather [hbm4b:s1+s2], $0x4000, $0x38;
	[tilespmem:$0x18000] =	vst v63  }
0x145: {  	_ =	swait.ge [sflag:s17], $0x4000  }
0x146: {  	s1 =	sld [smem:$0x7A6]  }
0x147: {  	[sflag:s17] =	ssyncset.done $0x0  }
0x148: {  	[sflag:s17] =	ssyncadd.s32 $0xFFFFC000  }
0x149: {  	[hbm4b:s1+s2] =	stream.linear.scatter [tilespmem:s14], [sflag:$0x8], $0x4000, $0x38;
	[tilespmem:$0x18000] =	vst v63  }
0x14a: {  	_ =	swait.ge [sflag:s6], $0x4000  }
0x14b: {  	s1 =	sld [smem:$0x7A7]  }
0x14c: {  	[sflag:s6] =	ssyncset.done $0x0  }
0x14d: {  	[sflag:s6] =	ssyncadd.s32 $0xFFFFC000  }
0x14e: {  	[tilespmem:s2], [sflag:$0x1] =	stream.linear.gather [hbm4b:s1+s2], $0x4000, $0x38;
	[tilespmem:$0x18000] =	vst v63  }
0x14f: {  	_ =	swait.ge [sflag:s19], $0x4000  }
0x150: {  	s1 =	sld [smem:$0x7A8]  }
0x151: {  	[sflag:s19] =	ssyncset.done $0x0  }
0x152: {  	[sflag:s19] =	ssyncadd.s32 $0xFFFFC000  }
0x153: {  	[hbm4b:s1+s2] =	stream.linear.scatter [tilespmem:s8], [sflag:$0x9], $0x4000, $0x38;
	[tilespmem:$0x18000] =	vst v63  }
0x154: {  	_ =	swait.ge [sflag:s12], $0x4000  }
0x155: {  	s1 =	sld [smem:$0x7A9]  }
0x156: {  	[sflag:s12] =	ssyncset.done $0x0  }
0x157: {  	[sflag:s12] =	ssyncadd.s32 $0xFFFFC000  }
0x158: {  	[tilespmem:s14], [sflag:$0x2] =	stream.linear.gather [hbm4b:s1+s2], $0x4000, $0x38;
	[tilespmem:$0x18000] =	vst v63  }
0x159: {  	_ =	swait.ge [sflag:s16], $0x4000  }
0x15a: {  	s1 =	sld [smem:$0x7AA]  }
0x15b: {  	[sflag:s16] =	ssyncset.done $0x0  }
0x15c: {  	[sflag:s16] =	ssyncadd.s32 $0xFFFFC000  }
0x15d: {  	[hbm4b:s1+s2] =	stream.linear.scatter [tilespmem:s9], [sflag:$0xA], $0x4000, $0x38;
	[tilespmem:$0x18000] =	vst v63  }
0x15e: {  	_ =	swait.ge [sflag:s10], $0x4000  }
0x15f: {  	s0 =	sld [smem:$0x7AB]  }
0x160: {  	[sflag:s10] =	ssyncset.done $0x0  }
0x161: {  	s1 =	sld [smem:$0x7AC];
	[sflag:s10] =	ssyncadd.s32 $0xFFFFC000  }
0x162: {  	[tilespmem:s8], [sflag:$0x3] =	stream.linear.gather [hbm4b:s0+s2], $0x4000, $0x38;
	[tilespmem:$0x18000] =	vst v63  }
0x163: {  	_ = 	snop  }
0x164: {  	[tilespmem:s31], [sflag:$0x5] =	stream.linear.gather [hbm4b:s1+s2], $0x4000, $0x38;
	[tilespmem:$0x18000] =	vst v63  }
0x165: {  	_ =	swait.ge [sflag:s28], $0x4000  }
0x166: {  	[sflag:s28] =	ssyncset.done $0x0  }
0x167: {  	[sflag:s28] =	ssyncadd.s32 $0xFFFFC000  }
0x168: {  	_ =	swait.ge [sflag:s22], $0x4000  }
0x169: {  	s1 =	sld [smem:$0x7AD]  }
0x16a: {  	[sflag:s22] =	ssyncset.done $0x0  }
0x16b: {  	[sflag:s22] =	ssyncadd.s32 $0xFFFFC000  }
0x16c: {  	[hbm4b:s1+s2] =	stream.linear.scatter [tilespmem:s2], [sflag:$0x7], $0x4000, $0x38;
	[tilespmem:$0x18000] =	vst v63  }
0x16d: {  	_ =	swait.ge [sflag:s7], $0x4000  }
0x16e: {  	s1 =	sld [smem:$0x7AE]  }
0x16f: {  	[sflag:s7] =	ssyncset.done $0x0  }
0x170: {  	[sflag:s7] =	ssyncadd.s32 $0xFFFFC000  }
0x171: {  	[tilespmem:s9], [sflag:$0x4] =	stream.linear.gather [hbm4b:s1+s2], $0x4000, $0x38;
	[tilespmem:$0x18000] =	vst v63  }
0x172: {  	_ =	swait.ge [sflag:s17], $0x4000  }
0x173: {  	s1 =	sld [smem:$0x7AF]  }
0x174: {  	[sflag:s17] =	ssyncset.done $0x0  }
0x175: {  	[sflag:s17] =	ssyncadd.s32 $0xFFFFC000  }
0x176: {  	[hbm4b:s1+s2] =	stream.linear.scatter [tilespmem:s14], [sflag:$0x8], $0x4000, $0x38;
	[tilespmem:$0x18000] =	vst v63  }
0x177: {  	_ =	swait.ge [sflag:s6], $0x4000  }
0x178: {  	s1 =	sld [smem:$0x7B0]  }
0x179: {  	[sflag:s6] =	ssyncset.done $0x0  }
0x17a: {  	[sflag:s6] =	ssyncadd.s32 $0xFFFFC000  }
0x17b: {  	[tilespmem:s2], [sflag:$0x1] =	stream.linear.gather [hbm4b:s1+s2], $0x4000, $0x38;
	[tilespmem:$0x18000] =	vst v63  }
0x17c: {  	_ =	swait.ge [sflag:s19], $0x4000  }
0x17d: {  	s1 =	sld [smem:$0x7B1]  }
0x17e: {  	[sflag:s19] =	ssyncset.done $0x0  }
0x17f: {  	[sflag:s19] =	ssyncadd.s32 $0xFFFFC000  }
0x180: {  	[hbm4b:s1+s2] =	stream.linear.scatter [tilespmem:s8], [sflag:$0x9], $0x4000, $0x38;
	[tilespmem:$0x18000] =	vst v63  }
0x181: {  	_ =	swait.ge [sflag:s12], $0x4000  }
0x182: {  	s1 =	sld [smem:$0x7B2]  }
0x183: {  	[sflag:s12] =	ssyncset.done $0x0  }
0x184: {  	[sflag:s12] =	ssyncadd.s32 $0xFFFFC000  }
0x185: {  	[tilespmem:s14], [sflag:$0x2] =	stream.linear.gather [hbm4b:s1+s2], $0x4000, $0x38;
	[tilespmem:$0x18000] =	vst v63  }
0x186: {  	_ =	swait.ge [sflag:s16], $0x4000  }
0x187: {  	s1 =	sld [smem:$0x7B3]  }
0x188: {  	[sflag:s16] =	ssyncset.done $0x0  }
0x189: {  	[sflag:s16] =	ssyncadd.s32 $0xFFFFC000  }
0x18a: {  	[hbm4b:s1+s2] =	stream.linear.scatter [tilespmem:s9], [sflag:$0xA], $0x4000, $0x38;
	[tilespmem:$0x18000] =	vst v63  }
0x18b: {  	_ =	swait.ge [sflag:s10], $0x4000  }
0x18c: {  	s0 =	sld [smem:$0x7B4]  }
0x18d: {  	[sflag:s10] =	ssyncset.done $0x0  }
0x18e: {  	s1 =	sld [smem:$0x7B5];
	[sflag:s10] =	ssyncadd.s32 $0xFFFFC000  }
0x18f: {  	[tilespmem:s8], [sflag:$0x3] =	stream.linear.gather [hbm4b:s0+s2], $0x4000, $0x38;
	[tilespmem:$0x18000] =	vst v63  }
0x190: {  	_ = 	snop  }
0x191: {  	[tilespmem:s30], [sflag:$0x6] =	stream.linear.gather [hbm4b:s1+s2], $0x4000, $0x38;
	[tilespmem:$0x18000] =	vst v63  }
0x192: {  	_ =	swait.ge [sflag:s29], $0x4000  }
0x193: {  	[sflag:s29] =	ssyncset.done $0x0  }
0x194: {  	[sflag:s29] =	ssyncadd.s32 $0xFFFFC000  }
0x195: {  	_ =	swait.ge [sflag:s22], $0x4000  }
0x196: {  	s1 =	sld [smem:$0x7B6]  }
0x197: {  	[sflag:s22] =	ssyncset.done $0x0  }
0x198: {  	[sflag:s22] =	ssyncadd.s32 $0xFFFFC000  }
0x199: {  	[hbm4b:s1+s2] =	stream.linear.scatter [tilespmem:s2], [sflag:$0x7], $0x4000, $0x38;
	[tilespmem:$0x18000] =	vst v63  }
0x19a: {  	_ =	swait.ge [sflag:s7], $0x4000  }
0x19b: {  	s1 =	sld [smem:$0x7B7]  }
0x19c: {  	[sflag:s7] =	ssyncset.done $0x0  }
0x19d: {  	[sflag:s7] =	ssyncadd.s32 $0xFFFFC000  }
0x19e: {  	[tilespmem:s9], [sflag:$0x4] =	stream.linear.gather [hbm4b:s1+s2], $0x4000, $0x38;
	[tilespmem:$0x18000] =	vst v63  }
0x19f: {  	_ =	swait.ge [sflag:s17], $0x4000  }
0x1a0: {  	s1 =	sld [smem:$0x7B8]  }
0x1a1: {  	[sflag:s17] =	ssyncset.done $0x0  }
0x1a2: {  	[sflag:s17] =	ssyncadd.s32 $0xFFFFC000  }
0x1a3: {  	[hbm4b:s1+s2] =	stream.linear.scatter [tilespmem:s14], [sflag:$0x8], $0x4000, $0x38;
	[tilespmem:$0x18000] =	vst v63  }
0x1a4: {  	_ =	swait.ge [sflag:s6], $0x4000  }
0x1a5: {  	s1 =	sld [smem:$0x7B9]  }
0x1a6: {  	[sflag:s6] =	ssyncset.done $0x0  }
0x1a7: {  	[sflag:s6] =	ssyncadd.s32 $0xFFFFC000  }
0x1a8: {  	[tilespmem:s2], [sflag:$0x1] =	stream.linear.gather [hbm4b:s1+s2], $0x4000, $0x38;
	[tilespmem:$0x18000] =	vst v63  }
0x1a9: {  	_ =	swait.ge [sflag:s19], $0x4000  }
0x1aa: {  	s1 =	sld [smem:$0x7BA]  }
0x1ab: {  	[sflag:s19] =	ssyncset.done $0x0  }
0x1ac: {  	[sflag:s19] =	ssyncadd.s32 $0xFFFFC000  }
0x1ad: {  	[hbm4b:s1+s2] =	stream.linear.scatter [tilespmem:s8], [sflag:$0x9], $0x4000, $0x38;
	[tilespmem:$0x18000] =	vst v63  }
0x1ae: {  	_ =	swait.ge [sflag:s12], $0x4000  }
0x1af: {  	s1 =	sld [smem:$0x7BB]  }
0x1b0: {  	[sflag:s12] =	ssyncset.done $0x0  }
0x1b1: {  	[sflag:s12] =	ssyncadd.s32 $0xFFFFC000  }
0x1b2: {  	[tilespmem:s14], [sflag:$0x2] =	stream.linear.gather [hbm4b:s1+s2], $0x4000, $0x38;
	[tilespmem:$0x18000] =	vst v63  }
0x1b3: {  	_ =	swait.ge [sflag:s16], $0x4000  }
0x1b4: {  	s1 =	sld [smem:$0x7BC]  }
0x1b5: {  	[sflag:s16] =	ssyncset.done $0x0  }
0x1b6: {  	[sflag:s16] =	ssyncadd.s32 $0xFFFFC000  }
0x1b7: {  	[hbm4b:s1+s2] =	stream.linear.scatter [tilespmem:s9], [sflag:$0xA], $0x4000, $0x38;
	[tilespmem:$0x18000] =	vst v63  }
0x1b8: {  	_ =	swait.ge [sflag:s10], $0x4000  }
0x1b9: {  	s0 =	sld [smem:$0x7BD]  }
0x1ba: {  	[sflag:s10] =	ssyncset.done $0x0  }
0x1bb: {  	s1 =	sld [smem:$0x7BE];
	[sflag:s10] =	ssyncadd.s32 $0xFFFFC000  }
0x1bc: {  	[tilespmem:s8], [sflag:$0x3] =	stream.linear.gather [hbm4b:s0+s2], $0x4000, $0x38;
	[tilespmem:$0x18000] =	vst v63  }
0x1bd: {  	_ = 	snop  }
0x1be: {  	[tilespmem:s31], [sflag:$0x5] =	stream.linear.gather [hbm4b:s1+s2], $0x4000, $0x38;
	[tilespmem:$0x18000] =	vst v63  }
0x1bf: {  	_ =	swait.ge [sflag:s28], $0x4000  }
0x1c0: {  	[sflag:s28] =	ssyncset.done $0x0  }
0x1c1: {  	[sflag:s28] =	ssyncadd.s32 $0xFFFFC000  }
0x1c2: {  	_ =	swait.ge [sflag:s22], $0x4000  }
0x1c3: {  	s1 =	sld [smem:$0x7BF]  }
0x1c4: {  	[sflag:s22] =	ssyncset.done $0x0  }
0x1c5: {  	[sflag:s22] =	ssyncadd.s32 $0xFFFFC000  }
0x1c6: {  	[hbm4b:s1+s2] =	stream.linear.scatter [tilespmem:s2], [sflag:$0x7], $0x4000, $0x38;
	[tilespmem:$0x18000] =	vst v63  }
0x1c7: {  	_ =	swait.ge [sflag:s7], $0x4000  }
0x1c8: {  	s1 =	sld [smem:$0x7C0]  }
0x1c9: {  	[sflag:s7] =	ssyncset.done $0x0  }
0x1ca: {  	[sflag:s7] =	ssyncadd.s32 $0xFFFFC000  }
0x1cb: {  	[tilespmem:s9], [sflag:$0x4] =	stream.linear.gather [hbm4b:s1+s2], $0x4000, $0x38;
	[tilespmem:$0x18000] =	vst v63  }
0x1cc: {  	_ =	swait.ge [sflag:s17], $0x4000  }
0x1cd: {  	s1 =	sld [smem:$0x7C1]  }
0x1ce: {  	[sflag:s17] =	ssyncset.done $0x0  }
0x1cf: {  	[sflag:s17] =	ssyncadd.s32 $0xFFFFC000  }
0x1d0: {  	[hbm4b:s1+s2] =	stream.linear.scatter [tilespmem:s14], [sflag:$0x8], $0x4000, $0x38;
	[tilespmem:$0x18000] =	vst v63  }
0x1d1: {  	_ =	swait.ge [sflag:s6], $0x4000  }
0x1d2: {  	s1 =	sld [smem:$0x7C2]  }
0x1d3: {  	[sflag:s6] =	ssyncset.done $0x0  }
0x1d4: {  	[sflag:s6] =	ssyncadd.s32 $0xFFFFC000  }
0x1d5: {  	[tilespmem:s2], [sflag:$0x1] =	stream.linear.gather [hbm4b:s1+s2], $0x4000, $0x38;
	[tilespmem:$0x18000] =	vst v63  }
0x1d6: {  	_ =	swait.ge [sflag:s19], $0x4000  }
0x1d7: {  	s1 =	sld [smem:$0x7C3]  }
0x1d8: {  	[sflag:s19] =	ssyncset.done $0x0  }
0x1d9: {  	[sflag:s19] =	ssyncadd.s32 $0xFFFFC000  }
0x1da: {  	[hbm4b:s1+s2] =	stream.linear.scatter [tilespmem:s8], [sflag:$0x9], $0x4000, $0x38;
	[tilespmem:$0x18000] =	vst v63  }
0x1db: {  	_ =	swait.ge [sflag:s12], $0x4000  }
0x1dc: {  	s1 =	sld [smem:$0x7C4]  }
0x1dd: {  	[sflag:s12] =	ssyncset.done $0x0  }
0x1de: {  	[sflag:s12] =	ssyncadd.s32 $0xFFFFC000  }
0x1df: {  	[tilespmem:s14], [sflag:$0x2] =	stream.linear.gather [hbm4b:s1+s2], $0x4000, $0x38;
	[tilespmem:$0x18000] =	vst v63  }
0x1e0: {  	_ =	swait.ge [sflag:s16], $0x4000  }
0x1e1: {  	s1 =	sld [smem:$0x7C5]  }
0x1e2: {  	[sflag:s16] =	ssyncset.done $0x0  }
0x1e3: {  	[sflag:s16] =	ssyncadd.s32 $0xFFFFC000  }
0x1e4: {  	[hbm4b:s1+s2] =	stream.linear.scatter [tilespmem:s9], [sflag:$0xA], $0x4000, $0x38;
	[tilespmem:$0x18000] =	vst v63  }
0x1e5: {  	_ =	swait.ge [sflag:s10], $0x4000  }
0x1e6: {  	s0 =	sld [smem:$0x7C6]  }
0x1e7: {  	[sflag:s10] =	ssyncset.done $0x0  }
0x1e8: {  	s1 =	sld [smem:$0x7C7];
	[sflag:s10] =	ssyncadd.s32 $0xFFFFC000  }
0x1e9: {  	[tilespmem:s8], [sflag:$0x3] =	stream.linear.gather [hbm4b:s0+s2], $0x4000, $0x38;
	[tilespmem:$0x18000] =	vst v63  }
0x1ea: {  	_ = 	snop  }
0x1eb: {  	[tilespmem:s30], [sflag:$0x6] =	stream.linear.gather [hbm4b:s1+s2], $0x4000, $0x38;
	[tilespmem:$0x18000] =	vst v63  }
0x1ec: {  	_ =	swait.ge [sflag:s29], $0x4000  }
0x1ed: {  	[sflag:s29] =	ssyncset.done $0x0  }
0x1ee: {  	[sflag:s29] =	ssyncadd.s32 $0xFFFFC000  }
0x1ef: {  	_ =	swait.ge [sflag:s22], $0x4000  }
0x1f0: {  	s1 =	sld [smem:$0x7C8]  }
0x1f1: {  	[sflag:s22] =	ssyncset.done $0x0  }
0x1f2: {  	[sflag:s22] =	ssyncadd.s32 $0xFFFFC000  }
0x1f3: {  	[hbm4b:s1+s2] =	stream.linear.scatter [tilespmem:s2], [sflag:$0x7], $0x4000, $0x38;
	[tilespmem:$0x18000] =	vst v63  }
0x1f4: {  	_ =	swait.ge [sflag:s7], $0x4000  }
0x1f5: {  	s1 =	sld [smem:$0x7C9]  }
0x1f6: {  	[sflag:s7] =	ssyncset.done $0x0  }
0x1f7: {  	[sflag:s7] =	ssyncadd.s32 $0xFFFFC000  }
0x1f8: {  	[tilespmem:s9], [sflag:$0x4] =	stream.linear.gather [hbm4b:s1+s2], $0x4000, $0x38;
	[tilespmem:$0x18000] =	vst v63  }
0x1f9: {  	_ =	swait.ge [sflag:s17], $0x4000  }
0x1fa: {  	s1 =	sld [smem:$0x7CA]  }
0x1fb: {  	[sflag:s17] =	ssyncset.done $0x0  }
0x1fc: {  	[sflag:s17] =	ssyncadd.s32 $0xFFFFC000  }
0x1fd: {  	[hbm4b:s1+s2] =	stream.linear.scatter [tilespmem:s14], [sflag:$0x8], $0x4000, $0x38;
	[tilespmem:$0x18000] =	vst v63  }
0x1fe: {  	_ =	swait.ge [sflag:s6], $0x4000  }
0x1ff: {  	s1 =	sld [smem:$0x7CB]  }
0x200: {  	[sflag:s6] =	ssyncset.done $0x0  }
0x201: {  	[sflag:s6] =	ssyncadd.s32 $0xFFFFC000  }
0x202: {  	[tilespmem:s2], [sflag:$0x1] =	stream.linear.gather [hbm4b:s1+s2], $0x4000, $0x38;
	[tilespmem:$0x18000] =	vst v63  }
0x203: {  	_ =	swait.ge [sflag:s19], $0x4000  }
0x204: {  	s1 =	sld [smem:$0x7CC]  }
0x205: {  	[sflag:s19] =	ssyncset.done $0x0  }
0x206: {  	[sflag:s19] =	ssyncadd.s32 $0xFFFFC000  }
0x207: {  	[hbm4b:s1+s2] =	stream.linear.scatter [tilespmem:s8], [sflag:$0x9], $0x4000, $0x38;
	[tilespmem:$0x18000] =	vst v63  }
0x208: {  	_ =	swait.ge [sflag:s12], $0x4000  }
0x209: {  	s1 =	sld [smem:$0x7CD]  }
0x20a: {  	[sflag:s12] =	ssyncset.done $0x0  }
0x20b: {  	[sflag:s12] =	ssyncadd.s32 $0xFFFFC000  }
0x20c: {  	[tilespmem:s14], [sflag:$0x2] =	stream.linear.gather [hbm4b:s1+s2], $0x4000, $0x38;
	[tilespmem:$0x18000] =	vst v63  }
0x20d: {  	_ =	swait.ge [sflag:s16], $0x4000  }
0x20e: {  	s1 =	sld [smem:$0x7CE]  }
0x20f: {  	[sflag:s16] =	ssyncset.done $0x0  }
0x210: {  	[sflag:s16] =	ssyncadd.s32 $0xFFFFC000  }
0x211: {  	[hbm4b:s1+s2] =	stream.linear.scatter [tilespmem:s9], [sflag:$0xA], $0x4000, $0x38;
	[tilespmem:$0x18000] =	vst v63  }
0x212: {  	_ =	swait.ge [sflag:s10], $0x4000  }
0x213: {  	s0 =	sld [smem:$0x7CF]  }
0x214: {  	[sflag:s10] =	ssyncset.done $0x0  }
0x215: {  	s1 =	sld [smem:$0x7D0];
	[sflag:s10] =	ssyncadd.s32 $0xFFFFC000  }
0x216: {  	[tilespmem:s8], [sflag:$0x3] =	stream.linear.gather [hbm4b:s0+s2], $0x4000, $0x38;
	[tilespmem:$0x18000] =	vst v63  }
0x217: {  	_ = 	snop  }
0x218: {  	[tilespmem:s31], [sflag:$0x5] =	stream.linear.gather [hbm4b:s1+s2], $0x4000, $0x38;
	[tilespmem:$0x18000] =	vst v63  }
0x219: {  	_ =	swait.ge [sflag:s28], $0x4000  }
0x21a: {  	[sflag:s28] =	ssyncset.done $0x0  }
0x21b: {  	[sflag:s28] =	ssyncadd.s32 $0xFFFFC000  }
0x21c: {  	_ =	swait.ge [sflag:s22], $0x4000  }
0x21d: {  	s1 =	sld [smem:$0x7D1]  }
0x21e: {  	[sflag:s22] =	ssyncset.done $0x0  }
0x21f: {  	[sflag:s22] =	ssyncadd.s32 $0xFFFFC000  }
0x220: {  	[hbm4b:s1+s2] =	stream.linear.scatter [tilespmem:s2], [sflag:$0x7], $0x4000, $0x38;
	[tilespmem:$0x18000] =	vst v63  }
0x221: {  	_ =	swait.ge [sflag:s7], $0x4000  }
0x222: {  	s1 =	sld [smem:$0x7D2]  }
0x223: {  	[sflag:s7] =	ssyncset.done $0x0  }
0x224: {  	[sflag:s7] =	ssyncadd.s32 $0xFFFFC000  }
0x225: {  	[tilespmem:s9], [sflag:$0x4] =	stream.linear.gather [hbm4b:s1+s2], $0x4000, $0x38;
	[tilespmem:$0x18000] =	vst v63  }
0x226: {  	_ =	swait.ge [sflag:s17], $0x4000  }
0x227: {  	s1 =	sld [smem:$0x7D3]  }
0x228: {  	[sflag:s17] =	ssyncset.done $0x0  }
0x229: {  	[sflag:s17] =	ssyncadd.s32 $0xFFFFC000  }
0x22a: {  	[hbm4b:s1+s2] =	stream.linear.scatter [tilespmem:s14], [sflag:$0x8], $0x4000, $0x38;
	[tilespmem:$0x18000] =	vst v63  }
0x22b: {  	_ =	swait.ge [sflag:s6], $0x4000  }
0x22c: {  	s1 =	sld [smem:$0x7D4]  }
0x22d: {  	[sflag:s6] =	ssyncset.done $0x0  }
0x22e: {  	[sflag:s6] =	ssyncadd.s32 $0xFFFFC000  }
0x22f: {  	[tilespmem:s2], [sflag:$0x1] =	stream.linear.gather [hbm4b:s1+s2], $0x4000, $0x38;
	[tilespmem:$0x18000] =	vst v63  }
0x230: {  	_ =	swait.ge [sflag:s19], $0x4000  }
0x231: {  	s1 =	sld [smem:$0x7D5]  }
0x232: {  	[sflag:s19] =	ssyncset.done $0x0  }
0x233: {  	[sflag:s19] =	ssyncadd.s32 $0xFFFFC000  }
0x234: {  	[hbm4b:s1+s2] =	stream.linear.scatter [tilespmem:s8], [sflag:$0x9], $0x4000, $0x38;
	[tilespmem:$0x18000] =	vst v63  }
0x235: {  	_ =	swait.ge [sflag:s12], $0x4000  }
0x236: {  	s1 =	sld [smem:$0x7D6]  }
0x237: {  	[sflag:s12] =	ssyncset.done $0x0  }
0x238: {  	[sflag:s12] =	ssyncadd.s32 $0xFFFFC000  }
0x239: {  	[tilespmem:s14], [sflag:$0x2] =	stream.linear.gather [hbm4b:s1+s2], $0x4000, $0x38;
	[tilespmem:$0x18000] =	vst v63  }
0x23a: {  	_ =	swait.ge [sflag:s16], $0x4000  }
0x23b: {  	s1 =	sld [smem:$0x7D7]  }
0x23c: {  	[sflag:s16] =	ssyncset.done $0x0  }
0x23d: {  	[sflag:s16] =	ssyncadd.s32 $0xFFFFC000  }
0x23e: {  	[hbm4b:s1+s2] =	stream.linear.scatter [tilespmem:s9], [sflag:$0xA], $0x4000, $0x38;
	[tilespmem:$0x18000] =	vst v63  }
0x23f: {  	_ =	swait.ge [sflag:s10], $0x4000  }
0x240: {  	s0 =	sld [smem:$0x7D8]  }
0x241: {  	[sflag:s10] =	ssyncset.done $0x0  }
0x242: {  	s1 =	sld [smem:$0x7D9];
	[sflag:s10] =	ssyncadd.s32 $0xFFFFC000  }
0x243: {  	[tilespmem:s8], [sflag:$0x3] =	stream.linear.gather [hbm4b:s0+s2], $0x4000, $0x38;
	[tilespmem:$0x18000] =	vst v63  }
0x244: {  	_ = 	snop  }
0x245: {  	[tilespmem:s30], [sflag:$0x6] =	stream.linear.gather [hbm4b:s1+s2], $0x4000, $0x38;
	[tilespmem:$0x18000] =	vst v63  }
0x246: {  	_ =	swait.ge [sflag:s29], $0x4000  }
0x247: {  	[sflag:s29] =	ssyncset.done $0x0  }
0x248: {  	[sflag:s29] =	ssyncadd.s32 $0xFFFFC000  }
0x249: {  	_ =	swait.ge [sflag:s22], $0x4000  }
0x24a: {  	s1 =	sld [smem:$0x7DA]  }
0x24b: {  	[sflag:s22] =	ssyncset.done $0x0  }
0x24c: {  	[sflag:s22] =	ssyncadd.s32 $0xFFFFC000  }
0x24d: {  	[hbm4b:s1+s2] =	stream.linear.scatter [tilespmem:s2], [sflag:$0x7], $0x4000, $0x38;
	[tilespmem:$0x18000] =	vst v63  }
0x24e: {  	_ =	swait.ge [sflag:s7], $0x4000  }
0x24f: {  	s1 =	sld [smem:$0x7DB]  }
0x250: {  	[sflag:s7] =	ssyncset.done $0x0  }
0x251: {  	[sflag:s7] =	ssyncadd.s32 $0xFFFFC000  }
0x252: {  	[tilespmem:s9], [sflag:$0x4] =	stream.linear.gather [hbm4b:s1+s2], $0x4000, $0x38;
	[tilespmem:$0x18000] =	vst v63  }
0x253: {  	_ =	swait.ge [sflag:s17], $0x4000  }
0x254: {  	s1 =	sld [smem:$0x7DC]  }
0x255: {  	[sflag:s17] =	ssyncset.done $0x0  }
0x256: {  	[sflag:s17] =	ssyncadd.s32 $0xFFFFC000  }
0x257: {  	[hbm4b:s1+s2] =	stream.linear.scatter [tilespmem:s14], [sflag:$0x8], $0x4000, $0x38;
	[tilespmem:$0x18000] =	vst v63  }
0x258: {  	_ =	swait.ge [sflag:s6], $0x4000  }
0x259: {  	s1 =	sld [smem:$0x7DD]  }
0x25a: {  	[sflag:s6] =	ssyncset.done $0x0  }
0x25b: {  	[sflag:s6] =	ssyncadd.s32 $0xFFFFC000  }
0x25c: {  	[tilespmem:s2], [sflag:$0x1] =	stream.linear.gather [hbm4b:s1+s2], $0x4000, $0x38;
	[tilespmem:$0x18000] =	vst v63  }
0x25d: {  	_ =	swait.ge [sflag:s19], $0x4000  }
0x25e: {  	s1 =	sld [smem:$0x7DE]  }
0x25f: {  	[sflag:s19] =	ssyncset.done $0x0  }
0x260: {  	[sflag:s19] =	ssyncadd.s32 $0xFFFFC000  }
0x261: {  	[hbm4b:s1+s2] =	stream.linear.scatter [tilespmem:s8], [sflag:$0x9], $0x4000, $0x38;
	[tilespmem:$0x18000] =	vst v63  }
0x262: {  	_ =	swait.ge [sflag:s12], $0x4000  }
0x263: {  	s1 =	sld [smem:$0x7DF]  }
0x264: {  	[sflag:s12] =	ssyncset.done $0x0  }
0x265: {  	[sflag:s12] =	ssyncadd.s32 $0xFFFFC000  }
0x266: {  	[tilespmem:s14], [sflag:$0x2] =	stream.linear.gather [hbm4b:s1+s2], $0x4000, $0x38;
	[tilespmem:$0x18000] =	vst v63  }
0x267: {  	_ =	swait.ge [sflag:s16], $0x4000  }
0x268: {  	s1 =	sld [smem:$0x7E0]  }
0x269: {  	[sflag:s16] =	ssyncset.done $0x0  }
0x26a: {  	[sflag:s16] =	ssyncadd.s32 $0xFFFFC000  }
0x26b: {  	[hbm4b:s1+s2] =	stream.linear.scatter [tilespmem:s9], [sflag:$0xA], $0x4000, $0x38;
	[tilespmem:$0x18000] =	vst v63  }
0x26c: {  	_ =	swait.ge [sflag:s10], $0x4000  }
0x26d: {  	s0 =	sld [smem:$0x7E1]  }
0x26e: {  	[sflag:s10] =	ssyncset.done $0x0  }
0x26f: {  	s1 =	sld [smem:$0x7E2];
	[sflag:s10] =	ssyncadd.s32 $0xFFFFC000  }
0x270: {  	[tilespmem:s8], [sflag:$0x3] =	stream.linear.gather [hbm4b:s0+s2], $0x4000, $0x38;
	[tilespmem:$0x18000] =	vst v63  }
0x271: {  	_ = 	snop  }
0x272: {  	[tilespmem:s31], [sflag:$0x5] =	stream.linear.gather [hbm4b:s1+s2], $0x4000, $0x38;
	[tilespmem:$0x18000] =	vst v63  }
0x273: {  	_ =	swait.ge [sflag:s28], $0x4000  }
0x274: {  	[sflag:s28] =	ssyncset.done $0x0  }
0x275: {  	[sflag:s28] =	ssyncadd.s32 $0xFFFFC000  }
0x276: {  	_ =	swait.ge [sflag:s22], $0x4000  }
0x277: {  	s1 =	sld [smem:$0x7E3]  }
0x278: {  	[sflag:s22] =	ssyncset.done $0x0  }
0x279: {  	[sflag:s22] =	ssyncadd.s32 $0xFFFFC000  }
0x27a: {  	[hbm4b:s1+s2] =	stream.linear.scatter [tilespmem:s2], [sflag:$0x7], $0x4000, $0x38;
	[tilespmem:$0x18000] =	vst v63  }
0x27b: {  	_ =	swait.ge [sflag:s7], $0x4000  }
0x27c: {  	s1 =	sld [smem:$0x7E4]  }
0x27d: {  	[sflag:s7] =	ssyncset.done $0x0  }
0x27e: {  	[sflag:s7] =	ssyncadd.s32 $0xFFFFC000  }
0x27f: {  	[tilespmem:s9], [sflag:$0x4] =	stream.linear.gather [hbm4b:s1+s2], $0x4000, $0x38;
	[tilespmem:$0x18000] =	vst v63  }
0x280: {  	_ =	swait.ge [sflag:s17], $0x4000  }
0x281: {  	s1 =	sld [smem:$0x7E5]  }
0x282: {  	[sflag:s17] =	ssyncset.done $0x0  }
0x283: {  	[sflag:s17] =	ssyncadd.s32 $0xFFFFC000  }
0x284: {  	[hbm4b:s1+s2] =	stream.linear.scatter [tilespmem:s14], [sflag:$0x8], $0x4000, $0x38;
	[tilespmem:$0x18000] =	vst v63  }
0x285: {  	_ =	swait.ge [sflag:s6], $0x4000  }
0x286: {  	s1 =	sld [smem:$0x7E6]  }
0x287: {  	[sflag:s6] =	ssyncset.done $0x0  }
0x288: {  	[sflag:s6] =	ssyncadd.s32 $0xFFFFC000  }
0x289: {  	[tilespmem:s2], [sflag:$0x1] =	stream.linear.gather [hbm4b:s1+s2], $0x4000, $0x38;
	[tilespmem:$0x18000] =	vst v63  }
0x28a: {  	_ =	swait.ge [sflag:s19], $0x4000  }
0x28b: {  	s1 =	sld [smem:$0x7E7]  }
0x28c: {  	[sflag:s19] =	ssyncset.done $0x0  }
0x28d: {  	[sflag:s19] =	ssyncadd.s32 $0xFFFFC000  }
0x28e: {  	[hbm4b:s1+s2] =	stream.linear.scatter [tilespmem:s8], [sflag:$0x9], $0x4000, $0x38;
	[tilespmem:$0x18000] =	vst v63  }
0x28f: {  	_ =	swait.ge [sflag:s12], $0x4000  }
0x290: {  	s1 =	sld [smem:$0x7E8]  }
0x291: {  	[sflag:s12] =	ssyncset.done $0x0  }
0x292: {  	[sflag:s12] =	ssyncadd.s32 $0xFFFFC000  }
0x293: {  	[tilespmem:s14], [sflag:$0x2] =	stream.linear.gather [hbm4b:s1+s2], $0x4000, $0x38;
	[tilespmem:$0x18000] =	vst v63  }
0x294: {  	_ =	swait.ge [sflag:s16], $0x4000  }
0x295: {  	s1 =	sld [smem:$0x7E9]  }
0x296: {  	[sflag:s16] =	ssyncset.done $0x0  }
0x297: {  	[sflag:s16] =	ssyncadd.s32 $0xFFFFC000  }
0x298: {  	[hbm4b:s1+s2] =	stream.linear.scatter [tilespmem:s9], [sflag:$0xA], $0x4000, $0x38;
	[tilespmem:$0x18000] =	vst v63  }
0x299: {  	_ =	swait.ge [sflag:s10], $0x4000  }
0x29a: {  	s0 =	sld [smem:$0x7EA]  }
0x29b: {  	[sflag:s10] =	ssyncset.done $0x0  }
0x29c: {  	s1 =	sld [smem:$0x7EB];
	[sflag:s10] =	ssyncadd.s32 $0xFFFFC000  }
0x29d: {  	[tilespmem:s8], [sflag:$0x3] =	stream.linear.gather [hbm4b:s0+s2], $0x4000, $0x38;
	[tilespmem:$0x18000] =	vst v63  }
0x29e: {  	_ = 	snop  }
0x29f: {  	[tilespmem:s30], [sflag:$0x6] =	stream.linear.gather [hbm4b:s1+s2], $0x4000, $0x38;
	[tilespmem:$0x18000] =	vst v63  }
0x2a0: {  	_ =	swait.ge [sflag:s29], $0x4000  }
0x2a1: {  	[sflag:s29] =	ssyncset.done $0x0  }
0x2a2: {  	[sflag:s29] =	ssyncadd.s32 $0xFFFFC000  }
0x2a3: {  	_ =	swait.ge [sflag:s22], $0x4000  }
0x2a4: {  	s1 =	sld [smem:$0x7EC]  }
0x2a5: {  	[sflag:s22] =	ssyncset.done $0x0  }
0x2a6: {  	[sflag:s22] =	ssyncadd.s32 $0xFFFFC000  }
0x2a7: {  	[hbm4b:s1+s2] =	stream.linear.scatter [tilespmem:s2], [sflag:$0x7], $0x4000, $0x38;
	[tilespmem:$0x18000] =	vst v63  }
0x2a8: {  	_ =	swait.ge [sflag:s7], $0x4000  }
0x2a9: {  	s1 =	sld [smem:$0x7ED]  }
0x2aa: {  	[sflag:s7] =	ssyncset.done $0x0  }
0x2ab: {  	[sflag:s7] =	ssyncadd.s32 $0xFFFFC000  }
0x2ac: {  	[tilespmem:s9], [sflag:$0x4] =	stream.linear.gather [hbm4b:s1+s2], $0x4000, $0x38;
	[tilespmem:$0x18000] =	vst v63  }
0x2ad: {  	_ =	swait.ge [sflag:s17], $0x4000  }
0x2ae: {  	s1 =	sld [smem:$0x7EE]  }
0x2af: {  	[sflag:s17] =	ssyncset.done $0x0  }
0x2b0: {  	[sflag:s17] =	ssyncadd.s32 $0xFFFFC000  }
0x2b1: {  	[hbm4b:s1+s2] =	stream.linear.scatter [tilespmem:s14], [sflag:$0x8], $0x4000, $0x38;
	[tilespmem:$0x18000] =	vst v63  }
0x2b2: {  	_ =	swait.ge [sflag:s6], $0x4000  }
0x2b3: {  	s1 =	sld [smem:$0x7EF]  }
0x2b4: {  	[sflag:s6] =	ssyncset.done $0x0  }
0x2b5: {  	[sflag:s6] =	ssyncadd.s32 $0xFFFFC000  }
0x2b6: {  	[tilespmem:s2], [sflag:$0x1] =	stream.linear.gather [hbm4b:s1+s2], $0x4000, $0x38;
	[tilespmem:$0x18000] =	vst v63  }
0x2b7: {  	_ =	swait.ge [sflag:s19], $0x4000  }
0x2b8: {  	s1 =	sld [smem:$0x7F0]  }
0x2b9: {  	[sflag:s19] =	ssyncset.done $0x0  }
0x2ba: {  	[sflag:s19] =	ssyncadd.s32 $0xFFFFC000  }
0x2bb: {  	[hbm4b:s1+s2] =	stream.linear.scatter [tilespmem:s8], [sflag:$0x9], $0x4000, $0x38;
	[tilespmem:$0x18000] =	vst v63  }
0x2bc: {  	_ =	swait.ge [sflag:s12], $0x4000  }
0x2bd: {  	s1 =	sld [smem:$0x7F1]  }
0x2be: {  	[sflag:s12] =	ssyncset.done $0x0  }
0x2bf: {  	[sflag:s12] =	ssyncadd.s32 $0xFFFFC000  }
0x2c0: {  	[tilespmem:s14], [sflag:$0x2] =	stream.linear.gather [hbm4b:s1+s2], $0x4000, $0x38;
	[tilespmem:$0x18000] =	vst v63  }
0x2c1: {  	_ =	swait.ge [sflag:s16], $0x4000  }
0x2c2: {  	s1 =	sld [smem:$0x7F2]  }
0x2c3: {  	[sflag:s16] =	ssyncset.done $0x0  }
0x2c4: {  	[sflag:s16] =	ssyncadd.s32 $0xFFFFC000  }
0x2c5: {  	[hbm4b:s1+s2] =	stream.linear.scatter [tilespmem:s9], [sflag:$0xA], $0x4000, $0x38;
	[tilespmem:$0x18000] =	vst v63  }
0x2c6: {  	_ =	swait.ge [sflag:s10], $0x4000  }
0x2c7: {  	s0 =	sld [smem:$0x7F3]  }
0x2c8: {  	[sflag:s10] =	ssyncset.done $0x0  }
0x2c9: {  	s1 =	sld [smem:$0x7F4];
	[sflag:s10] =	ssyncadd.s32 $0xFFFFC000  }
0x2ca: {  	[tilespmem:s8], [sflag:$0x3] =	stream.linear.gather [hbm4b:s0+s2], $0x4000, $0x38;
	[tilespmem:$0x18000] =	vst v63  }
0x2cb: {  	_ = 	snop  }
0x2cc: {  	[tilespmem:s31], [sflag:$0x5] =	stream.linear.gather [hbm4b:s1+s2], $0x4000, $0x38;
	[tilespmem:$0x18000] =	vst v63  }
0x2cd: {  	_ =	swait.ge [sflag:s28], $0x4000  }
0x2ce: {  	[sflag:s28] =	ssyncset.done $0x0  }
0x2cf: {  	[sflag:s28] =	ssyncadd.s32 $0xFFFFC000  }
0x2d0: {  	_ =	swait.ge [sflag:s22], $0x4000  }
0x2d1: {  	s1 =	sld [smem:$0x7F5]  }
0x2d2: {  	[sflag:s22] =	ssyncset.done $0x0  }
0x2d3: {  	[sflag:s22] =	ssyncadd.s32 $0xFFFFC000  }
0x2d4: {  	[hbm4b:s1+s2] =	stream.linear.scatter [tilespmem:s2], [sflag:$0x7], $0x4000, $0x38;
	[tilespmem:$0x18000] =	vst v63  }
0x2d5: {  	_ =	swait.ge [sflag:s7], $0x4000  }
0x2d6: {  	s1 =	sld [smem:$0x7F6]  }
0x2d7: {  	[sflag:s7] =	ssyncset.done $0x0  }
0x2d8: {  	[sflag:s7] =	ssyncadd.s32 $0xFFFFC000  }
0x2d9: {  	[tilespmem:s9], [sflag:$0x4] =	stream.linear.gather [hbm4b:s1+s2], $0x4000, $0x38;
	[tilespmem:$0x18000] =	vst v63  }
0x2da: {  	_ =	swait.ge [sflag:s17], $0x4000  }
0x2db: {  	s1 =	sld [smem:$0x7F7]  }
0x2dc: {  	[sflag:s17] =	ssyncset.done $0x0  }
0x2dd: {  	[sflag:s17] =	ssyncadd.s32 $0xFFFFC000  }
0x2de: {  	[hbm4b:s1+s2] =	stream.linear.scatter [tilespmem:s14], [sflag:$0x8], $0x4000, $0x38;
	[tilespmem:$0x18000] =	vst v63  }
0x2df: {  	_ =	swait.ge [sflag:s6], $0x4000  }
0x2e0: {  	s1 =	sld [smem:$0x7F8]  }
0x2e1: {  	[sflag:s6] =	ssyncset.done $0x0  }
0x2e2: {  	[sflag:s6] =	ssyncadd.s32 $0xFFFFC000  }
0x2e3: {  	[tilespmem:s2], [sflag:$0x1] =	stream.linear.gather [hbm4b:s1+s2], $0x4000, $0x38;
	[tilespmem:$0x18000] =	vst v63  }
0x2e4: {  	_ =	swait.ge [sflag:s19], $0x4000  }
0x2e5: {  	s1 =	sld [smem:$0x7F9]  }
0x2e6: {  	[sflag:s19] =	ssyncset.done $0x0  }
0x2e7: {  	[sflag:s19] =	ssyncadd.s32 $0xFFFFC000  }
0x2e8: {  	[hbm4b:s1+s2] =	stream.linear.scatter [tilespmem:s8], [sflag:$0x9], $0x4000, $0x38;
	[tilespmem:$0x18000] =	vst v63  }
0x2e9: {  	_ =	swait.ge [sflag:s12], $0x4000  }
0x2ea: {  	s1 =	sld [smem:$0x7FA]  }
0x2eb: {  	[sflag:s12] =	ssyncset.done $0x0  }
0x2ec: {  	[sflag:s12] =	ssyncadd.s32 $0xFFFFC000  }
0x2ed: {  	[tilespmem:s14], [sflag:$0x2] =	stream.linear.gather [hbm4b:s1+s2], $0x4000, $0x38;
	[tilespmem:$0x18000] =	vst v63  }
0x2ee: {  	_ =	swait.ge [sflag:s16], $0x4000  }
0x2ef: {  	s1 =	sld [smem:$0x7FB]  }
0x2f0: {  	[sflag:s16] =	ssyncset.done $0x0  }
0x2f1: {  	[sflag:s16] =	ssyncadd.s32 $0xFFFFC000  }
0x2f2: {  	[hbm4b:s1+s2] =	stream.linear.scatter [tilespmem:s9], [sflag:$0xA], $0x4000, $0x38;
	[tilespmem:$0x18000] =	vst v63  }
0x2f3: {  	_ =	swait.ge [sflag:s10], $0x4000  }
0x2f4: {  	s0 =	sld [smem:$0x7FC]  }
0x2f5: {  	[sflag:s10] =	ssyncset.done $0x0  }
0x2f6: {  	s1 =	sld [smem:$0x7FD];
	[sflag:s10] =	ssyncadd.s32 $0xFFFFC000  }
0x2f7: {  	[tilespmem:s8], [sflag:$0x3] =	stream.linear.gather [hbm4b:s0+s2], $0x4000, $0x38;
	[tilespmem:$0x18000] =	vst v63  }
0x2f8: {  	_ = 	snop  }
0x2f9: {  	[tilespmem:s30], [sflag:$0x6] =	stream.linear.gather [hbm4b:s1+s2], $0x4000, $0x38;
	[tilespmem:$0x18000] =	vst v63  }
0x2fa: {  	_ =	swait.ge [sflag:s29], $0x4000  }
0x2fb: {  	[sflag:s29] =	ssyncset.done $0x0  }
0x2fc: {  	[sflag:s29] =	ssyncadd.s32 $0xFFFFC000  }
0x2fd: {  	_ =	swait.ge [sflag:s22], $0x4000  }
0x2fe: {  	[sflag:s22] =	ssyncset.done $0x0  }
0x2ff: {  	[sflag:s22] =	ssyncadd.s32 $0xFFFFC000  }
0x300: {  	[hbm4b:s26+s2] =	stream.linear.scatter [tilespmem:s2], [sflag:$0x7], $0x4000, $0x38;
	[tilespmem:$0x18000] =	vst v63  }
0x301: {  	_ =	swait.ge [sflag:s7], $0x4000  }
0x302: {  	[sflag:s7] =	ssyncset.done $0x0  }
0x303: {  	[sflag:s7] =	ssyncadd.s32 $0xFFFFC000  }
0x304: {  	[tilespmem:s9], [sflag:$0x4] =	stream.linear.gather [hbm4b:s25+s2], $0x4000, $0x38;
	[tilespmem:$0x18000] =	vst v63  }
0x305: {  	_ =	swait.ge [sflag:s17], $0x4000  }
0x306: {  	[sflag:s17] =	ssyncset.done $0x0  }
0x307: {  	[sflag:s17] =	ssyncadd.s32 $0xFFFFC000  }
0x308: {  	[hbm4b:s24+s2] =	stream.linear.scatter [tilespmem:s14], [sflag:$0x8], $0x4000, $0x38;
	[tilespmem:$0x18000] =	vst v63  }
0x309: {  	_ =	swait.ge [sflag:s6], $0x4000  }
0x30a: {  	[sflag:s6] =	ssyncset.done $0x0  }
0x30b: {  	[sflag:s6] =	ssyncadd.s32 $0xFFFFC000  }
0x30c: {  	[tilespmem:s2], [sflag:$0x1] =	stream.linear.gather [hbm4b:s23+s2], $0x4000, $0x38;
	[tilespmem:$0x18000] =	vst v63  }
0x30d: {  	_ =	swait.ge [sflag:s19], $0x4000  }
0x30e: {  	[sflag:s19] =	ssyncset.done $0x0  }
0x30f: {  	[sflag:s19] =	ssyncadd.s32 $0xFFFFC000  }
0x310: {  	[hbm4b:s21+s2] =	stream.linear.scatter [tilespmem:s8], [sflag:$0x9], $0x4000, $0x38;
	[tilespmem:$0x18000] =	vst v63  }
0x311: {  	_ =	swait.ge [sflag:s12], $0x4000  }
0x312: {  	[sflag:s12] =	ssyncset.done $0x0  }
0x313: {  	[sflag:s12] =	ssyncadd.s32 $0xFFFFC000  }
0x314: {  	[tilespmem:s14], [sflag:$0x2] =	stream.linear.gather [hbm4b:s20+s2], $0x4000, $0x38;
	[tilespmem:$0x18000] =	vst v63  }
0x315: {  	_ =	swait.ge [sflag:s16], $0x4000  }
0x316: {  	[sflag:s16] =	ssyncset.done $0x0  }
0x317: {  	[sflag:s16] =	ssyncadd.s32 $0xFFFFC000  }
0x318: {  	[hbm4b:s18+s2] =	stream.linear.scatter [tilespmem:s9], [sflag:$0xA], $0x4000, $0x38;
	[tilespmem:$0x18000] =	vst v63  }
0x319: {  	_ =	swait.ge [sflag:s10], $0x4000  }
0x31a: {  	[sflag:s10] =	ssyncset.done $0x0  }
0x31b: {  	[sflag:s10] =	ssyncadd.s32 $0xFFFFC000  }
0x31c: {  	[tilespmem:s8], [sflag:$0x3] =	stream.linear.gather [hbm4b:s15+s2], $0x4000, $0x38;
	[tilespmem:$0x18000] =	vst v63  }
0x31d: {  	_ =	swait.ge [sflag:s28], $0x4000  }
0x31e: {  	[sflag:s28] =	ssyncset.done $0x0  }
0x31f: {  	[sflag:s28] =	ssyncadd.s32 $0xFFFFC000  }
0x320: {  	_ =	swait.ge [sflag:s22], $0x4000  }
0x321: {  	[sflag:s22] =	ssyncset.done $0x0  }
0x322: {  	[sflag:s22] =	ssyncadd.s32 $0xFFFFC000  }
0x323: {  	[hbm4b:s13+s2] =	stream.linear.scatter [tilespmem:s2], [sflag:$0x7], $0x4000, $0x38;
	[tilespmem:$0x18000] =	vst v63  }
0x324: {  	_ =	swait.ge [sflag:s7], $0x4000  }
0x325: {  	[sflag:s7] =	ssyncset.done $0x0  }
0x326: {  	[sflag:s7] =	ssyncadd.s32 $0xFFFFC000  }
0x327: {  	[tilespmem:s9], [sflag:$0x4] =	stream.linear.gather [hbm4b:s11+s2], $0x4000, $0x38;
	[tilespmem:$0x18000] =	vst v63  }
0x328: {  	_ =	swait.ge [sflag:s17], $0x4000  }
0x329: {  	[sflag:s17] =	ssyncset.done $0x0  }
0x32a: {  	[sflag:s17] =	ssyncadd.s32 $0xFFFFC000  }
0x32b: {  	[hbm4b:s5+s2] =	stream.linear.scatter [tilespmem:s14], [sflag:$0x8], $0x4000, $0x38;
	[tilespmem:$0x18000] =	vst v63  }
0x32c: {  	_ =	swait.ge [sflag:s19], $0x4000  }
0x32d: {  	[sflag:s19] =	ssyncset.done $0x0  }
0x32e: {  	[sflag:s19] =	ssyncadd.s32 $0xFFFFC000  }
0x32f: {  	[hbm4b:s4+s2] =	stream.linear.scatter [tilespmem:s8], [sflag:$0x9], $0x4000, $0x38;
	[tilespmem:$0x18000] =	vst v63  }
0x330: {  	_ =	swait.ge [sflag:s16], $0x4000  }
0x331: {  	[sflag:s16] =	ssyncset.done $0x0  }
0x332: {  	[sflag:s16] =	ssyncadd.s32 $0xFFFFC000  }
0x333: {  	[hbm4b:s3+s2] =	stream.linear.scatter [tilespmem:s9], [sflag:$0xA], $0x4000, $0x38;
	[tilespmem:$0x18000] =	vst v63  }
0x334: {  	_ =	swait.ge [sflag:s6], $0x4000  }
0x335: {  	[sflag:s6] =	ssyncset.done $0x0  }
0x336: {  	[sflag:s6] =	ssyncadd.s32 $0xFFFFC000  }
0x337: {  	_ =	swait.ge [sflag:s12], $0x4000  }
0x338: {  	[sflag:s12] =	ssyncset.done $0x0  }
0x339: {  	[sflag:s12] =	ssyncadd.s32 $0xFFFFC000  }
0x33a: {  	_ =	swait.ge [sflag:s10], $0x4000  }
0x33b: {  	s1 =	sld [smem:$0x796];
	_ =	sdelay $0x2  }
0x33c: {  	p1 =	sne.s32 s1, $0x1  }
.Ltmp1:
0x33d: {  	[sflag:s10] =	ssyncset.done $0x0;
	(pc) =	sbr.rel @!p1 .LBB2_2-.Ltmp1, $4  }
0x33e: {  	[sflag:s10] =	ssyncadd.s32 $0xFFFFC000  }
0x33f: {  	p0 =	por $0x1, $0x1;
	_ =	swait.ge [sflag:s7], $0x4000  }
0x340: {  	s31 =	simm.s32 $0x14000;
	s0 =	sadd.s32 $0xFFFFFFFF, s1;
	s1 =	rddreg [dreg:$0x3]  }
0x341: {  	s30 =	simm.s32 $0x10000;
	[sflag:s7] =	ssyncset.done $0x0;
	[smem:$0x797] =	sst s26  }
.LBB2_3:
0x342: {  	[sflag:s7] =	ssyncadd.s32 $0xFFFFC000;
	s26 =	smov.u32 s25  }
0x343: {  	s25 =	smov.u32 s24;
	s24 =	smov.u32 s23;
	s23 =	smov.u32 s21  }
0x344: {  	s21 =	smov.u32 s20;
	s20 =	smov.u32 s18;
	s18 =	smov.u32 s15  }
0x345: {  	s15 =	smov.u32 s13;
	s13 =	smov.u32 s11;
	s11 =	smov.u32 s5  }
0x346: {  	[tilespmem:s30], [sflag:$0x5] =	stream.linear.gather [hbm4b:s1+s2], $0x4000, $0x38;
	[tilespmem:$0x18000] =	vst v63  }
0x347: {  	s5 =	smov.u32 s4;
	s4 =	smov.u32 s3;
	s3 =	rddreg [dreg:$0x4]  }
0x348: {  	[tilespmem:s2], [sflag:$0x1] =	stream.linear.gather [hbm4b:s3+s2], $0x4000, $0x38;
	[tilespmem:$0x18000] =	vst v63  }
0x349: {  	s1 =	rddreg [dreg:$0x5]  }
0x34a: {  	[tilespmem:s14], [sflag:$0x2] =	stream.linear.gather [hbm4b:s1+s2], $0x4000, $0x38;
	[tilespmem:$0x18000] =	vst v63  }
0x34b: {  	s3 =	rddreg [dreg:$0x6]  }
0x34c: {  	[tilespmem:s8], [sflag:$0x3] =	stream.linear.gather [hbm4b:s3+s2], $0x4000, $0x38;
	[tilespmem:$0x18000] =	vst v63  }
0x34d: {  	s1 =	rddreg [dreg:$0x7]  }
0x34e: {  	[tilespmem:s31], [sflag:$0x6] =	stream.linear.gather [hbm4b:s1+s2], $0x4000, $0x38;
	[tilespmem:$0x18000] =	vst v63  }
0x34f: {  	_ =	swait.ge [sflag:s29], $0x4000  }
0x350: {  	[sflag:s29] =	ssyncset.done $0x0  }
0x351: {  	[sflag:s29] =	ssyncadd.s32 $0xFFFFC000  }
0x352: {  	_ =	swait.ge [sflag:s22], $0x4000  }
0x353: {  	[sflag:s22] =	ssyncset.done $0x0  }
0x354: {  	s1 =	rddreg [dreg:$0x8];
	[sflag:s22] =	ssyncadd.s32 $0xFFFFC000  }
0x355: {  	[hbm4b:s1+s2] =	stream.linear.scatter [tilespmem:s2], [sflag:$0x7], $0x4000, $0x38;
	[tilespmem:$0x18000] =	vst v63  }
0x356: {  	s3 =	rddreg [dreg:$0x9]  }
0x357: {  	[tilespmem:s9], [sflag:$0x4] =	stream.linear.gather [hbm4b:s3+s2], $0x4000, $0x38;
	[tilespmem:$0x18000] =	vst v63  }
0x358: {  	_ =	swait.ge [sflag:s17], $0x4000  }
0x359: {  	[sflag:s17] =	ssyncset.done $0x0  }
0x35a: {  	s3 =	rddreg [dreg:$0xa];
	[sflag:s17] =	ssyncadd.s32 $0xFFFFC000  }
0x35b: {  	[hbm4b:s3+s2] =	stream.linear.scatter [tilespmem:s14], [sflag:$0x8], $0x4000, $0x38;
	[tilespmem:$0x18000] =	vst v63  }
0x35c: {  	_ =	swait.ge [sflag:s6], $0x4000  }
0x35d: {  	[sflag:s6] =	ssyncset.done $0x0  }
0x35e: {  	s3 =	rddreg [dreg:$0xb];
	[sflag:s6] =	ssyncadd.s32 $0xFFFFC000  }
0x35f: {  	[tilespmem:s2], [sflag:$0x1] =	stream.linear.gather [hbm4b:s3+s2], $0x4000, $0x38;
	[tilespmem:$0x18000] =	vst v63  }
0x360: {  	_ =	swait.ge [sflag:s19], $0x4000  }
0x361: {  	[sflag:s19] =	ssyncset.done $0x0  }
0x362: {  	s3 =	rddreg [dreg:$0xc];
	[sflag:s19] =	ssyncadd.s32 $0xFFFFC000  }
0x363: {  	[hbm4b:s3+s2] =	stream.linear.scatter [tilespmem:s8], [sflag:$0x9], $0x4000, $0x38;
	[tilespmem:$0x18000] =	vst v63  }
0x364: {  	_ =	swait.ge [sflag:s12], $0x4000  }
0x365: {  	[sflag:s12] =	ssyncset.done $0x0  }
0x366: {  	s3 =	rddreg [dreg:$0xd];
	[sflag:s12] =	ssyncadd.s32 $0xFFFFC000  }
0x367: {  	[tilespmem:s14], [sflag:$0x2] =	stream.linear.gather [hbm4b:s3+s2], $0x4000, $0x38;
	[tilespmem:$0x18000] =	vst v63  }
0x368: {  	_ =	swait.ge [sflag:s16], $0x4000  }
0x369: {  	[sflag:s16] =	ssyncset.done $0x0  }
0x36a: {  	s3 =	rddreg [dreg:$0xe];
	[sflag:s16] =	ssyncadd.s32 $0xFFFFC000  }
0x36b: {  	[hbm4b:s3+s2] =	stream.linear.scatter [tilespmem:s9], [sflag:$0xA], $0x4000, $0x38;
	[tilespmem:$0x18000] =	vst v63  }
0x36c: {  	_ =	swait.ge [sflag:s10], $0x4000  }
0x36d: {  	[sflag:s10] =	ssyncset.done $0x0  }
0x36e: {  	s1 =	rddreg [dreg:$0xf];
	[sflag:s10] =	ssyncadd.s32 $0xFFFFC000  }
0x36f: {  	[tilespmem:s8], [sflag:$0x3] =	stream.linear.gather [hbm4b:s1+s2], $0x4000, $0x38;
	[tilespmem:$0x18000] =	vst v63  }
0x370: {  	s3 =	rddreg [dreg:$0x10]  }
0x371: {  	[tilespmem:s30], [sflag:$0x5] =	stream.linear.gather [hbm4b:s3+s2], $0x4000, $0x38;
	[tilespmem:$0x18000] =	vst v63  }
0x372: {  	_ =	swait.ge [sflag:s28], $0x4000  }
0x373: {  	[sflag:s28] =	ssyncset.done $0x0  }
0x374: {  	[sflag:s28] =	ssyncadd.s32 $0xFFFFC000  }
0x375: {  	_ =	swait.ge [sflag:s22], $0x4000  }
0x376: {  	[sflag:s22] =	ssyncset.done $0x0  }
0x377: {  	s3 =	rddreg [dreg:$0x11];
	[sflag:s22] =	ssyncadd.s32 $0xFFFFC000  }
0x378: {  	[hbm4b:s3+s2] =	stream.linear.scatter [tilespmem:s2], [sflag:$0x7], $0x4000, $0x38;
	[tilespmem:$0x18000] =	vst v63  }
0x379: {  	_ =	swait.ge [sflag:s7], $0x4000  }
0x37a: {  	[sflag:s7] =	ssyncset.done $0x0  }
0x37b: {  	s3 =	rddreg [dreg:$0x12];
	[sflag:s7] =	ssyncadd.s32 $0xFFFFC000  }
0x37c: {  	[tilespmem:s9], [sflag:$0x4] =	stream.linear.gather [hbm4b:s3+s2], $0x4000, $0x38;
	[tilespmem:$0x18000] =	vst v63  }
0x37d: {  	_ =	swait.ge [sflag:s17], $0x4000  }
0x37e: {  	[sflag:s17] =	ssyncset.done $0x0  }
0x37f: {  	s3 =	rddreg [dreg:$0x13];
	[sflag:s17] =	ssyncadd.s32 $0xFFFFC000  }
0x380: {  	[hbm4b:s3+s2] =	stream.linear.scatter [tilespmem:s14], [sflag:$0x8], $0x4000, $0x38;
	[tilespmem:$0x18000] =	vst v63  }
0x381: {  	_ =	swait.ge [sflag:s6], $0x4000  }
0x382: {  	[sflag:s6] =	ssyncset.done $0x0  }
0x383: {  	s3 =	rddreg [dreg:$0x14];
	[sflag:s6] =	ssyncadd.s32 $0xFFFFC000  }
0x384: {  	[tilespmem:s2], [sflag:$0x1] =	stream.linear.gather [hbm4b:s3+s2], $0x4000, $0x38;
	[tilespmem:$0x18000] =	vst v63  }
0x385: {  	_ =	swait.ge [sflag:s19], $0x4000  }
0x386: {  	[sflag:s19] =	ssyncset.done $0x0  }
0x387: {  	[sflag:s19] =	ssyncadd.s32 $0xFFFFC000  }
0x388: {  	s3 =	rddreg [dreg:$0x15]  }
0x389: {  	[hbm4b:s3+s2] =	stream.linear.scatter [tilespmem:s8], [sflag:$0x9], $0x4000, $0x38;
	[tilespmem:$0x18000] =	vst v63  }
0x38a: {  	_ =	swait.ge [sflag:s12], $0x4000  }
0x38b: {  	[sflag:s12] =	ssyncset.done $0x0  }
0x38c: {  	s3 =	rddreg [dreg:$0x16];
	[sflag:s12] =	ssyncadd.s32 $0xFFFFC000  }
0x38d: {  	[tilespmem:s14], [sflag:$0x2] =	stream.linear.gather [hbm4b:s3+s2], $0x4000, $0x38;
	[tilespmem:$0x18000] =	vst v63  }
0x38e: {  	_ =	swait.ge [sflag:s16], $0x4000  }
0x38f: {  	[sflag:s16] =	ssyncset.done $0x0  }
0x390: {  	s3 =	rddreg [dreg:$0x17];
	[sflag:s16] =	ssyncadd.s32 $0xFFFFC000  }
0x391: {  	[hbm4b:s3+s2] =	stream.linear.scatter [tilespmem:s9], [sflag:$0xA], $0x4000, $0x38;
	[tilespmem:$0x18000] =	vst v63  }
0x392: {  	_ =	swait.ge [sflag:s10], $0x4000  }
0x393: {  	[sflag:s10] =	ssyncset.done $0x0  }
0x394: {  	s1 =	rddreg [dreg:$0x18];
	[sflag:s10] =	ssyncadd.s32 $0xFFFFC000  }
0x395: {  	[tilespmem:s8], [sflag:$0x3] =	stream.linear.gather [hbm4b:s1+s2], $0x4000, $0x38;
	[tilespmem:$0x18000] =	vst v63  }
0x396: {  	s3 =	rddreg [dreg:$0x19]  }
0x397: {  	[tilespmem:s31], [sflag:$0x6] =	stream.linear.gather [hbm4b:s3+s2], $0x4000, $0x38;
	[tilespmem:$0x18000] =	vst v63  }
0x398: {  	_ =	swait.ge [sflag:s29], $0x4000  }
0x399: {  	[sflag:s29] =	ssyncset.done $0x0  }
0x39a: {  	[sflag:s29] =	ssyncadd.s32 $0xFFFFC000  }
0x39b: {  	_ =	swait.ge [sflag:s22], $0x4000  }
0x39c: {  	[sflag:s22] =	ssyncset.done $0x0  }
0x39d: {  	s3 =	rddreg [dreg:$0x1a];
	[sflag:s22] =	ssyncadd.s32 $0xFFFFC000  }
0x39e: {  	[hbm4b:s3+s2] =	stream.linear.scatter [tilespmem:s2], [sflag:$0x7], $0x4000, $0x38;
	[tilespmem:$0x18000] =	vst v63  }
0x39f: {  	_ =	swait.ge [sflag:s7], $0x4000  }
0x3a0: {  	[sflag:s7] =	ssyncset.done $0x0  }
0x3a1: {  	s3 =	rddreg [dreg:$0x1b];
	[sflag:s7] =	ssyncadd.s32 $0xFFFFC000  }
0x3a2: {  	[tilespmem:s9], [sflag:$0x4] =	stream.linear.gather [hbm4b:s3+s2], $0x4000, $0x38;
	[tilespmem:$0x18000] =	vst v63  }
0x3a3: {  	_ =	swait.ge [sflag:s17], $0x4000  }
0x3a4: {  	[sflag:s17] =	ssyncset.done $0x0  }
0x3a5: {  	s3 =	rddreg [dreg:$0x1c];
	[sflag:s17] =	ssyncadd.s32 $0xFFFFC000  }
0x3a6: {  	[hbm4b:s3+s2] =	stream.linear.scatter [tilespmem:s14], [sflag:$0x8], $0x4000, $0x38;
	[tilespmem:$0x18000] =	vst v63  }
0x3a7: {  	_ =	swait.ge [sflag:s6], $0x4000  }
0x3a8: {  	[sflag:s6] =	ssyncset.done $0x0  }
0x3a9: {  	s3 =	rddreg [dreg:$0x1d];
	[sflag:s6] =	ssyncadd.s32 $0xFFFFC000  }
0x3aa: {  	[tilespmem:s2], [sflag:$0x1] =	stream.linear.gather [hbm4b:s3+s2], $0x4000, $0x38;
	[tilespmem:$0x18000] =	vst v63  }
0x3ab: {  	_ =	swait.ge [sflag:s19], $0x4000  }
0x3ac: {  	[sflag:s19] =	ssyncset.done $0x0  }
0x3ad: {  	s3 =	rddreg [dreg:$0x1e];
	[sflag:s19] =	ssyncadd.s32 $0xFFFFC000  }
0x3ae: {  	[hbm4b:s3+s2] =	stream.linear.scatter [tilespmem:s8], [sflag:$0x9], $0x4000, $0x38;
	[tilespmem:$0x18000] =	vst v63  }
0x3af: {  	_ =	swait.ge [sflag:s12], $0x4000  }
0x3b0: {  	[sflag:s12] =	ssyncset.done $0x0  }
0x3b1: {  	s3 =	rddreg [dreg:$0x1f];
	[sflag:s12] =	ssyncadd.s32 $0xFFFFC000  }
0x3b2: {  	[tilespmem:s14], [sflag:$0x2] =	stream.linear.gather [hbm4b:s3+s2], $0x4000, $0x38;
	[tilespmem:$0x18000] =	vst v63  }
0x3b3: {  	_ =	swait.ge [sflag:s16], $0x4000  }
0x3b4: {  	s3 =	sld [smem:$0x798]  }
0x3b5: {  	[sflag:s16] =	ssyncset.done $0x0  }
0x3b6: {  	[sflag:s16] =	ssyncadd.s32 $0xFFFFC000  }
0x3b7: {  	[hbm4b:s3+s2] =	stream.linear.scatter [tilespmem:s9], [sflag:$0xA], $0x4000, $0x38;
	[tilespmem:$0x18000] =	vst v63  }
0x3b8: {  	_ =	swait.ge [sflag:s10], $0x4000  }
0x3b9: {  	s1 =	sld [smem:$0x799]  }
0x3ba: {  	[sflag:s10] =	ssyncset.done $0x0  }
0x3bb: {  	s3 =	sld [smem:$0x79A];
	[sflag:s10] =	ssyncadd.s32 $0xFFFFC000  }
0x3bc: {  	[tilespmem:s8], [sflag:$0x3] =	stream.linear.gather [hbm4b:s1+s2], $0x4000, $0x38;
	[tilespmem:$0x18000] =	vst v63  }
0x3bd: {  	_ = 	snop  }
0x3be: {  	[tilespmem:s30], [sflag:$0x5] =	stream.linear.gather [hbm4b:s3+s2], $0x4000, $0x38;
	[tilespmem:$0x18000] =	vst v63  }
0x3bf: {  	_ =	swait.ge [sflag:s28], $0x4000  }
0x3c0: {  	[sflag:s28] =	ssyncset.done $0x0  }
0x3c1: {  	[sflag:s28] =	ssyncadd.s32 $0xFFFFC000  }
0x3c2: {  	_ =	swait.ge [sflag:s22], $0x4000  }
0x3c3: {  	s3 =	sld [smem:$0x79B]  }
0x3c4: {  	[sflag:s22] =	ssyncset.done $0x0  }
0x3c5: {  	[sflag:s22] =	ssyncadd.s32 $0xFFFFC000  }
0x3c6: {  	[hbm4b:s3+s2] =	stream.linear.scatter [tilespmem:s2], [sflag:$0x7], $0x4000, $0x38;
	[tilespmem:$0x18000] =	vst v63  }
0x3c7: {  	_ =	swait.ge [sflag:s7], $0x4000  }
0x3c8: {  	s3 =	sld [smem:$0x79C]  }
0x3c9: {  	[sflag:s7] =	ssyncset.done $0x0  }
0x3ca: {  	[sflag:s7] =	ssyncadd.s32 $0xFFFFC000  }
0x3cb: {  	[tilespmem:s9], [sflag:$0x4] =	stream.linear.gather [hbm4b:s3+s2], $0x4000, $0x38;
	[tilespmem:$0x18000] =	vst v63  }
0x3cc: {  	_ =	swait.ge [sflag:s17], $0x4000  }
0x3cd: {  	s3 =	sld [smem:$0x79D]  }
0x3ce: {  	[sflag:s17] =	ssyncset.done $0x0  }
0x3cf: {  	[sflag:s17] =	ssyncadd.s32 $0xFFFFC000  }
0x3d0: {  	[hbm4b:s3+s2] =	stream.linear.scatter [tilespmem:s14], [sflag:$0x8], $0x4000, $0x38;
	[tilespmem:$0x18000] =	vst v63  }
0x3d1: {  	_ =	swait.ge [sflag:s6], $0x4000  }
0x3d2: {  	s3 =	sld [smem:$0x79E]  }
0x3d3: {  	[sflag:s6] =	ssyncset.done $0x0  }
0x3d4: {  	[sflag:s6] =	ssyncadd.s32 $0xFFFFC000  }
0x3d5: {  	[tilespmem:s2], [sflag:$0x1] =	stream.linear.gather [hbm4b:s3+s2], $0x4000, $0x38;
	[tilespmem:$0x18000] =	vst v63  }
0x3d6: {  	_ =	swait.ge [sflag:s19], $0x4000  }
0x3d7: {  	s3 =	sld [smem:$0x79F]  }
0x3d8: {  	[sflag:s19] =	ssyncset.done $0x0  }
0x3d9: {  	[sflag:s19] =	ssyncadd.s32 $0xFFFFC000  }
0x3da: {  	[hbm4b:s3+s2] =	stream.linear.scatter [tilespmem:s8], [sflag:$0x9], $0x4000, $0x38;
	[tilespmem:$0x18000] =	vst v63  }
0x3db: {  	_ =	swait.ge [sflag:s12], $0x4000  }
0x3dc: {  	s3 =	sld [smem:$0x7A0]  }
0x3dd: {  	[sflag:s12] =	ssyncset.done $0x0  }
0x3de: {  	[sflag:s12] =	ssyncadd.s32 $0xFFFFC000  }
0x3df: {  	[tilespmem:s14], [sflag:$0x2] =	stream.linear.gather [hbm4b:s3+s2], $0x4000, $0x38;
	[tilespmem:$0x18000] =	vst v63  }
0x3e0: {  	_ =	swait.ge [sflag:s16], $0x4000  }
0x3e1: {  	s3 =	sld [smem:$0x7A1]  }
0x3e2: {  	[sflag:s16] =	ssyncset.done $0x0  }
0x3e3: {  	[sflag:s16] =	ssyncadd.s32 $0xFFFFC000  }
0x3e4: {  	[hbm4b:s3+s2] =	stream.linear.scatter [tilespmem:s9], [sflag:$0xA], $0x4000, $0x38;
	[tilespmem:$0x18000] =	vst v63  }
0x3e5: {  	_ =	swait.ge [sflag:s10], $0x4000  }
0x3e6: {  	s1 =	sld [smem:$0x7A2]  }
0x3e7: {  	[sflag:s10] =	ssyncset.done $0x0  }
0x3e8: {  	s3 =	sld [smem:$0x7A3];
	[sflag:s10] =	ssyncadd.s32 $0xFFFFC000  }
0x3e9: {  	[tilespmem:s8], [sflag:$0x3] =	stream.linear.gather [hbm4b:s1+s2], $0x4000, $0x38;
	[tilespmem:$0x18000] =	vst v63  }
0x3ea: {  	_ = 	snop  }
0x3eb: {  	[tilespmem:s31], [sflag:$0x6] =	stream.linear.gather [hbm4b:s3+s2], $0x4000, $0x38;
	[tilespmem:$0x18000] =	vst v63  }
0x3ec: {  	_ =	swait.ge [sflag:s29], $0x4000  }
0x3ed: {  	[sflag:s29] =	ssyncset.done $0x0  }
0x3ee: {  	[sflag:s29] =	ssyncadd.s32 $0xFFFFC000  }
0x3ef: {  	_ =	swait.ge [sflag:s22], $0x4000  }
0x3f0: {  	s3 =	sld [smem:$0x7A4]  }
0x3f1: {  	[sflag:s22] =	ssyncset.done $0x0  }
0x3f2: {  	[sflag:s22] =	ssyncadd.s32 $0xFFFFC000  }
0x3f3: {  	[hbm4b:s3+s2] =	stream.linear.scatter [tilespmem:s2], [sflag:$0x7], $0x4000, $0x38;
	[tilespmem:$0x18000] =	vst v63  }
0x3f4: {  	_ =	swait.ge [sflag:s7], $0x4000  }
0x3f5: {  	s3 =	sld [smem:$0x7A5]  }
0x3f6: {  	[sflag:s7] =	ssyncset.done $0x0  }
0x3f7: {  	[sflag:s7] =	ssyncadd.s32 $0xFFFFC000  }
0x3f8: {  	[tilespmem:s9], [sflag:$0x4] =	stream.linear.gather [hbm4b:s3+s2], $0x4000, $0x38;
	[tilespmem:$0x18000] =	vst v63  }
0x3f9: {  	_ =	swait.ge [sflag:s17], $0x4000  }
0x3fa: {  	s3 =	sld [smem:$0x7A6]  }
0x3fb: {  	[sflag:s17] =	ssyncset.done $0x0  }
0x3fc: {  	[sflag:s17] =	ssyncadd.s32 $0xFFFFC000  }
0x3fd: {  	[hbm4b:s3+s2] =	stream.linear.scatter [tilespmem:s14], [sflag:$0x8], $0x4000, $0x38;
	[tilespmem:$0x18000] =	vst v63  }
0x3fe: {  	_ =	swait.ge [sflag:s6], $0x4000  }
0x3ff: {  	s3 =	sld [smem:$0x7A7]  }
0x400: {  	[sflag:s6] =	ssyncset.done $0x0  }
0x401: {  	[sflag:s6] =	ssyncadd.s32 $0xFFFFC000  }
0x402: {  	[tilespmem:s2], [sflag:$0x1] =	stream.linear.gather [hbm4b:s3+s2], $0x4000, $0x38;
	[tilespmem:$0x18000] =	vst v63  }
0x403: {  	_ =	swait.ge [sflag:s19], $0x4000  }
0x404: {  	s3 =	sld [smem:$0x7A8]  }
0x405: {  	[sflag:s19] =	ssyncset.done $0x0  }
0x406: {  	[sflag:s19] =	ssyncadd.s32 $0xFFFFC000  }
0x407: {  	[hbm4b:s3+s2] =	stream.linear.scatter [tilespmem:s8], [sflag:$0x9], $0x4000, $0x38;
	[tilespmem:$0x18000] =	vst v63  }
0x408: {  	_ =	swait.ge [sflag:s12], $0x4000  }
0x409: {  	s3 =	sld [smem:$0x7A9]  }
0x40a: {  	[sflag:s12] =	ssyncset.done $0x0  }
0x40b: {  	[sflag:s12] =	ssyncadd.s32 $0xFFFFC000  }
0x40c: {  	[tilespmem:s14], [sflag:$0x2] =	stream.linear.gather [hbm4b:s3+s2], $0x4000, $0x38;
	[tilespmem:$0x18000] =	vst v63  }
0x40d: {  	_ =	swait.ge [sflag:s16], $0x4000  }
0x40e: {  	s3 =	sld [smem:$0x7AA]  }
0x40f: {  	[sflag:s16] =	ssyncset.done $0x0  }
0x410: {  	[sflag:s16] =	ssyncadd.s32 $0xFFFFC000  }
0x411: {  	[hbm4b:s3+s2] =	stream.linear.scatter [tilespmem:s9], [sflag:$0xA], $0x4000, $0x38;
	[tilespmem:$0x18000] =	vst v63  }
0x412: {  	_ =	swait.ge [sflag:s10], $0x4000  }
0x413: {  	s1 =	sld [smem:$0x7AB]  }
0x414: {  	[sflag:s10] =	ssyncset.done $0x0  }
0x415: {  	s3 =	sld [smem:$0x7AC];
	[sflag:s10] =	ssyncadd.s32 $0xFFFFC000  }
0x416: {  	[tilespmem:s8], [sflag:$0x3] =	stream.linear.gather [hbm4b:s1+s2], $0x4000, $0x38;
	[tilespmem:$0x18000] =	vst v63  }
0x417: {  	_ = 	snop  }
0x418: {  	[tilespmem:s30], [sflag:$0x5] =	stream.linear.gather [hbm4b:s3+s2], $0x4000, $0x38;
	[tilespmem:$0x18000] =	vst v63  }
0x419: {  	_ =	swait.ge [sflag:s28], $0x4000  }
0x41a: {  	[sflag:s28] =	ssyncset.done $0x0  }
0x41b: {  	[sflag:s28] =	ssyncadd.s32 $0xFFFFC000  }
0x41c: {  	_ =	swait.ge [sflag:s22], $0x4000  }
0x41d: {  	s3 =	sld [smem:$0x7AD]  }
0x41e: {  	[sflag:s22] =	ssyncset.done $0x0  }
0x41f: {  	[sflag:s22] =	ssyncadd.s32 $0xFFFFC000  }
0x420: {  	[hbm4b:s3+s2] =	stream.linear.scatter [tilespmem:s2], [sflag:$0x7], $0x4000, $0x38;
	[tilespmem:$0x18000] =	vst v63  }
0x421: {  	_ =	swait.ge [sflag:s7], $0x4000  }
0x422: {  	s3 =	sld [smem:$0x7AE]  }
0x423: {  	[sflag:s7] =	ssyncset.done $0x0  }
0x424: {  	[sflag:s7] =	ssyncadd.s32 $0xFFFFC000  }
0x425: {  	[tilespmem:s9], [sflag:$0x4] =	stream.linear.gather [hbm4b:s3+s2], $0x4000, $0x38;
	[tilespmem:$0x18000] =	vst v63  }
0x426: {  	_ =	swait.ge [sflag:s17], $0x4000  }
0x427: {  	s3 =	sld [smem:$0x7AF]  }
0x428: {  	[sflag:s17] =	ssyncset.done $0x0  }
0x429: {  	[sflag:s17] =	ssyncadd.s32 $0xFFFFC000  }
0x42a: {  	[hbm4b:s3+s2] =	stream.linear.scatter [tilespmem:s14], [sflag:$0x8], $0x4000, $0x38;
	[tilespmem:$0x18000] =	vst v63  }
0x42b: {  	_ =	swait.ge [sflag:s6], $0x4000  }
0x42c: {  	s3 =	sld [smem:$0x7B0]  }
0x42d: {  	[sflag:s6] =	ssyncset.done $0x0  }
0x42e: {  	[sflag:s6] =	ssyncadd.s32 $0xFFFFC000  }
0x42f: {  	[tilespmem:s2], [sflag:$0x1] =	stream.linear.gather [hbm4b:s3+s2], $0x4000, $0x38;
	[tilespmem:$0x18000] =	vst v63  }
0x430: {  	_ =	swait.ge [sflag:s19], $0x4000  }
0x431: {  	s3 =	sld [smem:$0x7B1]  }
0x432: {  	[sflag:s19] =	ssyncset.done $0x0  }
0x433: {  	[sflag:s19] =	ssyncadd.s32 $0xFFFFC000  }
0x434: {  	[hbm4b:s3+s2] =	stream.linear.scatter [tilespmem:s8], [sflag:$0x9], $0x4000, $0x38;
	[tilespmem:$0x18000] =	vst v63  }
0x435: {  	_ =	swait.ge [sflag:s12], $0x4000  }
0x436: {  	s3 =	sld [smem:$0x7B2]  }
0x437: {  	[sflag:s12] =	ssyncset.done $0x0  }
0x438: {  	[sflag:s12] =	ssyncadd.s32 $0xFFFFC000  }
0x439: {  	[tilespmem:s14], [sflag:$0x2] =	stream.linear.gather [hbm4b:s3+s2], $0x4000, $0x38;
	[tilespmem:$0x18000] =	vst v63  }
0x43a: {  	_ =	swait.ge [sflag:s16], $0x4000  }
0x43b: {  	s3 =	sld [smem:$0x7B3]  }
0x43c: {  	[sflag:s16] =	ssyncset.done $0x0  }
0x43d: {  	[sflag:s16] =	ssyncadd.s32 $0xFFFFC000  }
0x43e: {  	[hbm4b:s3+s2] =	stream.linear.scatter [tilespmem:s9], [sflag:$0xA], $0x4000, $0x38;
	[tilespmem:$0x18000] =	vst v63  }
0x43f: {  	_ =	swait.ge [sflag:s10], $0x4000  }
0x440: {  	s1 =	sld [smem:$0x7B4]  }
0x441: {  	[sflag:s10] =	ssyncset.done $0x0  }
0x442: {  	s3 =	sld [smem:$0x7B5];
	[sflag:s10] =	ssyncadd.s32 $0xFFFFC000  }
0x443: {  	[tilespmem:s8], [sflag:$0x3] =	stream.linear.gather [hbm4b:s1+s2], $0x4000, $0x38;
	[tilespmem:$0x18000] =	vst v63  }
0x444: {  	_ = 	snop  }
0x445: {  	[tilespmem:s31], [sflag:$0x6] =	stream.linear.gather [hbm4b:s3+s2], $0x4000, $0x38;
	[tilespmem:$0x18000] =	vst v63  }
0x446: {  	_ =	swait.ge [sflag:s29], $0x4000  }
0x447: {  	[sflag:s29] =	ssyncset.done $0x0  }
0x448: {  	[sflag:s29] =	ssyncadd.s32 $0xFFFFC000  }
0x449: {  	_ =	swait.ge [sflag:s22], $0x4000  }
0x44a: {  	s3 =	sld [smem:$0x7B6]  }
0x44b: {  	[sflag:s22] =	ssyncset.done $0x0  }
0x44c: {  	[sflag:s22] =	ssyncadd.s32 $0xFFFFC000  }
0x44d: {  	[hbm4b:s3+s2] =	stream.linear.scatter [tilespmem:s2], [sflag:$0x7], $0x4000, $0x38;
	[tilespmem:$0x18000] =	vst v63  }
0x44e: {  	_ =	swait.ge [sflag:s7], $0x4000  }
0x44f: {  	s3 =	sld [smem:$0x7B7]  }
0x450: {  	[sflag:s7] =	ssyncset.done $0x0  }
0x451: {  	[sflag:s7] =	ssyncadd.s32 $0xFFFFC000  }
0x452: {  	[tilespmem:s9], [sflag:$0x4] =	stream.linear.gather [hbm4b:s3+s2], $0x4000, $0x38;
	[tilespmem:$0x18000] =	vst v63  }
0x453: {  	_ =	swait.ge [sflag:s17], $0x4000  }
0x454: {  	s3 =	sld [smem:$0x7B8]  }
0x455: {  	[sflag:s17] =	ssyncset.done $0x0  }
0x456: {  	[sflag:s17] =	ssyncadd.s32 $0xFFFFC000  }
0x457: {  	[hbm4b:s3+s2] =	stream.linear.scatter [tilespmem:s14], [sflag:$0x8], $0x4000, $0x38;
	[tilespmem:$0x18000] =	vst v63  }
0x458: {  	_ =	swait.ge [sflag:s6], $0x4000  }
0x459: {  	s3 =	sld [smem:$0x7B9]  }
0x45a: {  	[sflag:s6] =	ssyncset.done $0x0  }
0x45b: {  	[sflag:s6] =	ssyncadd.s32 $0xFFFFC000  }
0x45c: {  	[tilespmem:s2], [sflag:$0x1] =	stream.linear.gather [hbm4b:s3+s2], $0x4000, $0x38;
	[tilespmem:$0x18000] =	vst v63  }
0x45d: {  	_ =	swait.ge [sflag:s19], $0x4000  }
0x45e: {  	s3 =	sld [smem:$0x7BA]  }
0x45f: {  	[sflag:s19] =	ssyncset.done $0x0  }
0x460: {  	[sflag:s19] =	ssyncadd.s32 $0xFFFFC000  }
0x461: {  	[hbm4b:s3+s2] =	stream.linear.scatter [tilespmem:s8], [sflag:$0x9], $0x4000, $0x38;
	[tilespmem:$0x18000] =	vst v63  }
0x462: {  	_ =	swait.ge [sflag:s12], $0x4000  }
0x463: {  	s3 =	sld [smem:$0x7BB]  }
0x464: {  	[sflag:s12] =	ssyncset.done $0x0  }
0x465: {  	[sflag:s12] =	ssyncadd.s32 $0xFFFFC000  }
0x466: {  	[tilespmem:s14], [sflag:$0x2] =	stream.linear.gather [hbm4b:s3+s2], $0x4000, $0x38;
	[tilespmem:$0x18000] =	vst v63  }
0x467: {  	_ =	swait.ge [sflag:s16], $0x4000  }
0x468: {  	s3 =	sld [smem:$0x7BC]  }
0x469: {  	[sflag:s16] =	ssyncset.done $0x0  }
0x46a: {  	[sflag:s16] =	ssyncadd.s32 $0xFFFFC000  }
0x46b: {  	[hbm4b:s3+s2] =	stream.linear.scatter [tilespmem:s9], [sflag:$0xA], $0x4000, $0x38;
	[tilespmem:$0x18000] =	vst v63  }
0x46c: {  	_ =	swait.ge [sflag:s10], $0x4000  }
0x46d: {  	s1 =	sld [smem:$0x7BD]  }
0x46e: {  	[sflag:s10] =	ssyncset.done $0x0  }
0x46f: {  	s3 =	sld [smem:$0x7BE];
	[sflag:s10] =	ssyncadd.s32 $0xFFFFC000  }
0x470: {  	[tilespmem:s8], [sflag:$0x3] =	stream.linear.gather [hbm4b:s1+s2], $0x4000, $0x38;
	[tilespmem:$0x18000] =	vst v63  }
0x471: {  	_ = 	snop  }
0x472: {  	[tilespmem:s30], [sflag:$0x5] =	stream.linear.gather [hbm4b:s3+s2], $0x4000, $0x38;
	[tilespmem:$0x18000] =	vst v63  }
0x473: {  	_ =	swait.ge [sflag:s28], $0x4000  }
0x474: {  	[sflag:s28] =	ssyncset.done $0x0  }
0x475: {  	[sflag:s28] =	ssyncadd.s32 $0xFFFFC000  }
0x476: {  	_ =	swait.ge [sflag:s22], $0x4000  }
0x477: {  	s3 =	sld [smem:$0x7BF]  }
0x478: {  	[sflag:s22] =	ssyncset.done $0x0  }
0x479: {  	[sflag:s22] =	ssyncadd.s32 $0xFFFFC000  }
0x47a: {  	[hbm4b:s3+s2] =	stream.linear.scatter [tilespmem:s2], [sflag:$0x7], $0x4000, $0x38;
	[tilespmem:$0x18000] =	vst v63  }
0x47b: {  	_ =	swait.ge [sflag:s7], $0x4000  }
0x47c: {  	s3 =	sld [smem:$0x7C0]  }
0x47d: {  	[sflag:s7] =	ssyncset.done $0x0  }
0x47e: {  	[sflag:s7] =	ssyncadd.s32 $0xFFFFC000  }
0x47f: {  	[tilespmem:s9], [sflag:$0x4] =	stream.linear.gather [hbm4b:s3+s2], $0x4000, $0x38;
	[tilespmem:$0x18000] =	vst v63  }
0x480: {  	_ =	swait.ge [sflag:s17], $0x4000  }
0x481: {  	s3 =	sld [smem:$0x7C1]  }
0x482: {  	[sflag:s17] =	ssyncset.done $0x0  }
0x483: {  	[sflag:s17] =	ssyncadd.s32 $0xFFFFC000  }
0x484: {  	[hbm4b:s3+s2] =	stream.linear.scatter [tilespmem:s14], [sflag:$0x8], $0x4000, $0x38;
	[tilespmem:$0x18000] =	vst v63  }
0x485: {  	_ =	swait.ge [sflag:s6], $0x4000  }
0x486: {  	s3 =	sld [smem:$0x7C2]  }
0x487: {  	[sflag:s6] =	ssyncset.done $0x0  }
0x488: {  	[sflag:s6] =	ssyncadd.s32 $0xFFFFC000  }
0x489: {  	[tilespmem:s2], [sflag:$0x1] =	stream.linear.gather [hbm4b:s3+s2], $0x4000, $0x38;
	[tilespmem:$0x18000] =	vst v63  }
0x48a: {  	_ =	swait.ge [sflag:s19], $0x4000  }
0x48b: {  	s3 =	sld [smem:$0x7C3]  }
0x48c: {  	[sflag:s19] =	ssyncset.done $0x0  }
0x48d: {  	[sflag:s19] =	ssyncadd.s32 $0xFFFFC000  }
0x48e: {  	[hbm4b:s3+s2] =	stream.linear.scatter [tilespmem:s8], [sflag:$0x9], $0x4000, $0x38;
	[tilespmem:$0x18000] =	vst v63  }
0x48f: {  	_ =	swait.ge [sflag:s12], $0x4000  }
0x490: {  	s3 =	sld [smem:$0x7C4]  }
0x491: {  	[sflag:s12] =	ssyncset.done $0x0  }
0x492: {  	[sflag:s12] =	ssyncadd.s32 $0xFFFFC000  }
0x493: {  	[tilespmem:s14], [sflag:$0x2] =	stream.linear.gather [hbm4b:s3+s2], $0x4000, $0x38;
	[tilespmem:$0x18000] =	vst v63  }
0x494: {  	_ =	swait.ge [sflag:s16], $0x4000  }
0x495: {  	s3 =	sld [smem:$0x7C5]  }
0x496: {  	[sflag:s16] =	ssyncset.done $0x0  }
0x497: {  	[sflag:s16] =	ssyncadd.s32 $0xFFFFC000  }
0x498: {  	[hbm4b:s3+s2] =	stream.linear.scatter [tilespmem:s9], [sflag:$0xA], $0x4000, $0x38;
	[tilespmem:$0x18000] =	vst v63  }
0x499: {  	_ =	swait.ge [sflag:s10], $0x4000  }
0x49a: {  	s1 =	sld [smem:$0x7C6]  }
0x49b: {  	[sflag:s10] =	ssyncset.done $0x0  }
0x49c: {  	s3 =	sld [smem:$0x7C7];
	[sflag:s10] =	ssyncadd.s32 $0xFFFFC000  }
0x49d: {  	[tilespmem:s8], [sflag:$0x3] =	stream.linear.gather [hbm4b:s1+s2], $0x4000, $0x38;
	[tilespmem:$0x18000] =	vst v63  }
0x49e: {  	_ = 	snop  }
0x49f: {  	[tilespmem:s31], [sflag:$0x6] =	stream.linear.gather [hbm4b:s3+s2], $0x4000, $0x38;
	[tilespmem:$0x18000] =	vst v63  }
0x4a0: {  	_ =	swait.ge [sflag:s29], $0x4000  }
0x4a1: {  	[sflag:s29] =	ssyncset.done $0x0  }
0x4a2: {  	[sflag:s29] =	ssyncadd.s32 $0xFFFFC000  }
0x4a3: {  	_ =	swait.ge [sflag:s22], $0x4000  }
0x4a4: {  	s3 =	sld [smem:$0x7C8]  }
0x4a5: {  	[sflag:s22] =	ssyncset.done $0x0  }
0x4a6: {  	[sflag:s22] =	ssyncadd.s32 $0xFFFFC000  }
0x4a7: {  	[hbm4b:s3+s2] =	stream.linear.scatter [tilespmem:s2], [sflag:$0x7], $0x4000, $0x38;
	[tilespmem:$0x18000] =	vst v63  }
0x4a8: {  	_ =	swait.ge [sflag:s7], $0x4000  }
0x4a9: {  	s3 =	sld [smem:$0x7C9]  }
0x4aa: {  	[sflag:s7] =	ssyncset.done $0x0  }
0x4ab: {  	[sflag:s7] =	ssyncadd.s32 $0xFFFFC000  }
0x4ac: {  	[tilespmem:s9], [sflag:$0x4] =	stream.linear.gather [hbm4b:s3+s2], $0x4000, $0x38;
	[tilespmem:$0x18000] =	vst v63  }
0x4ad: {  	_ =	swait.ge [sflag:s17], $0x4000  }
0x4ae: {  	s3 =	sld [smem:$0x7CA]  }
0x4af: {  	[sflag:s17] =	ssyncset.done $0x0  }
0x4b0: {  	[sflag:s17] =	ssyncadd.s32 $0xFFFFC000  }
0x4b1: {  	[hbm4b:s3+s2] =	stream.linear.scatter [tilespmem:s14], [sflag:$0x8], $0x4000, $0x38;
	[tilespmem:$0x18000] =	vst v63  }
0x4b2: {  	_ =	swait.ge [sflag:s6], $0x4000  }
0x4b3: {  	s3 =	sld [smem:$0x7CB]  }
0x4b4: {  	[sflag:s6] =	ssyncset.done $0x0  }
0x4b5: {  	[sflag:s6] =	ssyncadd.s32 $0xFFFFC000  }
0x4b6: {  	[tilespmem:s2], [sflag:$0x1] =	stream.linear.gather [hbm4b:s3+s2], $0x4000, $0x38;
	[tilespmem:$0x18000] =	vst v63  }
0x4b7: {  	_ =	swait.ge [sflag:s19], $0x4000  }
0x4b8: {  	s3 =	sld [smem:$0x7CC]  }
0x4b9: {  	[sflag:s19] =	ssyncset.done $0x0  }
0x4ba: {  	[sflag:s19] =	ssyncadd.s32 $0xFFFFC000  }
0x4bb: {  	[hbm4b:s3+s2] =	stream.linear.scatter [tilespmem:s8], [sflag:$0x9], $0x4000, $0x38;
	[tilespmem:$0x18000] =	vst v63  }
0x4bc: {  	_ =	swait.ge [sflag:s12], $0x4000  }
0x4bd: {  	s3 =	sld [smem:$0x7CD]  }
0x4be: {  	[sflag:s12] =	ssyncset.done $0x0  }
0x4bf: {  	[sflag:s12] =	ssyncadd.s32 $0xFFFFC000  }
0x4c0: {  	[tilespmem:s14], [sflag:$0x2] =	stream.linear.gather [hbm4b:s3+s2], $0x4000, $0x38;
	[tilespmem:$0x18000] =	vst v63  }
0x4c1: {  	_ =	swait.ge [sflag:s16], $0x4000  }
0x4c2: {  	s3 =	sld [smem:$0x7CE]  }
0x4c3: {  	[sflag:s16] =	ssyncset.done $0x0  }
0x4c4: {  	[sflag:s16] =	ssyncadd.s32 $0xFFFFC000  }
0x4c5: {  	[hbm4b:s3+s2] =	stream.linear.scatter [tilespmem:s9], [sflag:$0xA], $0x4000, $0x38;
	[tilespmem:$0x18000] =	vst v63  }
0x4c6: {  	_ =	swait.ge [sflag:s10], $0x4000  }
0x4c7: {  	s1 =	sld [smem:$0x7CF]  }
0x4c8: {  	[sflag:s10] =	ssyncset.done $0x0  }
0x4c9: {  	s3 =	sld [smem:$0x7D0];
	[sflag:s10] =	ssyncadd.s32 $0xFFFFC000  }
0x4ca: {  	[tilespmem:s8], [sflag:$0x3] =	stream.linear.gather [hbm4b:s1+s2], $0x4000, $0x38;
	[tilespmem:$0x18000] =	vst v63  }
0x4cb: {  	_ = 	snop  }
0x4cc: {  	[tilespmem:s30], [sflag:$0x5] =	stream.linear.gather [hbm4b:s3+s2], $0x4000, $0x38;
	[tilespmem:$0x18000] =	vst v63  }
0x4cd: {  	_ =	swait.ge [sflag:s28], $0x4000  }
0x4ce: {  	[sflag:s28] =	ssyncset.done $0x0  }
0x4cf: {  	[sflag:s28] =	ssyncadd.s32 $0xFFFFC000  }
0x4d0: {  	_ =	swait.ge [sflag:s22], $0x4000  }
0x4d1: {  	s3 =	sld [smem:$0x7D1]  }
0x4d2: {  	[sflag:s22] =	ssyncset.done $0x0  }
0x4d3: {  	[sflag:s22] =	ssyncadd.s32 $0xFFFFC000  }
0x4d4: {  	[hbm4b:s3+s2] =	stream.linear.scatter [tilespmem:s2], [sflag:$0x7], $0x4000, $0x38;
	[tilespmem:$0x18000] =	vst v63  }
0x4d5: {  	_ =	swait.ge [sflag:s7], $0x4000  }
0x4d6: {  	s3 =	sld [smem:$0x7D2]  }
0x4d7: {  	[sflag:s7] =	ssyncset.done $0x0  }
0x4d8: {  	[sflag:s7] =	ssyncadd.s32 $0xFFFFC000  }
0x4d9: {  	[tilespmem:s9], [sflag:$0x4] =	stream.linear.gather [hbm4b:s3+s2], $0x4000, $0x38;
	[tilespmem:$0x18000] =	vst v63  }
0x4da: {  	_ =	swait.ge [sflag:s17], $0x4000  }
0x4db: {  	s3 =	sld [smem:$0x7D3]  }
0x4dc: {  	[sflag:s17] =	ssyncset.done $0x0  }
0x4dd: {  	[sflag:s17] =	ssyncadd.s32 $0xFFFFC000  }
0x4de: {  	[hbm4b:s3+s2] =	stream.linear.scatter [tilespmem:s14], [sflag:$0x8], $0x4000, $0x38;
	[tilespmem:$0x18000] =	vst v63  }
0x4df: {  	_ =	swait.ge [sflag:s6], $0x4000  }
0x4e0: {  	s3 =	sld [smem:$0x7D4]  }
0x4e1: {  	[sflag:s6] =	ssyncset.done $0x0  }
0x4e2: {  	[sflag:s6] =	ssyncadd.s32 $0xFFFFC000  }
0x4e3: {  	[tilespmem:s2], [sflag:$0x1] =	stream.linear.gather [hbm4b:s3+s2], $0x4000, $0x38;
	[tilespmem:$0x18000] =	vst v63  }
0x4e4: {  	_ =	swait.ge [sflag:s19], $0x4000  }
0x4e5: {  	s3 =	sld [smem:$0x7D5]  }
0x4e6: {  	[sflag:s19] =	ssyncset.done $0x0  }
0x4e7: {  	[sflag:s19] =	ssyncadd.s32 $0xFFFFC000  }
0x4e8: {  	[hbm4b:s3+s2] =	stream.linear.scatter [tilespmem:s8], [sflag:$0x9], $0x4000, $0x38;
	[tilespmem:$0x18000] =	vst v63  }
0x4e9: {  	_ =	swait.ge [sflag:s12], $0x4000  }
0x4ea: {  	s3 =	sld [smem:$0x7D6]  }
0x4eb: {  	[sflag:s12] =	ssyncset.done $0x0  }
0x4ec: {  	[sflag:s12] =	ssyncadd.s32 $0xFFFFC000  }
0x4ed: {  	[tilespmem:s14], [sflag:$0x2] =	stream.linear.gather [hbm4b:s3+s2], $0x4000, $0x38;
	[tilespmem:$0x18000] =	vst v63  }
0x4ee: {  	_ =	swait.ge [sflag:s16], $0x4000  }
0x4ef: {  	s3 =	sld [smem:$0x7D7]  }
0x4f0: {  	[sflag:s16] =	ssyncset.done $0x0  }
0x4f1: {  	[sflag:s16] =	ssyncadd.s32 $0xFFFFC000  }
0x4f2: {  	[hbm4b:s3+s2] =	stream.linear.scatter [tilespmem:s9], [sflag:$0xA], $0x4000, $0x38;
	[tilespmem:$0x18000] =	vst v63  }
0x4f3: {  	_ =	swait.ge [sflag:s10], $0x4000  }
0x4f4: {  	s1 =	sld [smem:$0x7D8]  }
0x4f5: {  	[sflag:s10] =	ssyncset.done $0x0  }
0x4f6: {  	s3 =	sld [smem:$0x7D9];
	[sflag:s10] =	ssyncadd.s32 $0xFFFFC000  }
0x4f7: {  	[tilespmem:s8], [sflag:$0x3] =	stream.linear.gather [hbm4b:s1+s2], $0x4000, $0x38;
	[tilespmem:$0x18000] =	vst v63  }
0x4f8: {  	_ = 	snop  }
0x4f9: {  	[tilespmem:s31], [sflag:$0x6] =	stream.linear.gather [hbm4b:s3+s2], $0x4000, $0x38;
	[tilespmem:$0x18000] =	vst v63  }
0x4fa: {  	_ =	swait.ge [sflag:s29], $0x4000  }
0x4fb: {  	[sflag:s29] =	ssyncset.done $0x0  }
0x4fc: {  	[sflag:s29] =	ssyncadd.s32 $0xFFFFC000  }
0x4fd: {  	_ =	swait.ge [sflag:s22], $0x4000  }
0x4fe: {  	s3 =	sld [smem:$0x7DA]  }
0x4ff: {  	[sflag:s22] =	ssyncset.done $0x0  }
0x500: {  	[sflag:s22] =	ssyncadd.s32 $0xFFFFC000  }
0x501: {  	[hbm4b:s3+s2] =	stream.linear.scatter [tilespmem:s2], [sflag:$0x7], $0x4000, $0x38;
	[tilespmem:$0x18000] =	vst v63  }
0x502: {  	_ =	swait.ge [sflag:s7], $0x4000  }
0x503: {  	s3 =	sld [smem:$0x7DB]  }
0x504: {  	[sflag:s7] =	ssyncset.done $0x0  }
0x505: {  	[sflag:s7] =	ssyncadd.s32 $0xFFFFC000  }
0x506: {  	[tilespmem:s9], [sflag:$0x4] =	stream.linear.gather [hbm4b:s3+s2], $0x4000, $0x38;
	[tilespmem:$0x18000] =	vst v63  }
0x507: {  	_ =	swait.ge [sflag:s17], $0x4000  }
0x508: {  	s3 =	sld [smem:$0x7DC]  }
0x509: {  	[sflag:s17] =	ssyncset.done $0x0  }
0x50a: {  	[sflag:s17] =	ssyncadd.s32 $0xFFFFC000  }
0x50b: {  	[hbm4b:s3+s2] =	stream.linear.scatter [tilespmem:s14], [sflag:$0x8], $0x4000, $0x38;
	[tilespmem:$0x18000] =	vst v63  }
0x50c: {  	_ =	swait.ge [sflag:s6], $0x4000  }
0x50d: {  	s3 =	sld [smem:$0x7DD]  }
0x50e: {  	[sflag:s6] =	ssyncset.done $0x0  }
0x50f: {  	[sflag:s6] =	ssyncadd.s32 $0xFFFFC000  }
0x510: {  	[tilespmem:s2], [sflag:$0x1] =	stream.linear.gather [hbm4b:s3+s2], $0x4000, $0x38;
	[tilespmem:$0x18000] =	vst v63  }
0x511: {  	_ =	swait.ge [sflag:s19], $0x4000  }
0x512: {  	s3 =	sld [smem:$0x7DE]  }
0x513: {  	[sflag:s19] =	ssyncset.done $0x0  }
0x514: {  	[sflag:s19] =	ssyncadd.s32 $0xFFFFC000  }
0x515: {  	[hbm4b:s3+s2] =	stream.linear.scatter [tilespmem:s8], [sflag:$0x9], $0x4000, $0x38;
	[tilespmem:$0x18000] =	vst v63  }
0x516: {  	_ =	swait.ge [sflag:s12], $0x4000  }
0x517: {  	s3 =	sld [smem:$0x7DF]  }
0x518: {  	[sflag:s12] =	ssyncset.done $0x0  }
0x519: {  	[sflag:s12] =	ssyncadd.s32 $0xFFFFC000  }
0x51a: {  	[tilespmem:s14], [sflag:$0x2] =	stream.linear.gather [hbm4b:s3+s2], $0x4000, $0x38;
	[tilespmem:$0x18000] =	vst v63  }
0x51b: {  	_ =	swait.ge [sflag:s16], $0x4000  }
0x51c: {  	s3 =	sld [smem:$0x7E0]  }
0x51d: {  	[sflag:s16] =	ssyncset.done $0x0  }
0x51e: {  	[sflag:s16] =	ssyncadd.s32 $0xFFFFC000  }
0x51f: {  	[hbm4b:s3+s2] =	stream.linear.scatter [tilespmem:s9], [sflag:$0xA], $0x4000, $0x38;
	[tilespmem:$0x18000] =	vst v63  }
0x520: {  	_ =	swait.ge [sflag:s10], $0x4000  }
0x521: {  	s1 =	sld [smem:$0x7E1]  }
0x522: {  	[sflag:s10] =	ssyncset.done $0x0  }
0x523: {  	s3 =	sld [smem:$0x7E2];
	[sflag:s10] =	ssyncadd.s32 $0xFFFFC000  }
0x524: {  	[tilespmem:s8], [sflag:$0x3] =	stream.linear.gather [hbm4b:s1+s2], $0x4000, $0x38;
	[tilespmem:$0x18000] =	vst v63  }
0x525: {  	_ = 	snop  }
0x526: {  	[tilespmem:s30], [sflag:$0x5] =	stream.linear.gather [hbm4b:s3+s2], $0x4000, $0x38;
	[tilespmem:$0x18000] =	vst v63  }
0x527: {  	_ =	swait.ge [sflag:s28], $0x4000  }
0x528: {  	[sflag:s28] =	ssyncset.done $0x0  }
0x529: {  	[sflag:s28] =	ssyncadd.s32 $0xFFFFC000  }
0x52a: {  	_ =	swait.ge [sflag:s22], $0x4000  }
0x52b: {  	s3 =	sld [smem:$0x7E3]  }
0x52c: {  	[sflag:s22] =	ssyncset.done $0x0  }
0x52d: {  	[sflag:s22] =	ssyncadd.s32 $0xFFFFC000  }
0x52e: {  	[hbm4b:s3+s2] =	stream.linear.scatter [tilespmem:s2], [sflag:$0x7], $0x4000, $0x38;
	[tilespmem:$0x18000] =	vst v63  }
0x52f: {  	_ =	swait.ge [sflag:s7], $0x4000  }
0x530: {  	s3 =	sld [smem:$0x7E4]  }
0x531: {  	[sflag:s7] =	ssyncset.done $0x0  }
0x532: {  	[sflag:s7] =	ssyncadd.s32 $0xFFFFC000  }
0x533: {  	[tilespmem:s9], [sflag:$0x4] =	stream.linear.gather [hbm4b:s3+s2], $0x4000, $0x38;
	[tilespmem:$0x18000] =	vst v63  }
0x534: {  	_ =	swait.ge [sflag:s17], $0x4000  }
0x535: {  	s3 =	sld [smem:$0x7E5]  }
0x536: {  	[sflag:s17] =	ssyncset.done $0x0  }
0x537: {  	[sflag:s17] =	ssyncadd.s32 $0xFFFFC000  }
0x538: {  	[hbm4b:s3+s2] =	stream.linear.scatter [tilespmem:s14], [sflag:$0x8], $0x4000, $0x38;
	[tilespmem:$0x18000] =	vst v63  }
0x539: {  	_ =	swait.ge [sflag:s6], $0x4000  }
0x53a: {  	s3 =	sld [smem:$0x7E6]  }
0x53b: {  	[sflag:s6] =	ssyncset.done $0x0  }
0x53c: {  	[sflag:s6] =	ssyncadd.s32 $0xFFFFC000  }
0x53d: {  	[tilespmem:s2], [sflag:$0x1] =	stream.linear.gather [hbm4b:s3+s2], $0x4000, $0x38;
	[tilespmem:$0x18000] =	vst v63  }
0x53e: {  	_ =	swait.ge [sflag:s19], $0x4000  }
0x53f: {  	s3 =	sld [smem:$0x7E7]  }
0x540: {  	[sflag:s19] =	ssyncset.done $0x0  }
0x541: {  	[sflag:s19] =	ssyncadd.s32 $0xFFFFC000  }
0x542: {  	[hbm4b:s3+s2] =	stream.linear.scatter [tilespmem:s8], [sflag:$0x9], $0x4000, $0x38;
	[tilespmem:$0x18000] =	vst v63  }
0x543: {  	_ =	swait.ge [sflag:s12], $0x4000  }
0x544: {  	s3 =	sld [smem:$0x7E8]  }
0x545: {  	[sflag:s12] =	ssyncset.done $0x0  }
0x546: {  	[sflag:s12] =	ssyncadd.s32 $0xFFFFC000  }
0x547: {  	[tilespmem:s14], [sflag:$0x2] =	stream.linear.gather [hbm4b:s3+s2], $0x4000, $0x38;
	[tilespmem:$0x18000] =	vst v63  }
0x548: {  	_ =	swait.ge [sflag:s16], $0x4000  }
0x549: {  	s3 =	sld [smem:$0x7E9]  }
0x54a: {  	[sflag:s16] =	ssyncset.done $0x0  }
0x54b: {  	[sflag:s16] =	ssyncadd.s32 $0xFFFFC000  }
0x54c: {  	[hbm4b:s3+s2] =	stream.linear.scatter [tilespmem:s9], [sflag:$0xA], $0x4000, $0x38;
	[tilespmem:$0x18000] =	vst v63  }
0x54d: {  	_ =	swait.ge [sflag:s10], $0x4000  }
0x54e: {  	s1 =	sld [smem:$0x7EA]  }
0x54f: {  	[sflag:s10] =	ssyncset.done $0x0  }
0x550: {  	s3 =	sld [smem:$0x7EB];
	[sflag:s10] =	ssyncadd.s32 $0xFFFFC000  }
0x551: {  	[tilespmem:s8], [sflag:$0x3] =	stream.linear.gather [hbm4b:s1+s2], $0x4000, $0x38;
	[tilespmem:$0x18000] =	vst v63  }
0x552: {  	_ = 	snop  }
0x553: {  	[tilespmem:s31], [sflag:$0x6] =	stream.linear.gather [hbm4b:s3+s2], $0x4000, $0x38;
	[tilespmem:$0x18000] =	vst v63  }
0x554: {  	_ =	swait.ge [sflag:s29], $0x4000  }
0x555: {  	[sflag:s29] =	ssyncset.done $0x0  }
0x556: {  	[sflag:s29] =	ssyncadd.s32 $0xFFFFC000  }
0x557: {  	_ =	swait.ge [sflag:s22], $0x4000  }
0x558: {  	s3 =	sld [smem:$0x7EC]  }
0x559: {  	[sflag:s22] =	ssyncset.done $0x0  }
0x55a: {  	[sflag:s22] =	ssyncadd.s32 $0xFFFFC000  }
0x55b: {  	[hbm4b:s3+s2] =	stream.linear.scatter [tilespmem:s2], [sflag:$0x7], $0x4000, $0x38;
	[tilespmem:$0x18000] =	vst v63  }
0x55c: {  	_ =	swait.ge [sflag:s7], $0x4000  }
0x55d: {  	s3 =	sld [smem:$0x7ED]  }
0x55e: {  	[sflag:s7] =	ssyncset.done $0x0  }
0x55f: {  	[sflag:s7] =	ssyncadd.s32 $0xFFFFC000  }
0x560: {  	[tilespmem:s9], [sflag:$0x4] =	stream.linear.gather [hbm4b:s3+s2], $0x4000, $0x38;
	[tilespmem:$0x18000] =	vst v63  }
0x561: {  	_ =	swait.ge [sflag:s17], $0x4000  }
0x562: {  	s3 =	sld [smem:$0x7EE]  }
0x563: {  	[sflag:s17] =	ssyncset.done $0x0  }
0x564: {  	[sflag:s17] =	ssyncadd.s32 $0xFFFFC000  }
0x565: {  	[hbm4b:s3+s2] =	stream.linear.scatter [tilespmem:s14], [sflag:$0x8], $0x4000, $0x38;
	[tilespmem:$0x18000] =	vst v63  }
0x566: {  	_ =	swait.ge [sflag:s6], $0x4000  }
0x567: {  	s3 =	sld [smem:$0x7EF]  }
0x568: {  	[sflag:s6] =	ssyncset.done $0x0  }
0x569: {  	[sflag:s6] =	ssyncadd.s32 $0xFFFFC000  }
0x56a: {  	[tilespmem:s2], [sflag:$0x1] =	stream.linear.gather [hbm4b:s3+s2], $0x4000, $0x38;
	[tilespmem:$0x18000] =	vst v63  }
0x56b: {  	_ =	swait.ge [sflag:s19], $0x4000  }
0x56c: {  	s3 =	sld [smem:$0x7F0]  }
0x56d: {  	[sflag:s19] =	ssyncset.done $0x0  }
0x56e: {  	[sflag:s19] =	ssyncadd.s32 $0xFFFFC000  }
0x56f: {  	[hbm4b:s3+s2] =	stream.linear.scatter [tilespmem:s8], [sflag:$0x9], $0x4000, $0x38;
	[tilespmem:$0x18000] =	vst v63  }
0x570: {  	_ =	swait.ge [sflag:s12], $0x4000  }
0x571: {  	s3 =	sld [smem:$0x7F1]  }
0x572: {  	[sflag:s12] =	ssyncset.done $0x0  }
0x573: {  	[sflag:s12] =	ssyncadd.s32 $0xFFFFC000  }
0x574: {  	[tilespmem:s14], [sflag:$0x2] =	stream.linear.gather [hbm4b:s3+s2], $0x4000, $0x38;
	[tilespmem:$0x18000] =	vst v63  }
0x575: {  	_ =	swait.ge [sflag:s16], $0x4000  }
0x576: {  	s3 =	sld [smem:$0x7F2]  }
0x577: {  	[sflag:s16] =	ssyncset.done $0x0  }
0x578: {  	[sflag:s16] =	ssyncadd.s32 $0xFFFFC000  }
0x579: {  	[hbm4b:s3+s2] =	stream.linear.scatter [tilespmem:s9], [sflag:$0xA], $0x4000, $0x38;
	[tilespmem:$0x18000] =	vst v63  }
0x57a: {  	_ =	swait.ge [sflag:s10], $0x4000  }
0x57b: {  	s1 =	sld [smem:$0x7F3]  }
0x57c: {  	[sflag:s10] =	ssyncset.done $0x0  }
0x57d: {  	s3 =	sld [smem:$0x7F4];
	[sflag:s10] =	ssyncadd.s32 $0xFFFFC000  }
0x57e: {  	[tilespmem:s8], [sflag:$0x3] =	stream.linear.gather [hbm4b:s1+s2], $0x4000, $0x38;
	[tilespmem:$0x18000] =	vst v63  }
0x57f: {  	_ = 	snop  }
0x580: {  	[tilespmem:s30], [sflag:$0x5] =	stream.linear.gather [hbm4b:s3+s2], $0x4000, $0x38;
	[tilespmem:$0x18000] =	vst v63  }
0x581: {  	_ =	swait.ge [sflag:s28], $0x4000  }
0x582: {  	[sflag:s28] =	ssyncset.done $0x0  }
0x583: {  	[sflag:s28] =	ssyncadd.s32 $0xFFFFC000  }
0x584: {  	_ =	swait.ge [sflag:s22], $0x4000  }
0x585: {  	s3 =	sld [smem:$0x7F5]  }
0x586: {  	[sflag:s22] =	ssyncset.done $0x0  }
0x587: {  	[sflag:s22] =	ssyncadd.s32 $0xFFFFC000  }
0x588: {  	[hbm4b:s3+s2] =	stream.linear.scatter [tilespmem:s2], [sflag:$0x7], $0x4000, $0x38;
	[tilespmem:$0x18000] =	vst v63  }
0x589: {  	_ =	swait.ge [sflag:s7], $0x4000  }
0x58a: {  	s3 =	sld [smem:$0x7F6]  }
0x58b: {  	[sflag:s7] =	ssyncset.done $0x0  }
0x58c: {  	[sflag:s7] =	ssyncadd.s32 $0xFFFFC000  }
0x58d: {  	[tilespmem:s9], [sflag:$0x4] =	stream.linear.gather [hbm4b:s3+s2], $0x4000, $0x38;
	[tilespmem:$0x18000] =	vst v63  }
0x58e: {  	_ =	swait.ge [sflag:s17], $0x4000  }
0x58f: {  	s3 =	sld [smem:$0x7F7]  }
0x590: {  	[sflag:s17] =	ssyncset.done $0x0  }
0x591: {  	[sflag:s17] =	ssyncadd.s32 $0xFFFFC000  }
0x592: {  	[hbm4b:s3+s2] =	stream.linear.scatter [tilespmem:s14], [sflag:$0x8], $0x4000, $0x38;
	[tilespmem:$0x18000] =	vst v63  }
0x593: {  	_ =	swait.ge [sflag:s6], $0x4000  }
0x594: {  	s3 =	sld [smem:$0x7F8]  }
0x595: {  	[sflag:s6] =	ssyncset.done $0x0  }
0x596: {  	[sflag:s6] =	ssyncadd.s32 $0xFFFFC000  }
0x597: {  	[tilespmem:s2], [sflag:$0x1] =	stream.linear.gather [hbm4b:s3+s2], $0x4000, $0x38;
	[tilespmem:$0x18000] =	vst v63  }
0x598: {  	_ =	swait.ge [sflag:s19], $0x4000  }
0x599: {  	s3 =	sld [smem:$0x7F9]  }
0x59a: {  	[sflag:s19] =	ssyncset.done $0x0  }
0x59b: {  	[sflag:s19] =	ssyncadd.s32 $0xFFFFC000  }
0x59c: {  	[hbm4b:s3+s2] =	stream.linear.scatter [tilespmem:s8], [sflag:$0x9], $0x4000, $0x38;
	[tilespmem:$0x18000] =	vst v63  }
0x59d: {  	_ =	swait.ge [sflag:s12], $0x4000  }
0x59e: {  	s3 =	sld [smem:$0x7FA]  }
0x59f: {  	[sflag:s12] =	ssyncset.done $0x0  }
0x5a0: {  	[sflag:s12] =	ssyncadd.s32 $0xFFFFC000  }
0x5a1: {  	[tilespmem:s14], [sflag:$0x2] =	stream.linear.gather [hbm4b:s3+s2], $0x4000, $0x38;
	[tilespmem:$0x18000] =	vst v63  }
0x5a2: {  	_ =	swait.ge [sflag:s16], $0x4000  }
0x5a3: {  	s3 =	sld [smem:$0x7FB]  }
0x5a4: {  	[sflag:s16] =	ssyncset.done $0x0  }
0x5a5: {  	[sflag:s16] =	ssyncadd.s32 $0xFFFFC000  }
0x5a6: {  	[hbm4b:s3+s2] =	stream.linear.scatter [tilespmem:s9], [sflag:$0xA], $0x4000, $0x38;
	[tilespmem:$0x18000] =	vst v63  }
0x5a7: {  	_ =	swait.ge [sflag:s10], $0x4000  }
0x5a8: {  	s1 =	sld [smem:$0x7FC]  }
0x5a9: {  	[sflag:s10] =	ssyncset.done $0x0  }
0x5aa: {  	s3 =	sld [smem:$0x7FD];
	[sflag:s10] =	ssyncadd.s32 $0xFFFFC000  }
0x5ab: {  	[tilespmem:s8], [sflag:$0x3] =	stream.linear.gather [hbm4b:s1+s2], $0x4000, $0x38;
	[tilespmem:$0x18000] =	vst v63  }
0x5ac: {  	_ = 	snop  }
0x5ad: {  	[tilespmem:s31], [sflag:$0x6] =	stream.linear.gather [hbm4b:s3+s2], $0x4000, $0x38;
	[tilespmem:$0x18000] =	vst v63  }
0x5ae: {  	s3 =	smov.u32 s4;
	s4 =	smov.u32 s5  }
0x5af: {  	s5 =	smov.u32 s11;
	s11 =	smov.u32 s13;
	s13 =	smov.u32 s15  }
0x5b0: {  	s15 =	smov.u32 s18;
	s18 =	smov.u32 s20;
	s20 =	smov.u32 s21  }
0x5b1: {  	s21 =	smov.u32 s23;
	s23 =	smov.u32 s24;
	s24 =	smov.u32 s25  }
0x5b2: {  	s25 =	smov.u32 s26;
	s26 =	sld [smem:$0x797];
	_ =	swait.ge [sflag:s29], $0x4000  }
0x5b3: {  	[sflag:s29] =	ssyncset.done $0x0  }
0x5b4: {  	[sflag:s29] =	ssyncadd.s32 $0xFFFFC000  }
0x5b5: {  	_ =	swait.ge [sflag:s22], $0x4000  }
0x5b6: {  	[sflag:s22] =	ssyncset.done $0x0  }
0x5b7: {  	[sflag:s22] =	ssyncadd.s32 $0xFFFFC000  }
0x5b8: {  	[hbm4b:s26+s2] =	stream.linear.scatter [tilespmem:s2], [sflag:$0x7], $0x4000, $0x38;
	[tilespmem:$0x18000] =	vst v63  }
0x5b9: {  	_ =	swait.ge [sflag:s7], $0x4000  }
0x5ba: {  	[sflag:s7] =	ssyncset.done $0x0  }
0x5bb: {  	[sflag:s7] =	ssyncadd.s32 $0xFFFFC000  }
0x5bc: {  	[tilespmem:s9], [sflag:$0x4] =	stream.linear.gather [hbm4b:s25+s2], $0x4000, $0x38;
	[tilespmem:$0x18000] =	vst v63  }
0x5bd: {  	_ =	swait.ge [sflag:s17], $0x4000  }
0x5be: {  	[sflag:s17] =	ssyncset.done $0x0  }
0x5bf: {  	[sflag:s17] =	ssyncadd.s32 $0xFFFFC000  }
0x5c0: {  	[hbm4b:s24+s2] =	stream.linear.scatter [tilespmem:s14], [sflag:$0x8], $0x4000, $0x38;
	[tilespmem:$0x18000] =	vst v63  }
0x5c1: {  	_ =	swait.ge [sflag:s6], $0x4000  }
0x5c2: {  	[sflag:s6] =	ssyncset.done $0x0  }
0x5c3: {  	[sflag:s6] =	ssyncadd.s32 $0xFFFFC000  }
0x5c4: {  	[tilespmem:s2], [sflag:$0x1] =	stream.linear.gather [hbm4b:s23+s2], $0x4000, $0x38;
	[tilespmem:$0x18000] =	vst v63  }
0x5c5: {  	_ =	swait.ge [sflag:s19], $0x4000  }
0x5c6: {  	[sflag:s19] =	ssyncset.done $0x0  }
0x5c7: {  	[sflag:s19] =	ssyncadd.s32 $0xFFFFC000  }
0x5c8: {  	[hbm4b:s21+s2] =	stream.linear.scatter [tilespmem:s8], [sflag:$0x9], $0x4000, $0x38;
	[tilespmem:$0x18000] =	vst v63  }
0x5c9: {  	_ =	swait.ge [sflag:s12], $0x4000  }
0x5ca: {  	[sflag:s12] =	ssyncset.done $0x0  }
0x5cb: {  	[sflag:s12] =	ssyncadd.s32 $0xFFFFC000  }
0x5cc: {  	[tilespmem:s14], [sflag:$0x2] =	stream.linear.gather [hbm4b:s20+s2], $0x4000, $0x38;
	[tilespmem:$0x18000] =	vst v63  }
0x5cd: {  	_ =	swait.ge [sflag:s16], $0x4000  }
0x5ce: {  	[sflag:s16] =	ssyncset.done $0x0  }
0x5cf: {  	[sflag:s16] =	ssyncadd.s32 $0xFFFFC000  }
0x5d0: {  	[hbm4b:s18+s2] =	stream.linear.scatter [tilespmem:s9], [sflag:$0xA], $0x4000, $0x38;
	[tilespmem:$0x18000] =	vst v63  }
0x5d1: {  	_ =	swait.ge [sflag:s10], $0x4000  }
0x5d2: {  	[sflag:s10] =	ssyncset.done $0x0  }
0x5d3: {  	[sflag:s10] =	ssyncadd.s32 $0xFFFFC000  }
0x5d4: {  	[tilespmem:s8], [sflag:$0x3] =	stream.linear.gather [hbm4b:s15+s2], $0x4000, $0x38;
	[tilespmem:$0x18000] =	vst v63  }
0x5d5: {  	_ =	swait.ge [sflag:s28], $0x4000  }
0x5d6: {  	[sflag:s28] =	ssyncset.done $0x0  }
0x5d7: {  	[sflag:s28] =	ssyncadd.s32 $0xFFFFC000  }
0x5d8: {  	_ =	swait.ge [sflag:s22], $0x4000  }
0x5d9: {  	[sflag:s22] =	ssyncset.done $0x0  }
0x5da: {  	[sflag:s22] =	ssyncadd.s32 $0xFFFFC000  }
0x5db: {  	[hbm4b:s13+s2] =	stream.linear.scatter [tilespmem:s2], [sflag:$0x7], $0x4000, $0x38;
	[tilespmem:$0x18000] =	vst v63  }
0x5dc: {  	_ =	swait.ge [sflag:s7], $0x4000  }
0x5dd: {  	[sflag:s7] =	ssyncset.done $0x0  }
0x5de: {  	[sflag:s7] =	ssyncadd.s32 $0xFFFFC000  }
0x5df: {  	[tilespmem:s9], [sflag:$0x4] =	stream.linear.gather [hbm4b:s11+s2], $0x4000, $0x38;
	[tilespmem:$0x18000] =	vst v63  }
0x5e0: {  	_ =	swait.ge [sflag:s17], $0x4000  }
0x5e1: {  	[sflag:s17] =	ssyncset.done $0x0  }
0x5e2: {  	[sflag:s17] =	ssyncadd.s32 $0xFFFFC000  }
0x5e3: {  	[hbm4b:s5+s2] =	stream.linear.scatter [tilespmem:s14], [sflag:$0x8], $0x4000, $0x38;
	[tilespmem:$0x18000] =	vst v63  }
0x5e4: {  	_ =	swait.ge [sflag:s19], $0x4000  }
0x5e5: {  	[sflag:s19] =	ssyncset.done $0x0  }
0x5e6: {  	[sflag:s19] =	ssyncadd.s32 $0xFFFFC000  }
0x5e7: {  	[hbm4b:s4+s2] =	stream.linear.scatter [tilespmem:s8], [sflag:$0x9], $0x4000, $0x38;
	[tilespmem:$0x18000] =	vst v63  }
0x5e8: {  	_ =	swait.ge [sflag:s16], $0x4000  }
0x5e9: {  	[sflag:s16] =	ssyncset.done $0x0  }
0x5ea: {  	[sflag:s16] =	ssyncadd.s32 $0xFFFFC000  }
0x5eb: {  	[hbm4b:s3+s2] =	stream.linear.scatter [tilespmem:s9], [sflag:$0xA], $0x4000, $0x38;
	[tilespmem:$0x18000] =	vst v63  }
0x5ec: {  	_ =	swait.ge [sflag:s6], $0x4000  }
0x5ed: {  	[sflag:s6] =	ssyncset.done $0x0  }
0x5ee: {  	[sflag:s6] =	ssyncadd.s32 $0xFFFFC000  }
0x5ef: {  	_ =	swait.ge [sflag:s12], $0x4000  }
0x5f0: {  	[sflag:s12] =	ssyncset.done $0x0  }
0x5f1: {  	p1 =	sne.s32 s0, $0x1;
	[sflag:s12] =	ssyncadd.s32 $0xFFFFC000  }
.Ltmp2:
0x5f2: {  	_ =	swait.ge [sflag:s10], $0x4000;
	(pc) =	sbr.rel @p1 .LBB2_3-.Ltmp2, $4  }
0x5f3: {  	[sflag:s10] =	ssyncset.done $0x0  }
0x5f4: {  	[sflag:s10] =	ssyncadd.s32 $0xFFFFC000  }
0x5f5: {  	_ =	swait.ge [sflag:s7], $0x4000  }
0x5f6: {  	s0 =	sadd.s32 $0xFFFFFFFF, s0;
	s1 =	rddreg [dreg:$0x3];
	[sflag:s7] =	ssyncset.done $0x0  }
0x5f7: {  	s30 =	simm.s32 $0x14000;
	s31 =	simm.s32 $0x10000  }
.LBB2_5:
0x5f8: {  	[sflag:s7] =	ssyncadd.s32 @p0 $0xFFFFC000  }
0x5f9: {  	[tilespmem:s31], [sflag:$0x5] =	stream.linear.gather [hbm4b:s1+s2], $0x4000, $0x38;
	[tilespmem:$0x18000] =	vst v63  }
0x5fa: {  	s0 =	rddreg [dreg:$0x4]  }
0x5fb: {  	[tilespmem:s2], [sflag:$0x1] =	stream.linear.gather [hbm4b:s0+s2], $0x4000, $0x38;
	[tilespmem:$0x18000] =	vst v63  }
0x5fc: {  	s1 =	rddreg [dreg:$0x5]  }
0x5fd: {  	[tilespmem:s14], [sflag:$0x2] =	stream.linear.gather [hbm4b:s1+s2], $0x4000, $0x38;
	[tilespmem:$0x18000] =	vst v63  }
0x5fe: {  	s0 =	rddreg [dreg:$0x6]  }
0x5ff: {  	[tilespmem:s8], [sflag:$0x3] =	stream.linear.gather [hbm4b:s0+s2], $0x4000, $0x38;
	[tilespmem:$0x18000] =	vst v63  }
0x600: {  	s1 =	rddreg [dreg:$0x7]  }
0x601: {  	[tilespmem:s30], [sflag:$0x6] =	stream.linear.gather [hbm4b:s1+s2], $0x4000, $0x38;
	[tilespmem:$0x18000] =	vst v63  }
0x602: {  	_ =	swait.ge [sflag:s29], $0x4000  }
0x603: {  	[sflag:s29] =	ssyncset.done $0x0  }
0x604: {  	[sflag:s29] =	ssyncadd.s32 $0xFFFFC000  }
0x605: {  	_ =	swait.ge [sflag:s22], $0x4000  }
0x606: {  	[sflag:s22] =	ssyncset.done $0x0  }
0x607: {  	s0 =	rddreg [dreg:$0x8];
	[sflag:s22] =	ssyncadd.s32 $0xFFFFC000  }
0x608: {  	[hbm4b:s0+s2] =	stream.linear.scatter [tilespmem:s2], [sflag:$0x7], $0x4000, $0x38;
	[tilespmem:$0x18000] =	vst v63  }
0x609: {  	s1 =	rddreg [dreg:$0x9]  }
0x60a: {  	[tilespmem:s9], [sflag:$0x4] =	stream.linear.gather [hbm4b:s1+s2], $0x4000, $0x38;
	[tilespmem:$0x18000] =	vst v63  }
0x60b: {  	_ =	swait.ge [sflag:s17], $0x4000  }
0x60c: {  	[sflag:s17] =	ssyncset.done $0x0  }
0x60d: {  	s1 =	rddreg [dreg:$0xa];
	[sflag:s17] =	ssyncadd.s32 $0xFFFFC000  }
0x60e: {  	[hbm4b:s1+s2] =	stream.linear.scatter [tilespmem:s14], [sflag:$0x8], $0x4000, $0x38;
	[tilespmem:$0x18000] =	vst v63  }
0x60f: {  	_ =	swait.ge [sflag:s6], $0x4000  }
0x610: {  	[sflag:s6] =	ssyncset.done $0x0  }
0x611: {  	s1 =	rddreg [dreg:$0xb];
	[sflag:s6] =	ssyncadd.s32 $0xFFFFC000  }
0x612: {  	[tilespmem:s2], [sflag:$0x1] =	stream.linear.gather [hbm4b:s1+s2], $0x4000, $0x38;
	[tilespmem:$0x18000] =	vst v63  }
0x613: {  	_ =	swait.ge [sflag:s19], $0x4000  }
0x614: {  	[sflag:s19] =	ssyncset.done $0x0  }
0x615: {  	s1 =	rddreg [dreg:$0xc];
	[sflag:s19] =	ssyncadd.s32 $0xFFFFC000  }
0x616: {  	[hbm4b:s1+s2] =	stream.linear.scatter [tilespmem:s8], [sflag:$0x9], $0x4000, $0x38;
	[tilespmem:$0x18000] =	vst v63  }
0x617: {  	_ =	swait.ge [sflag:s12], $0x4000  }
0x618: {  	[sflag:s12] =	ssyncset.done $0x0  }
0x619: {  	s1 =	rddreg [dreg:$0xd];
	[sflag:s12] =	ssyncadd.s32 $0xFFFFC000  }
0x61a: {  	[tilespmem:s14], [sflag:$0x2] =	stream.linear.gather [hbm4b:s1+s2], $0x4000, $0x38;
	[tilespmem:$0x18000] =	vst v63  }
0x61b: {  	_ =	swait.ge [sflag:s16], $0x4000  }
0x61c: {  	[sflag:s16] =	ssyncset.done $0x0  }
0x61d: {  	s1 =	rddreg [dreg:$0xe];
	[sflag:s16] =	ssyncadd.s32 $0xFFFFC000  }
0x61e: {  	[hbm4b:s1+s2] =	stream.linear.scatter [tilespmem:s9], [sflag:$0xA], $0x4000, $0x38;
	[tilespmem:$0x18000] =	vst v63  }
0x61f: {  	_ =	swait.ge [sflag:s10], $0x4000  }
0x620: {  	[sflag:s10] =	ssyncset.done $0x0  }
0x621: {  	s0 =	rddreg [dreg:$0xf];
	[sflag:s10] =	ssyncadd.s32 $0xFFFFC000  }
0x622: {  	[tilespmem:s8], [sflag:$0x3] =	stream.linear.gather [hbm4b:s0+s2], $0x4000, $0x38;
	[tilespmem:$0x18000] =	vst v63  }
0x623: {  	s1 =	rddreg [dreg:$0x10]  }
0x624: {  	[tilespmem:s31], [sflag:$0x5] =	stream.linear.gather [hbm4b:s1+s2], $0x4000, $0x38;
	[tilespmem:$0x18000] =	vst v63  }
0x625: {  	_ =	swait.ge [sflag:s28], $0x4000  }
0x626: {  	[sflag:s28] =	ssyncset.done $0x0  }
0x627: {  	[sflag:s28] =	ssyncadd.s32 $0xFFFFC000  }
0x628: {  	_ =	swait.ge [sflag:s22], $0x4000  }
0x629: {  	[sflag:s22] =	ssyncset.done $0x0  }
0x62a: {  	s1 =	rddreg [dreg:$0x11];
	[sflag:s22] =	ssyncadd.s32 $0xFFFFC000  }
0x62b: {  	[hbm4b:s1+s2] =	stream.linear.scatter [tilespmem:s2], [sflag:$0x7], $0x4000, $0x38;
	[tilespmem:$0x18000] =	vst v63  }
0x62c: {  	_ =	swait.ge [sflag:s7], $0x4000  }
0x62d: {  	[sflag:s7] =	ssyncset.done $0x0  }
0x62e: {  	s1 =	rddreg [dreg:$0x12];
	[sflag:s7] =	ssyncadd.s32 $0xFFFFC000  }
0x62f: {  	[tilespmem:s9], [sflag:$0x4] =	stream.linear.gather [hbm4b:s1+s2], $0x4000, $0x38;
	[tilespmem:$0x18000] =	vst v63  }
0x630: {  	_ =	swait.ge [sflag:s17], $0x4000  }
0x631: {  	[sflag:s17] =	ssyncset.done $0x0  }
0x632: {  	s1 =	rddreg [dreg:$0x13];
	[sflag:s17] =	ssyncadd.s32 $0xFFFFC000  }
0x633: {  	[hbm4b:s1+s2] =	stream.linear.scatter [tilespmem:s14], [sflag:$0x8], $0x4000, $0x38;
	[tilespmem:$0x18000] =	vst v63  }
0x634: {  	_ =	swait.ge [sflag:s6], $0x4000  }
0x635: {  	[sflag:s6] =	ssyncset.done $0x0  }
0x636: {  	s1 =	rddreg [dreg:$0x14];
	[sflag:s6] =	ssyncadd.s32 $0xFFFFC000  }
0x637: {  	[tilespmem:s2], [sflag:$0x1] =	stream.linear.gather [hbm4b:s1+s2], $0x4000, $0x38;
	[tilespmem:$0x18000] =	vst v63  }
0x638: {  	_ =	swait.ge [sflag:s19], $0x4000  }
0x639: {  	[sflag:s19] =	ssyncset.done $0x0  }
0x63a: {  	s1 =	rddreg [dreg:$0x15];
	[sflag:s19] =	ssyncadd.s32 $0xFFFFC000  }
0x63b: {  	[hbm4b:s1+s2] =	stream.linear.scatter [tilespmem:s8], [sflag:$0x9], $0x4000, $0x38;
	[tilespmem:$0x18000] =	vst v63  }
0x63c: {  	_ =	swait.ge [sflag:s12], $0x4000  }
0x63d: {  	[sflag:s12] =	ssyncset.done $0x0  }
0x63e: {  	s1 =	rddreg [dreg:$0x16];
	[sflag:s12] =	ssyncadd.s32 $0xFFFFC000  }
0x63f: {  	[tilespmem:s14], [sflag:$0x2] =	stream.linear.gather [hbm4b:s1+s2], $0x4000, $0x38;
	[tilespmem:$0x18000] =	vst v63  }
0x640: {  	_ =	swait.ge [sflag:s16], $0x4000  }
0x641: {  	[sflag:s16] =	ssyncset.done $0x0  }
0x642: {  	s1 =	rddreg [dreg:$0x17];
	[sflag:s16] =	ssyncadd.s32 $0xFFFFC000  }
0x643: {  	[hbm4b:s1+s2] =	stream.linear.scatter [tilespmem:s9], [sflag:$0xA], $0x4000, $0x38;
	[tilespmem:$0x18000] =	vst v63  }
0x644: {  	_ =	swait.ge [sflag:s10], $0x4000  }
0x645: {  	[sflag:s10] =	ssyncset.done $0x0  }
0x646: {  	s0 =	rddreg [dreg:$0x18];
	[sflag:s10] =	ssyncadd.s32 $0xFFFFC000  }
0x647: {  	[tilespmem:s8], [sflag:$0x3] =	stream.linear.gather [hbm4b:s0+s2], $0x4000, $0x38;
	[tilespmem:$0x18000] =	vst v63  }
0x648: {  	s1 =	rddreg [dreg:$0x19]  }
0x649: {  	[tilespmem:s30], [sflag:$0x6] =	stream.linear.gather [hbm4b:s1+s2], $0x4000, $0x38;
	[tilespmem:$0x18000] =	vst v63  }
0x64a: {  	_ =	swait.ge [sflag:s29], $0x4000  }
0x64b: {  	[sflag:s29] =	ssyncset.done $0x0  }
0x64c: {  	[sflag:s29] =	ssyncadd.s32 $0xFFFFC000  }
0x64d: {  	_ =	swait.ge [sflag:s22], $0x4000  }
0x64e: {  	[sflag:s22] =	ssyncset.done $0x0  }
0x64f: {  	s1 =	rddreg [dreg:$0x1a];
	[sflag:s22] =	ssyncadd.s32 $0xFFFFC000  }
0x650: {  	[hbm4b:s1+s2] =	stream.linear.scatter [tilespmem:s2], [sflag:$0x7], $0x4000, $0x38;
	[tilespmem:$0x18000] =	vst v63  }
0x651: {  	_ =	swait.ge [sflag:s7], $0x4000  }
0x652: {  	[sflag:s7] =	ssyncset.done $0x0  }
0x653: {  	s1 =	rddreg [dreg:$0x1b];
	[sflag:s7] =	ssyncadd.s32 $0xFFFFC000  }
0x654: {  	[tilespmem:s9], [sflag:$0x4] =	stream.linear.gather [hbm4b:s1+s2], $0x4000, $0x38;
	[tilespmem:$0x18000] =	vst v63  }
0x655: {  	_ =	swait.ge [sflag:s17], $0x4000  }
0x656: {  	[sflag:s17] =	ssyncset.done $0x0  }
0x657: {  	s1 =	rddreg [dreg:$0x1c];
	[sflag:s17] =	ssyncadd.s32 $0xFFFFC000  }
0x658: {  	[hbm4b:s1+s2] =	stream.linear.scatter [tilespmem:s14], [sflag:$0x8], $0x4000, $0x38;
	[tilespmem:$0x18000] =	vst v63  }
0x659: {  	_ =	swait.ge [sflag:s6], $0x4000  }
0x65a: {  	[sflag:s6] =	ssyncset.done $0x0  }
0x65b: {  	s1 =	rddreg [dreg:$0x1d];
	[sflag:s6] =	ssyncadd.s32 $0xFFFFC000  }
0x65c: {  	[tilespmem:s2], [sflag:$0x1] =	stream.linear.gather [hbm4b:s1+s2], $0x4000, $0x38;
	[tilespmem:$0x18000] =	vst v63  }
0x65d: {  	_ =	swait.ge [sflag:s19], $0x4000  }
0x65e: {  	[sflag:s19] =	ssyncset.done $0x0  }
0x65f: {  	s1 =	rddreg [dreg:$0x1e];
	[sflag:s19] =	ssyncadd.s32 $0xFFFFC000  }
0x660: {  	[hbm4b:s1+s2] =	stream.linear.scatter [tilespmem:s8], [sflag:$0x9], $0x4000, $0x38;
	[tilespmem:$0x18000] =	vst v63  }
0x661: {  	_ =	swait.ge [sflag:s12], $0x4000  }
0x662: {  	[sflag:s12] =	ssyncset.done $0x0  }
0x663: {  	s1 =	rddreg [dreg:$0x1f];
	[sflag:s12] =	ssyncadd.s32 $0xFFFFC000  }
0x664: {  	[tilespmem:s14], [sflag:$0x2] =	stream.linear.gather [hbm4b:s1+s2], $0x4000, $0x38;
	[tilespmem:$0x18000] =	vst v63  }
0x665: {  	_ =	swait.ge [sflag:s16], $0x4000  }
0x666: {  	s1 =	sld [smem:$0x798]  }
0x667: {  	[sflag:s16] =	ssyncset.done $0x0  }
0x668: {  	[sflag:s16] =	ssyncadd.s32 $0xFFFFC000  }
0x669: {  	[hbm4b:s1+s2] =	stream.linear.scatter [tilespmem:s9], [sflag:$0xA], $0x4000, $0x38;
	[tilespmem:$0x18000] =	vst v63  }
0x66a: {  	_ =	swait.ge [sflag:s10], $0x4000  }
0x66b: {  	s0 =	sld [smem:$0x799]  }
0x66c: {  	[sflag:s10] =	ssyncset.done $0x0  }
0x66d: {  	s1 =	sld [smem:$0x79A];
	[sflag:s10] =	ssyncadd.s32 $0xFFFFC000  }
0x66e: {  	[tilespmem:s8], [sflag:$0x3] =	stream.linear.gather [hbm4b:s0+s2], $0x4000, $0x38;
	[tilespmem:$0x18000] =	vst v63  }
0x66f: {  	_ = 	snop  }
0x670: {  	[tilespmem:s31], [sflag:$0x5] =	stream.linear.gather [hbm4b:s1+s2], $0x4000, $0x38;
	[tilespmem:$0x18000] =	vst v63  }
0x671: {  	_ =	swait.ge [sflag:s28], $0x4000  }
0x672: {  	[sflag:s28] =	ssyncset.done $0x0  }
0x673: {  	[sflag:s28] =	ssyncadd.s32 $0xFFFFC000  }
0x674: {  	_ =	swait.ge [sflag:s22], $0x4000  }
0x675: {  	s1 =	sld [smem:$0x79B]  }
0x676: {  	[sflag:s22] =	ssyncset.done $0x0  }
0x677: {  	[sflag:s22] =	ssyncadd.s32 $0xFFFFC000  }
0x678: {  	[hbm4b:s1+s2] =	stream.linear.scatter [tilespmem:s2], [sflag:$0x7], $0x4000, $0x38;
	[tilespmem:$0x18000] =	vst v63  }
0x679: {  	_ =	swait.ge [sflag:s7], $0x4000  }
0x67a: {  	s1 =	sld [smem:$0x79C]  }
0x67b: {  	[sflag:s7] =	ssyncset.done $0x0  }
0x67c: {  	[sflag:s7] =	ssyncadd.s32 $0xFFFFC000  }
0x67d: {  	[tilespmem:s9], [sflag:$0x4] =	stream.linear.gather [hbm4b:s1+s2], $0x4000, $0x38;
	[tilespmem:$0x18000] =	vst v63  }
0x67e: {  	_ =	swait.ge [sflag:s17], $0x4000  }
0x67f: {  	s1 =	sld [smem:$0x79D]  }
0x680: {  	[sflag:s17] =	ssyncset.done $0x0  }
0x681: {  	[sflag:s17] =	ssyncadd.s32 $0xFFFFC000  }
0x682: {  	[hbm4b:s1+s2] =	stream.linear.scatter [tilespmem:s14], [sflag:$0x8], $0x4000, $0x38;
	[tilespmem:$0x18000] =	vst v63  }
0x683: {  	_ =	swait.ge [sflag:s6], $0x4000  }
0x684: {  	s1 =	sld [smem:$0x79E]  }
0x685: {  	[sflag:s6] =	ssyncset.done $0x0  }
0x686: {  	[sflag:s6] =	ssyncadd.s32 $0xFFFFC000  }
0x687: {  	[tilespmem:s2], [sflag:$0x1] =	stream.linear.gather [hbm4b:s1+s2], $0x4000, $0x38;
	[tilespmem:$0x18000] =	vst v63  }
0x688: {  	_ =	swait.ge [sflag:s19], $0x4000  }
0x689: {  	s1 =	sld [smem:$0x79F]  }
0x68a: {  	[sflag:s19] =	ssyncset.done $0x0  }
0x68b: {  	[sflag:s19] =	ssyncadd.s32 $0xFFFFC000  }
0x68c: {  	[hbm4b:s1+s2] =	stream.linear.scatter [tilespmem:s8], [sflag:$0x9], $0x4000, $0x38;
	[tilespmem:$0x18000] =	vst v63  }
0x68d: {  	_ =	swait.ge [sflag:s12], $0x4000  }
0x68e: {  	s1 =	sld [smem:$0x7A0]  }
0x68f: {  	[sflag:s12] =	ssyncset.done $0x0  }
0x690: {  	[sflag:s12] =	ssyncadd.s32 $0xFFFFC000  }
0x691: {  	[tilespmem:s14], [sflag:$0x2] =	stream.linear.gather [hbm4b:s1+s2], $0x4000, $0x38;
	[tilespmem:$0x18000] =	vst v63  }
0x692: {  	_ =	swait.ge [sflag:s16], $0x4000  }
0x693: {  	s1 =	sld [smem:$0x7A1]  }
0x694: {  	[sflag:s16] =	ssyncset.done $0x0  }
0x695: {  	[sflag:s16] =	ssyncadd.s32 $0xFFFFC000  }
0x696: {  	[hbm4b:s1+s2] =	stream.linear.scatter [tilespmem:s9], [sflag:$0xA], $0x4000, $0x38;
	[tilespmem:$0x18000] =	vst v63  }
0x697: {  	_ =	swait.ge [sflag:s10], $0x4000  }
0x698: {  	s0 =	sld [smem:$0x7A2]  }
0x699: {  	[sflag:s10] =	ssyncset.done $0x0  }
0x69a: {  	s1 =	sld [smem:$0x7A3];
	[sflag:s10] =	ssyncadd.s32 $0xFFFFC000  }
0x69b: {  	[tilespmem:s8], [sflag:$0x3] =	stream.linear.gather [hbm4b:s0+s2], $0x4000, $0x38;
	[tilespmem:$0x18000] =	vst v63  }
0x69c: {  	_ = 	snop  }
0x69d: {  	[tilespmem:s30], [sflag:$0x6] =	stream.linear.gather [hbm4b:s1+s2], $0x4000, $0x38;
	[tilespmem:$0x18000] =	vst v63  }
0x69e: {  	_ =	swait.ge [sflag:s29], $0x4000  }
0x69f: {  	[sflag:s29] =	ssyncset.done $0x0  }
0x6a0: {  	[sflag:s29] =	ssyncadd.s32 $0xFFFFC000  }
0x6a1: {  	_ =	swait.ge [sflag:s22], $0x4000  }
0x6a2: {  	s1 =	sld [smem:$0x7A4]  }
0x6a3: {  	[sflag:s22] =	ssyncset.done $0x0  }
0x6a4: {  	[sflag:s22] =	ssyncadd.s32 $0xFFFFC000  }
0x6a5: {  	[hbm4b:s1+s2] =	stream.linear.scatter [tilespmem:s2], [sflag:$0x7], $0x4000, $0x38;
	[tilespmem:$0x18000] =	vst v63  }
0x6a6: {  	_ =	swait.ge [sflag:s7], $0x4000  }
0x6a7: {  	s1 =	sld [smem:$0x7A5]  }
0x6a8: {  	[sflag:s7] =	ssyncset.done $0x0  }
0x6a9: {  	[sflag:s7] =	ssyncadd.s32 $0xFFFFC000  }
0x6aa: {  	[tilespmem:s9], [sflag:$0x4] =	stream.linear.gather [hbm4b:s1+s2], $0x4000, $0x38;
	[tilespmem:$0x18000] =	vst v63  }
0x6ab: {  	_ =	swait.ge [sflag:s17], $0x4000  }
0x6ac: {  	s1 =	sld [smem:$0x7A6]  }
0x6ad: {  	[sflag:s17] =	ssyncset.done $0x0  }
0x6ae: {  	[sflag:s17] =	ssyncadd.s32 $0xFFFFC000  }
0x6af: {  	[hbm4b:s1+s2] =	stream.linear.scatter [tilespmem:s14], [sflag:$0x8], $0x4000, $0x38;
	[tilespmem:$0x18000] =	vst v63  }
0x6b0: {  	_ =	swait.ge [sflag:s6], $0x4000  }
0x6b1: {  	s1 =	sld [smem:$0x7A7]  }
0x6b2: {  	[sflag:s6] =	ssyncset.done $0x0  }
0x6b3: {  	[sflag:s6] =	ssyncadd.s32 $0xFFFFC000  }
0x6b4: {  	[tilespmem:s2], [sflag:$0x1] =	stream.linear.gather [hbm4b:s1+s2], $0x4000, $0x38;
	[tilespmem:$0x18000] =	vst v63  }
0x6b5: {  	_ =	swait.ge [sflag:s19], $0x4000  }
0x6b6: {  	s1 =	sld [smem:$0x7A8]  }
0x6b7: {  	[sflag:s19] =	ssyncset.done $0x0  }
0x6b8: {  	[sflag:s19] =	ssyncadd.s32 $0xFFFFC000  }
0x6b9: {  	[hbm4b:s1+s2] =	stream.linear.scatter [tilespmem:s8], [sflag:$0x9], $0x4000, $0x38;
	[tilespmem:$0x18000] =	vst v63  }
0x6ba: {  	_ =	swait.ge [sflag:s12], $0x4000  }
0x6bb: {  	s1 =	sld [smem:$0x7A9]  }
0x6bc: {  	[sflag:s12] =	ssyncset.done $0x0  }
0x6bd: {  	[sflag:s12] =	ssyncadd.s32 $0xFFFFC000  }
0x6be: {  	[tilespmem:s14], [sflag:$0x2] =	stream.linear.gather [hbm4b:s1+s2], $0x4000, $0x38;
	[tilespmem:$0x18000] =	vst v63  }
0x6bf: {  	_ =	swait.ge [sflag:s16], $0x4000  }
0x6c0: {  	s1 =	sld [smem:$0x7AA]  }
0x6c1: {  	[sflag:s16] =	ssyncset.done $0x0  }
0x6c2: {  	[sflag:s16] =	ssyncadd.s32 $0xFFFFC000  }
0x6c3: {  	[hbm4b:s1+s2] =	stream.linear.scatter [tilespmem:s9], [sflag:$0xA], $0x4000, $0x38;
	[tilespmem:$0x18000] =	vst v63  }
0x6c4: {  	_ =	swait.ge [sflag:s10], $0x4000  }
0x6c5: {  	s0 =	sld [smem:$0x7AB]  }
0x6c6: {  	[sflag:s10] =	ssyncset.done $0x0  }
0x6c7: {  	s1 =	sld [smem:$0x7AC];
	[sflag:s10] =	ssyncadd.s32 $0xFFFFC000  }
0x6c8: {  	[tilespmem:s8], [sflag:$0x3] =	stream.linear.gather [hbm4b:s0+s2], $0x4000, $0x38;
	[tilespmem:$0x18000] =	vst v63  }
0x6c9: {  	_ = 	snop  }
0x6ca: {  	[tilespmem:s31], [sflag:$0x5] =	stream.linear.gather [hbm4b:s1+s2], $0x4000, $0x38;
	[tilespmem:$0x18000] =	vst v63  }
0x6cb: {  	_ =	swait.ge [sflag:s28], $0x4000  }
0x6cc: {  	[sflag:s28] =	ssyncset.done $0x0  }
0x6cd: {  	[sflag:s28] =	ssyncadd.s32 $0xFFFFC000  }
0x6ce: {  	_ =	swait.ge [sflag:s22], $0x4000  }
0x6cf: {  	s1 =	sld [smem:$0x7AD]  }
0x6d0: {  	[sflag:s22] =	ssyncset.done $0x0  }
0x6d1: {  	[sflag:s22] =	ssyncadd.s32 $0xFFFFC000  }
0x6d2: {  	[hbm4b:s1+s2] =	stream.linear.scatter [tilespmem:s2], [sflag:$0x7], $0x4000, $0x38;
	[tilespmem:$0x18000] =	vst v63  }
0x6d3: {  	_ =	swait.ge [sflag:s7], $0x4000  }
0x6d4: {  	s1 =	sld [smem:$0x7AE]  }
0x6d5: {  	[sflag:s7] =	ssyncset.done $0x0  }
0x6d6: {  	[sflag:s7] =	ssyncadd.s32 $0xFFFFC000  }
0x6d7: {  	[tilespmem:s9], [sflag:$0x4] =	stream.linear.gather [hbm4b:s1+s2], $0x4000, $0x38;
	[tilespmem:$0x18000] =	vst v63  }
0x6d8: {  	_ =	swait.ge [sflag:s17], $0x4000  }
0x6d9: {  	s1 =	sld [smem:$0x7AF]  }
0x6da: {  	[sflag:s17] =	ssyncset.done $0x0  }
0x6db: {  	[sflag:s17] =	ssyncadd.s32 $0xFFFFC000  }
0x6dc: {  	[hbm4b:s1+s2] =	stream.linear.scatter [tilespmem:s14], [sflag:$0x8], $0x4000, $0x38;
	[tilespmem:$0x18000] =	vst v63  }
0x6dd: {  	_ =	swait.ge [sflag:s6], $0x4000  }
0x6de: {  	s1 =	sld [smem:$0x7B0]  }
0x6df: {  	[sflag:s6] =	ssyncset.done $0x0  }
0x6e0: {  	[sflag:s6] =	ssyncadd.s32 $0xFFFFC000  }
0x6e1: {  	[tilespmem:s2], [sflag:$0x1] =	stream.linear.gather [hbm4b:s1+s2], $0x4000, $0x38;
	[tilespmem:$0x18000] =	vst v63  }
0x6e2: {  	_ =	swait.ge [sflag:s19], $0x4000  }
0x6e3: {  	s1 =	sld [smem:$0x7B1]  }
0x6e4: {  	[sflag:s19] =	ssyncset.done $0x0  }
0x6e5: {  	[sflag:s19] =	ssyncadd.s32 $0xFFFFC000  }
0x6e6: {  	[hbm4b:s1+s2] =	stream.linear.scatter [tilespmem:s8], [sflag:$0x9], $0x4000, $0x38;
	[tilespmem:$0x18000] =	vst v63  }
0x6e7: {  	_ =	swait.ge [sflag:s12], $0x4000  }
0x6e8: {  	s1 =	sld [smem:$0x7B2]  }
0x6e9: {  	[sflag:s12] =	ssyncset.done $0x0  }
0x6ea: {  	[sflag:s12] =	ssyncadd.s32 $0xFFFFC000  }
0x6eb: {  	[tilespmem:s14], [sflag:$0x2] =	stream.linear.gather [hbm4b:s1+s2], $0x4000, $0x38;
	[tilespmem:$0x18000] =	vst v63  }
0x6ec: {  	_ =	swait.ge [sflag:s16], $0x4000  }
0x6ed: {  	s1 =	sld [smem:$0x7B3]  }
0x6ee: {  	[sflag:s16] =	ssyncset.done $0x0  }
0x6ef: {  	[sflag:s16] =	ssyncadd.s32 $0xFFFFC000  }
0x6f0: {  	[hbm4b:s1+s2] =	stream.linear.scatter [tilespmem:s9], [sflag:$0xA], $0x4000, $0x38;
	[tilespmem:$0x18000] =	vst v63  }
0x6f1: {  	_ =	swait.ge [sflag:s10], $0x4000  }
0x6f2: {  	s0 =	sld [smem:$0x7B4]  }
0x6f3: {  	[sflag:s10] =	ssyncset.done $0x0  }
0x6f4: {  	s1 =	sld [smem:$0x7B5];
	[sflag:s10] =	ssyncadd.s32 $0xFFFFC000  }
0x6f5: {  	[tilespmem:s8], [sflag:$0x3] =	stream.linear.gather [hbm4b:s0+s2], $0x4000, $0x38;
	[tilespmem:$0x18000] =	vst v63  }
0x6f6: {  	_ = 	snop  }
0x6f7: {  	[tilespmem:s30], [sflag:$0x6] =	stream.linear.gather [hbm4b:s1+s2], $0x4000, $0x38;
	[tilespmem:$0x18000] =	vst v63  }
0x6f8: {  	_ =	swait.ge [sflag:s29], $0x4000  }
0x6f9: {  	[sflag:s29] =	ssyncset.done $0x0  }
0x6fa: {  	[sflag:s29] =	ssyncadd.s32 $0xFFFFC000  }
0x6fb: {  	_ =	swait.ge [sflag:s22], $0x4000  }
0x6fc: {  	s1 =	sld [smem:$0x7B6]  }
0x6fd: {  	[sflag:s22] =	ssyncset.done $0x0  }
0x6fe: {  	[sflag:s22] =	ssyncadd.s32 $0xFFFFC000  }
0x6ff: {  	[hbm4b:s1+s2] =	stream.linear.scatter [tilespmem:s2], [sflag:$0x7], $0x4000, $0x38;
	[tilespmem:$0x18000] =	vst v63  }
0x700: {  	_ =	swait.ge [sflag:s7], $0x4000  }
0x701: {  	s1 =	sld [smem:$0x7B7]  }
0x702: {  	[sflag:s7] =	ssyncset.done $0x0  }
0x703: {  	[sflag:s7] =	ssyncadd.s32 $0xFFFFC000  }
0x704: {  	[tilespmem:s9], [sflag:$0x4] =	stream.linear.gather [hbm4b:s1+s2], $0x4000, $0x38;
	[tilespmem:$0x18000] =	vst v63  }
0x705: {  	_ =	swait.ge [sflag:s17], $0x4000  }
0x706: {  	s1 =	sld [smem:$0x7B8]  }
0x707: {  	[sflag:s17] =	ssyncset.done $0x0  }
0x708: {  	[sflag:s17] =	ssyncadd.s32 $0xFFFFC000  }
0x709: {  	[hbm4b:s1+s2] =	stream.linear.scatter [tilespmem:s14], [sflag:$0x8], $0x4000, $0x38;
	[tilespmem:$0x18000] =	vst v63  }
0x70a: {  	_ =	swait.ge [sflag:s6], $0x4000  }
0x70b: {  	s1 =	sld [smem:$0x7B9]  }
0x70c: {  	[sflag:s6] =	ssyncset.done $0x0  }
0x70d: {  	[sflag:s6] =	ssyncadd.s32 $0xFFFFC000  }
0x70e: {  	[tilespmem:s2], [sflag:$0x1] =	stream.linear.gather [hbm4b:s1+s2], $0x4000, $0x38;
	[tilespmem:$0x18000] =	vst v63  }
0x70f: {  	_ =	swait.ge [sflag:s19], $0x4000  }
0x710: {  	s1 =	sld [smem:$0x7BA]  }
0x711: {  	[sflag:s19] =	ssyncset.done $0x0  }
0x712: {  	[sflag:s19] =	ssyncadd.s32 $0xFFFFC000  }
0x713: {  	[hbm4b:s1+s2] =	stream.linear.scatter [tilespmem:s8], [sflag:$0x9], $0x4000, $0x38;
	[tilespmem:$0x18000] =	vst v63  }
0x714: {  	_ =	swait.ge [sflag:s12], $0x4000  }
0x715: {  	s1 =	sld [smem:$0x7BB]  }
0x716: {  	[sflag:s12] =	ssyncset.done $0x0  }
0x717: {  	[sflag:s12] =	ssyncadd.s32 $0xFFFFC000  }
0x718: {  	[tilespmem:s14], [sflag:$0x2] =	stream.linear.gather [hbm4b:s1+s2], $0x4000, $0x38;
	[tilespmem:$0x18000] =	vst v63  }
0x719: {  	_ =	swait.ge [sflag:s16], $0x4000  }
0x71a: {  	s1 =	sld [smem:$0x7BC]  }
0x71b: {  	[sflag:s16] =	ssyncset.done $0x0  }
0x71c: {  	[sflag:s16] =	ssyncadd.s32 $0xFFFFC000  }
0x71d: {  	[hbm4b:s1+s2] =	stream.linear.scatter [tilespmem:s9], [sflag:$0xA], $0x4000, $0x38;
	[tilespmem:$0x18000] =	vst v63  }
0x71e: {  	_ =	swait.ge [sflag:s10], $0x4000  }
0x71f: {  	s0 =	sld [smem:$0x7BD]  }
0x720: {  	[sflag:s10] =	ssyncset.done $0x0  }
0x721: {  	s1 =	sld [smem:$0x7BE];
	[sflag:s10] =	ssyncadd.s32 $0xFFFFC000  }
0x722: {  	[tilespmem:s8], [sflag:$0x3] =	stream.linear.gather [hbm4b:s0+s2], $0x4000, $0x38;
	[tilespmem:$0x18000] =	vst v63  }
0x723: {  	_ = 	snop  }
0x724: {  	[tilespmem:s31], [sflag:$0x5] =	stream.linear.gather [hbm4b:s1+s2], $0x4000, $0x38;
	[tilespmem:$0x18000] =	vst v63  }
0x725: {  	_ =	swait.ge [sflag:s28], $0x4000  }
0x726: {  	[sflag:s28] =	ssyncset.done $0x0  }
0x727: {  	[sflag:s28] =	ssyncadd.s32 $0xFFFFC000  }
0x728: {  	_ =	swait.ge [sflag:s22], $0x4000  }
0x729: {  	s1 =	sld [smem:$0x7BF]  }
0x72a: {  	[sflag:s22] =	ssyncset.done $0x0  }
0x72b: {  	[sflag:s22] =	ssyncadd.s32 $0xFFFFC000  }
0x72c: {  	[hbm4b:s1+s2] =	stream.linear.scatter [tilespmem:s2], [sflag:$0x7], $0x4000, $0x38;
	[tilespmem:$0x18000] =	vst v63  }
0x72d: {  	_ =	swait.ge [sflag:s7], $0x4000  }
0x72e: {  	s1 =	sld [smem:$0x7C0]  }
0x72f: {  	[sflag:s7] =	ssyncset.done $0x0  }
0x730: {  	[sflag:s7] =	ssyncadd.s32 $0xFFFFC000  }
0x731: {  	[tilespmem:s9], [sflag:$0x4] =	stream.linear.gather [hbm4b:s1+s2], $0x4000, $0x38;
	[tilespmem:$0x18000] =	vst v63  }
0x732: {  	_ =	swait.ge [sflag:s17], $0x4000  }
0x733: {  	s1 =	sld [smem:$0x7C1]  }
0x734: {  	[sflag:s17] =	ssyncset.done $0x0  }
0x735: {  	[sflag:s17] =	ssyncadd.s32 $0xFFFFC000  }
0x736: {  	[hbm4b:s1+s2] =	stream.linear.scatter [tilespmem:s14], [sflag:$0x8], $0x4000, $0x38;
	[tilespmem:$0x18000] =	vst v63  }
0x737: {  	_ =	swait.ge [sflag:s6], $0x4000  }
0x738: {  	s1 =	sld [smem:$0x7C2]  }
0x739: {  	[sflag:s6] =	ssyncset.done $0x0  }
0x73a: {  	[sflag:s6] =	ssyncadd.s32 $0xFFFFC000  }
0x73b: {  	[tilespmem:s2], [sflag:$0x1] =	stream.linear.gather [hbm4b:s1+s2], $0x4000, $0x38;
	[tilespmem:$0x18000] =	vst v63  }
0x73c: {  	_ =	swait.ge [sflag:s19], $0x4000  }
0x73d: {  	s1 =	sld [smem:$0x7C3]  }
0x73e: {  	[sflag:s19] =	ssyncset.done $0x0  }
0x73f: {  	[sflag:s19] =	ssyncadd.s32 $0xFFFFC000  }
0x740: {  	[hbm4b:s1+s2] =	stream.linear.scatter [tilespmem:s8], [sflag:$0x9], $0x4000, $0x38;
	[tilespmem:$0x18000] =	vst v63  }
0x741: {  	_ =	swait.ge [sflag:s12], $0x4000  }
0x742: {  	s1 =	sld [smem:$0x7C4]  }
0x743: {  	[sflag:s12] =	ssyncset.done $0x0  }
0x744: {  	[sflag:s12] =	ssyncadd.s32 $0xFFFFC000  }
0x745: {  	[tilespmem:s14], [sflag:$0x2] =	stream.linear.gather [hbm4b:s1+s2], $0x4000, $0x38;
	[tilespmem:$0x18000] =	vst v63  }
0x746: {  	_ =	swait.ge [sflag:s16], $0x4000  }
0x747: {  	s1 =	sld [smem:$0x7C5]  }
0x748: {  	[sflag:s16] =	ssyncset.done $0x0  }
0x749: {  	[sflag:s16] =	ssyncadd.s32 $0xFFFFC000  }
0x74a: {  	[hbm4b:s1+s2] =	stream.linear.scatter [tilespmem:s9], [sflag:$0xA], $0x4000, $0x38;
	[tilespmem:$0x18000] =	vst v63  }
0x74b: {  	_ =	swait.ge [sflag:s10], $0x4000  }
0x74c: {  	s0 =	sld [smem:$0x7C6]  }
0x74d: {  	[sflag:s10] =	ssyncset.done $0x0  }
0x74e: {  	s1 =	sld [smem:$0x7C7];
	[sflag:s10] =	ssyncadd.s32 $0xFFFFC000  }
0x74f: {  	[tilespmem:s8], [sflag:$0x3] =	stream.linear.gather [hbm4b:s0+s2], $0x4000, $0x38;
	[tilespmem:$0x18000] =	vst v63  }
0x750: {  	_ = 	snop  }
0x751: {  	[tilespmem:s30], [sflag:$0x6] =	stream.linear.gather [hbm4b:s1+s2], $0x4000, $0x38;
	[tilespmem:$0x18000] =	vst v63  }
0x752: {  	_ =	swait.ge [sflag:s29], $0x4000  }
0x753: {  	[sflag:s29] =	ssyncset.done $0x0  }
0x754: {  	[sflag:s29] =	ssyncadd.s32 $0xFFFFC000  }
0x755: {  	_ =	swait.ge [sflag:s22], $0x4000  }
0x756: {  	s1 =	sld [smem:$0x7C8]  }
0x757: {  	[sflag:s22] =	ssyncset.done $0x0  }
0x758: {  	[sflag:s22] =	ssyncadd.s32 $0xFFFFC000  }
0x759: {  	[hbm4b:s1+s2] =	stream.linear.scatter [tilespmem:s2], [sflag:$0x7], $0x4000, $0x38;
	[tilespmem:$0x18000] =	vst v63  }
0x75a: {  	_ =	swait.ge [sflag:s7], $0x4000  }
0x75b: {  	s1 =	sld [smem:$0x7C9]  }
0x75c: {  	[sflag:s7] =	ssyncset.done $0x0  }
0x75d: {  	[sflag:s7] =	ssyncadd.s32 $0xFFFFC000  }
0x75e: {  	[tilespmem:s9], [sflag:$0x4] =	stream.linear.gather [hbm4b:s1+s2], $0x4000, $0x38;
	[tilespmem:$0x18000] =	vst v63  }
0x75f: {  	_ =	swait.ge [sflag:s17], $0x4000  }
0x760: {  	s1 =	sld [smem:$0x7CA]  }
0x761: {  	[sflag:s17] =	ssyncset.done $0x0  }
0x762: {  	[sflag:s17] =	ssyncadd.s32 $0xFFFFC000  }
0x763: {  	[hbm4b:s1+s2] =	stream.linear.scatter [tilespmem:s14], [sflag:$0x8], $0x4000, $0x38;
	[tilespmem:$0x18000] =	vst v63  }
0x764: {  	_ =	swait.ge [sflag:s6], $0x4000  }
0x765: {  	s1 =	sld [smem:$0x7CB]  }
0x766: {  	[sflag:s6] =	ssyncset.done $0x0  }
0x767: {  	[sflag:s6] =	ssyncadd.s32 $0xFFFFC000  }
0x768: {  	[tilespmem:s2], [sflag:$0x1] =	stream.linear.gather [hbm4b:s1+s2], $0x4000, $0x38;
	[tilespmem:$0x18000] =	vst v63  }
0x769: {  	_ =	swait.ge [sflag:s19], $0x4000  }
0x76a: {  	s1 =	sld [smem:$0x7CC]  }
0x76b: {  	[sflag:s19] =	ssyncset.done $0x0  }
0x76c: {  	[sflag:s19] =	ssyncadd.s32 $0xFFFFC000  }
0x76d: {  	[hbm4b:s1+s2] =	stream.linear.scatter [tilespmem:s8], [sflag:$0x9], $0x4000, $0x38;
	[tilespmem:$0x18000] =	vst v63  }
0x76e: {  	_ =	swait.ge [sflag:s12], $0x4000  }
0x76f: {  	s1 =	sld [smem:$0x7CD]  }
0x770: {  	[sflag:s12] =	ssyncset.done $0x0  }
0x771: {  	[sflag:s12] =	ssyncadd.s32 $0xFFFFC000  }
0x772: {  	[tilespmem:s14], [sflag:$0x2] =	stream.linear.gather [hbm4b:s1+s2], $0x4000, $0x38;
	[tilespmem:$0x18000] =	vst v63  }
0x773: {  	_ =	swait.ge [sflag:s16], $0x4000  }
0x774: {  	s1 =	sld [smem:$0x7CE]  }
0x775: {  	[sflag:s16] =	ssyncset.done $0x0  }
0x776: {  	[sflag:s16] =	ssyncadd.s32 $0xFFFFC000  }
0x777: {  	[hbm4b:s1+s2] =	stream.linear.scatter [tilespmem:s9], [sflag:$0xA], $0x4000, $0x38;
	[tilespmem:$0x18000] =	vst v63  }
0x778: {  	_ =	swait.ge [sflag:s10], $0x4000  }
0x779: {  	s0 =	sld [smem:$0x7CF]  }
0x77a: {  	[sflag:s10] =	ssyncset.done $0x0  }
0x77b: {  	s1 =	sld [smem:$0x7D0];
	[sflag:s10] =	ssyncadd.s32 $0xFFFFC000  }
0x77c: {  	[tilespmem:s8], [sflag:$0x3] =	stream.linear.gather [hbm4b:s0+s2], $0x4000, $0x38;
	[tilespmem:$0x18000] =	vst v63  }
0x77d: {  	_ = 	snop  }
0x77e: {  	[tilespmem:s31], [sflag:$0x5] =	stream.linear.gather [hbm4b:s1+s2], $0x4000, $0x38;
	[tilespmem:$0x18000] =	vst v63  }
0x77f: {  	_ =	swait.ge [sflag:s28], $0x4000  }
0x780: {  	[sflag:s28] =	ssyncset.done $0x0  }
0x781: {  	[sflag:s28] =	ssyncadd.s32 $0xFFFFC000  }
0x782: {  	_ =	swait.ge [sflag:s22], $0x4000  }
0x783: {  	s1 =	sld [smem:$0x7D1]  }
0x784: {  	[sflag:s22] =	ssyncset.done $0x0  }
0x785: {  	[sflag:s22] =	ssyncadd.s32 $0xFFFFC000  }
0x786: {  	[hbm4b:s1+s2] =	stream.linear.scatter [tilespmem:s2], [sflag:$0x7], $0x4000, $0x38;
	[tilespmem:$0x18000] =	vst v63  }
0x787: {  	_ =	swait.ge [sflag:s7], $0x4000  }
0x788: {  	s1 =	sld [smem:$0x7D2]  }
0x789: {  	[sflag:s7] =	ssyncset.done $0x0  }
0x78a: {  	[sflag:s7] =	ssyncadd.s32 $0xFFFFC000  }
0x78b: {  	[tilespmem:s9], [sflag:$0x4] =	stream.linear.gather [hbm4b:s1+s2], $0x4000, $0x38;
	[tilespmem:$0x18000] =	vst v63  }
0x78c: {  	_ =	swait.ge [sflag:s17], $0x4000  }
0x78d: {  	s1 =	sld [smem:$0x7D3]  }
0x78e: {  	[sflag:s17] =	ssyncset.done $0x0  }
0x78f: {  	[sflag:s17] =	ssyncadd.s32 $0xFFFFC000  }
0x790: {  	[hbm4b:s1+s2] =	stream.linear.scatter [tilespmem:s14], [sflag:$0x8], $0x4000, $0x38;
	[tilespmem:$0x18000] =	vst v63  }
0x791: {  	_ =	swait.ge [sflag:s6], $0x4000  }
0x792: {  	s1 =	sld [smem:$0x7D4]  }
0x793: {  	[sflag:s6] =	ssyncset.done $0x0  }
0x794: {  	[sflag:s6] =	ssyncadd.s32 $0xFFFFC000  }
0x795: {  	[tilespmem:s2], [sflag:$0x1] =	stream.linear.gather [hbm4b:s1+s2], $0x4000, $0x38;
	[tilespmem:$0x18000] =	vst v63  }
0x796: {  	_ =	swait.ge [sflag:s19], $0x4000  }
0x797: {  	s1 =	sld [smem:$0x7D5]  }
0x798: {  	[sflag:s19] =	ssyncset.done $0x0  }
0x799: {  	[sflag:s19] =	ssyncadd.s32 $0xFFFFC000  }
0x79a: {  	[hbm4b:s1+s2] =	stream.linear.scatter [tilespmem:s8], [sflag:$0x9], $0x4000, $0x38;
	[tilespmem:$0x18000] =	vst v63  }
0x79b: {  	_ =	swait.ge [sflag:s12], $0x4000  }
0x79c: {  	s1 =	sld [smem:$0x7D6]  }
0x79d: {  	[sflag:s12] =	ssyncset.done $0x0  }
0x79e: {  	[sflag:s12] =	ssyncadd.s32 $0xFFFFC000  }
0x79f: {  	[tilespmem:s14], [sflag:$0x2] =	stream.linear.gather [hbm4b:s1+s2], $0x4000, $0x38;
	[tilespmem:$0x18000] =	vst v63  }
0x7a0: {  	_ =	swait.ge [sflag:s16], $0x4000  }
0x7a1: {  	s1 =	sld [smem:$0x7D7]  }
0x7a2: {  	[sflag:s16] =	ssyncset.done $0x0  }
0x7a3: {  	[sflag:s16] =	ssyncadd.s32 $0xFFFFC000  }
0x7a4: {  	[hbm4b:s1+s2] =	stream.linear.scatter [tilespmem:s9], [sflag:$0xA], $0x4000, $0x38;
	[tilespmem:$0x18000] =	vst v63  }
0x7a5: {  	_ =	swait.ge [sflag:s10], $0x4000  }
0x7a6: {  	s0 =	sld [smem:$0x7D8]  }
0x7a7: {  	[sflag:s10] =	ssyncset.done $0x0  }
0x7a8: {  	s1 =	sld [smem:$0x7D9];
	[sflag:s10] =	ssyncadd.s32 $0xFFFFC000  }
0x7a9: {  	[tilespmem:s8], [sflag:$0x3] =	stream.linear.gather [hbm4b:s0+s2], $0x4000, $0x38;
	[tilespmem:$0x18000] =	vst v63  }
0x7aa: {  	_ = 	snop  }
0x7ab: {  	[tilespmem:s30], [sflag:$0x6] =	stream.linear.gather [hbm4b:s1+s2], $0x4000, $0x38;
	[tilespmem:$0x18000] =	vst v63  }
0x7ac: {  	_ =	swait.ge [sflag:s29], $0x4000  }
0x7ad: {  	[sflag:s29] =	ssyncset.done $0x0  }
0x7ae: {  	[sflag:s29] =	ssyncadd.s32 $0xFFFFC000  }
0x7af: {  	_ =	swait.ge [sflag:s22], $0x4000  }
0x7b0: {  	s1 =	sld [smem:$0x7DA]  }
0x7b1: {  	[sflag:s22] =	ssyncset.done $0x0  }
0x7b2: {  	[sflag:s22] =	ssyncadd.s32 $0xFFFFC000  }
0x7b3: {  	[hbm4b:s1+s2] =	stream.linear.scatter [tilespmem:s2], [sflag:$0x7], $0x4000, $0x38;
	[tilespmem:$0x18000] =	vst v63  }
0x7b4: {  	_ =	swait.ge [sflag:s7], $0x4000  }
0x7b5: {  	s1 =	sld [smem:$0x7DB]  }
0x7b6: {  	[sflag:s7] =	ssyncset.done $0x0  }
0x7b7: {  	[sflag:s7] =	ssyncadd.s32 $0xFFFFC000  }
0x7b8: {  	[tilespmem:s9], [sflag:$0x4] =	stream.linear.gather [hbm4b:s1+s2], $0x4000, $0x38;
	[tilespmem:$0x18000] =	vst v63  }
0x7b9: {  	_ =	swait.ge [sflag:s17], $0x4000  }
0x7ba: {  	s1 =	sld [smem:$0x7DC]  }
0x7bb: {  	[sflag:s17] =	ssyncset.done $0x0  }
0x7bc: {  	[sflag:s17] =	ssyncadd.s32 $0xFFFFC000  }
0x7bd: {  	[hbm4b:s1+s2] =	stream.linear.scatter [tilespmem:s14], [sflag:$0x8], $0x4000, $0x38;
	[tilespmem:$0x18000] =	vst v63  }
0x7be: {  	_ =	swait.ge [sflag:s6], $0x4000  }
0x7bf: {  	s1 =	sld [smem:$0x7DD]  }
0x7c0: {  	[sflag:s6] =	ssyncset.done $0x0  }
0x7c1: {  	[sflag:s6] =	ssyncadd.s32 $0xFFFFC000  }
0x7c2: {  	[tilespmem:s2], [sflag:$0x1] =	stream.linear.gather [hbm4b:s1+s2], $0x4000, $0x38;
	[tilespmem:$0x18000] =	vst v63  }
0x7c3: {  	_ =	swait.ge [sflag:s19], $0x4000  }
0x7c4: {  	s1 =	sld [smem:$0x7DE]  }
0x7c5: {  	[sflag:s19] =	ssyncset.done $0x0  }
0x7c6: {  	[sflag:s19] =	ssyncadd.s32 $0xFFFFC000  }
0x7c7: {  	[hbm4b:s1+s2] =	stream.linear.scatter [tilespmem:s8], [sflag:$0x9], $0x4000, $0x38;
	[tilespmem:$0x18000] =	vst v63  }
0x7c8: {  	_ =	swait.ge [sflag:s12], $0x4000  }
0x7c9: {  	s1 =	sld [smem:$0x7DF]  }
0x7ca: {  	[sflag:s12] =	ssyncset.done $0x0  }
0x7cb: {  	[sflag:s12] =	ssyncadd.s32 $0xFFFFC000  }
0x7cc: {  	[tilespmem:s14], [sflag:$0x2] =	stream.linear.gather [hbm4b:s1+s2], $0x4000, $0x38;
	[tilespmem:$0x18000] =	vst v63  }
0x7cd: {  	_ =	swait.ge [sflag:s16], $0x4000  }
0x7ce: {  	s1 =	sld [smem:$0x7E0]  }
0x7cf: {  	[sflag:s16] =	ssyncset.done $0x0  }
0x7d0: {  	[sflag:s16] =	ssyncadd.s32 $0xFFFFC000  }
0x7d1: {  	[hbm4b:s1+s2] =	stream.linear.scatter [tilespmem:s9], [sflag:$0xA], $0x4000, $0x38;
	[tilespmem:$0x18000] =	vst v63  }
0x7d2: {  	_ =	swait.ge [sflag:s10], $0x4000  }
0x7d3: {  	s0 =	sld [smem:$0x7E1]  }
0x7d4: {  	[sflag:s10] =	ssyncset.done $0x0  }
0x7d5: {  	s1 =	sld [smem:$0x7E2];
	[sflag:s10] =	ssyncadd.s32 $0xFFFFC000  }
0x7d6: {  	[tilespmem:s8], [sflag:$0x3] =	stream.linear.gather [hbm4b:s0+s2], $0x4000, $0x38;
	[tilespmem:$0x18000] =	vst v63  }
0x7d7: {  	_ = 	snop  }
0x7d8: {  	[tilespmem:s31], [sflag:$0x5] =	stream.linear.gather [hbm4b:s1+s2], $0x4000, $0x38;
	[tilespmem:$0x18000] =	vst v63  }
0x7d9: {  	_ =	swait.ge [sflag:s28], $0x4000  }
0x7da: {  	[sflag:s28] =	ssyncset.done $0x0  }
0x7db: {  	[sflag:s28] =	ssyncadd.s32 $0xFFFFC000  }
0x7dc: {  	_ =	swait.ge [sflag:s22], $0x4000  }
0x7dd: {  	s1 =	sld [smem:$0x7E3]  }
0x7de: {  	[sflag:s22] =	ssyncset.done $0x0  }
0x7df: {  	[sflag:s22] =	ssyncadd.s32 $0xFFFFC000  }
0x7e0: {  	[hbm4b:s1+s2] =	stream.linear.scatter [tilespmem:s2], [sflag:$0x7], $0x4000, $0x38;
	[tilespmem:$0x18000] =	vst v63  }
0x7e1: {  	_ =	swait.ge [sflag:s7], $0x4000  }
0x7e2: {  	s1 =	sld [smem:$0x7E4]  }
0x7e3: {  	[sflag:s7] =	ssyncset.done $0x0  }
0x7e4: {  	[sflag:s7] =	ssyncadd.s32 $0xFFFFC000  }
0x7e5: {  	[tilespmem:s9], [sflag:$0x4] =	stream.linear.gather [hbm4b:s1+s2], $0x4000, $0x38;
	[tilespmem:$0x18000] =	vst v63  }
0x7e6: {  	_ =	swait.ge [sflag:s17], $0x4000  }
0x7e7: {  	s1 =	sld [smem:$0x7E5]  }
0x7e8: {  	[sflag:s17] =	ssyncset.done $0x0  }
0x7e9: {  	[sflag:s17] =	ssyncadd.s32 $0xFFFFC000  }
0x7ea: {  	[hbm4b:s1+s2] =	stream.linear.scatter [tilespmem:s14], [sflag:$0x8], $0x4000, $0x38;
	[tilespmem:$0x18000] =	vst v63  }
0x7eb: {  	_ =	swait.ge [sflag:s6], $0x4000  }
0x7ec: {  	s1 =	sld [smem:$0x7E6]  }
0x7ed: {  	[sflag:s6] =	ssyncset.done $0x0  }
0x7ee: {  	[sflag:s6] =	ssyncadd.s32 $0xFFFFC000  }
0x7ef: {  	[tilespmem:s2], [sflag:$0x1] =	stream.linear.gather [hbm4b:s1+s2], $0x4000, $0x38;
	[tilespmem:$0x18000] =	vst v63  }
0x7f0: {  	_ =	swait.ge [sflag:s19], $0x4000  }
0x7f1: {  	s1 =	sld [smem:$0x7E7]  }
0x7f2: {  	[sflag:s19] =	ssyncset.done $0x0  }
0x7f3: {  	[sflag:s19] =	ssyncadd.s32 $0xFFFFC000  }
0x7f4: {  	[hbm4b:s1+s2] =	stream.linear.scatter [tilespmem:s8], [sflag:$0x9], $0x4000, $0x38;
	[tilespmem:$0x18000] =	vst v63  }
0x7f5: {  	_ =	swait.ge [sflag:s12], $0x4000  }
0x7f6: {  	s1 =	sld [smem:$0x7E8]  }
0x7f7: {  	[sflag:s12] =	ssyncset.done $0x0  }
0x7f8: {  	[sflag:s12] =	ssyncadd.s32 $0xFFFFC000  }
0x7f9: {  	[tilespmem:s14], [sflag:$0x2] =	stream.linear.gather [hbm4b:s1+s2], $0x4000, $0x38;
	[tilespmem:$0x18000] =	vst v63  }
0x7fa: {  	_ =	swait.ge [sflag:s16], $0x4000  }
0x7fb: {  	s1 =	sld [smem:$0x7E9]  }
0x7fc: {  	[sflag:s16] =	ssyncset.done $0x0  }
0x7fd: {  	[sflag:s16] =	ssyncadd.s32 $0xFFFFC000  }
0x7fe: {  	[hbm4b:s1+s2] =	stream.linear.scatter [tilespmem:s9], [sflag:$0xA], $0x4000, $0x38;
	[tilespmem:$0x18000] =	vst v63  }
0x7ff: {  	_ =	swait.ge [sflag:s10], $0x4000  }
0x800: {  	s0 =	sld [smem:$0x7EA]  }
0x801: {  	[sflag:s10] =	ssyncset.done $0x0  }
0x802: {  	s1 =	sld [smem:$0x7EB];
	[sflag:s10] =	ssyncadd.s32 $0xFFFFC000  }
0x803: {  	[tilespmem:s8], [sflag:$0x3] =	stream.linear.gather [hbm4b:s0+s2], $0x4000, $0x38;
	[tilespmem:$0x18000] =	vst v63  }
0x804: {  	_ = 	snop  }
0x805: {  	[tilespmem:s30], [sflag:$0x6] =	stream.linear.gather [hbm4b:s1+s2], $0x4000, $0x38;
	[tilespmem:$0x18000] =	vst v63  }
0x806: {  	_ =	swait.ge [sflag:s29], $0x4000  }
0x807: {  	[sflag:s29] =	ssyncset.done $0x0  }
0x808: {  	[sflag:s29] =	ssyncadd.s32 $0xFFFFC000  }
0x809: {  	_ =	swait.ge [sflag:s22], $0x4000  }
0x80a: {  	s1 =	sld [smem:$0x7EC]  }
0x80b: {  	[sflag:s22] =	ssyncset.done $0x0  }
0x80c: {  	[sflag:s22] =	ssyncadd.s32 $0xFFFFC000  }
0x80d: {  	[hbm4b:s1+s2] =	stream.linear.scatter [tilespmem:s2], [sflag:$0x7], $0x4000, $0x38;
	[tilespmem:$0x18000] =	vst v63  }
0x80e: {  	_ =	swait.ge [sflag:s7], $0x4000  }
0x80f: {  	s1 =	sld [smem:$0x7ED]  }
0x810: {  	[sflag:s7] =	ssyncset.done $0x0  }
0x811: {  	[sflag:s7] =	ssyncadd.s32 $0xFFFFC000  }
0x812: {  	[tilespmem:s9], [sflag:$0x4] =	stream.linear.gather [hbm4b:s1+s2], $0x4000, $0x38;
	[tilespmem:$0x18000] =	vst v63  }
0x813: {  	_ =	swait.ge [sflag:s17], $0x4000  }
0x814: {  	s1 =	sld [smem:$0x7EE]  }
0x815: {  	[sflag:s17] =	ssyncset.done $0x0  }
0x816: {  	[sflag:s17] =	ssyncadd.s32 $0xFFFFC000  }
0x817: {  	[hbm4b:s1+s2] =	stream.linear.scatter [tilespmem:s14], [sflag:$0x8], $0x4000, $0x38;
	[tilespmem:$0x18000] =	vst v63  }
0x818: {  	_ =	swait.ge [sflag:s6], $0x4000  }
0x819: {  	s1 =	sld [smem:$0x7EF]  }
0x81a: {  	[sflag:s6] =	ssyncset.done $0x0  }
0x81b: {  	[sflag:s6] =	ssyncadd.s32 $0xFFFFC000  }
0x81c: {  	[tilespmem:s2], [sflag:$0x1] =	stream.linear.gather [hbm4b:s1+s2], $0x4000, $0x38;
	[tilespmem:$0x18000] =	vst v63  }
0x81d: {  	_ =	swait.ge [sflag:s19], $0x4000  }
0x81e: {  	s1 =	sld [smem:$0x7F0]  }
0x81f: {  	[sflag:s19] =	ssyncset.done $0x0  }
0x820: {  	[sflag:s19] =	ssyncadd.s32 $0xFFFFC000  }
0x821: {  	[hbm4b:s1+s2] =	stream.linear.scatter [tilespmem:s8], [sflag:$0x9], $0x4000, $0x38;
	[tilespmem:$0x18000] =	vst v63  }
0x822: {  	_ =	swait.ge [sflag:s12], $0x4000  }
0x823: {  	s1 =	sld [smem:$0x7F1]  }
0x824: {  	[sflag:s12] =	ssyncset.done $0x0  }
0x825: {  	[sflag:s12] =	ssyncadd.s32 $0xFFFFC000  }
0x826: {  	[tilespmem:s14], [sflag:$0x2] =	stream.linear.gather [hbm4b:s1+s2], $0x4000, $0x38;
	[tilespmem:$0x18000] =	vst v63  }
0x827: {  	_ =	swait.ge [sflag:s16], $0x4000  }
0x828: {  	s1 =	sld [smem:$0x7F2]  }
0x829: {  	[sflag:s16] =	ssyncset.done $0x0  }
0x82a: {  	[sflag:s16] =	ssyncadd.s32 $0xFFFFC000  }
0x82b: {  	[hbm4b:s1+s2] =	stream.linear.scatter [tilespmem:s9], [sflag:$0xA], $0x4000, $0x38;
	[tilespmem:$0x18000] =	vst v63  }
0x82c: {  	_ =	swait.ge [sflag:s10], $0x4000  }
0x82d: {  	s0 =	sld [smem:$0x7F3]  }
0x82e: {  	[sflag:s10] =	ssyncset.done $0x0  }
0x82f: {  	s1 =	sld [smem:$0x7F4];
	[sflag:s10] =	ssyncadd.s32 $0xFFFFC000  }
0x830: {  	[tilespmem:s8], [sflag:$0x3] =	stream.linear.gather [hbm4b:s0+s2], $0x4000, $0x38;
	[tilespmem:$0x18000] =	vst v63  }
0x831: {  	_ = 	snop  }
0x832: {  	[tilespmem:s31], [sflag:$0x5] =	stream.linear.gather [hbm4b:s1+s2], $0x4000, $0x38;
	[tilespmem:$0x18000] =	vst v63  }
0x833: {  	_ =	swait.ge [sflag:s28], $0x4000  }
0x834: {  	[sflag:s28] =	ssyncset.done $0x0  }
0x835: {  	[sflag:s28] =	ssyncadd.s32 $0xFFFFC000  }
0x836: {  	_ =	swait.ge [sflag:s22], $0x4000  }
0x837: {  	s31 =	sld [smem:$0x7F5]  }
0x838: {  	[sflag:s22] =	ssyncset.done $0x0  }
0x839: {  	[sflag:s22] =	ssyncadd.s32 $0xFFFFC000  }
0x83a: {  	[hbm4b:s31+s2] =	stream.linear.scatter [tilespmem:s2], [sflag:$0x7], $0x4000, $0x38;
	[tilespmem:$0x18000] =	vst v63  }
0x83b: {  	_ =	swait.ge [sflag:s7], $0x4000  }
0x83c: {  	s1 =	sld [smem:$0x7F6]  }
0x83d: {  	[sflag:s7] =	ssyncset.done $0x0  }
0x83e: {  	[sflag:s7] =	ssyncadd.s32 $0xFFFFC000  }
0x83f: {  	[tilespmem:s9], [sflag:$0x4] =	stream.linear.gather [hbm4b:s1+s2], $0x4000, $0x38;
	[tilespmem:$0x18000] =	vst v63  }
0x840: {  	_ =	swait.ge [sflag:s17], $0x4000  }
0x841: {  	s31 =	sld [smem:$0x7F7]  }
0x842: {  	[sflag:s17] =	ssyncset.done $0x0  }
0x843: {  	[sflag:s17] =	ssyncadd.s32 $0xFFFFC000  }
0x844: {  	[hbm4b:s31+s2] =	stream.linear.scatter [tilespmem:s14], [sflag:$0x8], $0x4000, $0x38;
	[tilespmem:$0x18000] =	vst v63  }
0x845: {  	_ =	swait.ge [sflag:s6], $0x4000  }
0x846: {  	s1 =	sld [smem:$0x7F8]  }
0x847: {  	[sflag:s6] =	ssyncset.done $0x0  }
0x848: {  	[sflag:s6] =	ssyncadd.s32 $0xFFFFC000  }
0x849: {  	[tilespmem:s2], [sflag:$0x1] =	stream.linear.gather [hbm4b:s1+s2], $0x4000, $0x38;
	[tilespmem:$0x18000] =	vst v63  }
0x84a: {  	_ =	swait.ge [sflag:s19], $0x4000  }
0x84b: {  	s31 =	sld [smem:$0x7F9]  }
0x84c: {  	[sflag:s19] =	ssyncset.done $0x0  }
0x84d: {  	[sflag:s19] =	ssyncadd.s32 $0xFFFFC000  }
0x84e: {  	[hbm4b:s31+s2] =	stream.linear.scatter [tilespmem:s8], [sflag:$0x9], $0x4000, $0x38;
	[tilespmem:$0x18000] =	vst v63  }
0x84f: {  	_ =	swait.ge [sflag:s12], $0x4000  }
0x850: {  	s1 =	sld [smem:$0x7FA]  }
0x851: {  	[sflag:s12] =	ssyncset.done $0x0  }
0x852: {  	[sflag:s12] =	ssyncadd.s32 $0xFFFFC000  }
0x853: {  	[tilespmem:s14], [sflag:$0x2] =	stream.linear.gather [hbm4b:s1+s2], $0x4000, $0x38;
	[tilespmem:$0x18000] =	vst v63  }
0x854: {  	_ =	swait.ge [sflag:s16], $0x4000  }
0x855: {  	s31 =	sld [smem:$0x7FB]  }
0x856: {  	[sflag:s16] =	ssyncset.done $0x0  }
0x857: {  	[sflag:s16] =	ssyncadd.s32 $0xFFFFC000  }
0x858: {  	[hbm4b:s31+s2] =	stream.linear.scatter [tilespmem:s9], [sflag:$0xA], $0x4000, $0x38;
	[tilespmem:$0x18000] =	vst v63  }
0x859: {  	_ =	swait.ge [sflag:s10], $0x4000  }
0x85a: {  	s1 =	sld [smem:$0x7FC]  }
0x85b: {  	[sflag:s10] =	ssyncset.done $0x0  }
0x85c: {  	s31 =	sld [smem:$0x7FD];
	[sflag:s10] =	ssyncadd.s32 $0xFFFFC000  }
0x85d: {  	[tilespmem:s8], [sflag:$0x3] =	stream.linear.gather [hbm4b:s1+s2], $0x4000, $0x38;
	[tilespmem:$0x18000] =	vst v63  }
0x85e: {  	_ = 	snop  }
0x85f: {  	[tilespmem:s30], [sflag:$0x6] =	stream.linear.gather [hbm4b:s31+s2], $0x4000, $0x38;
	[tilespmem:$0x18000] =	vst v63  }
0x860: {  	_ =	swait.ge [sflag:s29], $0x4000  }
0x861: {  	[sflag:s29] =	ssyncset.done $0x0  }
0x862: {  	[sflag:s29] =	ssyncadd.s32 $0xFFFFC000  }
0x863: {  	_ =	swait.ge [sflag:s22], $0x4000  }
0x864: {  	[sflag:s22] =	ssyncset.done $0x0  }
0x865: {  	[sflag:s22] =	ssyncadd.s32 $0xFFFFC000  }
0x866: {  	[hbm4b:s26+s2] =	stream.linear.scatter [tilespmem:s2], [sflag:$0x7], $0x4000, $0x38;
	[tilespmem:$0x18000] =	vst v63  }
0x867: {  	_ =	swait.ge [sflag:s7], $0x4000  }
0x868: {  	[sflag:s7] =	ssyncset.done $0x0  }
0x869: {  	[sflag:s7] =	ssyncadd.s32 $0xFFFFC000  }
0x86a: {  	[tilespmem:s9], [sflag:$0x4] =	stream.linear.gather [hbm4b:s25+s2], $0x4000, $0x38;
	[tilespmem:$0x18000] =	vst v63  }
0x86b: {  	_ =	swait.ge [sflag:s17], $0x4000  }
0x86c: {  	[sflag:s17] =	ssyncset.done $0x0  }
0x86d: {  	[sflag:s17] =	ssyncadd.s32 $0xFFFFC000  }
0x86e: {  	[hbm4b:s24+s2] =	stream.linear.scatter [tilespmem:s14], [sflag:$0x8], $0x4000, $0x38;
	[tilespmem:$0x18000] =	vst v63  }
0x86f: {  	_ =	swait.ge [sflag:s6], $0x4000  }
0x870: {  	[sflag:s6] =	ssyncset.done $0x0  }
0x871: {  	[sflag:s6] =	ssyncadd.s32 $0xFFFFC000  }
0x872: {  	[tilespmem:s2], [sflag:$0x1] =	stream.linear.gather [hbm4b:s23+s2], $0x4000, $0x38;
	[tilespmem:$0x18000] =	vst v63  }
0x873: {  	_ =	swait.ge [sflag:s19], $0x4000  }
0x874: {  	[sflag:s19] =	ssyncset.done $0x0  }
0x875: {  	[sflag:s19] =	ssyncadd.s32 $0xFFFFC000  }
0x876: {  	[hbm4b:s21+s2] =	stream.linear.scatter [tilespmem:s8], [sflag:$0x9], $0x4000, $0x38;
	[tilespmem:$0x18000] =	vst v63  }
0x877: {  	_ =	swait.ge [sflag:s12], $0x4000  }
0x878: {  	[sflag:s12] =	ssyncset.done $0x0  }
0x879: {  	[sflag:s12] =	ssyncadd.s32 $0xFFFFC000  }
0x87a: {  	[tilespmem:s14], [sflag:$0x2] =	stream.linear.gather [hbm4b:s20+s2], $0x4000, $0x38;
	[tilespmem:$0x18000] =	vst v63  }
0x87b: {  	_ =	swait.ge [sflag:s16], $0x4000  }
0x87c: {  	[sflag:s16] =	ssyncset.done $0x0  }
0x87d: {  	[sflag:s16] =	ssyncadd.s32 $0xFFFFC000  }
0x87e: {  	[hbm4b:s18+s2] =	stream.linear.scatter [tilespmem:s9], [sflag:$0xA], $0x4000, $0x38;
	[tilespmem:$0x18000] =	vst v63  }
0x87f: {  	_ =	swait.ge [sflag:s10], $0x4000  }
0x880: {  	[sflag:s10] =	ssyncset.done $0x0  }
0x881: {  	[sflag:s10] =	ssyncadd.s32 $0xFFFFC000  }
0x882: {  	[tilespmem:s8], [sflag:$0x3] =	stream.linear.gather [hbm4b:s15+s2], $0x4000, $0x38;
	[tilespmem:$0x18000] =	vst v63  }
0x883: {  	_ =	swait.ge [sflag:s28], $0x4000  }
0x884: {  	[sflag:s28] =	ssyncset.done $0x0  }
0x885: {  	[sflag:s28] =	ssyncadd.s32 $0xFFFFC000  }
0x886: {  	_ =	swait.ge [sflag:s22], $0x4000  }
0x887: {  	[sflag:s22] =	ssyncset.done $0x0  }
0x888: {  	[sflag:s22] =	ssyncadd.s32 $0xFFFFC000  }
0x889: {  	[hbm4b:s13+s2] =	stream.linear.scatter [tilespmem:s2], [sflag:$0x7], $0x4000, $0x38;
	[tilespmem:$0x18000] =	vst v63  }
0x88a: {  	_ =	swait.ge [sflag:s7], $0x4000  }
0x88b: {  	[sflag:s7] =	ssyncset.done $0x0  }
0x88c: {  	[sflag:s7] =	ssyncadd.s32 $0xFFFFC000  }
0x88d: {  	[tilespmem:s9], [sflag:$0x4] =	stream.linear.gather [hbm4b:s11+s2], $0x4000, $0x38;
	[tilespmem:$0x18000] =	vst v63  }
0x88e: {  	_ =	swait.ge [sflag:s17], $0x4000  }
0x88f: {  	[sflag:s17] =	ssyncset.done $0x0  }
0x890: {  	[sflag:s17] =	ssyncadd.s32 $0xFFFFC000  }
0x891: {  	[hbm4b:s5+s2] =	stream.linear.scatter [tilespmem:s14], [sflag:$0x8], $0x4000, $0x38;
	[tilespmem:$0x18000] =	vst v63  }
0x892: {  	_ =	swait.ge [sflag:s19], $0x4000  }
0x893: {  	[sflag:s19] =	ssyncset.done $0x0  }
0x894: {  	[sflag:s19] =	ssyncadd.s32 $0xFFFFC000  }
0x895: {  	[hbm4b:s4+s2] =	stream.linear.scatter [tilespmem:s8], [sflag:$0x9], $0x4000, $0x38;
	[tilespmem:$0x18000] =	vst v63  }
0x896: {  	_ =	swait.ge [sflag:s16], $0x4000  }
0x897: {  	[sflag:s16] =	ssyncset.done $0x0  }
0x898: {  	[sflag:s16] =	ssyncadd.s32 $0xFFFFC000  }
0x899: {  	[hbm4b:s3+s2] =	stream.linear.scatter [tilespmem:s9], [sflag:$0xA], $0x4000, $0x38;
	[tilespmem:$0x18000] =	vst v63  }
0x89a: {  	_ =	swait.ge [sflag:s6], $0x4000  }
0x89b: {  	[sflag:s6] =	ssyncset.done $0x0  }
0x89c: {  	[sflag:s6] =	ssyncadd.s32 $0xFFFFC000  }
0x89d: {  	_ =	swait.ge [sflag:s12], $0x4000  }
0x89e: {  	[sflag:s12] =	ssyncset.done $0x0  }
0x89f: {  	[sflag:s12] =	ssyncadd.s32 $0xFFFFC000  }
0x8a0: {  	_ =	swait.ge [sflag:s10], $0x4000  }
0x8a1: {  	[sflag:s10] =	ssyncset.done $0x0  }
0x8a2: {  	[sflag:s10] =	ssyncadd.s32 $0xFFFFC000  }
0x8a3: {  	_ =	swait.ge [sflag:s7], $0x4000  }
0x8a4: {  	[sflag:s7] =	ssyncset.done $0x0  }
0x8a5: {  	[sflag:s7] =	ssyncadd.s32 $0xFFFFC000  }
0x8a6: {  	_ =	sfence.sel $0x180000  }
0x8a7: {  	[bflag:$0x0] =	sbarrier.arrive $0xFFFF  }
0x8a8: {  	_ =	strace $0x9000004D  }
0x8a9: {  	s31 =	stileid.u32;
	[bflag:$0x2] =	sbarrier.arrive $0xFFFF  }
0x8aa: {  	p0 =	sne.s32 s31, $0x0;
	s0 =	rddreg [dreg:$0x2]  }
0x8ab: {  	s0 =	sadd.s32 @!p0 $0x100000, s0  }
0x8ac: {  	[sflag:s0] =	ssyncadd.tile.s32 @!p0 $0x1;
	_ =	shalt  }
.LBB2_2:
.Ltmp3:
0x8ad: {  	(pc) =	sbr.rel .LBB2_5-.Ltmp3, $2  }
0x8ae: {  	_ =	sdelay $0x2  }
0x8af: {  	s30 =	simm.s32 $0x14000;
	s31 =	simm.s32 $0x10000  }
.Lfunc_end2:
_tile_overlayer_lowered:
.L_overlay_start_2:
0x8b0: {  	(tag) =	ssettag $0x2  }
0x8b1: {  	s0 =	rddreg [dreg:$0x0];
	s2 =	stileid.u32  }
0x8b2: {  	s1 =	rddreg [dreg:$0x1];
	p0 =	sne.s32 s2, $0x0  }
0x8b3: {  	s3 =	rddreg [dreg:$0x2];
	[bflag:$0x3] =	sbarrier.arrive $0xFFFF;
	s2 =	simm.s32 @!p0 $0x1C0B  }
0x8b4: {  	[timem:s3], [sflag:s2] =	dma.local @!p0 [hbm:s0], s1  }
0x8b5: {  	s0 =	simm.s32 @!p0 $0xB  }
0x8b6: {  	_ =	swait.ge @!p0 [sflag:s0], s1  }
0x8b7: {  	s1 =	ssub.s32 @!p0 $0x0, s1;
	[sflag:s0] =	ssyncset.done @!p0 $0x0  }
0x8b8: {  	[sflag:s0] =	ssyncadd.s32 @!p0 s1  }
0x8b9: {  	[bflag:$0x3] =	sbarrier.arrive $0xFFFF  }
0x8ba: {  	_ =	shalt  }

// kernel: sparse-core-data-format-call.1.cloned.1.call-start
scs
called_computation.1_lowered:
.L_overlay_start_0:
0x0: {  	s2 =	sld [smem:$0x3FD9]  }
0x1: {  	s3 =	sld [smem:$0x3FFE];
	_ =	sdelay $0x1  }
0x2: {  	s1 =	srdreg.scid  }
0x3: {  	s0 =	sand.u32 $0x1, s1  }
0x4: {  	s19 =	sshll.u32 s0, $0xA;
	s2 =	sadd.s32 s3, s2  }
0x5: {  	s2 =	sadd.s32 s2, s19  }
0x6: {  	[smem:$0x3FC6] =	sst s2  }
0x7: {  	_ = 	snop  }
0x8: {  	s20 =	sld [smem:$0x3FC9]  }
0x9: {  	s4 =	sld [smem:$0x3FD0];
	(tm) =	ssettm $0x1  }
0xa: {  	s21 =	sld [smem:$0x3FFB];
	_ =	sdelay $0x3  }
0xb: {  	_ =	strace s21  }
0xc: {  	s2 =	sld [smem:$0x3FFC];
	_ =	sdelay $0x3  }
0xd: {  	_ =	strace s2  }
0xe: {  	s2 =	sld [smem:$0x3FFD];
	_ =	sdelay $0x3  }
0xf: {  	_ =	strace s2  }
0x10: {  	_ =	strace $0x8FFFFFFF  }
0x11: {  	s22 =	sld [smem:$0x3FDB];
	_ =	sdelay $0x1  }
0x12: {  	s5 =	simm.s32 $_scs_section_size  }
0x13: {  	s6 =	simm.s32 $_size__tile_overlayer_lowered;
	s7 =	simm.s32 $_tile_overlayer_lowered  }
0x14: {  	s8 =	simm.s32 $0x1BFF;
	s23 =	sshll.u32 s7, $0x1;
	s5 =	sadd.s32 s5, s22  }
0x15: {  	s24 =	simm.s32 $0x0;
	s6 =	sshll.u32 s6, $0x1;
	s7 =	sadd.s32 s23, s5  }
0x16: {  	[timem:s24], [sflag:s8] =	dma.local [hbm:s7], s6  }
0x17: {  	_ =	swait.ge [sflag:s8], s6  }
0x18: {  	s6 =	ssub.s32 $0x0, s6;
	[sflag:s8] =	ssyncset.done $0x0  }
0x19: {  	[sflag:s8] =	ssyncadd.s32 s6;
	_ =	sdelay $0x1  }
0x1a: {  	s25 =	simm.s32 $0x1B8B  }
0x1b: {  	_ =	swait.ge [sflag:s25], $0x1  }
0x1c: {  	[sflag:s25] =	ssyncset.done $0x0  }
0x1d: {  	[sflag:s25] =	ssyncadd.s32 $0xFFFFFFFF  }
0x1e: {  	s6 =	sld [smem:$0x0]  }
0x1f: {  	s7 =	sand.u32 $0xFFFFFFFE, s1  }
0x20: {  	p0 =	sne.s32 s1, s7  }
0x21: {  	s7 =	sshll.u32 @p0 s7, $0xE  }
0x22: {  	s7 =	sadd.s32 @p0 $0x11B8D, s7;
	s8 =	sshll.u32 @p0 s6, $0x11  }
0x23: {  	s7 =	sor.u32 @p0 s8, s7  }
0x24: {  	[sflag:s7] =	ssyncadd.remote.s32 @p0 $0x1;
	_ =	sdelay $0x1  }
0x25: {  	s7 =	simm.s32 @p0 $0x1B8D  }
0x26: {  	_ =	swait.eq @p0 [sflag:s7], $0x1  }
0x27: {  	[sflag:s7] =	ssyncadd.s32 @p0 $0xFFFFFFFF  }
0x28: {  	s8 =	sshll.u32 @!p0 s1, $0xE  }
0x29: {  	s8 =	sor.u32 @!p0 $0x4000, s8;
	s7 =	simm.s32 @!p0 $0x1B8D  }
0x2a: {  	s6 =	sshll.u32 @!p0 s6, $0x11;
	s8 =	sadd.s32 @!p0 $0x11B8D, s8;
	_ =	swait.eq @!p0 [sflag:s7], $0x1  }
0x2b: {  	s6 =	sor.u32 @!p0 s6, s8;
	[sflag:s7] =	ssyncadd.s32 @!p0 $0xFFFFFFFF  }
0x2c: {  	s26 =	simm.s32 $0x1B8E;
	[sflag:s6] =	ssyncadd.remote.s32 @!p0 $0x1  }
0x2d: {  	s27 =	simm.s32 $execute0_lowered;
	[smem:$0x3FD2] =	sst s26  }
0x2e: {  	s6 =	sshll.u32 s27, $0x1;
	_ =	strace $0x80000049;
	[dreg:$0x1] =	wrdreg $0xFFFFFFFF  }
0x2f: {  	s28 =	simm.s32 $_size_execute0_lowered;
	s5 =	sadd.s32 s5, s6;
	[dreg:$0x0] =	wrdreg $0x0  }
0x30: {  	s6 =	sshll.u32 s28, $0x1;
	[dreg:$0x2] =	wrdreg s5  }
0x31: {  	[dreg:$0x3] =	wrdreg s6  }
0x32: {  	[dreg:$0x4] =	wrdreg $0xC0  }
0x33: {  	_ =	task [dreg:s24], $0x5FFFF  }
0x34: {  	[dreg:$0x1] =	wrdreg $0xFFFFFFFF  }
0x35: {  	[dreg:$0x0] =	wrdreg $0x60  }
0x36: {  	[dreg:$0x2] =	wrdreg s20  }
0x37: {  	[dreg:$0x3] =	wrdreg s4  }
0x38: {  	[dreg:$0x4] =	wrdreg $0xA  }
0x39: {  	_ =	task.clear_ibuf [dreg:s24], $0x5FFFF;
	_ =	strace $0x90000049  }
0x3a: {  	s29 =	simm.s32 $0xA;
	_ =	strace $0x8000004B  }
0x3b: {  	_ =	swait.ge [sflag:s29], $0x1  }
0x3c: {  	[sflag:s29] =	ssyncadd.s32 $0xFFFFFFFF  }
0x3d: {  	_ =	strace $0x9000004B  }
0x3e: {  	_ =	sfence  }
0x3f: {  	s30 =	sld [smem:$0x0];
	_ =	sdelay $0x2  }
0x40: {  	s31 =	sshll.u32 s1, $0xD;
	s1 =	sshrl.u32 s1, $0x2  }
0x41: {  	s4 =	sand.u32 $0x4000, s31;
	s1 =	sadd.s32 s1, s30  }
0x42: {  	s0 =	sor.u32 s4, s0;
	s1 =	sshll.u32 s1, $0x11  }
0x43: {  	s0 =	sor.u32 s1, s0  }
0x44: {  	s0 =	sadd.s32 $0x8F2B, s0  }
0x45: {  	[sflag:s0] =	ssyncadd.remote.s32 $0x1  }
0x46: {  	_ =	sfence.sel $0xFFFF  }
0x47: {  	[dreg:$0x0] =	wrdreg $0xFFFFFFFF;
	(pc) =	sbr.abs _section_cstart, $3  }
0x48: {  	[dreg:$0x1] =	wrdreg $0xFFFFFFFF  }
0x49: {  	_ =	task.clear_ibuf [dreg:s24], $0x2FFFF;
	_ =	strace $0x9FFFFFFF  }
0x4a: {  	(tm) =	ssettm $0x7FFFFFFF  }
0x4b: {  	_ =	shalt  }
tec
execute0_lowered:
.L_overlay_start_1:
0x0: {  	(tag) =	ssettag $0x1  }
0x1: {  	s0 =	srdreg.scid  }
0x2: {  	s1 =	sshll.u32 s0, $0x4  }
0x3: {  	s2 =	rddreg [dreg:$0x0];
	s0 =	stileid.u32;
	s1 =	sand.u32 $0x10, s1  }
0x4: {  	s4 =	rddreg [dreg:$0x1];
	s1 =	sor.u32 s0, s1  }
0x5: {  	s7 =	simm.s32 $0x1;
	s8 =	simm.s32 $0x2;
	s3 =	sshll.u32 s1, $0x1  }
0x6: {  	s9 =	simm.s32 $0x0;
	s12 =	simm.s32 $0x0;
	s6 =	ssub.s32 $0x1000, s3  }
.Ltmp0:
0x7: {  	s11 =	simm.s32 $0x0;
	s5 =	sand.u32 $0x3E, s6;
	(pc) =	sbr.rel .LBB1_1-.Ltmp0, $4  }
0x8: {  	s1 =	rddreg [dreg:$0x2];
	_ =	strace $0x8000004A;
	p0 =	sne.s32 s5, $0x0  }
0x9: {  	s6 =	sshrl.u32 s6, $0x6;
	s5 =	simm.s32 $0x1;
	s7 =	simm.s32 @!p0 $0x0  }
0xa: {  	s10 =	smov.u32 s3;
	[sflag:s5] =	ssyncpa.u1 $0x0;
	s6 =	sadd.s32 s7, s6  }
0xb: {  	[sflag:s8] =	ssyncpa.u1 $0x0;
	s8 =	simm.s32 $0x0;
	s7 =	sadd.s32 $0x1, s6  }
.LBB1_9:
0xc: {  	s14 =	sadd.s32 $0x40, s10  }
0xd: {  	p1 =	sgt.s32 s14, $0xFFF  }
0xe: {  	s14 =	smov.u32 @p1 s3;
	p1 =	sne.s32 s11, s7  }
.Ltmp1:
0xf: {  	p0 =	slt.u32 s11, $0x2;
	(pc) =	sbr.rel @!p1 .LBB1_10-.Ltmp1, $4  }
0x10: {  	s13 =	simm.s32 @!p0 $0x2  }
0x11: {  	s15 =	sadd.s32 $0x1, s11;
	_ =	swait.ge @!p0 [sflag:s13], $0x4000  }
0x12: {  	s12 =	smov.u32 s10;
	s9 =	sadd.s32 $0x4000, s9;
	[sflag:s13] =	ssyncset.done @!p0 $0x0  }
0x13: {  	s11 =	smov.u32 s15;
	s10 =	smov.u32 s14;
	[sflag:s13] =	ssyncadd.s32 @!p0 $0xFFFFC000  }
.LBB1_1:
0x14: {  	p0 =	sge.u32 s11, s6  }
0x15: {  	s13 =	sxor.u32 @!p0 $0xFFFFFFFF, s11  }
0x16: {  	s31 =	sadd.s32 $0xFFFFFFFF, s11;
	s14 =	sshll.u32 @!p0 s10, $0xA;
	s13 =	sshll.u32 @!p0 s13, $0xE  }
0x17: {  	s15 =	simm.s32 @!p0 $0x0;
	s14 =	sadd.s32 @!p0 s2, s14;
	s13 =	sand.u32 @!p0 $0x4000, s13  }
0x18: {  	[tilespmem:s13], [sflag:$0x1] =	stream.linear.gather @!p0 [hbm4b:s14+s15], $0x4000, $0x38;
	[tilespmem:$0x10000] =	vst v63  }
0x19: {  	p0 =	sge.u32 s31, s6  }
.Ltmp2:
0x1a: {  	_ = 	snop;
	(pc) =	sbr.rel @p0 .LBB1_9-.Ltmp2, $1  }
0x1b: {  	_ =	sdelay $0x3  }
0x1c: {  	s13 =	sshll.u32 s9, $0x2  }
0x1d: {  	_ =	swait.ge [sflag:s5], $0x4000;
	s14 =	sshll.u32 s11, $0xE;
	s16 =	simm.s32 $0x0  }
0x1e: {  	p1 =	por $0x1, $0x1;
	s13 =	sand.u32 $0x10000, s13;
	[sflag:s5] =	ssyncset.done $0x0  }
0x1f: {  	s14 =	sand.u32 $0x4000, s14;
	s15 =	sshrl.u32 s13, $0x2;
	[sflag:s5] =	ssyncadd.s32 $0xFFFFC000  }
0x20: {  	s13 =	sor.u32 $0x8000, s14;
	s14 =	sadd.s32 $0x8040, s15;
	s15 =	sadd.s32 $0x40, s15  }
.LBB1_3:
0x21: {  	s16 =	sshll.u32 s16, $0x2  }
0x22: {  	p0 =	por p1, p1;
	s17 =	sshra.s32 s16, $0x2  }
0x23: {  	s18 =	simm.s32 $0x0;
	s16 =	sadd.s32 s17, s14;
	s17 =	sadd.s32 s17, s15  }
.LBB1_4:
0x24: {  	v0 =	vmov s17;
	_ =	sdelay $0x3  }
0x25: {  	s20 =	simm.s32 $0x0  }
0x26: {  	v6 =	vld.idx.msk [tilespmem:v0+s20+$0x30 ss:$0x1], $0xffff  }
0x27: {  	v7 =	vld.idx.msk [tilespmem:v0+s20+$0xFFFFFFC0 ss:$0x1], $0xffff  }
0x28: {  	v5 =	vld.idx.msk [tilespmem:v0+s20+$0xFFFFFFD0 ss:$0x1], $0xffff  }
0x29: {  	v4 =	vld.idx.msk [tilespmem:v0+s20+$0xFFFFFFE0 ss:$0x1], $0xffff  }
0x2a: {  	v3 =	vld.idx.msk [tilespmem:v0+s20+$0xFFFFFFF0 ss:$0x1], $0xffff  }
0x2b: {  	v1 =	vld.idx.msk [tilespmem:v0+s20+$0x0 ss:$0x1], $0xffff  }
0x2c: {  	v2 =	vld.idx.msk [tilespmem:v0+s20+$0x10 ss:$0x1], $0xffff;
	[tilespmem:s16+$0x30] =	vst v6  }
0x2d: {  	s19 =	simm.s32 $0x80;
	s21 =	simm.s32 $0x400;
	[tilespmem:s16+$0xFFFFFFC0] =	vst v7;
	v6 =	vld.idx.msk [tilespmem:v0+s20+$0x20 ss:$0x1], $0xffff;
	s20 =	smov.u32 s16  }
.LBB1_5:
0x2e: {  	p1 =	sne.s32 s21, $0xE00;
	v7 =	vld.idx.msk [tilespmem:v0+s19+$0x30 ss:$0x1], $0xffff;
	[tilespmem:s20+$0xFFFFFFD0] =	vst v5  }
0x2f: {  	v8 =	vld.idx.msk [tilespmem:v0+s19+$0xFFFFFFC0 ss:$0x1], $0xffff;
	[tilespmem:s20+$0xFFFFFFE0] =	vst v4  }
0x30: {  	v5 =	vld.idx.msk [tilespmem:v0+s19+$0xFFFFFFD0 ss:$0x1], $0xffff;
	[tilespmem:s20+$0xFFFFFFF0] =	vst v3  }
.Ltmp3:
0x31: {  	v4 =	vld.idx.msk [tilespmem:v0+s19+$0xFFFFFFE0 ss:$0x1], $0xffff;
	[tilespmem:s20+$0x0] =	vst v1;
	(pc) =	sbr.rel @p1 .LBB1_5-.Ltmp3, $4  }
0x32: {  	v3 =	vld.idx.msk [tilespmem:v0+s19+$0xFFFFFFF0 ss:$0x1], $0xffff;
	[tilespmem:s20+$0x10] =	vst v2  }
0x33: {  	v1 =	vld.idx.msk [tilespmem:v0+s19+$0x0 ss:$0x1], $0xffff;
	[tilespmem:s20+$0x20] =	vst v6;
	s20 =	sadd.s32 $0x400, s20  }
0x34: {  	v2 =	vld.idx.msk [tilespmem:v0+s19+$0x10 ss:$0x1], $0xffff;
	[tilespmem:s20+$0x30] =	vst v7  }
0x35: {  	[tilespmem:s20+$0xFFFFFFC0] =	vst v8;
	v6 =	vld.idx.msk [tilespmem:v0+s19+$0x20 ss:$0x1], $0xffff;
	s19 =	sshra.s32 s21, $0x2;
	s21 =	sadd.s32 $0x200, s21  }
0x36: {  	_ =	sdelay $0x2  }
0x37: {  	[tilespmem:s20+$0xFFFFFFD0] =	vst v5  }
0x38: {  	v56 =	vld.idx.msk [tilespmem:v0+s19+$0x30 ss:$0x1], $0xffff;
	[tilespmem:s20+$0xFFFFFFE0] =	vst v4  }
0x39: {  	v57 =	vld.idx.msk [tilespmem:v0+s19+$0xFFFFFFC0 ss:$0x1], $0xffff;
	[tilespmem:s20+$0xFFFFFFF0] =	vst v3  }
0x3a: {  	v58 =	vld.idx.msk [tilespmem:v0+s19+$0xFFFFFFD0 ss:$0x1], $0xffff;
	[tilespmem:s20+$0x0] =	vst v1  }
0x3b: {  	v59 =	vld.idx.msk [tilespmem:v0+s19+$0xFFFFFFE0 ss:$0x1], $0xffff;
	[tilespmem:s20+$0x10] =	vst v2  }
0x3c: {  	v60 =	vld.idx.msk [tilespmem:v0+s19+$0xFFFFFFF0 ss:$0x1], $0xffff;
	s31 =	sadd.s32 $0x400, s20;
	[tilespmem:s20+$0x20] =	vst v6  }
0x3d: {  	v61 =	vld.idx.msk [tilespmem:v0+s19+$0x0 ss:$0x1], $0xffff;
	[tilespmem:s31+$0x30] =	vst v56  }
0x3e: {  	v62 =	vld.idx.msk [tilespmem:v0+s19+$0x10 ss:$0x1], $0xffff;
	s18 =	sadd.s32 $0x1, s18;
	[tilespmem:s31+$0xFFFFFFC0] =	vst v57  }
0x3f: {  	v63 =	vld.idx.msk [tilespmem:v0+s19+$0x20 ss:$0x1], $0xffff;
	p1 =	sne.s32 s18, $0x8;
	[tilespmem:s31+$0xFFFFFFD0] =	vst v58  }
.Ltmp4:
0x40: {  	[tilespmem:s31+$0xFFFFFFE0] =	vst v59;
	(pc) =	sbr.rel @p1 .LBB1_4-.Ltmp4, $4  }
0x41: {  	[tilespmem:s31+$0xFFFFFFF0] =	vst v60  }
0x42: {  	[tilespmem:s31+$0x0] =	vst v61  }
0x43: {  	[tilespmem:s31+$0x10] =	vst v62  }
0x44: {  	s16 =	sadd.s32 $0x80, s16;
	s17 =	sadd.s32 $0x400, s17;
	[tilespmem:s31+$0x20] =	vst v63  }
.Ltmp5:
0x45: {  	(pc) =	sbr.rel @p0 .LBB1_3-.Ltmp5, $2  }
0x46: {  	_ =	sdelay $0x2  }
0x47: {  	s16 =	simm.s32 $0x2000;
	p1 =	por $0x0, $0x0  }
.Ltmp6:
0x48: {  	(pc) =	sbr.rel .LBB1_9-.Ltmp6, $4  }
0x49: {  	_ = 	snop  }
0x4a: {  	s12 =	sshll.u32 s12, $0xA  }
0x4b: {  	s12 =	sadd.s32 s4, s12  }
0x4c: {  	[hbm4b:s12+s8] =	stream.linear.scatter [tilespmem:s13], [sflag:$0x2], $0x4000, $0x38;
	[tilespmem:$0x10000] =	vst v63  }
.LBB1_10:
0x4d: {  	_ =	sfence.sel $0x180000  }
0x4e: {  	s2 =	simm.s32 $0x1;
	[bflag:$0x0] =	sbarrier.arrive $0xFFFF  }
0x4f: {  	s31 =	simm.s32 $0x2;
	[sflag:s2] =	ssyncpa.u1 $0x1  }
0x50: {  	[sflag:s31] =	ssyncpa.u1 $0x1  }
0x51: {  	p0 =	sne.s32 s0, $0x0;
	_ =	strace $0x9000004A  }
0x52: {  	s0 =	sadd.s32 @!p0 $0x100000, s1;
	[bflag:$0x2] =	sbarrier.arrive $0xFFFF  }
0x53: {  	[sflag:s0] =	ssyncadd.tile.s32 @!p0 $0x1;
	_ =	shalt  }
.Lfunc_end1:
_tile_overlayer_lowered:
.L_overlay_start_2:
0x54: {  	(tag) =	ssettag $0x2  }
0x55: {  	s0 =	rddreg [dreg:$0x0];
	s2 =	stileid.u32  }
0x56: {  	s1 =	rddreg [dreg:$0x1];
	p0 =	sne.s32 s2, $0x0  }
0x57: {  	s3 =	rddreg [dreg:$0x2];
	[bflag:$0x3] =	sbarrier.arrive $0xFFFF;
	s2 =	simm.s32 @!p0 $0x1C01  }
0x58: {  	[timem:s3], [sflag:s2] =	dma.local @!p0 [hbm:s0], s1  }
0x59: {  	s0 =	simm.s32 @!p0 $0x1  }
0x5a: {  	_ =	swait.ge @!p0 [sflag:s0], s1  }
0x5b: {  	s1 =	ssub.s32 @!p0 $0x0, s1;
	[sflag:s0] =	ssyncset.done @!p0 $0x0  }
0x5c: {  	[sflag:s0] =	ssyncadd.s32 @!p0 s1  }
0x5d: {  	[bflag:$0x3] =	sbarrier.arrive $0xFFFF  }
0x5e: {  	_ =	shalt  }

// kernel: sparse-core-data-format-call.cloned.1.call-start
scs
called_computation_lowered:
.L_overlay_start_0:
0x0: {  	s2 =	sld [smem:$0x3FD9]  }
0x1: {  	s3 =	sld [smem:$0x3FFE];
	_ =	sdelay $0x1  }
0x2: {  	s1 =	srdreg.scid  }
0x3: {  	s0 =	sand.u32 $0x1, s1  }
0x4: {  	s18 =	sshll.u32 s0, $0xA;
	s2 =	sadd.s32 s3, s2  }
0x5: {  	s2 =	sadd.s32 s2, s18  }
0x6: {  	[smem:$0x3FC6] =	sst s2  }
0x7: {  	_ = 	snop  }
0x8: {  	s2 =	sld [smem:$0x3FC8];
	(tm) =	ssettm $0x1  }
0x9: {  	s19 =	sld [smem:$0x3FFB];
	_ =	sdelay $0x3  }
0xa: {  	_ =	strace s19  }
0xb: {  	s3 =	sld [smem:$0x3FFC];
	_ =	sdelay $0x3  }
0xc: {  	_ =	strace s3  }
0xd: {  	s3 =	sld [smem:$0x3FFD];
	_ =	sdelay $0x3  }
0xe: {  	_ =	strace s3  }
0xf: {  	_ =	strace $0x8FFFFFFF  }
0x10: {  	s20 =	sld [smem:$0x3FDB];
	_ =	sdelay $0x1  }
0x11: {  	s4 =	simm.s32 $_scs_section_size  }
0x12: {  	s5 =	simm.s32 $_size__tile_overlayer_lowered;
	s6 =	simm.s32 $_tile_overlayer_lowered  }
0x13: {  	s23 =	simm.s32 $0x1BFF;
	s22 =	sshll.u32 s6, $0x1;
	s3 =	sadd.s32 s4, s20  }
0x14: {  	s7 =	simm.s32 $0x0;
	s21 =	sshll.u32 s5, $0x1;
	s5 =	sadd.s32 s22, s3  }
0x15: {  	[timem:s7], [sflag:s23] =	dma.local [hbm:s5], s21  }
0x16: {  	_ =	swait.ge [sflag:s23], s21  }
0x17: {  	s4 =	ssub.s32 $0x0, s21;
	[sflag:s23] =	ssyncset.done $0x0  }
0x18: {  	[sflag:s23] =	ssyncadd.s32 s4;
	_ =	sdelay $0x1  }
0x19: {  	s24 =	simm.s32 $0x1B8B  }
0x1a: {  	_ =	swait.ge [sflag:s24], $0x1  }
0x1b: {  	[sflag:s24] =	ssyncset.done $0x0  }
0x1c: {  	s26 =	simm.s32 $0x1B8E;
	s25 =	sld [smem:$0x3FFE];
	[sflag:s24] =	ssyncadd.s32 $0xFFFFFFFF  }
0x1d: {  	s27 =	simm.s32 $execute0_lowered;
	[smem:$0x3FD2] =	sst s26  }
0x1e: {  	s5 =	sshll.u32 s27, $0x1;
	_ =	strace $0x80000046;
	[dreg:$0x1] =	wrdreg $0xFFFFFFFF  }
0x1f: {  	s28 =	simm.s32 $_size_execute0_lowered;
	s3 =	sadd.s32 s3, s5;
	[dreg:$0x0] =	wrdreg $0x0  }
0x20: {  	s5 =	sshll.u32 s28, $0x1;
	[dreg:$0x2] =	wrdreg s3  }
0x21: {  	[dreg:$0x3] =	wrdreg s5  }
0x22: {  	[dreg:$0x4] =	wrdreg $0xC0  }
0x23: {  	_ =	task [dreg:s7], $0x5FFFF  }
0x24: {  	[dreg:$0x1] =	wrdreg $0xFFFFFFFF  }
0x25: {  	[dreg:$0x0] =	wrdreg $0x60  }
0x26: {  	[dreg:$0x2] =	wrdreg s2  }
0x27: {  	[dreg:$0x3] =	wrdreg s25  }
0x28: {  	[dreg:$0x4] =	wrdreg $0x9  }
0x29: {  	_ =	task.clear_ibuf [dreg:s7], $0x5FFFF;
	_ =	strace $0x90000046  }
0x2a: {  	s29 =	simm.s32 $0x9;
	_ =	strace $0x80000048  }
0x2b: {  	_ =	swait.ge [sflag:s29], $0x1  }
0x2c: {  	[sflag:s29] =	ssyncadd.s32 $0xFFFFFFFF  }
0x2d: {  	_ =	strace $0x90000048  }
0x2e: {  	_ =	sfence  }
0x2f: {  	s30 =	sld [smem:$0x0];
	_ =	sdelay $0x2  }
0x30: {  	s31 =	sshll.u32 s1, $0xD;
	s1 =	sshrl.u32 s1, $0x2  }
0x31: {  	s3 =	sand.u32 $0x4000, s31;
	s1 =	sadd.s32 s1, s30  }
0x32: {  	s0 =	sor.u32 s3, s0;
	s1 =	sshll.u32 s1, $0x11  }
0x33: {  	s0 =	sor.u32 s1, s0  }
0x34: {  	s0 =	sadd.s32 $0x8F2B, s0  }
0x35: {  	[sflag:s0] =	ssyncadd.remote.s32 $0x1  }
0x36: {  	_ =	sfence.sel $0xFFFF  }
0x37: {  	[dreg:$0x0] =	wrdreg $0xFFFFFFFF;
	(pc) =	sbr.abs _section_cstart, $3  }
0x38: {  	[dreg:$0x1] =	wrdreg $0xFFFFFFFF  }
0x39: {  	_ =	task.clear_ibuf [dreg:s7], $0x2FFFF;
	_ =	strace $0x9FFFFFFF  }
0x3a: {  	(tm) =	ssettm $0x7FFFFFFF  }
0x3b: {  	_ =	shalt  }
tec
execute0_lowered:
.L_overlay_start_1:
0x0: {  	(tag) =	ssettag $0x1  }
0x1: {  	s0 =	srdreg.scid  }
0x2: {  	s1 =	sshll.u32 s0, $0x4  }
0x3: {  	s2 =	rddreg [dreg:$0x0];
	s0 =	stileid.u32;
	s1 =	sand.u32 $0x10, s1  }
0x4: {  	s4 =	rddreg [dreg:$0x1];
	s7 =	simm.s32 $0x1;
	s1 =	sor.u32 s0, s1  }
0x5: {  	s8 =	simm.s32 $0x2;
	s9 =	simm.s32 $0x0;
	s3 =	sshll.u32 s1, $0x1  }
0x6: {  	s12 =	simm.s32 $0x0;
	s11 =	simm.s32 $0x0;
	s6 =	ssub.s32 $0x400, s3  }
.Ltmp0:
0x7: {  	s4 =	sadd.s32 $0xC00, s4;
	s5 =	sand.u32 $0x3E, s6;
	(pc) =	sbr.rel .LBB1_1-.Ltmp0, $4  }
0x8: {  	s1 =	rddreg [dreg:$0x2];
	_ =	strace $0x80000047;
	p0 =	sne.s32 s5, $0x0  }
0x9: {  	s6 =	sshrl.u32 s6, $0x6;
	s5 =	simm.s32 $0x1;
	s7 =	simm.s32 @!p0 $0x0  }
0xa: {  	s10 =	smov.u32 s3;
	[sflag:s5] =	ssyncpa.u1 $0x0;
	s6 =	sadd.s32 s7, s6  }
0xb: {  	[sflag:s8] =	ssyncpa.u1 $0x0;
	s8 =	simm.s32 $0x0;
	s7 =	sadd.s32 $0x1, s6  }
.LBB1_9:
0xc: {  	s14 =	sadd.s32 $0x40, s10  }
0xd: {  	p1 =	sgt.s32 s14, $0x3FF  }
0xe: {  	s14 =	smov.u32 @p1 s3;
	p1 =	sne.s32 s11, s7  }
.Ltmp1:
0xf: {  	p0 =	slt.u32 s11, $0x2;
	(pc) =	sbr.rel @!p1 .LBB1_10-.Ltmp1, $4  }
0x10: {  	s13 =	simm.s32 @!p0 $0x2  }
0x11: {  	s15 =	sadd.s32 $0x1, s11;
	_ =	swait.ge @!p0 [sflag:s13], $0x4000  }
0x12: {  	s12 =	smov.u32 s10;
	s9 =	sadd.s32 $0x4000, s9;
	[sflag:s13] =	ssyncset.done @!p0 $0x0  }
0x13: {  	s11 =	smov.u32 s15;
	s10 =	smov.u32 s14;
	[sflag:s13] =	ssyncadd.s32 @!p0 $0xFFFFC000  }
.LBB1_1:
0x14: {  	p0 =	sge.u32 s11, s6  }
0x15: {  	s13 =	sxor.u32 @!p0 $0xFFFFFFFF, s11  }
0x16: {  	s31 =	sadd.s32 $0xFFFFFFFF, s11;
	s14 =	sshll.u32 @!p0 s10, $0xA;
	s13 =	sshll.u32 @!p0 s13, $0xE  }
0x17: {  	s15 =	simm.s32 @!p0 $0x0;
	s14 =	sadd.s32 @!p0 s2, s14;
	s13 =	sand.u32 @!p0 $0x4000, s13  }
0x18: {  	[tilespmem:s13], [sflag:$0x1] =	stream.linear.gather @!p0 [hbm4b:s14+s15], $0x4000, $0x38;
	[tilespmem:$0x10000] =	vst v63  }
0x19: {  	p0 =	sge.u32 s31, s6  }
.Ltmp2:
0x1a: {  	_ = 	snop;
	(pc) =	sbr.rel @p0 .LBB1_9-.Ltmp2, $1  }
0x1b: {  	_ =	sdelay $0x3  }
0x1c: {  	s13 =	sshll.u32 s9, $0x2  }
0x1d: {  	_ =	swait.ge [sflag:s5], $0x4000;
	s14 =	sshll.u32 s11, $0xE;
	s16 =	simm.s32 $0x0  }
0x1e: {  	p1 =	por $0x1, $0x1;
	s13 =	sand.u32 $0x10000, s13;
	[sflag:s5] =	ssyncset.done $0x0  }
0x1f: {  	s14 =	sand.u32 $0x4000, s14;
	s15 =	sshrl.u32 s13, $0x2;
	[sflag:s5] =	ssyncadd.s32 $0xFFFFC000  }
0x20: {  	s13 =	sor.u32 $0x8000, s14;
	s14 =	sadd.s32 $0x8040, s15;
	s15 =	sadd.s32 $0x40, s15  }
.LBB1_3:
0x21: {  	s16 =	sshll.u32 s16, $0x2  }
0x22: {  	p0 =	por p1, p1;
	s17 =	sshra.s32 s16, $0x2  }
0x23: {  	s18 =	simm.s32 $0x0;
	s16 =	sadd.s32 s17, s14;
	s17 =	sadd.s32 s17, s15  }
.LBB1_4:
0x24: {  	v0 =	vmov s17;
	_ =	sdelay $0x3  }
0x25: {  	s20 =	simm.s32 $0x0  }
0x26: {  	v6 =	vld.idx.msk [tilespmem:v0+s20+$0x30 ss:$0x1], $0xffff  }
0x27: {  	v7 =	vld.idx.msk [tilespmem:v0+s20+$0xFFFFFFC0 ss:$0x1], $0xffff  }
0x28: {  	v5 =	vld.idx.msk [tilespmem:v0+s20+$0xFFFFFFD0 ss:$0x1], $0xffff  }
0x29: {  	v4 =	vld.idx.msk [tilespmem:v0+s20+$0xFFFFFFE0 ss:$0x1], $0xffff  }
0x2a: {  	v3 =	vld.idx.msk [tilespmem:v0+s20+$0xFFFFFFF0 ss:$0x1], $0xffff  }
0x2b: {  	v1 =	vld.idx.msk [tilespmem:v0+s20+$0x0 ss:$0x1], $0xffff  }
0x2c: {  	v2 =	vld.idx.msk [tilespmem:v0+s20+$0x10 ss:$0x1], $0xffff;
	[tilespmem:s16+$0x30] =	vst v6  }
0x2d: {  	s19 =	simm.s32 $0x80;
	s21 =	simm.s32 $0x400;
	[tilespmem:s16+$0xFFFFFFC0] =	vst v7;
	v6 =	vld.idx.msk [tilespmem:v0+s20+$0x20 ss:$0x1], $0xffff;
	s20 =	smov.u32 s16  }
.LBB1_5:
0x2e: {  	p1 =	sne.s32 s21, $0xE00;
	v7 =	vld.idx.msk [tilespmem:v0+s19+$0x30 ss:$0x1], $0xffff;
	[tilespmem:s20+$0xFFFFFFD0] =	vst v5  }
0x2f: {  	v8 =	vld.idx.msk [tilespmem:v0+s19+$0xFFFFFFC0 ss:$0x1], $0xffff;
	[tilespmem:s20+$0xFFFFFFE0] =	vst v4  }
0x30: {  	v5 =	vld.idx.msk [tilespmem:v0+s19+$0xFFFFFFD0 ss:$0x1], $0xffff;
	[tilespmem:s20+$0xFFFFFFF0] =	vst v3  }
.Ltmp3:
0x31: {  	v4 =	vld.idx.msk [tilespmem:v0+s19+$0xFFFFFFE0 ss:$0x1], $0xffff;
	[tilespmem:s20+$0x0] =	vst v1;
	(pc) =	sbr.rel @p1 .LBB1_5-.Ltmp3, $4  }
0x32: {  	v3 =	vld.idx.msk [tilespmem:v0+s19+$0xFFFFFFF0 ss:$0x1], $0xffff;
	[tilespmem:s20+$0x10] =	vst v2  }
0x33: {  	v1 =	vld.idx.msk [tilespmem:v0+s19+$0x0 ss:$0x1], $0xffff;
	[tilespmem:s20+$0x20] =	vst v6;
	s20 =	sadd.s32 $0x400, s20  }
0x34: {  	v2 =	vld.idx.msk [tilespmem:v0+s19+$0x10 ss:$0x1], $0xffff;
	[tilespmem:s20+$0x30] =	vst v7  }
0x35: {  	[tilespmem:s20+$0xFFFFFFC0] =	vst v8;
	v6 =	vld.idx.msk [tilespmem:v0+s19+$0x20 ss:$0x1], $0xffff;
	s19 =	sshra.s32 s21, $0x2;
	s21 =	sadd.s32 $0x200, s21  }
0x36: {  	_ =	sdelay $0x2  }
0x37: {  	[tilespmem:s20+$0xFFFFFFD0] =	vst v5  }
0x38: {  	v56 =	vld.idx.msk [tilespmem:v0+s19+$0x30 ss:$0x1], $0xffff;
	[tilespmem:s20+$0xFFFFFFE0] =	vst v4  }
0x39: {  	v57 =	vld.idx.msk [tilespmem:v0+s19+$0xFFFFFFC0 ss:$0x1], $0xffff;
	[tilespmem:s20+$0xFFFFFFF0] =	vst v3  }
0x3a: {  	v58 =	vld.idx.msk [tilespmem:v0+s19+$0xFFFFFFD0 ss:$0x1], $0xffff;
	[tilespmem:s20+$0x0] =	vst v1  }
0x3b: {  	v59 =	vld.idx.msk [tilespmem:v0+s19+$0xFFFFFFE0 ss:$0x1], $0xffff;
	[tilespmem:s20+$0x10] =	vst v2  }
0x3c: {  	v60 =	vld.idx.msk [tilespmem:v0+s19+$0xFFFFFFF0 ss:$0x1], $0xffff;
	s31 =	sadd.s32 $0x400, s20;
	[tilespmem:s20+$0x20] =	vst v6  }
0x3d: {  	v61 =	vld.idx.msk [tilespmem:v0+s19+$0x0 ss:$0x1], $0xffff;
	[tilespmem:s31+$0x30] =	vst v56  }
0x3e: {  	v62 =	vld.idx.msk [tilespmem:v0+s19+$0x10 ss:$0x1], $0xffff;
	s18 =	sadd.s32 $0x1, s18;
	[tilespmem:s31+$0xFFFFFFC0] =	vst v57  }
0x3f: {  	v63 =	vld.idx.msk [tilespmem:v0+s19+$0x20 ss:$0x1], $0xffff;
	p1 =	sne.s32 s18, $0x8;
	[tilespmem:s31+$0xFFFFFFD0] =	vst v58  }
.Ltmp4:
0x40: {  	[tilespmem:s31+$0xFFFFFFE0] =	vst v59;
	(pc) =	sbr.rel @p1 .LBB1_4-.Ltmp4, $4  }
0x41: {  	[tilespmem:s31+$0xFFFFFFF0] =	vst v60  }
0x42: {  	[tilespmem:s31+$0x0] =	vst v61  }
0x43: {  	[tilespmem:s31+$0x10] =	vst v62  }
0x44: {  	s16 =	sadd.s32 $0x80, s16;
	s17 =	sadd.s32 $0x400, s17;
	[tilespmem:s31+$0x20] =	vst v63  }
.Ltmp5:
0x45: {  	(pc) =	sbr.rel @p0 .LBB1_3-.Ltmp5, $2  }
0x46: {  	_ =	sdelay $0x2  }
0x47: {  	s16 =	simm.s32 $0x2000;
	p1 =	por $0x0, $0x0  }
.Ltmp6:
0x48: {  	(pc) =	sbr.rel .LBB1_9-.Ltmp6, $4  }
0x49: {  	_ = 	snop  }
0x4a: {  	s12 =	sshll.u32 s12, $0xA  }
0x4b: {  	s12 =	sadd.s32 s4, s12  }
0x4c: {  	[hbm4b:s12+s8] =	stream.linear.scatter [tilespmem:s13], [sflag:$0x2], $0x4000, $0x38;
	[tilespmem:$0x10000] =	vst v63  }
.LBB1_10:
0x4d: {  	_ =	sfence.sel $0x180000  }
0x4e: {  	s2 =	simm.s32 $0x1;
	[bflag:$0x0] =	sbarrier.arrive $0xFFFF  }
0x4f: {  	s31 =	simm.s32 $0x2;
	[sflag:s2] =	ssyncpa.u1 $0x1  }
0x50: {  	[sflag:s31] =	ssyncpa.u1 $0x1  }
0x51: {  	p0 =	sne.s32 s0, $0x0;
	_ =	strace $0x90000047  }
0x52: {  	s0 =	sadd.s32 @!p0 $0x100000, s1;
	[bflag:$0x2] =	sbarrier.arrive $0xFFFF  }
0x53: {  	[sflag:s0] =	ssyncadd.tile.s32 @!p0 $0x1;
	_ =	shalt  }
.Lfunc_end1:
_tile_overlayer_lowered:
.L_overlay_start_2:
0x54: {  	(tag) =	ssettag $0x2  }
0x55: {  	s0 =	rddreg [dreg:$0x0];
	s2 =	stileid.u32  }
0x56: {  	s1 =	rddreg [dreg:$0x1];
	p0 =	sne.s32 s2, $0x0  }
0x57: {  	s3 =	rddreg [dreg:$0x2];
	[bflag:$0x3] =	sbarrier.arrive $0xFFFF;
	s2 =	simm.s32 @!p0 $0x1C01  }
0x58: {  	[timem:s3], [sflag:s2] =	dma.local @!p0 [hbm:s0], s1  }
0x59: {  	s0 =	simm.s32 @!p0 $0x1  }
0x5a: {  	_ =	swait.ge @!p0 [sflag:s0], s1  }
0x5b: {  	s1 =	ssub.s32 @!p0 $0x0, s1;
	[sflag:s0] =	ssyncset.done @!p0 $0x0  }
0x5c: {  	[sflag:s0] =	ssyncadd.s32 @!p0 s1  }
0x5d: {  	[bflag:$0x3] =	sbarrier.arrive $0xFFFF  }
0x5e: {  	_ =	shalt  }

</sc_bundles>
